<compile_context>
chip_gen: v7x
topology: tpu7x:2x2x1
jax: 0.10.2.dev20260603
libtpu: 0.0.44.dev20260713+nightly
codegen_flags: <defaults>
</compile_context>

<pallas_src>
import functools

import jax
import jax.numpy as jnp
from jax import lax
from jax.experimental import pallas as pl
from jax.experimental.pallas import tpu as pltpu
from jax.experimental.pallas import tpu_sc as plsc

B = 16
MAXLEN = 2048
TOTAL = 16384
D = 512
CU_PAD = 32

NC = 2
NS = 16
NW = NC * NS
RPW = (B * MAXLEN) // NW
WPB = MAXLEN // RPW
C = 64
NCHUNK = RPW // C
NBUF = 3
ZR = 32

_mesh = plsc.VectorSubcoreMesh(core_axis_name="c", subcore_axis_name="s")


def _body(flat_hbm, cu_hbm, zeros_hbm, out_hbm, cu_v, buf0, buf1, buf2,
          zbuf, idx0, idx1, idx2, gsem, ssem, zsem):
    wid = lax.axis_index("s") * NC + lax.axis_index("c")
    b = wid // WPB
    half = wid % WPB
    row0 = b * MAXLEN

    cu_copy = pltpu.make_async_copy(cu_hbm, cu_v, gsem)
    cu_copy.start()
    z_copy = pltpu.make_async_copy(zeros_hbm, zbuf, zsem)
    z_copy.start()
    cu_copy.wait()
    v0 = cu_v[pl.ds(0, 16)]
    v1 = cu_v[pl.ds(16, 16)]
    iota = lax.iota(jnp.int32, 16)

    def _lane(vec, i):
        return jnp.sum(jnp.where(iota == i, vec, 0))

    cu_b = _lane(v0, b)
    cu_b1 = _lane(v0, b + 1) + _lane(v1, b - 15)

    seg_start = cu_b
    v = jnp.clip(cu_b1 - cu_b, 0, MAXLEN)

    bufs = [buf0, buf1, buf2]
    idxs = [idx0, idx1, idx2]

    def jj(j):
        return WPB * j + half

    def full(j):
        return v >= (jj(j) + 1) * C

    def zero(j):
        return v <= jj(j) * C

    def fill_idx(idx_ref, base_idx):
        for t in range(C // 16):
            idx_ref[pl.ds(16 * t, 16)] = base_idx + 16 * t + iota

    def gather(j):
        return pltpu.make_async_copy(
            flat_hbm.at[idxs[j % NBUF]], bufs[j % NBUF], gsem)

    def scatter(j):
        return pltpu.make_async_copy(
            bufs[j % NBUF],
            out_hbm.at[pl.ds(pl.multiple_of(row0 + jj(j) * C, C), C)], ssem)

    def zscatter(j, h):
        return pltpu.make_async_copy(
            zbuf,
            out_hbm.at[
                pl.ds(pl.multiple_of(row0 + jj(j) * C + h * ZR, ZR), ZR)],
            zsem)

    def prime(j):
        def _do():
            fill_idx(idxs[j % NBUF], seg_start + jj(j) * C)
            gather(j).start()
        return _do

    for j in range(NBUF - 1):
        pl.when(full(j))(prime(j))

    z_copy.wait()
    for j in range(NCHUNK):
        for h in range(C // ZR):
            pl.when(zero(j))(zscatter(j, h).start)
    for j in range(NCHUNK):
        pl.when(full(j))(gather(j).wait)
        pl.when(full(j))(scatter(j).start)
        if j >= 1:
            pl.when(full(j - 1))(scatter(j - 1).wait)
        if j + NBUF - 1 < NCHUNK:
            pl.when(full(j + NBUF - 1))(prime(j + NBUF - 1))
    pl.when(full(NCHUNK - 1))(scatter(NCHUNK - 1).wait)

    rem = v % C
    base = (v // C) * C
    rem8 = (rem + 7) & ~7
    mine = (rem > 0) & ((v // C) % WPB == half)

    def _partial():
        for t in range(C // 16):
            idx0[pl.ds(16 * t, 16)] = (
                seg_start + base + jnp.minimum(16 * t + iota, rem - 1))
        g = pltpu.make_async_copy(flat_hbm.at[idx0], buf0, gsem)
        g.start()
        g.wait()

        def _zrow(i, _):
            for cc in range(0, D, 16):
                buf0[i, pl.ds(cc, 16)] = jnp.zeros((16,), jnp.float32)
            return 0

        lax.fori_loop(rem, rem8, _zrow, 0)

        off = jnp.int32(0)
        for k in (6, 5, 4, 3):
            size = 1 << k
            bit = (rem8 >> k) & 1

            def _sc(off=off, size=size):
                sc = pltpu.make_async_copy(
                    buf0.at[pl.ds(pl.multiple_of(off, 8), size)],
                    out_hbm.at[pl.ds(pl.multiple_of(row0 + base + off, 8), size)],
                    ssem)
                sc.start()
                sc.wait()

            pl.when(bit == 1)(_sc)
            off = off + bit * size

        pad = C - rem8
        zoff = rem8
        for k in (5, 4, 3):
            size = 1 << k
            bit = (pad >> k) & 1

            def _zc(zoff=zoff, size=size):
                zc = pltpu.make_async_copy(
                    zbuf.at[pl.ds(0, size)],
                    out_hbm.at[pl.ds(pl.multiple_of(row0 + base + zoff, 8), size)],
                    zsem)
                zc.start()
                zc.wait()

            pl.when(bit == 1)(_zc)
            zoff = zoff + bit * size

    pl.when(mine)(_partial)

    for j in range(NCHUNK):
        for h in range(C // ZR):
            pl.when(zero(j))(zscatter(j, h).wait)


_to_dense = functools.partial(
    pl.kernel,
    out_type=jax.ShapeDtypeStruct((B * MAXLEN, D), jnp.float32),
    mesh=_mesh,
    scratch_types=[
        pltpu.VMEM((CU_PAD,), jnp.int32),
        pltpu.VMEM((C, D), jnp.float32),
        pltpu.VMEM((C, D), jnp.float32),
        pltpu.VMEM((C, D), jnp.float32),
        pltpu.VMEM((ZR, D), jnp.float32),
        pltpu.VMEM((C,), jnp.int32),
        pltpu.VMEM((C,), jnp.int32),
        pltpu.VMEM((C,), jnp.int32),
        pltpu.SemaphoreType.DMA,
        pltpu.SemaphoreType.DMA,
        pltpu.SemaphoreType.DMA,
    ],
    compiler_params=pltpu.CompilerParams(needs_layout_passes=False),
)(_body)


def kernel(flat, cu_seqlens):
    cu = jnp.zeros((CU_PAD,), jnp.int32)
    cu = cu.at[: cu_seqlens.shape[0]].set(cu_seqlens.astype(jnp.int32))
    zeros = jnp.zeros((ZR, D), jnp.float32)
    out = _to_dense(flat, cu, zeros)
    return out.reshape(B, MAXLEN, D)

# --- scband reference (transcript-rebuilt; emitter-appended) ---
"""Pipeline reference for scband-to-dense-34333968564512 (READ-ONLY COPY).

The authoritative reference and input builder live on the scoring server;
editing this copy changes nothing except your own understanding.
"""

import jax, jax.numpy as jnp
import numpy as np

B = 16
MAX_SEQLEN = 2048
TOTAL = 16384
D = 512
PAD_VALUE = 0.0


def setup_inputs(seed: int = 0) -> dict:
    key = jax.random.key(seed)
    k1, k2 = jax.random.split(key)
    flat = jax.random.normal(k1, (TOTAL, D), dtype=jnp.float32)
    # Build valid cu_seqlens: per-sequence lengths <= MAX_SEQLEN, cumsum <= TOTAL
    lens = jax.random.randint(k2, (B,), 0, MAX_SEQLEN + 1)
    lens = (lens * TOTAL) // jnp.maximum(jnp.sum(lens), 1)
    lens = jnp.minimum(lens, MAX_SEQLEN)
    cu = jnp.concatenate([jnp.zeros((1,), jnp.int32), jnp.cumsum(lens).astype(jnp.int32)])
    return {"flat": flat, "cu_seqlens": cu}


def reference(flat, cu_seqlens):
    # Equivalent of tf.RaggedTensor.from_row_splits(flat, cu_seqlens).to_tensor(default_value=pad_value)
    total = flat.shape[0]
    tok = jnp.arange(total)
    seg = jnp.searchsorted(cu_seqlens, tok, side='right') - 1
    pos = tok - cu_seqlens[seg]
    valid = (seg >= 0) & (seg < B) & (pos < MAX_SEQLEN) & (tok < cu_seqlens[-1])
    seg_c = jnp.where(valid, seg, B)  # route invalid tokens out of range -> dropped
    pos_c = jnp.where(valid, pos, 0)
    dense = jnp.full((B, MAX_SEQLEN, flat.shape[1]), PAD_VALUE, dtype=flat.dtype)
    dense = dense.at[seg_c, pos_c].set(flat, mode='drop')
    return dense

if __name__ == "__main__":
    import jax
    _d = setup_inputs()
    print(jax.jit(kernel)(*tuple(_d.values())))

</pallas_src>

<mosaic_0001>
#map = affine_map<(d0, d1) -> (0, 0)>
#map1 = affine_map<(d0, d1) -> (0)>
module attributes {stable_mosaic.version = 14 : i64} {
  func.func @_body(%arg0: i32, %arg1: i32, %arg2: memref<16384x512xf32, #tpu.memory_space<hbm>>, %arg3: memref<32xi32, #tpu.memory_space<hbm>>, %arg4: memref<32x512xf32, #tpu.memory_space<hbm>>, %arg5: memref<32768x512xf32, #tpu.memory_space<hbm>>, %arg6: memref<32xi32, #tpu.memory_space<vmem>>, %arg7: memref<64x512xf32, #tpu.memory_space<vmem>>, %arg8: memref<64x512xf32, #tpu.memory_space<vmem>>, %arg9: memref<64x512xf32, #tpu.memory_space<vmem>>, %arg10: memref<32x512xf32, #tpu.memory_space<vmem>>, %arg11: memref<64xi32, #tpu.memory_space<vmem>>, %arg12: memref<64xi32, #tpu.memory_space<vmem>>, %arg13: memref<64xi32, #tpu.memory_space<vmem>>, %arg14: memref<!tpu.dma_semaphore, #tpu.memory_space<semaphore_mem>>, %arg15: memref<!tpu.dma_semaphore, #tpu.memory_space<semaphore_mem>>, %arg16: memref<!tpu.dma_semaphore, #tpu.memory_space<semaphore_mem>>) attributes {dimension_semantics = [#tpu.dimension_semantics<core_parallel>, #tpu.dimension_semantics<subcore_parallel>], iteration_bounds = array<i64: 2, 16>, scalar_prefetch = 0 : i64, scratch_operands = 11 : i64, tpu.core_type = #tpu.core_type<sc_vector_subcore>, window_params = [{transform_indices = #map}, {transform_indices = #map1}, {transform_indices = #map}, {transform_indices = #map}]} {
    %mul3A = arith.constant 2 : i32
    %mul3A_0 = arith.muli %arg1, %mul3A : i32
    %add3A = arith.addi %mul3A_0, %arg0 : i32
    %jit3A = arith.constant 2 : i32
    %div3A = arith.divsi %add3A, %jit3A : i32
    %sign3A = arith.constant 0 : i32
    %sign3A_1 = arith.cmpi sgt, %add3A, %sign3A : i32
    %sign3A_2 = arith.extui %sign3A_1 : i1 to i32
    %sign3A_3 = arith.constant 0 : i32
    %sign3A_4 = arith.cmpi slt, %add3A, %sign3A_3 : i32
    %sign3A_5 = arith.extui %sign3A_4 : i1 to i32
    %sign3A_6 = arith.subi %sign3A_2, %sign3A_5 : i32
    %sign3A_7 = arith.constant 0 : i32
    %sign3A_8 = arith.cmpi sgt, %jit3A, %sign3A_7 : i32
    %sign3A_9 = arith.extui %sign3A_8 : i1 to i32
    %sign3A_10 = arith.constant 0 : i32
    %sign3A_11 = arith.cmpi slt, %jit3A, %sign3A_10 : i32
    %sign3A_12 = arith.extui %sign3A_11 : i1 to i32
    %sign3A_13 = arith.subi %sign3A_9, %sign3A_12 : i32
    %ne3A = arith.cmpi ne, %sign3A_6, %sign3A_13 : i32
    %rem3A = arith.remsi %add3A, %jit3A : i32
    %ne3A_14 = arith.constant 0 : i32
    %ne3A_15 = arith.cmpi ne, %rem3A, %ne3A_14 : i32
    %and3A = arith.andi %ne3A, %ne3A_15 : i1
    %sub3A = arith.constant 1 : i32
    %sub3A_16 = arith.subi %div3A, %sub3A : i32
    %select_n3A = arith.select %and3A, %sub3A_16, %div3A : i32
    %jit3A_17 = arith.constant 2 : i32
    %eq3A = arith.constant 0 : i32
    %eq3A_18 = arith.cmpi eq, %jit3A_17, %eq3A : i32
    %jit3A_19 = arith.constant 1 : i32
    %select_n3A_20 = arith.select %eq3A_18, %jit3A_19, %jit3A_17 : i32
    %rem3A_21 = arith.remsi %add3A, %select_n3A_20 : i32
    %ne3A_22 = arith.constant 0 : i32
    %ne3A_23 = arith.cmpi ne, %rem3A_21, %ne3A_22 : i32
    %lt3A = arith.constant 0 : i32
    %lt3A_24 = arith.cmpi slt, %rem3A_21, %lt3A : i32
    %lt3A_25 = arith.constant 0 : i32
    %lt3A_26 = arith.cmpi slt, %select_n3A_20, %lt3A_25 : i32
    %ne3A_27 = arith.xori %lt3A_24, %lt3A_26 : i1
    %and3A_28 = arith.andi %ne3A_27, %ne3A_23 : i1
    %add3A_29 = arith.addi %rem3A_21, %select_n3A_20 : i32
    %select_n3A_30 = arith.select %and3A_28, %add3A_29, %rem3A_21 : i32
    %mul3A_31 = arith.constant 2048 : i32
    %mul3A_32 = arith.muli %select_n3A, %mul3A_31 : i32
    tpu.enqueue_dma source(%arg3 : memref<32xi32, #tpu.memory_space<hbm>>) target(%arg6 : memref<32xi32, #tpu.memory_space<vmem>>) target_semaphore(%arg14 : memref<!tpu.dma_semaphore, #tpu.memory_space<semaphore_mem>>)
    tpu.enqueue_dma source(%arg4 : memref<32x512xf32, #tpu.memory_space<hbm>>) target(%arg10 : memref<32x512xf32, #tpu.memory_space<vmem>>) target_semaphore(%arg16 : memref<!tpu.dma_semaphore, #tpu.memory_space<semaphore_mem>>)
    tpu.wait_dma2 semaphore(%arg14 : memref<!tpu.dma_semaphore, #tpu.memory_space<semaphore_mem>>) src(%arg3 : memref<32xi32, #tpu.memory_space<hbm>>) dst(%arg6 : memref<32xi32, #tpu.memory_space<vmem>>)
    %get3A = arith.constant 0 : index
    %get3A_33 = tpu.vector_load %arg6[%get3A] {strides = array<i32>} : memref<32xi32, #tpu.memory_space<vmem>>, vector<16xi32>,
    %get3A_34 = arith.constant 16 : index
    %get3A_35 = tpu.vector_load %arg6[%get3A_34] {strides = array<i32>} : memref<32xi32, #tpu.memory_space<vmem>>, vector<16xi32>,
    %iota3A = tpu.iota {dimensions = array<i32: 0>} : vector<16xi32>
    %eq3A_36 = vector.broadcast %select_n3A : i32 to vector<16xi32>
    %eq3A_37 = arith.cmpi eq, %iota3A, %eq3A_36 : vector<16xi32>
    %jit3A_38 = arith.constant 0 : i32
    %broadcast_in_dim3A = vector.broadcast %jit3A_38 : i32 to vector<16xi32>
    %select_n3A_39 = arith.select %eq3A_37, %get3A_33, %broadcast_in_dim3A : vector<16xi1>, vector<16xi32>
    %reduce_sum3A = arith.constant true
    %reduce_sum3A_40 = vector.broadcast %reduce_sum3A : i1 to vector<16xi1>
    %reduce_sum3A_41 = tpu.scan <sum>, %select_n3A_39 masked %reduce_sum3A_40 : vector<16xi32>, vector<16xi1> -> vector<16xi32>
    %reduce_sum3A_42 = vector.extract %reduce_sum3A_41[15] : i32 from vector<16xi32>
    %add3A_43 = arith.constant 1 : i32
    %add3A_44 = arith.addi %select_n3A, %add3A_43 : i32
    %eq3A_45 = vector.broadcast %add3A_44 : i32 to vector<16xi32>
    %eq3A_46 = arith.cmpi eq, %iota3A, %eq3A_45 : vector<16xi32>
    %jit3A_47 = arith.constant 0 : i32
    %broadcast_in_dim3A_48 = vector.broadcast %jit3A_47 : i32 to vector<16xi32>
    %select_n3A_49 = arith.select %eq3A_46, %get3A_33, %broadcast_in_dim3A_48 : vector<16xi1>, vector<16xi32>
    %reduce_sum3A_50 = arith.constant true
    %reduce_sum3A_51 = vector.broadcast %reduce_sum3A_50 : i1 to vector<16xi1>
    %reduce_sum3A_52 = tpu.scan <sum>, %select_n3A_49 masked %reduce_sum3A_51 : vector<16xi32>, vector<16xi1> -> vector<16xi32>
    %reduce_sum3A_53 = vector.extract %reduce_sum3A_52[15] : i32 from vector<16xi32>
    %sub3A_54 = arith.constant 15 : i32
    %sub3A_55 = arith.subi %select_n3A, %sub3A_54 : i32
    %eq3A_56 = vector.broadcast %sub3A_55 : i32 to vector<16xi32>
    %eq3A_57 = arith.cmpi eq, %iota3A, %eq3A_56 : vector<16xi32>
    %jit3A_58 = arith.constant 0 : i32
    %broadcast_in_dim3A_59 = vector.broadcast %jit3A_58 : i32 to vector<16xi32>
    %select_n3A_60 = arith.select %eq3A_57, %get3A_35, %broadcast_in_dim3A_59 : vector<16xi1>, vector<16xi32>
    %reduce_sum3A_61 = arith.constant true
    %reduce_sum3A_62 = vector.broadcast %reduce_sum3A_61 : i1 to vector<16xi1>
    %reduce_sum3A_63 = tpu.scan <sum>, %select_n3A_60 masked %reduce_sum3A_62 : vector<16xi32>, vector<16xi1> -> vector<16xi32>
    %reduce_sum3A_64 = vector.extract %reduce_sum3A_63[15] : i32 from vector<16xi32>
    %add3A_65 = arith.addi %reduce_sum3A_53, %reduce_sum3A_64 : i32
    %sub3A_66 = arith.subi %add3A_65, %reduce_sum3A_42 : i32
    %jit3A_67 = arith.constant 0 : i32
    %jit3A_68 = arith.constant 2048 : i32
    %max3A = arith.maxsi %jit3A_67, %sub3A_66 : i32
    %min3A = arith.minsi %jit3A_68, %max3A : i32
    %add3A_69 = arith.constant 0 : i32
    %add3A_70 = arith.addi %add3A_69, %select_n3A_30 : i32
    %add3A_71 = arith.constant 1 : i32
    %add3A_72 = arith.addi %add3A_70, %add3A_71 : i32
    %mul3A_73 = arith.constant 64 : i32
    %mul3A_74 = arith.muli %add3A_72, %mul3A_73 : i32
    %ge3A = arith.cmpi sge, %min3A, %mul3A_74 : i32
    %convert_element_type3A = arith.extui %ge3A : i1 to i32
    %cond3A = arith.constant 0 : i32
    %cond3A_75 = arith.cmpi ne, %convert_element_type3A, %cond3A : i32
    scf.if %cond3A_75 {
      %add3A_2012 = arith.constant 0 : i32
      %add3A_2013 = arith.addi %add3A_2012, %select_n3A_30 : i32
      %mul3A_2014 = arith.constant 64 : i32
      %mul3A_2015 = arith.muli %add3A_2013, %mul3A_2014 : i32
      %add3A_2016 = arith.addi %reduce_sum3A_42, %mul3A_2015 : i32
      %add3A_2017 = arith.constant 0 : i32
      %add3A_2018 = arith.addi %add3A_2016, %add3A_2017 : i32
      %add3A_2019 = vector.broadcast %add3A_2018 : i32 to vector<16xi32>
      %add3A_2020 = arith.addi %add3A_2019, %iota3A : vector<16xi32>
      %swap3A = arith.constant 0 : index
      %swap3A_2021 = tpu.vector_load %arg11[%swap3A] {strides = array<i32>} : memref<64xi32, #tpu.memory_space<vmem>>, vector<16xi32>,
      tpu.vector_store %arg11[%swap3A], %add3A_2020 {strides = array<i32>} : memref<64xi32, #tpu.memory_space<vmem>>, vector<16xi32>,
      %add3A_2022 = arith.constant 16 : i32
      %add3A_2023 = arith.addi %add3A_2016, %add3A_2022 : i32
      %add3A_2024 = vector.broadcast %add3A_2023 : i32 to vector<16xi32>
      %add3A_2025 = arith.addi %add3A_2024, %iota3A : vector<16xi32>
      %swap3A_2026 = arith.constant 16 : index
      %swap3A_2027 = tpu.vector_load %arg11[%swap3A_2026] {strides = array<i32>} : memref<64xi32, #tpu.memory_space<vmem>>, vector<16xi32>,
      tpu.vector_store %arg11[%swap3A_2026], %add3A_2025 {strides = array<i32>} : memref<64xi32, #tpu.memory_space<vmem>>, vector<16xi32>,
      %add3A_2028 = arith.constant 32 : i32
      %add3A_2029 = arith.addi %add3A_2016, %add3A_2028 : i32
      %add3A_2030 = vector.broadcast %add3A_2029 : i32 to vector<16xi32>
      %add3A_2031 = arith.addi %add3A_2030, %iota3A : vector<16xi32>
      %swap3A_2032 = arith.constant 32 : index
      %swap3A_2033 = tpu.vector_load %arg11[%swap3A_2032] {strides = array<i32>} : memref<64xi32, #tpu.memory_space<vmem>>, vector<16xi32>,
      tpu.vector_store %arg11[%swap3A_2032], %add3A_2031 {strides = array<i32>} : memref<64xi32, #tpu.memory_space<vmem>>, vector<16xi32>,
      %add3A_2034 = arith.constant 48 : i32
      %add3A_2035 = arith.addi %add3A_2016, %add3A_2034 : i32
      %add3A_2036 = vector.broadcast %add3A_2035 : i32 to vector<16xi32>
      %add3A_2037 = arith.addi %add3A_2036, %iota3A : vector<16xi32>
      %swap3A_2038 = arith.constant 48 : index
      %swap3A_2039 = tpu.vector_load %arg11[%swap3A_2038] {strides = array<i32>} : memref<64xi32, #tpu.memory_space<vmem>>, vector<16xi32>,
      tpu.vector_store %arg11[%swap3A_2038], %add3A_2037 {strides = array<i32>} : memref<64xi32, #tpu.memory_space<vmem>>, vector<16xi32>,
      %dma_start3A = arith.constant 0 : i32
      %dma_start3A_2040 = arith.constant 0 : i32
      %dma_start3A_2041 = tpu.memref_slice %arg2[%dma_start3A, %dma_start3A_2040] : memref<16384x512xf32, #tpu.memory_space<hbm>> -> memref<16384x512xf32, #tpu.memory_space<hbm>>
      tpu.enqueue_indirect_dma source(%dma_start3A_2041 : memref<16384x512xf32, #tpu.memory_space<hbm>>) target(%arg7 : memref<64x512xf32, #tpu.memory_space<vmem>>) offsets(%arg11 : memref<64xi32, #tpu.memory_space<vmem>>) semaphore(%arg14 : memref<!tpu.dma_semaphore, #tpu.memory_space<semaphore_mem>>)
    } else {
    }
    %add3A_76 = arith.constant 2 : i32
    %add3A_77 = arith.addi %add3A_76, %select_n3A_30 : i32
    %add3A_78 = arith.constant 1 : i32
    %add3A_79 = arith.addi %add3A_77, %add3A_78 : i32
    %mul3A_80 = arith.constant 64 : i32
    %mul3A_81 = arith.muli %add3A_79, %mul3A_80 : i32
    %ge3A_82 = arith.cmpi sge, %min3A, %mul3A_81 : i32
    %convert_element_type3A_83 = arith.extui %ge3A_82 : i1 to i32
    %cond3A_84 = arith.constant 0 : i32
    %cond3A_85 = arith.cmpi ne, %convert_element_type3A_83, %cond3A_84 : i32
    scf.if %cond3A_85 {
      %add3A_2012 = arith.constant 2 : i32
      %add3A_2013 = arith.addi %add3A_2012, %select_n3A_30 : i32
      %mul3A_2014 = arith.constant 64 : i32
      %mul3A_2015 = arith.muli %add3A_2013, %mul3A_2014 : i32
      %add3A_2016 = arith.addi %reduce_sum3A_42, %mul3A_2015 : i32
      %add3A_2017 = arith.constant 0 : i32
      %add3A_2018 = arith.addi %add3A_2016, %add3A_2017 : i32
      %add3A_2019 = vector.broadcast %add3A_2018 : i32 to vector<16xi32>
      %add3A_2020 = arith.addi %add3A_2019, %iota3A : vector<16xi32>
      %swap3A = arith.constant 0 : index
      %swap3A_2021 = tpu.vector_load %arg12[%swap3A] {strides = array<i32>} : memref<64xi32, #tpu.memory_space<vmem>>, vector<16xi32>,
      tpu.vector_store %arg12[%swap3A], %add3A_2020 {strides = array<i32>} : memref<64xi32, #tpu.memory_space<vmem>>, vector<16xi32>,
      %add3A_2022 = arith.constant 16 : i32
      %add3A_2023 = arith.addi %add3A_2016, %add3A_2022 : i32
      %add3A_2024 = vector.broadcast %add3A_2023 : i32 to vector<16xi32>
      %add3A_2025 = arith.addi %add3A_2024, %iota3A : vector<16xi32>
      %swap3A_2026 = arith.constant 16 : index
      %swap3A_2027 = tpu.vector_load %arg12[%swap3A_2026] {strides = array<i32>} : memref<64xi32, #tpu.memory_space<vmem>>, vector<16xi32>,
      tpu.vector_store %arg12[%swap3A_2026], %add3A_2025 {strides = array<i32>} : memref<64xi32, #tpu.memory_space<vmem>>, vector<16xi32>,
      %add3A_2028 = arith.constant 32 : i32
      %add3A_2029 = arith.addi %add3A_2016, %add3A_2028 : i32
      %add3A_2030 = vector.broadcast %add3A_2029 : i32 to vector<16xi32>
      %add3A_2031 = arith.addi %add3A_2030, %iota3A : vector<16xi32>
      %swap3A_2032 = arith.constant 32 : index
      %swap3A_2033 = tpu.vector_load %arg12[%swap3A_2032] {strides = array<i32>} : memref<64xi32, #tpu.memory_space<vmem>>, vector<16xi32>,
      tpu.vector_store %arg12[%swap3A_2032], %add3A_2031 {strides = array<i32>} : memref<64xi32, #tpu.memory_space<vmem>>, vector<16xi32>,
      %add3A_2034 = arith.constant 48 : i32
      %add3A_2035 = arith.addi %add3A_2016, %add3A_2034 : i32
      %add3A_2036 = vector.broadcast %add3A_2035 : i32 to vector<16xi32>
      %add3A_2037 = arith.addi %add3A_2036, %iota3A : vector<16xi32>
      %swap3A_2038 = arith.constant 48 : index
      %swap3A_2039 = tpu.vector_load %arg12[%swap3A_2038] {strides = array<i32>} : memref<64xi32, #tpu.memory_space<vmem>>, vector<16xi32>,
      tpu.vector_store %arg12[%swap3A_2038], %add3A_2037 {strides = array<i32>} : memref<64xi32, #tpu.memory_space<vmem>>, vector<16xi32>,
      %dma_start3A = arith.constant 0 : i32
      %dma_start3A_2040 = arith.constant 0 : i32
      %dma_start3A_2041 = tpu.memref_slice %arg2[%dma_start3A, %dma_start3A_2040] : memref<16384x512xf32, #tpu.memory_space<hbm>> -> memref<16384x512xf32, #tpu.memory_space<hbm>>
      tpu.enqueue_indirect_dma source(%dma_start3A_2041 : memref<16384x512xf32, #tpu.memory_space<hbm>>) target(%arg8 : memref<64x512xf32, #tpu.memory_space<vmem>>) offsets(%arg12 : memref<64xi32, #tpu.memory_space<vmem>>) semaphore(%arg14 : memref<!tpu.dma_semaphore, #tpu.memory_space<semaphore_mem>>)
    } else {
    }
    tpu.wait_dma2 semaphore(%arg16 : memref<!tpu.dma_semaphore, #tpu.memory_space<semaphore_mem>>) src(%arg4 : memref<32x512xf32, #tpu.memory_space<hbm>>) dst(%arg10 : memref<32x512xf32, #tpu.memory_space<vmem>>)
    %add3A_86 = arith.constant 0 : i32
    %add3A_87 = arith.addi %add3A_86, %select_n3A_30 : i32
    %mul3A_88 = arith.constant 64 : i32
    %mul3A_89 = arith.muli %add3A_87, %mul3A_88 : i32
    %le3A = arith.cmpi sle, %min3A, %mul3A_89 : i32
    %add3A_90 = arith.constant 0 : i32
    %add3A_91 = arith.addi %add3A_90, %select_n3A_30 : i32
    %mul3A_92 = arith.constant 64 : i32
    %mul3A_93 = arith.muli %add3A_91, %mul3A_92 : i32
    %add3A_94 = arith.addi %mul3A_32, %mul3A_93 : i32
    %add3A_95 = arith.constant 0 : i32
    %add3A_96 = arith.addi %add3A_94, %add3A_95 : i32
    %multiple_of3A = tpu.assume_multiple %add3A_96, 32 : i32
    %convert_element_type3A_97 = arith.extui %le3A : i1 to i32
    %cond3A_98 = arith.constant 0 : i32
    %cond3A_99 = arith.cmpi ne, %convert_element_type3A_97, %cond3A_98 : i32
    scf.if %cond3A_99 {
      %dma_start3A = arith.constant 0 : i32
      %dma_start3A_2012 = tpu.memref_slice %arg5[%multiple_of3A, %dma_start3A] : memref<32768x512xf32, #tpu.memory_space<hbm>> -> memref<32x512xf32, #tpu.memory_space<hbm>>
      %dma_start3A_2013 = arith.constant 0 : i32
      %dma_start3A_2014 = tpu.memref_slice %arg5[%multiple_of3A, %dma_start3A_2013] : memref<32768x512xf32, #tpu.memory_space<hbm>> -> memref<32x512xf32, #tpu.memory_space<hbm>>
      tpu.enqueue_dma source(%arg10 : memref<32x512xf32, #tpu.memory_space<vmem>>) target(%dma_start3A_2014 : memref<32x512xf32, #tpu.memory_space<hbm>>) target_semaphore(%arg16 : memref<!tpu.dma_semaphore, #tpu.memory_space<semaphore_mem>>)
    } else {
    }
    %add3A_100 = arith.constant 0 : i32
    %add3A_101 = arith.addi %add3A_100, %select_n3A_30 : i32
    %mul3A_102 = arith.constant 64 : i32
    %mul3A_103 = arith.muli %add3A_101, %mul3A_102 : i32
    %le3A_104 = arith.cmpi sle, %min3A, %mul3A_103 : i32
    %add3A_105 = arith.constant 0 : i32
    %add3A_106 = arith.addi %add3A_105, %select_n3A_30 : i32
    %mul3A_107 = arith.constant 64 : i32
    %mul3A_108 = arith.muli %add3A_106, %mul3A_107 : i32
    %add3A_109 = arith.addi %mul3A_32, %mul3A_108 : i32
    %add3A_110 = arith.constant 32 : i32
    %add3A_111 = arith.addi %add3A_109, %add3A_110 : i32
    %multiple_of3A_112 = tpu.assume_multiple %add3A_111, 32 : i32
    %convert_element_type3A_113 = arith.extui %le3A_104 : i1 to i32
    %cond3A_114 = arith.constant 0 : i32
    %cond3A_115 = arith.cmpi ne, %convert_element_type3A_113, %cond3A_114 : i32
    scf.if %cond3A_115 {
      %dma_start3A = arith.constant 0 : i32
      %dma_start3A_2012 = tpu.memref_slice %arg5[%multiple_of3A_112, %dma_start3A] : memref<32768x512xf32, #tpu.memory_space<hbm>> -> memref<32x512xf32, #tpu.memory_space<hbm>>
      %dma_start3A_2013 = arith.constant 0 : i32
      %dma_start3A_2014 = tpu.memref_slice %arg5[%multiple_of3A_112, %dma_start3A_2013] : memref<32768x512xf32, #tpu.memory_space<hbm>> -> memref<32x512xf32, #tpu.memory_space<hbm>>
      tpu.enqueue_dma source(%arg10 : memref<32x512xf32, #tpu.memory_space<vmem>>) target(%dma_start3A_2014 : memref<32x512xf32, #tpu.memory_space<hbm>>) target_semaphore(%arg16 : memref<!tpu.dma_semaphore, #tpu.memory_space<semaphore_mem>>)
    } else {
    }
    %add3A_116 = arith.constant 2 : i32
    %add3A_117 = arith.addi %add3A_116, %select_n3A_30 : i32
    %mul3A_118 = arith.constant 64 : i32
    %mul3A_119 = arith.muli %add3A_117, %mul3A_118 : i32
    %le3A_120 = arith.cmpi sle, %min3A, %mul3A_119 : i32
    %add3A_121 = arith.constant 2 : i32
    %add3A_122 = arith.addi %add3A_121, %select_n3A_30 : i32
    %mul3A_123 = arith.constant 64 : i32
    %mul3A_124 = arith.muli %add3A_122, %mul3A_123 : i32
    %add3A_125 = arith.addi %mul3A_32, %mul3A_124 : i32
    %add3A_126 = arith.constant 0 : i32
    %add3A_127 = arith.addi %add3A_125, %add3A_126 : i32
    %multiple_of3A_128 = tpu.assume_multiple %add3A_127, 32 : i32
    %convert_element_type3A_129 = arith.extui %le3A_120 : i1 to i32
    %cond3A_130 = arith.constant 0 : i32
    %cond3A_131 = arith.cmpi ne, %convert_element_type3A_129, %cond3A_130 : i32
    scf.if %cond3A_131 {
      %dma_start3A = arith.constant 0 : i32
      %dma_start3A_2012 = tpu.memref_slice %arg5[%multiple_of3A_128, %dma_start3A] : memref<32768x512xf32, #tpu.memory_space<hbm>> -> memref<32x512xf32, #tpu.memory_space<hbm>>
      %dma_start3A_2013 = arith.constant 0 : i32
      %dma_start3A_2014 = tpu.memref_slice %arg5[%multiple_of3A_128, %dma_start3A_2013] : memref<32768x512xf32, #tpu.memory_space<hbm>> -> memref<32x512xf32, #tpu.memory_space<hbm>>
      tpu.enqueue_dma source(%arg10 : memref<32x512xf32, #tpu.memory_space<vmem>>) target(%dma_start3A_2014 : memref<32x512xf32, #tpu.memory_space<hbm>>) target_semaphore(%arg16 : memref<!tpu.dma_semaphore, #tpu.memory_space<semaphore_mem>>)
    } else {
    }
    %add3A_132 = arith.constant 2 : i32
    %add3A_133 = arith.addi %add3A_132, %select_n3A_30 : i32
    %mul3A_134 = arith.constant 64 : i32
    %mul3A_135 = arith.muli %add3A_133, %mul3A_134 : i32
    %le3A_136 = arith.cmpi sle, %min3A, %mul3A_135 : i32
    %add3A_137 = arith.constant 2 : i32
    %add3A_138 = arith.addi %add3A_137, %select_n3A_30 : i32
    %mul3A_139 = arith.constant 64 : i32
    %mul3A_140 = arith.muli %add3A_138, %mul3A_139 : i32
    %add3A_141 = arith.addi %mul3A_32, %mul3A_140 : i32
    %add3A_142 = arith.constant 32 : i32
    %add3A_143 = arith.addi %add3A_141, %add3A_142 : i32
    %multiple_of3A_144 = tpu.assume_multiple %add3A_143, 32 : i32
    %convert_element_type3A_145 = arith.extui %le3A_136 : i1 to i32
    %cond3A_146 = arith.constant 0 : i32
    %cond3A_147 = arith.cmpi ne, %convert_element_type3A_145, %cond3A_146 : i32
    scf.if %cond3A_147 {
      %dma_start3A = arith.constant 0 : i32
      %dma_start3A_2012 = tpu.memref_slice %arg5[%multiple_of3A_144, %dma_start3A] : memref<32768x512xf32, #tpu.memory_space<hbm>> -> memref<32x512xf32, #tpu.memory_space<hbm>>
      %dma_start3A_2013 = arith.constant 0 : i32
      %dma_start3A_2014 = tpu.memref_slice %arg5[%multiple_of3A_144, %dma_start3A_2013] : memref<32768x512xf32, #tpu.memory_space<hbm>> -> memref<32x512xf32, #tpu.memory_space<hbm>>
      tpu.enqueue_dma source(%arg10 : memref<32x512xf32, #tpu.memory_space<vmem>>) target(%dma_start3A_2014 : memref<32x512xf32, #tpu.memory_space<hbm>>) target_semaphore(%arg16 : memref<!tpu.dma_semaphore, #tpu.memory_space<semaphore_mem>>)
    } else {
    }
    %add3A_148 = arith.constant 4 : i32
    %add3A_149 = arith.addi %add3A_148, %select_n3A_30 : i32
    %mul3A_150 = arith.constant 64 : i32
    %mul3A_151 = arith.muli %add3A_149, %mul3A_150 : i32
    %le3A_152 = arith.cmpi sle, %min3A, %mul3A_151 : i32
    %add3A_153 = arith.constant 4 : i32
    %add3A_154 = arith.addi %add3A_153, %select_n3A_30 : i32
    %mul3A_155 = arith.constant 64 : i32
    %mul3A_156 = arith.muli %add3A_154, %mul3A_155 : i32
    %add3A_157 = arith.addi %mul3A_32, %mul3A_156 : i32
    %add3A_158 = arith.constant 0 : i32
    %add3A_159 = arith.addi %add3A_157, %add3A_158 : i32
    %multiple_of3A_160 = tpu.assume_multiple %add3A_159, 32 : i32
    %convert_element_type3A_161 = arith.extui %le3A_152 : i1 to i32
    %cond3A_162 = arith.constant 0 : i32
    %cond3A_163 = arith.cmpi ne, %convert_element_type3A_161, %cond3A_162 : i32
    scf.if %cond3A_163 {
      %dma_start3A = arith.constant 0 : i32
      %dma_start3A_2012 = tpu.memref_slice %arg5[%multiple_of3A_160, %dma_start3A] : memref<32768x512xf32, #tpu.memory_space<hbm>> -> memref<32x512xf32, #tpu.memory_space<hbm>>
      %dma_start3A_2013 = arith.constant 0 : i32
      %dma_start3A_2014 = tpu.memref_slice %arg5[%multiple_of3A_160, %dma_start3A_2013] : memref<32768x512xf32, #tpu.memory_space<hbm>> -> memref<32x512xf32, #tpu.memory_space<hbm>>
      tpu.enqueue_dma source(%arg10 : memref<32x512xf32, #tpu.memory_space<vmem>>) target(%dma_start3A_2014 : memref<32x512xf32, #tpu.memory_space<hbm>>) target_semaphore(%arg16 : memref<!tpu.dma_semaphore, #tpu.memory_space<semaphore_mem>>)
    } else {
    }
    %add3A_164 = arith.constant 4 : i32
    %add3A_165 = arith.addi %add3A_164, %select_n3A_30 : i32
    %mul3A_166 = arith.constant 64 : i32
    %mul3A_167 = arith.muli %add3A_165, %mul3A_166 : i32
    %le3A_168 = arith.cmpi sle, %min3A, %mul3A_167 : i32
    %add3A_169 = arith.constant 4 : i32
    %add3A_170 = arith.addi %add3A_169, %select_n3A_30 : i32
    %mul3A_171 = arith.constant 64 : i32
    %mul3A_172 = arith.muli %add3A_170, %mul3A_171 : i32
    %add3A_173 = arith.addi %mul3A_32, %mul3A_172 : i32
    %add3A_174 = arith.constant 32 : i32
    %add3A_175 = arith.addi %add3A_173, %add3A_174 : i32
    %multiple_of3A_176 = tpu.assume_multiple %add3A_175, 32 : i32
    %convert_element_type3A_177 = arith.extui %le3A_168 : i1 to i32
    %cond3A_178 = arith.constant 0 : i32
    %cond3A_179 = arith.cmpi ne, %convert_element_type3A_177, %cond3A_178 : i32
    scf.if %cond3A_179 {
      %dma_start3A = arith.constant 0 : i32
      %dma_start3A_2012 = tpu.memref_slice %arg5[%multiple_of3A_176, %dma_start3A] : memref<32768x512xf32, #tpu.memory_space<hbm>> -> memref<32x512xf32, #tpu.memory_space<hbm>>
      %dma_start3A_2013 = arith.constant 0 : i32
      %dma_start3A_2014 = tpu.memref_slice %arg5[%multiple_of3A_176, %dma_start3A_2013] : memref<32768x512xf32, #tpu.memory_space<hbm>> -> memref<32x512xf32, #tpu.memory_space<hbm>>
      tpu.enqueue_dma source(%arg10 : memref<32x512xf32, #tpu.memory_space<vmem>>) target(%dma_start3A_2014 : memref<32x512xf32, #tpu.memory_space<hbm>>) target_semaphore(%arg16 : memref<!tpu.dma_semaphore, #tpu.memory_space<semaphore_mem>>)
    } else {
    }
    %add3A_180 = arith.constant 6 : i32
    %add3A_181 = arith.addi %add3A_180, %select_n3A_30 : i32
    %mul3A_182 = arith.constant 64 : i32
    %mul3A_183 = arith.muli %add3A_181, %mul3A_182 : i32
    %le3A_184 = arith.cmpi sle, %min3A, %mul3A_183 : i32
    %add3A_185 = arith.constant 6 : i32
    %add3A_186 = arith.addi %add3A_185, %select_n3A_30 : i32
    %mul3A_187 = arith.constant 64 : i32
    %mul3A_188 = arith.muli %add3A_186, %mul3A_187 : i32
    %add3A_189 = arith.addi %mul3A_32, %mul3A_188 : i32
    %add3A_190 = arith.constant 0 : i32
    %add3A_191 = arith.addi %add3A_189, %add3A_190 : i32
    %multiple_of3A_192 = tpu.assume_multiple %add3A_191, 32 : i32
    %convert_element_type3A_193 = arith.extui %le3A_184 : i1 to i32
    %cond3A_194 = arith.constant 0 : i32
    %cond3A_195 = arith.cmpi ne, %convert_element_type3A_193, %cond3A_194 : i32
    scf.if %cond3A_195 {
      %dma_start3A = arith.constant 0 : i32
      %dma_start3A_2012 = tpu.memref_slice %arg5[%multiple_of3A_192, %dma_start3A] : memref<32768x512xf32, #tpu.memory_space<hbm>> -> memref<32x512xf32, #tpu.memory_space<hbm>>
      %dma_start3A_2013 = arith.constant 0 : i32
      %dma_start3A_2014 = tpu.memref_slice %arg5[%multiple_of3A_192, %dma_start3A_2013] : memref<32768x512xf32, #tpu.memory_space<hbm>> -> memref<32x512xf32, #tpu.memory_space<hbm>>
      tpu.enqueue_dma source(%arg10 : memref<32x512xf32, #tpu.memory_space<vmem>>) target(%dma_start3A_2014 : memref<32x512xf32, #tpu.memory_space<hbm>>) target_semaphore(%arg16 : memref<!tpu.dma_semaphore, #tpu.memory_space<semaphore_mem>>)
    } else {
    }
    %add3A_196 = arith.constant 6 : i32
    %add3A_197 = arith.addi %add3A_196, %select_n3A_30 : i32
    %mul3A_198 = arith.constant 64 : i32
    %mul3A_199 = arith.muli %add3A_197, %mul3A_198 : i32
    %le3A_200 = arith.cmpi sle, %min3A, %mul3A_199 : i32
    %add3A_201 = arith.constant 6 : i32
    %add3A_202 = arith.addi %add3A_201, %select_n3A_30 : i32
    %mul3A_203 = arith.constant 64 : i32
    %mul3A_204 = arith.muli %add3A_202, %mul3A_203 : i32
    %add3A_205 = arith.addi %mul3A_32, %mul3A_204 : i32
    %add3A_206 = arith.constant 32 : i32
    %add3A_207 = arith.addi %add3A_205, %add3A_206 : i32
    %multiple_of3A_208 = tpu.assume_multiple %add3A_207, 32 : i32
    %convert_element_type3A_209 = arith.extui %le3A_200 : i1 to i32
    %cond3A_210 = arith.constant 0 : i32
    %cond3A_211 = arith.cmpi ne, %convert_element_type3A_209, %cond3A_210 : i32
    scf.if %cond3A_211 {
      %dma_start3A = arith.constant 0 : i32
      %dma_start3A_2012 = tpu.memref_slice %arg5[%multiple_of3A_208, %dma_start3A] : memref<32768x512xf32, #tpu.memory_space<hbm>> -> memref<32x512xf32, #tpu.memory_space<hbm>>
      %dma_start3A_2013 = arith.constant 0 : i32
      %dma_start3A_2014 = tpu.memref_slice %arg5[%multiple_of3A_208, %dma_start3A_2013] : memref<32768x512xf32, #tpu.memory_space<hbm>> -> memref<32x512xf32, #tpu.memory_space<hbm>>
      tpu.enqueue_dma source(%arg10 : memref<32x512xf32, #tpu.memory_space<vmem>>) target(%dma_start3A_2014 : memref<32x512xf32, #tpu.memory_space<hbm>>) target_semaphore(%arg16 : memref<!tpu.dma_semaphore, #tpu.memory_space<semaphore_mem>>)
    } else {
    }
    %add3A_212 = arith.constant 8 : i32
    %add3A_213 = arith.addi %add3A_212, %select_n3A_30 : i32
    %mul3A_214 = arith.constant 64 : i32
    %mul3A_215 = arith.muli %add3A_213, %mul3A_214 : i32
    %le3A_216 = arith.cmpi sle, %min3A, %mul3A_215 : i32
    %add3A_217 = arith.constant 8 : i32
    %add3A_218 = arith.addi %add3A_217, %select_n3A_30 : i32
    %mul3A_219 = arith.constant 64 : i32
    %mul3A_220 = arith.muli %add3A_218, %mul3A_219 : i32
    %add3A_221 = arith.addi %mul3A_32, %mul3A_220 : i32
    %add3A_222 = arith.constant 0 : i32
    %add3A_223 = arith.addi %add3A_221, %add3A_222 : i32
    %multiple_of3A_224 = tpu.assume_multiple %add3A_223, 32 : i32
    %convert_element_type3A_225 = arith.extui %le3A_216 : i1 to i32
    %cond3A_226 = arith.constant 0 : i32
    %cond3A_227 = arith.cmpi ne, %convert_element_type3A_225, %cond3A_226 : i32
    scf.if %cond3A_227 {
      %dma_start3A = arith.constant 0 : i32
      %dma_start3A_2012 = tpu.memref_slice %arg5[%multiple_of3A_224, %dma_start3A] : memref<32768x512xf32, #tpu.memory_space<hbm>> -> memref<32x512xf32, #tpu.memory_space<hbm>>
      %dma_start3A_2013 = arith.constant 0 : i32
      %dma_start3A_2014 = tpu.memref_slice %arg5[%multiple_of3A_224, %dma_start3A_2013] : memref<32768x512xf32, #tpu.memory_space<hbm>> -> memref<32x512xf32, #tpu.memory_space<hbm>>
      tpu.enqueue_dma source(%arg10 : memref<32x512xf32, #tpu.memory_space<vmem>>) target(%dma_start3A_2014 : memref<32x512xf32, #tpu.memory_space<hbm>>) target_semaphore(%arg16 : memref<!tpu.dma_semaphore, #tpu.memory_space<semaphore_mem>>)
    } else {
    }
    %add3A_228 = arith.constant 8 : i32
    %add3A_229 = arith.addi %add3A_228, %select_n3A_30 : i32
    %mul3A_230 = arith.constant 64 : i32
    %mul3A_231 = arith.muli %add3A_229, %mul3A_230 : i32
    %le3A_232 = arith.cmpi sle, %min3A, %mul3A_231 : i32
    %add3A_233 = arith.constant 8 : i32
    %add3A_234 = arith.addi %add3A_233, %select_n3A_30 : i32
    %mul3A_235 = arith.constant 64 : i32
    %mul3A_236 = arith.muli %add3A_234, %mul3A_235 : i32
    %add3A_237 = arith.addi %mul3A_32, %mul3A_236 : i32
    %add3A_238 = arith.constant 32 : i32
    %add3A_239 = arith.addi %add3A_237, %add3A_238 : i32
    %multiple_of3A_240 = tpu.assume_multiple %add3A_239, 32 : i32
    %convert_element_type3A_241 = arith.extui %le3A_232 : i1 to i32
    %cond3A_242 = arith.constant 0 : i32
    %cond3A_243 = arith.cmpi ne, %convert_element_type3A_241, %cond3A_242 : i32
    scf.if %cond3A_243 {
      %dma_start3A = arith.constant 0 : i32
      %dma_start3A_2012 = tpu.memref_slice %arg5[%multiple_of3A_240, %dma_start3A] : memref<32768x512xf32, #tpu.memory_space<hbm>> -> memref<32x512xf32, #tpu.memory_space<hbm>>
      %dma_start3A_2013 = arith.constant 0 : i32
      %dma_start3A_2014 = tpu.memref_slice %arg5[%multiple_of3A_240, %dma_start3A_2013] : memref<32768x512xf32, #tpu.memory_space<hbm>> -> memref<32x512xf32, #tpu.memory_space<hbm>>
      tpu.enqueue_dma source(%arg10 : memref<32x512xf32, #tpu.memory_space<vmem>>) target(%dma_start3A_2014 : memref<32x512xf32, #tpu.memory_space<hbm>>) target_semaphore(%arg16 : memref<!tpu.dma_semaphore, #tpu.memory_space<semaphore_mem>>)
    } else {
    }
    %add3A_244 = arith.constant 10 : i32
    %add3A_245 = arith.addi %add3A_244, %select_n3A_30 : i32
    %mul3A_246 = arith.constant 64 : i32
    %mul3A_247 = arith.muli %add3A_245, %mul3A_246 : i32
    %le3A_248 = arith.cmpi sle, %min3A, %mul3A_247 : i32
    %add3A_249 = arith.constant 10 : i32
    %add3A_250 = arith.addi %add3A_249, %select_n3A_30 : i32
    %mul3A_251 = arith.constant 64 : i32
    %mul3A_252 = arith.muli %add3A_250, %mul3A_251 : i32
    %add3A_253 = arith.addi %mul3A_32, %mul3A_252 : i32
    %add3A_254 = arith.constant 0 : i32
    %add3A_255 = arith.addi %add3A_253, %add3A_254 : i32
    %multiple_of3A_256 = tpu.assume_multiple %add3A_255, 32 : i32
    %convert_element_type3A_257 = arith.extui %le3A_248 : i1 to i32
    %cond3A_258 = arith.constant 0 : i32
    %cond3A_259 = arith.cmpi ne, %convert_element_type3A_257, %cond3A_258 : i32
    scf.if %cond3A_259 {
      %dma_start3A = arith.constant 0 : i32
      %dma_start3A_2012 = tpu.memref_slice %arg5[%multiple_of3A_256, %dma_start3A] : memref<32768x512xf32, #tpu.memory_space<hbm>> -> memref<32x512xf32, #tpu.memory_space<hbm>>
      %dma_start3A_2013 = arith.constant 0 : i32
      %dma_start3A_2014 = tpu.memref_slice %arg5[%multiple_of3A_256, %dma_start3A_2013] : memref<32768x512xf32, #tpu.memory_space<hbm>> -> memref<32x512xf32, #tpu.memory_space<hbm>>
      tpu.enqueue_dma source(%arg10 : memref<32x512xf32, #tpu.memory_space<vmem>>) target(%dma_start3A_2014 : memref<32x512xf32, #tpu.memory_space<hbm>>) target_semaphore(%arg16 : memref<!tpu.dma_semaphore, #tpu.memory_space<semaphore_mem>>)
    } else {
    }
    %add3A_260 = arith.constant 10 : i32
    %add3A_261 = arith.addi %add3A_260, %select_n3A_30 : i32
    %mul3A_262 = arith.constant 64 : i32
    %mul3A_263 = arith.muli %add3A_261, %mul3A_262 : i32
    %le3A_264 = arith.cmpi sle, %min3A, %mul3A_263 : i32
    %add3A_265 = arith.constant 10 : i32
    %add3A_266 = arith.addi %add3A_265, %select_n3A_30 : i32
    %mul3A_267 = arith.constant 64 : i32
    %mul3A_268 = arith.muli %add3A_266, %mul3A_267 : i32
    %add3A_269 = arith.addi %mul3A_32, %mul3A_268 : i32
    %add3A_270 = arith.constant 32 : i32
    %add3A_271 = arith.addi %add3A_269, %add3A_270 : i32
    %multiple_of3A_272 = tpu.assume_multiple %add3A_271, 32 : i32
    %convert_element_type3A_273 = arith.extui %le3A_264 : i1 to i32
    %cond3A_274 = arith.constant 0 : i32
    %cond3A_275 = arith.cmpi ne, %convert_element_type3A_273, %cond3A_274 : i32
    scf.if %cond3A_275 {
      %dma_start3A = arith.constant 0 : i32
      %dma_start3A_2012 = tpu.memref_slice %arg5[%multiple_of3A_272, %dma_start3A] : memref<32768x512xf32, #tpu.memory_space<hbm>> -> memref<32x512xf32, #tpu.memory_space<hbm>>
      %dma_start3A_2013 = arith.constant 0 : i32
      %dma_start3A_2014 = tpu.memref_slice %arg5[%multiple_of3A_272, %dma_start3A_2013] : memref<32768x512xf32, #tpu.memory_space<hbm>> -> memref<32x512xf32, #tpu.memory_space<hbm>>
      tpu.enqueue_dma source(%arg10 : memref<32x512xf32, #tpu.memory_space<vmem>>) target(%dma_start3A_2014 : memref<32x512xf32, #tpu.memory_space<hbm>>) target_semaphore(%arg16 : memref<!tpu.dma_semaphore, #tpu.memory_space<semaphore_mem>>)
    } else {
    }
    %add3A_276 = arith.constant 12 : i32
    %add3A_277 = arith.addi %add3A_276, %select_n3A_30 : i32
    %mul3A_278 = arith.constant 64 : i32
    %mul3A_279 = arith.muli %add3A_277, %mul3A_278 : i32
    %le3A_280 = arith.cmpi sle, %min3A, %mul3A_279 : i32
    %add3A_281 = arith.constant 12 : i32
    %add3A_282 = arith.addi %add3A_281, %select_n3A_30 : i32
    %mul3A_283 = arith.constant 64 : i32
    %mul3A_284 = arith.muli %add3A_282, %mul3A_283 : i32
    %add3A_285 = arith.addi %mul3A_32, %mul3A_284 : i32
    %add3A_286 = arith.constant 0 : i32
    %add3A_287 = arith.addi %add3A_285, %add3A_286 : i32
    %multiple_of3A_288 = tpu.assume_multiple %add3A_287, 32 : i32
    %convert_element_type3A_289 = arith.extui %le3A_280 : i1 to i32
    %cond3A_290 = arith.constant 0 : i32
    %cond3A_291 = arith.cmpi ne, %convert_element_type3A_289, %cond3A_290 : i32
    scf.if %cond3A_291 {
      %dma_start3A = arith.constant 0 : i32
      %dma_start3A_2012 = tpu.memref_slice %arg5[%multiple_of3A_288, %dma_start3A] : memref<32768x512xf32, #tpu.memory_space<hbm>> -> memref<32x512xf32, #tpu.memory_space<hbm>>
      %dma_start3A_2013 = arith.constant 0 : i32
      %dma_start3A_2014 = tpu.memref_slice %arg5[%multiple_of3A_288, %dma_start3A_2013] : memref<32768x512xf32, #tpu.memory_space<hbm>> -> memref<32x512xf32, #tpu.memory_space<hbm>>
      tpu.enqueue_dma source(%arg10 : memref<32x512xf32, #tpu.memory_space<vmem>>) target(%dma_start3A_2014 : memref<32x512xf32, #tpu.memory_space<hbm>>) target_semaphore(%arg16 : memref<!tpu.dma_semaphore, #tpu.memory_space<semaphore_mem>>)
    } else {
    }
    %add3A_292 = arith.constant 12 : i32
    %add3A_293 = arith.addi %add3A_292, %select_n3A_30 : i32
    %mul3A_294 = arith.constant 64 : i32
    %mul3A_295 = arith.muli %add3A_293, %mul3A_294 : i32
    %le3A_296 = arith.cmpi sle, %min3A, %mul3A_295 : i32
    %add3A_297 = arith.constant 12 : i32
    %add3A_298 = arith.addi %add3A_297, %select_n3A_30 : i32
    %mul3A_299 = arith.constant 64 : i32
    %mul3A_300 = arith.muli %add3A_298, %mul3A_299 : i32
    %add3A_301 = arith.addi %mul3A_32, %mul3A_300 : i32
    %add3A_302 = arith.constant 32 : i32
    %add3A_303 = arith.addi %add3A_301, %add3A_302 : i32
    %multiple_of3A_304 = tpu.assume_multiple %add3A_303, 32 : i32
    %convert_element_type3A_305 = arith.extui %le3A_296 : i1 to i32
    %cond3A_306 = arith.constant 0 : i32
    %cond3A_307 = arith.cmpi ne, %convert_element_type3A_305, %cond3A_306 : i32
    scf.if %cond3A_307 {
      %dma_start3A = arith.constant 0 : i32
      %dma_start3A_2012 = tpu.memref_slice %arg5[%multiple_of3A_304, %dma_start3A] : memref<32768x512xf32, #tpu.memory_space<hbm>> -> memref<32x512xf32, #tpu.memory_space<hbm>>
      %dma_start3A_2013 = arith.constant 0 : i32
      %dma_start3A_2014 = tpu.memref_slice %arg5[%multiple_of3A_304, %dma_start3A_2013] : memref<32768x512xf32, #tpu.memory_space<hbm>> -> memref<32x512xf32, #tpu.memory_space<hbm>>
      tpu.enqueue_dma source(%arg10 : memref<32x512xf32, #tpu.memory_space<vmem>>) target(%dma_start3A_2014 : memref<32x512xf32, #tpu.memory_space<hbm>>) target_semaphore(%arg16 : memref<!tpu.dma_semaphore, #tpu.memory_space<semaphore_mem>>)
    } else {
    }
    %add3A_308 = arith.constant 14 : i32
    %add3A_309 = arith.addi %add3A_308, %select_n3A_30 : i32
    %mul3A_310 = arith.constant 64 : i32
    %mul3A_311 = arith.muli %add3A_309, %mul3A_310 : i32
    %le3A_312 = arith.cmpi sle, %min3A, %mul3A_311 : i32
    %add3A_313 = arith.constant 14 : i32
    %add3A_314 = arith.addi %add3A_313, %select_n3A_30 : i32
    %mul3A_315 = arith.constant 64 : i32
    %mul3A_316 = arith.muli %add3A_314, %mul3A_315 : i32
    %add3A_317 = arith.addi %mul3A_32, %mul3A_316 : i32
    %add3A_318 = arith.constant 0 : i32
    %add3A_319 = arith.addi %add3A_317, %add3A_318 : i32
    %multiple_of3A_320 = tpu.assume_multiple %add3A_319, 32 : i32
    %convert_element_type3A_321 = arith.extui %le3A_312 : i1 to i32
    %cond3A_322 = arith.constant 0 : i32
    %cond3A_323 = arith.cmpi ne, %convert_element_type3A_321, %cond3A_322 : i32
    scf.if %cond3A_323 {
      %dma_start3A = arith.constant 0 : i32
      %dma_start3A_2012 = tpu.memref_slice %arg5[%multiple_of3A_320, %dma_start3A] : memref<32768x512xf32, #tpu.memory_space<hbm>> -> memref<32x512xf32, #tpu.memory_space<hbm>>
      %dma_start3A_2013 = arith.constant 0 : i32
      %dma_start3A_2014 = tpu.memref_slice %arg5[%multiple_of3A_320, %dma_start3A_2013] : memref<32768x512xf32, #tpu.memory_space<hbm>> -> memref<32x512xf32, #tpu.memory_space<hbm>>
      tpu.enqueue_dma source(%arg10 : memref<32x512xf32, #tpu.memory_space<vmem>>) target(%dma_start3A_2014 : memref<32x512xf32, #tpu.memory_space<hbm>>) target_semaphore(%arg16 : memref<!tpu.dma_semaphore, #tpu.memory_space<semaphore_mem>>)
    } else {
    }
    %add3A_324 = arith.constant 14 : i32
    %add3A_325 = arith.addi %add3A_324, %select_n3A_30 : i32
    %mul3A_326 = arith.constant 64 : i32
    %mul3A_327 = arith.muli %add3A_325, %mul3A_326 : i32
    %le3A_328 = arith.cmpi sle, %min3A, %mul3A_327 : i32
    %add3A_329 = arith.constant 14 : i32
    %add3A_330 = arith.addi %add3A_329, %select_n3A_30 : i32
    %mul3A_331 = arith.constant 64 : i32
    %mul3A_332 = arith.muli %add3A_330, %mul3A_331 : i32
    %add3A_333 = arith.addi %mul3A_32, %mul3A_332 : i32
    %add3A_334 = arith.constant 32 : i32
    %add3A_335 = arith.addi %add3A_333, %add3A_334 : i32
    %multiple_of3A_336 = tpu.assume_multiple %add3A_335, 32 : i32
    %convert_element_type3A_337 = arith.extui %le3A_328 : i1 to i32
    %cond3A_338 = arith.constant 0 : i32
    %cond3A_339 = arith.cmpi ne, %convert_element_type3A_337, %cond3A_338 : i32
    scf.if %cond3A_339 {
      %dma_start3A = arith.constant 0 : i32
      %dma_start3A_2012 = tpu.memref_slice %arg5[%multiple_of3A_336, %dma_start3A] : memref<32768x512xf32, #tpu.memory_space<hbm>> -> memref<32x512xf32, #tpu.memory_space<hbm>>
      %dma_start3A_2013 = arith.constant 0 : i32
      %dma_start3A_2014 = tpu.memref_slice %arg5[%multiple_of3A_336, %dma_start3A_2013] : memref<32768x512xf32, #tpu.memory_space<hbm>> -> memref<32x512xf32, #tpu.memory_space<hbm>>
      tpu.enqueue_dma source(%arg10 : memref<32x512xf32, #tpu.memory_space<vmem>>) target(%dma_start3A_2014 : memref<32x512xf32, #tpu.memory_space<hbm>>) target_semaphore(%arg16 : memref<!tpu.dma_semaphore, #tpu.memory_space<semaphore_mem>>)
    } else {
    }
    %add3A_340 = arith.constant 16 : i32
    %add3A_341 = arith.addi %add3A_340, %select_n3A_30 : i32
    %mul3A_342 = arith.constant 64 : i32
    %mul3A_343 = arith.muli %add3A_341, %mul3A_342 : i32
    %le3A_344 = arith.cmpi sle, %min3A, %mul3A_343 : i32
    %add3A_345 = arith.constant 16 : i32
    %add3A_346 = arith.addi %add3A_345, %select_n3A_30 : i32
    %mul3A_347 = arith.constant 64 : i32
    %mul3A_348 = arith.muli %add3A_346, %mul3A_347 : i32
    %add3A_349 = arith.addi %mul3A_32, %mul3A_348 : i32
    %add3A_350 = arith.constant 0 : i32
    %add3A_351 = arith.addi %add3A_349, %add3A_350 : i32
    %multiple_of3A_352 = tpu.assume_multiple %add3A_351, 32 : i32
    %convert_element_type3A_353 = arith.extui %le3A_344 : i1 to i32
    %cond3A_354 = arith.constant 0 : i32
    %cond3A_355 = arith.cmpi ne, %convert_element_type3A_353, %cond3A_354 : i32
    scf.if %cond3A_355 {
      %dma_start3A = arith.constant 0 : i32
      %dma_start3A_2012 = tpu.memref_slice %arg5[%multiple_of3A_352, %dma_start3A] : memref<32768x512xf32, #tpu.memory_space<hbm>> -> memref<32x512xf32, #tpu.memory_space<hbm>>
      %dma_start3A_2013 = arith.constant 0 : i32
      %dma_start3A_2014 = tpu.memref_slice %arg5[%multiple_of3A_352, %dma_start3A_2013] : memref<32768x512xf32, #tpu.memory_space<hbm>> -> memref<32x512xf32, #tpu.memory_space<hbm>>
      tpu.enqueue_dma source(%arg10 : memref<32x512xf32, #tpu.memory_space<vmem>>) target(%dma_start3A_2014 : memref<32x512xf32, #tpu.memory_space<hbm>>) target_semaphore(%arg16 : memref<!tpu.dma_semaphore, #tpu.memory_space<semaphore_mem>>)
    } else {
    }
    %add3A_356 = arith.constant 16 : i32
    %add3A_357 = arith.addi %add3A_356, %select_n3A_30 : i32
    %mul3A_358 = arith.constant 64 : i32
    %mul3A_359 = arith.muli %add3A_357, %mul3A_358 : i32
    %le3A_360 = arith.cmpi sle, %min3A, %mul3A_359 : i32
    %add3A_361 = arith.constant 16 : i32
    %add3A_362 = arith.addi %add3A_361, %select_n3A_30 : i32
    %mul3A_363 = arith.constant 64 : i32
    %mul3A_364 = arith.muli %add3A_362, %mul3A_363 : i32
    %add3A_365 = arith.addi %mul3A_32, %mul3A_364 : i32
    %add3A_366 = arith.constant 32 : i32
    %add3A_367 = arith.addi %add3A_365, %add3A_366 : i32
    %multiple_of3A_368 = tpu.assume_multiple %add3A_367, 32 : i32
    %convert_element_type3A_369 = arith.extui %le3A_360 : i1 to i32
    %cond3A_370 = arith.constant 0 : i32
    %cond3A_371 = arith.cmpi ne, %convert_element_type3A_369, %cond3A_370 : i32
    scf.if %cond3A_371 {
      %dma_start3A = arith.constant 0 : i32
      %dma_start3A_2012 = tpu.memref_slice %arg5[%multiple_of3A_368, %dma_start3A] : memref<32768x512xf32, #tpu.memory_space<hbm>> -> memref<32x512xf32, #tpu.memory_space<hbm>>
      %dma_start3A_2013 = arith.constant 0 : i32
      %dma_start3A_2014 = tpu.memref_slice %arg5[%multiple_of3A_368, %dma_start3A_2013] : memref<32768x512xf32, #tpu.memory_space<hbm>> -> memref<32x512xf32, #tpu.memory_space<hbm>>
      tpu.enqueue_dma source(%arg10 : memref<32x512xf32, #tpu.memory_space<vmem>>) target(%dma_start3A_2014 : memref<32x512xf32, #tpu.memory_space<hbm>>) target_semaphore(%arg16 : memref<!tpu.dma_semaphore, #tpu.memory_space<semaphore_mem>>)
    } else {
    }
    %add3A_372 = arith.constant 18 : i32
    %add3A_373 = arith.addi %add3A_372, %select_n3A_30 : i32
    %mul3A_374 = arith.constant 64 : i32
    %mul3A_375 = arith.muli %add3A_373, %mul3A_374 : i32
    %le3A_376 = arith.cmpi sle, %min3A, %mul3A_375 : i32
    %add3A_377 = arith.constant 18 : i32
    %add3A_378 = arith.addi %add3A_377, %select_n3A_30 : i32
    %mul3A_379 = arith.constant 64 : i32
    %mul3A_380 = arith.muli %add3A_378, %mul3A_379 : i32
    %add3A_381 = arith.addi %mul3A_32, %mul3A_380 : i32
    %add3A_382 = arith.constant 0 : i32
    %add3A_383 = arith.addi %add3A_381, %add3A_382 : i32
    %multiple_of3A_384 = tpu.assume_multiple %add3A_383, 32 : i32
    %convert_element_type3A_385 = arith.extui %le3A_376 : i1 to i32
    %cond3A_386 = arith.constant 0 : i32
    %cond3A_387 = arith.cmpi ne, %convert_element_type3A_385, %cond3A_386 : i32
    scf.if %cond3A_387 {
      %dma_start3A = arith.constant 0 : i32
      %dma_start3A_2012 = tpu.memref_slice %arg5[%multiple_of3A_384, %dma_start3A] : memref<32768x512xf32, #tpu.memory_space<hbm>> -> memref<32x512xf32, #tpu.memory_space<hbm>>
      %dma_start3A_2013 = arith.constant 0 : i32
      %dma_start3A_2014 = tpu.memref_slice %arg5[%multiple_of3A_384, %dma_start3A_2013] : memref<32768x512xf32, #tpu.memory_space<hbm>> -> memref<32x512xf32, #tpu.memory_space<hbm>>
      tpu.enqueue_dma source(%arg10 : memref<32x512xf32, #tpu.memory_space<vmem>>) target(%dma_start3A_2014 : memref<32x512xf32, #tpu.memory_space<hbm>>) target_semaphore(%arg16 : memref<!tpu.dma_semaphore, #tpu.memory_space<semaphore_mem>>)
    } else {
    }
    %add3A_388 = arith.constant 18 : i32
    %add3A_389 = arith.addi %add3A_388, %select_n3A_30 : i32
    %mul3A_390 = arith.constant 64 : i32
    %mul3A_391 = arith.muli %add3A_389, %mul3A_390 : i32
    %le3A_392 = arith.cmpi sle, %min3A, %mul3A_391 : i32
    %add3A_393 = arith.constant 18 : i32
    %add3A_394 = arith.addi %add3A_393, %select_n3A_30 : i32
    %mul3A_395 = arith.constant 64 : i32
    %mul3A_396 = arith.muli %add3A_394, %mul3A_395 : i32
    %add3A_397 = arith.addi %mul3A_32, %mul3A_396 : i32
    %add3A_398 = arith.constant 32 : i32
    %add3A_399 = arith.addi %add3A_397, %add3A_398 : i32
    %multiple_of3A_400 = tpu.assume_multiple %add3A_399, 32 : i32
    %convert_element_type3A_401 = arith.extui %le3A_392 : i1 to i32
    %cond3A_402 = arith.constant 0 : i32
    %cond3A_403 = arith.cmpi ne, %convert_element_type3A_401, %cond3A_402 : i32
    scf.if %cond3A_403 {
      %dma_start3A = arith.constant 0 : i32
      %dma_start3A_2012 = tpu.memref_slice %arg5[%multiple_of3A_400, %dma_start3A] : memref<32768x512xf32, #tpu.memory_space<hbm>> -> memref<32x512xf32, #tpu.memory_space<hbm>>
      %dma_start3A_2013 = arith.constant 0 : i32
      %dma_start3A_2014 = tpu.memref_slice %arg5[%multiple_of3A_400, %dma_start3A_2013] : memref<32768x512xf32, #tpu.memory_space<hbm>> -> memref<32x512xf32, #tpu.memory_space<hbm>>
      tpu.enqueue_dma source(%arg10 : memref<32x512xf32, #tpu.memory_space<vmem>>) target(%dma_start3A_2014 : memref<32x512xf32, #tpu.memory_space<hbm>>) target_semaphore(%arg16 : memref<!tpu.dma_semaphore, #tpu.memory_space<semaphore_mem>>)
    } else {
    }
    %add3A_404 = arith.constant 20 : i32
    %add3A_405 = arith.addi %add3A_404, %select_n3A_30 : i32
    %mul3A_406 = arith.constant 64 : i32
    %mul3A_407 = arith.muli %add3A_405, %mul3A_406 : i32
    %le3A_408 = arith.cmpi sle, %min3A, %mul3A_407 : i32
    %add3A_409 = arith.constant 20 : i32
    %add3A_410 = arith.addi %add3A_409, %select_n3A_30 : i32
    %mul3A_411 = arith.constant 64 : i32
    %mul3A_412 = arith.muli %add3A_410, %mul3A_411 : i32
    %add3A_413 = arith.addi %mul3A_32, %mul3A_412 : i32
    %add3A_414 = arith.constant 0 : i32
    %add3A_415 = arith.addi %add3A_413, %add3A_414 : i32
    %multiple_of3A_416 = tpu.assume_multiple %add3A_415, 32 : i32
    %convert_element_type3A_417 = arith.extui %le3A_408 : i1 to i32
    %cond3A_418 = arith.constant 0 : i32
    %cond3A_419 = arith.cmpi ne, %convert_element_type3A_417, %cond3A_418 : i32
    scf.if %cond3A_419 {
      %dma_start3A = arith.constant 0 : i32
      %dma_start3A_2012 = tpu.memref_slice %arg5[%multiple_of3A_416, %dma_start3A] : memref<32768x512xf32, #tpu.memory_space<hbm>> -> memref<32x512xf32, #tpu.memory_space<hbm>>
      %dma_start3A_2013 = arith.constant 0 : i32
      %dma_start3A_2014 = tpu.memref_slice %arg5[%multiple_of3A_416, %dma_start3A_2013] : memref<32768x512xf32, #tpu.memory_space<hbm>> -> memref<32x512xf32, #tpu.memory_space<hbm>>
      tpu.enqueue_dma source(%arg10 : memref<32x512xf32, #tpu.memory_space<vmem>>) target(%dma_start3A_2014 : memref<32x512xf32, #tpu.memory_space<hbm>>) target_semaphore(%arg16 : memref<!tpu.dma_semaphore, #tpu.memory_space<semaphore_mem>>)
    } else {
    }
    %add3A_420 = arith.constant 20 : i32
    %add3A_421 = arith.addi %add3A_420, %select_n3A_30 : i32
    %mul3A_422 = arith.constant 64 : i32
    %mul3A_423 = arith.muli %add3A_421, %mul3A_422 : i32
    %le3A_424 = arith.cmpi sle, %min3A, %mul3A_423 : i32
    %add3A_425 = arith.constant 20 : i32
    %add3A_426 = arith.addi %add3A_425, %select_n3A_30 : i32
    %mul3A_427 = arith.constant 64 : i32
    %mul3A_428 = arith.muli %add3A_426, %mul3A_427 : i32
    %add3A_429 = arith.addi %mul3A_32, %mul3A_428 : i32
    %add3A_430 = arith.constant 32 : i32
    %add3A_431 = arith.addi %add3A_429, %add3A_430 : i32
    %multiple_of3A_432 = tpu.assume_multiple %add3A_431, 32 : i32
    %convert_element_type3A_433 = arith.extui %le3A_424 : i1 to i32
    %cond3A_434 = arith.constant 0 : i32
    %cond3A_435 = arith.cmpi ne, %convert_element_type3A_433, %cond3A_434 : i32
    scf.if %cond3A_435 {
      %dma_start3A = arith.constant 0 : i32
      %dma_start3A_2012 = tpu.memref_slice %arg5[%multiple_of3A_432, %dma_start3A] : memref<32768x512xf32, #tpu.memory_space<hbm>> -> memref<32x512xf32, #tpu.memory_space<hbm>>
      %dma_start3A_2013 = arith.constant 0 : i32
      %dma_start3A_2014 = tpu.memref_slice %arg5[%multiple_of3A_432, %dma_start3A_2013] : memref<32768x512xf32, #tpu.memory_space<hbm>> -> memref<32x512xf32, #tpu.memory_space<hbm>>
      tpu.enqueue_dma source(%arg10 : memref<32x512xf32, #tpu.memory_space<vmem>>) target(%dma_start3A_2014 : memref<32x512xf32, #tpu.memory_space<hbm>>) target_semaphore(%arg16 : memref<!tpu.dma_semaphore, #tpu.memory_space<semaphore_mem>>)
    } else {
    }
    %add3A_436 = arith.constant 22 : i32
    %add3A_437 = arith.addi %add3A_436, %select_n3A_30 : i32
    %mul3A_438 = arith.constant 64 : i32
    %mul3A_439 = arith.muli %add3A_437, %mul3A_438 : i32
    %le3A_440 = arith.cmpi sle, %min3A, %mul3A_439 : i32
    %add3A_441 = arith.constant 22 : i32
    %add3A_442 = arith.addi %add3A_441, %select_n3A_30 : i32
    %mul3A_443 = arith.constant 64 : i32
    %mul3A_444 = arith.muli %add3A_442, %mul3A_443 : i32
    %add3A_445 = arith.addi %mul3A_32, %mul3A_444 : i32
    %add3A_446 = arith.constant 0 : i32
    %add3A_447 = arith.addi %add3A_445, %add3A_446 : i32
    %multiple_of3A_448 = tpu.assume_multiple %add3A_447, 32 : i32
    %convert_element_type3A_449 = arith.extui %le3A_440 : i1 to i32
    %cond3A_450 = arith.constant 0 : i32
    %cond3A_451 = arith.cmpi ne, %convert_element_type3A_449, %cond3A_450 : i32
    scf.if %cond3A_451 {
      %dma_start3A = arith.constant 0 : i32
      %dma_start3A_2012 = tpu.memref_slice %arg5[%multiple_of3A_448, %dma_start3A] : memref<32768x512xf32, #tpu.memory_space<hbm>> -> memref<32x512xf32, #tpu.memory_space<hbm>>
      %dma_start3A_2013 = arith.constant 0 : i32
      %dma_start3A_2014 = tpu.memref_slice %arg5[%multiple_of3A_448, %dma_start3A_2013] : memref<32768x512xf32, #tpu.memory_space<hbm>> -> memref<32x512xf32, #tpu.memory_space<hbm>>
      tpu.enqueue_dma source(%arg10 : memref<32x512xf32, #tpu.memory_space<vmem>>) target(%dma_start3A_2014 : memref<32x512xf32, #tpu.memory_space<hbm>>) target_semaphore(%arg16 : memref<!tpu.dma_semaphore, #tpu.memory_space<semaphore_mem>>)
    } else {
    }
    %add3A_452 = arith.constant 22 : i32
    %add3A_453 = arith.addi %add3A_452, %select_n3A_30 : i32
    %mul3A_454 = arith.constant 64 : i32
    %mul3A_455 = arith.muli %add3A_453, %mul3A_454 : i32
    %le3A_456 = arith.cmpi sle, %min3A, %mul3A_455 : i32
    %add3A_457 = arith.constant 22 : i32
    %add3A_458 = arith.addi %add3A_457, %select_n3A_30 : i32
    %mul3A_459 = arith.constant 64 : i32
    %mul3A_460 = arith.muli %add3A_458, %mul3A_459 : i32
    %add3A_461 = arith.addi %mul3A_32, %mul3A_460 : i32
    %add3A_462 = arith.constant 32 : i32
    %add3A_463 = arith.addi %add3A_461, %add3A_462 : i32
    %multiple_of3A_464 = tpu.assume_multiple %add3A_463, 32 : i32
    %convert_element_type3A_465 = arith.extui %le3A_456 : i1 to i32
    %cond3A_466 = arith.constant 0 : i32
    %cond3A_467 = arith.cmpi ne, %convert_element_type3A_465, %cond3A_466 : i32
    scf.if %cond3A_467 {
      %dma_start3A = arith.constant 0 : i32
      %dma_start3A_2012 = tpu.memref_slice %arg5[%multiple_of3A_464, %dma_start3A] : memref<32768x512xf32, #tpu.memory_space<hbm>> -> memref<32x512xf32, #tpu.memory_space<hbm>>
      %dma_start3A_2013 = arith.constant 0 : i32
      %dma_start3A_2014 = tpu.memref_slice %arg5[%multiple_of3A_464, %dma_start3A_2013] : memref<32768x512xf32, #tpu.memory_space<hbm>> -> memref<32x512xf32, #tpu.memory_space<hbm>>
      tpu.enqueue_dma source(%arg10 : memref<32x512xf32, #tpu.memory_space<vmem>>) target(%dma_start3A_2014 : memref<32x512xf32, #tpu.memory_space<hbm>>) target_semaphore(%arg16 : memref<!tpu.dma_semaphore, #tpu.memory_space<semaphore_mem>>)
    } else {
    }
    %add3A_468 = arith.constant 24 : i32
    %add3A_469 = arith.addi %add3A_468, %select_n3A_30 : i32
    %mul3A_470 = arith.constant 64 : i32
    %mul3A_471 = arith.muli %add3A_469, %mul3A_470 : i32
    %le3A_472 = arith.cmpi sle, %min3A, %mul3A_471 : i32
    %add3A_473 = arith.constant 24 : i32
    %add3A_474 = arith.addi %add3A_473, %select_n3A_30 : i32
    %mul3A_475 = arith.constant 64 : i32
    %mul3A_476 = arith.muli %add3A_474, %mul3A_475 : i32
    %add3A_477 = arith.addi %mul3A_32, %mul3A_476 : i32
    %add3A_478 = arith.constant 0 : i32
    %add3A_479 = arith.addi %add3A_477, %add3A_478 : i32
    %multiple_of3A_480 = tpu.assume_multiple %add3A_479, 32 : i32
    %convert_element_type3A_481 = arith.extui %le3A_472 : i1 to i32
    %cond3A_482 = arith.constant 0 : i32
    %cond3A_483 = arith.cmpi ne, %convert_element_type3A_481, %cond3A_482 : i32
    scf.if %cond3A_483 {
      %dma_start3A = arith.constant 0 : i32
      %dma_start3A_2012 = tpu.memref_slice %arg5[%multiple_of3A_480, %dma_start3A] : memref<32768x512xf32, #tpu.memory_space<hbm>> -> memref<32x512xf32, #tpu.memory_space<hbm>>
      %dma_start3A_2013 = arith.constant 0 : i32
      %dma_start3A_2014 = tpu.memref_slice %arg5[%multiple_of3A_480, %dma_start3A_2013] : memref<32768x512xf32, #tpu.memory_space<hbm>> -> memref<32x512xf32, #tpu.memory_space<hbm>>
      tpu.enqueue_dma source(%arg10 : memref<32x512xf32, #tpu.memory_space<vmem>>) target(%dma_start3A_2014 : memref<32x512xf32, #tpu.memory_space<hbm>>) target_semaphore(%arg16 : memref<!tpu.dma_semaphore, #tpu.memory_space<semaphore_mem>>)
    } else {
    }
    %add3A_484 = arith.constant 24 : i32
    %add3A_485 = arith.addi %add3A_484, %select_n3A_30 : i32
    %mul3A_486 = arith.constant 64 : i32
    %mul3A_487 = arith.muli %add3A_485, %mul3A_486 : i32
    %le3A_488 = arith.cmpi sle, %min3A, %mul3A_487 : i32
    %add3A_489 = arith.constant 24 : i32
    %add3A_490 = arith.addi %add3A_489, %select_n3A_30 : i32
    %mul3A_491 = arith.constant 64 : i32
    %mul3A_492 = arith.muli %add3A_490, %mul3A_491 : i32
    %add3A_493 = arith.addi %mul3A_32, %mul3A_492 : i32
    %add3A_494 = arith.constant 32 : i32
    %add3A_495 = arith.addi %add3A_493, %add3A_494 : i32
    %multiple_of3A_496 = tpu.assume_multiple %add3A_495, 32 : i32
    %convert_element_type3A_497 = arith.extui %le3A_488 : i1 to i32
    %cond3A_498 = arith.constant 0 : i32
    %cond3A_499 = arith.cmpi ne, %convert_element_type3A_497, %cond3A_498 : i32
    scf.if %cond3A_499 {
      %dma_start3A = arith.constant 0 : i32
      %dma_start3A_2012 = tpu.memref_slice %arg5[%multiple_of3A_496, %dma_start3A] : memref<32768x512xf32, #tpu.memory_space<hbm>> -> memref<32x512xf32, #tpu.memory_space<hbm>>
      %dma_start3A_2013 = arith.constant 0 : i32
      %dma_start3A_2014 = tpu.memref_slice %arg5[%multiple_of3A_496, %dma_start3A_2013] : memref<32768x512xf32, #tpu.memory_space<hbm>> -> memref<32x512xf32, #tpu.memory_space<hbm>>
      tpu.enqueue_dma source(%arg10 : memref<32x512xf32, #tpu.memory_space<vmem>>) target(%dma_start3A_2014 : memref<32x512xf32, #tpu.memory_space<hbm>>) target_semaphore(%arg16 : memref<!tpu.dma_semaphore, #tpu.memory_space<semaphore_mem>>)
    } else {
    }
    %add3A_500 = arith.constant 26 : i32
    %add3A_501 = arith.addi %add3A_500, %select_n3A_30 : i32
    %mul3A_502 = arith.constant 64 : i32
    %mul3A_503 = arith.muli %add3A_501, %mul3A_502 : i32
    %le3A_504 = arith.cmpi sle, %min3A, %mul3A_503 : i32
    %add3A_505 = arith.constant 26 : i32
    %add3A_506 = arith.addi %add3A_505, %select_n3A_30 : i32
    %mul3A_507 = arith.constant 64 : i32
    %mul3A_508 = arith.muli %add3A_506, %mul3A_507 : i32
    %add3A_509 = arith.addi %mul3A_32, %mul3A_508 : i32
    %add3A_510 = arith.constant 0 : i32
    %add3A_511 = arith.addi %add3A_509, %add3A_510 : i32
    %multiple_of3A_512 = tpu.assume_multiple %add3A_511, 32 : i32
    %convert_element_type3A_513 = arith.extui %le3A_504 : i1 to i32
    %cond3A_514 = arith.constant 0 : i32
    %cond3A_515 = arith.cmpi ne, %convert_element_type3A_513, %cond3A_514 : i32
    scf.if %cond3A_515 {
      %dma_start3A = arith.constant 0 : i32
      %dma_start3A_2012 = tpu.memref_slice %arg5[%multiple_of3A_512, %dma_start3A] : memref<32768x512xf32, #tpu.memory_space<hbm>> -> memref<32x512xf32, #tpu.memory_space<hbm>>
      %dma_start3A_2013 = arith.constant 0 : i32
      %dma_start3A_2014 = tpu.memref_slice %arg5[%multiple_of3A_512, %dma_start3A_2013] : memref<32768x512xf32, #tpu.memory_space<hbm>> -> memref<32x512xf32, #tpu.memory_space<hbm>>
      tpu.enqueue_dma source(%arg10 : memref<32x512xf32, #tpu.memory_space<vmem>>) target(%dma_start3A_2014 : memref<32x512xf32, #tpu.memory_space<hbm>>) target_semaphore(%arg16 : memref<!tpu.dma_semaphore, #tpu.memory_space<semaphore_mem>>)
    } else {
    }
    %add3A_516 = arith.constant 26 : i32
    %add3A_517 = arith.addi %add3A_516, %select_n3A_30 : i32
    %mul3A_518 = arith.constant 64 : i32
    %mul3A_519 = arith.muli %add3A_517, %mul3A_518 : i32
    %le3A_520 = arith.cmpi sle, %min3A, %mul3A_519 : i32
    %add3A_521 = arith.constant 26 : i32
    %add3A_522 = arith.addi %add3A_521, %select_n3A_30 : i32
    %mul3A_523 = arith.constant 64 : i32
    %mul3A_524 = arith.muli %add3A_522, %mul3A_523 : i32
    %add3A_525 = arith.addi %mul3A_32, %mul3A_524 : i32
    %add3A_526 = arith.constant 32 : i32
    %add3A_527 = arith.addi %add3A_525, %add3A_526 : i32
    %multiple_of3A_528 = tpu.assume_multiple %add3A_527, 32 : i32
    %convert_element_type3A_529 = arith.extui %le3A_520 : i1 to i32
    %cond3A_530 = arith.constant 0 : i32
    %cond3A_531 = arith.cmpi ne, %convert_element_type3A_529, %cond3A_530 : i32
    scf.if %cond3A_531 {
      %dma_start3A = arith.constant 0 : i32
      %dma_start3A_2012 = tpu.memref_slice %arg5[%multiple_of3A_528, %dma_start3A] : memref<32768x512xf32, #tpu.memory_space<hbm>> -> memref<32x512xf32, #tpu.memory_space<hbm>>
      %dma_start3A_2013 = arith.constant 0 : i32
      %dma_start3A_2014 = tpu.memref_slice %arg5[%multiple_of3A_528, %dma_start3A_2013] : memref<32768x512xf32, #tpu.memory_space<hbm>> -> memref<32x512xf32, #tpu.memory_space<hbm>>
      tpu.enqueue_dma source(%arg10 : memref<32x512xf32, #tpu.memory_space<vmem>>) target(%dma_start3A_2014 : memref<32x512xf32, #tpu.memory_space<hbm>>) target_semaphore(%arg16 : memref<!tpu.dma_semaphore, #tpu.memory_space<semaphore_mem>>)
    } else {
    }
    %add3A_532 = arith.constant 28 : i32
    %add3A_533 = arith.addi %add3A_532, %select_n3A_30 : i32
    %mul3A_534 = arith.constant 64 : i32
    %mul3A_535 = arith.muli %add3A_533, %mul3A_534 : i32
    %le3A_536 = arith.cmpi sle, %min3A, %mul3A_535 : i32
    %add3A_537 = arith.constant 28 : i32
    %add3A_538 = arith.addi %add3A_537, %select_n3A_30 : i32
    %mul3A_539 = arith.constant 64 : i32
    %mul3A_540 = arith.muli %add3A_538, %mul3A_539 : i32
    %add3A_541 = arith.addi %mul3A_32, %mul3A_540 : i32
    %add3A_542 = arith.constant 0 : i32
    %add3A_543 = arith.addi %add3A_541, %add3A_542 : i32
    %multiple_of3A_544 = tpu.assume_multiple %add3A_543, 32 : i32
    %convert_element_type3A_545 = arith.extui %le3A_536 : i1 to i32
    %cond3A_546 = arith.constant 0 : i32
    %cond3A_547 = arith.cmpi ne, %convert_element_type3A_545, %cond3A_546 : i32
    scf.if %cond3A_547 {
      %dma_start3A = arith.constant 0 : i32
      %dma_start3A_2012 = tpu.memref_slice %arg5[%multiple_of3A_544, %dma_start3A] : memref<32768x512xf32, #tpu.memory_space<hbm>> -> memref<32x512xf32, #tpu.memory_space<hbm>>
      %dma_start3A_2013 = arith.constant 0 : i32
      %dma_start3A_2014 = tpu.memref_slice %arg5[%multiple_of3A_544, %dma_start3A_2013] : memref<32768x512xf32, #tpu.memory_space<hbm>> -> memref<32x512xf32, #tpu.memory_space<hbm>>
      tpu.enqueue_dma source(%arg10 : memref<32x512xf32, #tpu.memory_space<vmem>>) target(%dma_start3A_2014 : memref<32x512xf32, #tpu.memory_space<hbm>>) target_semaphore(%arg16 : memref<!tpu.dma_semaphore, #tpu.memory_space<semaphore_mem>>)
    } else {
    }
    %add3A_548 = arith.constant 28 : i32
    %add3A_549 = arith.addi %add3A_548, %select_n3A_30 : i32
    %mul3A_550 = arith.constant 64 : i32
    %mul3A_551 = arith.muli %add3A_549, %mul3A_550 : i32
    %le3A_552 = arith.cmpi sle, %min3A, %mul3A_551 : i32
    %add3A_553 = arith.constant 28 : i32
    %add3A_554 = arith.addi %add3A_553, %select_n3A_30 : i32
    %mul3A_555 = arith.constant 64 : i32
    %mul3A_556 = arith.muli %add3A_554, %mul3A_555 : i32
    %add3A_557 = arith.addi %mul3A_32, %mul3A_556 : i32
    %add3A_558 = arith.constant 32 : i32
    %add3A_559 = arith.addi %add3A_557, %add3A_558 : i32
    %multiple_of3A_560 = tpu.assume_multiple %add3A_559, 32 : i32
    %convert_element_type3A_561 = arith.extui %le3A_552 : i1 to i32
    %cond3A_562 = arith.constant 0 : i32
    %cond3A_563 = arith.cmpi ne, %convert_element_type3A_561, %cond3A_562 : i32
    scf.if %cond3A_563 {
      %dma_start3A = arith.constant 0 : i32
      %dma_start3A_2012 = tpu.memref_slice %arg5[%multiple_of3A_560, %dma_start3A] : memref<32768x512xf32, #tpu.memory_space<hbm>> -> memref<32x512xf32, #tpu.memory_space<hbm>>
      %dma_start3A_2013 = arith.constant 0 : i32
      %dma_start3A_2014 = tpu.memref_slice %arg5[%multiple_of3A_560, %dma_start3A_2013] : memref<32768x512xf32, #tpu.memory_space<hbm>> -> memref<32x512xf32, #tpu.memory_space<hbm>>
      tpu.enqueue_dma source(%arg10 : memref<32x512xf32, #tpu.memory_space<vmem>>) target(%dma_start3A_2014 : memref<32x512xf32, #tpu.memory_space<hbm>>) target_semaphore(%arg16 : memref<!tpu.dma_semaphore, #tpu.memory_space<semaphore_mem>>)
    } else {
    }
    %add3A_564 = arith.constant 30 : i32
    %add3A_565 = arith.addi %add3A_564, %select_n3A_30 : i32
    %mul3A_566 = arith.constant 64 : i32
    %mul3A_567 = arith.muli %add3A_565, %mul3A_566 : i32
    %le3A_568 = arith.cmpi sle, %min3A, %mul3A_567 : i32
    %add3A_569 = arith.constant 30 : i32
    %add3A_570 = arith.addi %add3A_569, %select_n3A_30 : i32
    %mul3A_571 = arith.constant 64 : i32
    %mul3A_572 = arith.muli %add3A_570, %mul3A_571 : i32
    %add3A_573 = arith.addi %mul3A_32, %mul3A_572 : i32
    %add3A_574 = arith.constant 0 : i32
    %add3A_575 = arith.addi %add3A_573, %add3A_574 : i32
    %multiple_of3A_576 = tpu.assume_multiple %add3A_575, 32 : i32
    %convert_element_type3A_577 = arith.extui %le3A_568 : i1 to i32
    %cond3A_578 = arith.constant 0 : i32
    %cond3A_579 = arith.cmpi ne, %convert_element_type3A_577, %cond3A_578 : i32
    scf.if %cond3A_579 {
      %dma_start3A = arith.constant 0 : i32
      %dma_start3A_2012 = tpu.memref_slice %arg5[%multiple_of3A_576, %dma_start3A] : memref<32768x512xf32, #tpu.memory_space<hbm>> -> memref<32x512xf32, #tpu.memory_space<hbm>>
      %dma_start3A_2013 = arith.constant 0 : i32
      %dma_start3A_2014 = tpu.memref_slice %arg5[%multiple_of3A_576, %dma_start3A_2013] : memref<32768x512xf32, #tpu.memory_space<hbm>> -> memref<32x512xf32, #tpu.memory_space<hbm>>
      tpu.enqueue_dma source(%arg10 : memref<32x512xf32, #tpu.memory_space<vmem>>) target(%dma_start3A_2014 : memref<32x512xf32, #tpu.memory_space<hbm>>) target_semaphore(%arg16 : memref<!tpu.dma_semaphore, #tpu.memory_space<semaphore_mem>>)
    } else {
    }
    %add3A_580 = arith.constant 30 : i32
    %add3A_581 = arith.addi %add3A_580, %select_n3A_30 : i32
    %mul3A_582 = arith.constant 64 : i32
    %mul3A_583 = arith.muli %add3A_581, %mul3A_582 : i32
    %le3A_584 = arith.cmpi sle, %min3A, %mul3A_583 : i32
    %add3A_585 = arith.constant 30 : i32
    %add3A_586 = arith.addi %add3A_585, %select_n3A_30 : i32
    %mul3A_587 = arith.constant 64 : i32
    %mul3A_588 = arith.muli %add3A_586, %mul3A_587 : i32
    %add3A_589 = arith.addi %mul3A_32, %mul3A_588 : i32
    %add3A_590 = arith.constant 32 : i32
    %add3A_591 = arith.addi %add3A_589, %add3A_590 : i32
    %multiple_of3A_592 = tpu.assume_multiple %add3A_591, 32 : i32
    %convert_element_type3A_593 = arith.extui %le3A_584 : i1 to i32
    %cond3A_594 = arith.constant 0 : i32
    %cond3A_595 = arith.cmpi ne, %convert_element_type3A_593, %cond3A_594 : i32
    scf.if %cond3A_595 {
      %dma_start3A = arith.constant 0 : i32
      %dma_start3A_2012 = tpu.memref_slice %arg5[%multiple_of3A_592, %dma_start3A] : memref<32768x512xf32, #tpu.memory_space<hbm>> -> memref<32x512xf32, #tpu.memory_space<hbm>>
      %dma_start3A_2013 = arith.constant 0 : i32
      %dma_start3A_2014 = tpu.memref_slice %arg5[%multiple_of3A_592, %dma_start3A_2013] : memref<32768x512xf32, #tpu.memory_space<hbm>> -> memref<32x512xf32, #tpu.memory_space<hbm>>
      tpu.enqueue_dma source(%arg10 : memref<32x512xf32, #tpu.memory_space<vmem>>) target(%dma_start3A_2014 : memref<32x512xf32, #tpu.memory_space<hbm>>) target_semaphore(%arg16 : memref<!tpu.dma_semaphore, #tpu.memory_space<semaphore_mem>>)
    } else {
    }
    %add3A_596 = arith.constant 0 : i32
    %add3A_597 = arith.addi %add3A_596, %select_n3A_30 : i32
    %add3A_598 = arith.constant 1 : i32
    %add3A_599 = arith.addi %add3A_597, %add3A_598 : i32
    %mul3A_600 = arith.constant 64 : i32
    %mul3A_601 = arith.muli %add3A_599, %mul3A_600 : i32
    %ge3A_602 = arith.cmpi sge, %min3A, %mul3A_601 : i32
    %convert_element_type3A_603 = arith.extui %ge3A_602 : i1 to i32
    %cond3A_604 = arith.constant 0 : i32
    %cond3A_605 = arith.cmpi ne, %convert_element_type3A_603, %cond3A_604 : i32
    scf.if %cond3A_605 {
      %dma_wait3A = arith.constant 0 : i32
      %dma_wait3A_2012 = arith.constant 0 : i32
      %dma_wait3A_2013 = tpu.memref_slice %arg2[%dma_wait3A, %dma_wait3A_2012] : memref<16384x512xf32, #tpu.memory_space<hbm>> -> memref<16384x512xf32, #tpu.memory_space<hbm>>
      tpu.wait_indirect_dma semaphore(%arg14 : memref<!tpu.dma_semaphore, #tpu.memory_space<semaphore_mem>>) src(%dma_wait3A_2013 : memref<16384x512xf32, #tpu.memory_space<hbm>>) dst(%arg7 : memref<64x512xf32, #tpu.memory_space<vmem>>)
    } else {
    }
    %add3A_606 = arith.constant 0 : i32
    %add3A_607 = arith.addi %add3A_606, %select_n3A_30 : i32
    %add3A_608 = arith.constant 1 : i32
    %add3A_609 = arith.addi %add3A_607, %add3A_608 : i32
    %mul3A_610 = arith.constant 64 : i32
    %mul3A_611 = arith.muli %add3A_609, %mul3A_610 : i32
    %ge3A_612 = arith.cmpi sge, %min3A, %mul3A_611 : i32
    %add3A_613 = arith.constant 0 : i32
    %add3A_614 = arith.addi %add3A_613, %select_n3A_30 : i32
    %mul3A_615 = arith.constant 64 : i32
    %mul3A_616 = arith.muli %add3A_614, %mul3A_615 : i32
    %add3A_617 = arith.addi %mul3A_32, %mul3A_616 : i32
    %multiple_of3A_618 = tpu.assume_multiple %add3A_617, 64 : i32
    %convert_element_type3A_619 = arith.extui %ge3A_612 : i1 to i32
    %cond3A_620 = arith.constant 0 : i32
    %cond3A_621 = arith.cmpi ne, %convert_element_type3A_619, %cond3A_620 : i32
    scf.if %cond3A_621 {
      %dma_start3A = arith.constant 0 : i32
      %dma_start3A_2012 = tpu.memref_slice %arg5[%multiple_of3A_618, %dma_start3A] : memref<32768x512xf32, #tpu.memory_space<hbm>> -> memref<64x512xf32, #tpu.memory_space<hbm>>
      %dma_start3A_2013 = arith.constant 0 : i32
      %dma_start3A_2014 = tpu.memref_slice %arg5[%multiple_of3A_618, %dma_start3A_2013] : memref<32768x512xf32, #tpu.memory_space<hbm>> -> memref<64x512xf32, #tpu.memory_space<hbm>>
      tpu.enqueue_dma source(%arg7 : memref<64x512xf32, #tpu.memory_space<vmem>>) target(%dma_start3A_2014 : memref<64x512xf32, #tpu.memory_space<hbm>>) target_semaphore(%arg15 : memref<!tpu.dma_semaphore, #tpu.memory_space<semaphore_mem>>)
    } else {
    }
    %add3A_622 = arith.constant 4 : i32
    %add3A_623 = arith.addi %add3A_622, %select_n3A_30 : i32
    %add3A_624 = arith.constant 1 : i32
    %add3A_625 = arith.addi %add3A_623, %add3A_624 : i32
    %mul3A_626 = arith.constant 64 : i32
    %mul3A_627 = arith.muli %add3A_625, %mul3A_626 : i32
    %ge3A_628 = arith.cmpi sge, %min3A, %mul3A_627 : i32
    %convert_element_type3A_629 = arith.extui %ge3A_628 : i1 to i32
    %cond3A_630 = arith.constant 0 : i32
    %cond3A_631 = arith.cmpi ne, %convert_element_type3A_629, %cond3A_630 : i32
    scf.if %cond3A_631 {
      %add3A_2012 = arith.constant 4 : i32
      %add3A_2013 = arith.addi %add3A_2012, %select_n3A_30 : i32
      %mul3A_2014 = arith.constant 64 : i32
      %mul3A_2015 = arith.muli %add3A_2013, %mul3A_2014 : i32
      %add3A_2016 = arith.addi %reduce_sum3A_42, %mul3A_2015 : i32
      %add3A_2017 = arith.constant 0 : i32
      %add3A_2018 = arith.addi %add3A_2016, %add3A_2017 : i32
      %add3A_2019 = vector.broadcast %add3A_2018 : i32 to vector<16xi32>
      %add3A_2020 = arith.addi %add3A_2019, %iota3A : vector<16xi32>
      %swap3A = arith.constant 0 : index
      %swap3A_2021 = tpu.vector_load %arg13[%swap3A] {strides = array<i32>} : memref<64xi32, #tpu.memory_space<vmem>>, vector<16xi32>,
      tpu.vector_store %arg13[%swap3A], %add3A_2020 {strides = array<i32>} : memref<64xi32, #tpu.memory_space<vmem>>, vector<16xi32>,
      %add3A_2022 = arith.constant 16 : i32
      %add3A_2023 = arith.addi %add3A_2016, %add3A_2022 : i32
      %add3A_2024 = vector.broadcast %add3A_2023 : i32 to vector<16xi32>
      %add3A_2025 = arith.addi %add3A_2024, %iota3A : vector<16xi32>
      %swap3A_2026 = arith.constant 16 : index
      %swap3A_2027 = tpu.vector_load %arg13[%swap3A_2026] {strides = array<i32>} : memref<64xi32, #tpu.memory_space<vmem>>, vector<16xi32>,
      tpu.vector_store %arg13[%swap3A_2026], %add3A_2025 {strides = array<i32>} : memref<64xi32, #tpu.memory_space<vmem>>, vector<16xi32>,
      %add3A_2028 = arith.constant 32 : i32
      %add3A_2029 = arith.addi %add3A_2016, %add3A_2028 : i32
      %add3A_2030 = vector.broadcast %add3A_2029 : i32 to vector<16xi32>
      %add3A_2031 = arith.addi %add3A_2030, %iota3A : vector<16xi32>
      %swap3A_2032 = arith.constant 32 : index
      %swap3A_2033 = tpu.vector_load %arg13[%swap3A_2032] {strides = array<i32>} : memref<64xi32, #tpu.memory_space<vmem>>, vector<16xi32>,
      tpu.vector_store %arg13[%swap3A_2032], %add3A_2031 {strides = array<i32>} : memref<64xi32, #tpu.memory_space<vmem>>, vector<16xi32>,
      %add3A_2034 = arith.constant 48 : i32
      %add3A_2035 = arith.addi %add3A_2016, %add3A_2034 : i32
      %add3A_2036 = vector.broadcast %add3A_2035 : i32 to vector<16xi32>
      %add3A_2037 = arith.addi %add3A_2036, %iota3A : vector<16xi32>
      %swap3A_2038 = arith.constant 48 : index
      %swap3A_2039 = tpu.vector_load %arg13[%swap3A_2038] {strides = array<i32>} : memref<64xi32, #tpu.memory_space<vmem>>, vector<16xi32>,
      tpu.vector_store %arg13[%swap3A_2038], %add3A_2037 {strides = array<i32>} : memref<64xi32, #tpu.memory_space<vmem>>, vector<16xi32>,
      %dma_start3A = arith.constant 0 : i32
      %dma_start3A_2040 = arith.constant 0 : i32
      %dma_start3A_2041 = tpu.memref_slice %arg2[%dma_start3A, %dma_start3A_2040] : memref<16384x512xf32, #tpu.memory_space<hbm>> -> memref<16384x512xf32, #tpu.memory_space<hbm>>
      tpu.enqueue_indirect_dma source(%dma_start3A_2041 : memref<16384x512xf32, #tpu.memory_space<hbm>>) target(%arg9 : memref<64x512xf32, #tpu.memory_space<vmem>>) offsets(%arg13 : memref<64xi32, #tpu.memory_space<vmem>>) semaphore(%arg14 : memref<!tpu.dma_semaphore, #tpu.memory_space<semaphore_mem>>)
    } else {
    }
    %add3A_632 = arith.constant 2 : i32
    %add3A_633 = arith.addi %add3A_632, %select_n3A_30 : i32
    %add3A_634 = arith.constant 1 : i32
    %add3A_635 = arith.addi %add3A_633, %add3A_634 : i32
    %mul3A_636 = arith.constant 64 : i32
    %mul3A_637 = arith.muli %add3A_635, %mul3A_636 : i32
    %ge3A_638 = arith.cmpi sge, %min3A, %mul3A_637 : i32
    %convert_element_type3A_639 = arith.extui %ge3A_638 : i1 to i32
    %cond3A_640 = arith.constant 0 : i32
    %cond3A_641 = arith.cmpi ne, %convert_element_type3A_639, %cond3A_640 : i32
    scf.if %cond3A_641 {
      %dma_wait3A = arith.constant 0 : i32
      %dma_wait3A_2012 = arith.constant 0 : i32
      %dma_wait3A_2013 = tpu.memref_slice %arg2[%dma_wait3A, %dma_wait3A_2012] : memref<16384x512xf32, #tpu.memory_space<hbm>> -> memref<16384x512xf32, #tpu.memory_space<hbm>>
      tpu.wait_indirect_dma semaphore(%arg14 : memref<!tpu.dma_semaphore, #tpu.memory_space<semaphore_mem>>) src(%dma_wait3A_2013 : memref<16384x512xf32, #tpu.memory_space<hbm>>) dst(%arg8 : memref<64x512xf32, #tpu.memory_space<vmem>>)
    } else {
    }
    %add3A_642 = arith.constant 2 : i32
    %add3A_643 = arith.addi %add3A_642, %select_n3A_30 : i32
    %add3A_644 = arith.constant 1 : i32
    %add3A_645 = arith.addi %add3A_643, %add3A_644 : i32
    %mul3A_646 = arith.constant 64 : i32
    %mul3A_647 = arith.muli %add3A_645, %mul3A_646 : i32
    %ge3A_648 = arith.cmpi sge, %min3A, %mul3A_647 : i32
    %add3A_649 = arith.constant 2 : i32
    %add3A_650 = arith.addi %add3A_649, %select_n3A_30 : i32
    %mul3A_651 = arith.constant 64 : i32
    %mul3A_652 = arith.muli %add3A_650, %mul3A_651 : i32
    %add3A_653 = arith.addi %mul3A_32, %mul3A_652 : i32
    %multiple_of3A_654 = tpu.assume_multiple %add3A_653, 64 : i32
    %convert_element_type3A_655 = arith.extui %ge3A_648 : i1 to i32
    %cond3A_656 = arith.constant 0 : i32
    %cond3A_657 = arith.cmpi ne, %convert_element_type3A_655, %cond3A_656 : i32
    scf.if %cond3A_657 {
      %dma_start3A = arith.constant 0 : i32
      %dma_start3A_2012 = tpu.memref_slice %arg5[%multiple_of3A_654, %dma_start3A] : memref<32768x512xf32, #tpu.memory_space<hbm>> -> memref<64x512xf32, #tpu.memory_space<hbm>>
      %dma_start3A_2013 = arith.constant 0 : i32
      %dma_start3A_2014 = tpu.memref_slice %arg5[%multiple_of3A_654, %dma_start3A_2013] : memref<32768x512xf32, #tpu.memory_space<hbm>> -> memref<64x512xf32, #tpu.memory_space<hbm>>
      tpu.enqueue_dma source(%arg8 : memref<64x512xf32, #tpu.memory_space<vmem>>) target(%dma_start3A_2014 : memref<64x512xf32, #tpu.memory_space<hbm>>) target_semaphore(%arg15 : memref<!tpu.dma_semaphore, #tpu.memory_space<semaphore_mem>>)
    } else {
    }
    %add3A_658 = arith.constant 0 : i32
    %add3A_659 = arith.addi %add3A_658, %select_n3A_30 : i32
    %add3A_660 = arith.constant 1 : i32
    %add3A_661 = arith.addi %add3A_659, %add3A_660 : i32
    %mul3A_662 = arith.constant 64 : i32
    %mul3A_663 = arith.muli %add3A_661, %mul3A_662 : i32
    %ge3A_664 = arith.cmpi sge, %min3A, %mul3A_663 : i32
    %add3A_665 = arith.constant 0 : i32
    %add3A_666 = arith.addi %add3A_665, %select_n3A_30 : i32
    %mul3A_667 = arith.constant 64 : i32
    %mul3A_668 = arith.muli %add3A_666, %mul3A_667 : i32
    %add3A_669 = arith.addi %mul3A_32, %mul3A_668 : i32
    %multiple_of3A_670 = tpu.assume_multiple %add3A_669, 64 : i32
    %convert_element_type3A_671 = arith.extui %ge3A_664 : i1 to i32
    %cond3A_672 = arith.constant 0 : i32
    %cond3A_673 = arith.cmpi ne, %convert_element_type3A_671, %cond3A_672 : i32
    scf.if %cond3A_673 {
      %dma_wait3A = arith.constant 0 : i32
      %dma_wait3A_2012 = tpu.memref_slice %arg5[%multiple_of3A_670, %dma_wait3A] : memref<32768x512xf32, #tpu.memory_space<hbm>> -> memref<64x512xf32, #tpu.memory_space<hbm>>
      %dma_wait3A_2013 = arith.constant 0 : i32
      %dma_wait3A_2014 = tpu.memref_slice %arg5[%multiple_of3A_670, %dma_wait3A_2013] : memref<32768x512xf32, #tpu.memory_space<hbm>> -> memref<64x512xf32, #tpu.memory_space<hbm>>
      tpu.wait_dma2 semaphore(%arg15 : memref<!tpu.dma_semaphore, #tpu.memory_space<semaphore_mem>>) src(%arg7 : memref<64x512xf32, #tpu.memory_space<vmem>>) dst(%dma_wait3A_2014 : memref<64x512xf32, #tpu.memory_space<hbm>>)
    } else {
    }
    %add3A_674 = arith.constant 6 : i32
    %add3A_675 = arith.addi %add3A_674, %select_n3A_30 : i32
    %add3A_676 = arith.constant 1 : i32
    %add3A_677 = arith.addi %add3A_675, %add3A_676 : i32
    %mul3A_678 = arith.constant 64 : i32
    %mul3A_679 = arith.muli %add3A_677, %mul3A_678 : i32
    %ge3A_680 = arith.cmpi sge, %min3A, %mul3A_679 : i32
    %convert_element_type3A_681 = arith.extui %ge3A_680 : i1 to i32
    %cond3A_682 = arith.constant 0 : i32
    %cond3A_683 = arith.cmpi ne, %convert_element_type3A_681, %cond3A_682 : i32
    scf.if %cond3A_683 {
      %add3A_2012 = arith.constant 6 : i32
      %add3A_2013 = arith.addi %add3A_2012, %select_n3A_30 : i32
      %mul3A_2014 = arith.constant 64 : i32
      %mul3A_2015 = arith.muli %add3A_2013, %mul3A_2014 : i32
      %add3A_2016 = arith.addi %reduce_sum3A_42, %mul3A_2015 : i32
      %add3A_2017 = arith.constant 0 : i32
      %add3A_2018 = arith.addi %add3A_2016, %add3A_2017 : i32
      %add3A_2019 = vector.broadcast %add3A_2018 : i32 to vector<16xi32>
      %add3A_2020 = arith.addi %add3A_2019, %iota3A : vector<16xi32>
      %swap3A = arith.constant 0 : index
      %swap3A_2021 = tpu.vector_load %arg11[%swap3A] {strides = array<i32>} : memref<64xi32, #tpu.memory_space<vmem>>, vector<16xi32>,
      tpu.vector_store %arg11[%swap3A], %add3A_2020 {strides = array<i32>} : memref<64xi32, #tpu.memory_space<vmem>>, vector<16xi32>,
      %add3A_2022 = arith.constant 16 : i32
      %add3A_2023 = arith.addi %add3A_2016, %add3A_2022 : i32
      %add3A_2024 = vector.broadcast %add3A_2023 : i32 to vector<16xi32>
      %add3A_2025 = arith.addi %add3A_2024, %iota3A : vector<16xi32>
      %swap3A_2026 = arith.constant 16 : index
      %swap3A_2027 = tpu.vector_load %arg11[%swap3A_2026] {strides = array<i32>} : memref<64xi32, #tpu.memory_space<vmem>>, vector<16xi32>,
      tpu.vector_store %arg11[%swap3A_2026], %add3A_2025 {strides = array<i32>} : memref<64xi32, #tpu.memory_space<vmem>>, vector<16xi32>,
      %add3A_2028 = arith.constant 32 : i32
      %add3A_2029 = arith.addi %add3A_2016, %add3A_2028 : i32
      %add3A_2030 = vector.broadcast %add3A_2029 : i32 to vector<16xi32>
      %add3A_2031 = arith.addi %add3A_2030, %iota3A : vector<16xi32>
      %swap3A_2032 = arith.constant 32 : index
      %swap3A_2033 = tpu.vector_load %arg11[%swap3A_2032] {strides = array<i32>} : memref<64xi32, #tpu.memory_space<vmem>>, vector<16xi32>,
      tpu.vector_store %arg11[%swap3A_2032], %add3A_2031 {strides = array<i32>} : memref<64xi32, #tpu.memory_space<vmem>>, vector<16xi32>,
      %add3A_2034 = arith.constant 48 : i32
      %add3A_2035 = arith.addi %add3A_2016, %add3A_2034 : i32
      %add3A_2036 = vector.broadcast %add3A_2035 : i32 to vector<16xi32>
      %add3A_2037 = arith.addi %add3A_2036, %iota3A : vector<16xi32>
      %swap3A_2038 = arith.constant 48 : index
      %swap3A_2039 = tpu.vector_load %arg11[%swap3A_2038] {strides = array<i32>} : memref<64xi32, #tpu.memory_space<vmem>>, vector<16xi32>,
      tpu.vector_store %arg11[%swap3A_2038], %add3A_2037 {strides = array<i32>} : memref<64xi32, #tpu.memory_space<vmem>>, vector<16xi32>,
      %dma_start3A = arith.constant 0 : i32
      %dma_start3A_2040 = arith.constant 0 : i32
      %dma_start3A_2041 = tpu.memref_slice %arg2[%dma_start3A, %dma_start3A_2040] : memref<16384x512xf32, #tpu.memory_space<hbm>> -> memref<16384x512xf32, #tpu.memory_space<hbm>>
      tpu.enqueue_indirect_dma source(%dma_start3A_2041 : memref<16384x512xf32, #tpu.memory_space<hbm>>) target(%arg7 : memref<64x512xf32, #tpu.memory_space<vmem>>) offsets(%arg11 : memref<64xi32, #tpu.memory_space<vmem>>) semaphore(%arg14 : memref<!tpu.dma_semaphore, #tpu.memory_space<semaphore_mem>>)
    } else {
    }
    %add3A_684 = arith.constant 4 : i32
    %add3A_685 = arith.addi %add3A_684, %select_n3A_30 : i32
    %add3A_686 = arith.constant 1 : i32
    %add3A_687 = arith.addi %add3A_685, %add3A_686 : i32
    %mul3A_688 = arith.constant 64 : i32
    %mul3A_689 = arith.muli %add3A_687, %mul3A_688 : i32
    %ge3A_690 = arith.cmpi sge, %min3A, %mul3A_689 : i32
    %convert_element_type3A_691 = arith.extui %ge3A_690 : i1 to i32
    %cond3A_692 = arith.constant 0 : i32
    %cond3A_693 = arith.cmpi ne, %convert_element_type3A_691, %cond3A_692 : i32
    scf.if %cond3A_693 {
      %dma_wait3A = arith.constant 0 : i32
      %dma_wait3A_2012 = arith.constant 0 : i32
      %dma_wait3A_2013 = tpu.memref_slice %arg2[%dma_wait3A, %dma_wait3A_2012] : memref<16384x512xf32, #tpu.memory_space<hbm>> -> memref<16384x512xf32, #tpu.memory_space<hbm>>
      tpu.wait_indirect_dma semaphore(%arg14 : memref<!tpu.dma_semaphore, #tpu.memory_space<semaphore_mem>>) src(%dma_wait3A_2013 : memref<16384x512xf32, #tpu.memory_space<hbm>>) dst(%arg9 : memref<64x512xf32, #tpu.memory_space<vmem>>)
    } else {
    }
    %add3A_694 = arith.constant 4 : i32
    %add3A_695 = arith.addi %add3A_694, %select_n3A_30 : i32
    %add3A_696 = arith.constant 1 : i32
    %add3A_697 = arith.addi %add3A_695, %add3A_696 : i32
    %mul3A_698 = arith.constant 64 : i32
    %mul3A_699 = arith.muli %add3A_697, %mul3A_698 : i32
    %ge3A_700 = arith.cmpi sge, %min3A, %mul3A_699 : i32
    %add3A_701 = arith.constant 4 : i32
    %add3A_702 = arith.addi %add3A_701, %select_n3A_30 : i32
    %mul3A_703 = arith.constant 64 : i32
    %mul3A_704 = arith.muli %add3A_702, %mul3A_703 : i32
    %add3A_705 = arith.addi %mul3A_32, %mul3A_704 : i32
    %multiple_of3A_706 = tpu.assume_multiple %add3A_705, 64 : i32
    %convert_element_type3A_707 = arith.extui %ge3A_700 : i1 to i32
    %cond3A_708 = arith.constant 0 : i32
    %cond3A_709 = arith.cmpi ne, %convert_element_type3A_707, %cond3A_708 : i32
    scf.if %cond3A_709 {
      %dma_start3A = arith.constant 0 : i32
      %dma_start3A_2012 = tpu.memref_slice %arg5[%multiple_of3A_706, %dma_start3A] : memref<32768x512xf32, #tpu.memory_space<hbm>> -> memref<64x512xf32, #tpu.memory_space<hbm>>
      %dma_start3A_2013 = arith.constant 0 : i32
      %dma_start3A_2014 = tpu.memref_slice %arg5[%multiple_of3A_706, %dma_start3A_2013] : memref<32768x512xf32, #tpu.memory_space<hbm>> -> memref<64x512xf32, #tpu.memory_space<hbm>>
      tpu.enqueue_dma source(%arg9 : memref<64x512xf32, #tpu.memory_space<vmem>>) target(%dma_start3A_2014 : memref<64x512xf32, #tpu.memory_space<hbm>>) target_semaphore(%arg15 : memref<!tpu.dma_semaphore, #tpu.memory_space<semaphore_mem>>)
    } else {
    }
    %add3A_710 = arith.constant 2 : i32
    %add3A_711 = arith.addi %add3A_710, %select_n3A_30 : i32
    %add3A_712 = arith.constant 1 : i32
    %add3A_713 = arith.addi %add3A_711, %add3A_712 : i32
    %mul3A_714 = arith.constant 64 : i32
    %mul3A_715 = arith.muli %add3A_713, %mul3A_714 : i32
    %ge3A_716 = arith.cmpi sge, %min3A, %mul3A_715 : i32
    %add3A_717 = arith.constant 2 : i32
    %add3A_718 = arith.addi %add3A_717, %select_n3A_30 : i32
    %mul3A_719 = arith.constant 64 : i32
    %mul3A_720 = arith.muli %add3A_718, %mul3A_719 : i32
    %add3A_721 = arith.addi %mul3A_32, %mul3A_720 : i32
    %multiple_of3A_722 = tpu.assume_multiple %add3A_721, 64 : i32
    %convert_element_type3A_723 = arith.extui %ge3A_716 : i1 to i32
    %cond3A_724 = arith.constant 0 : i32
    %cond3A_725 = arith.cmpi ne, %convert_element_type3A_723, %cond3A_724 : i32
    scf.if %cond3A_725 {
      %dma_wait3A = arith.constant 0 : i32
      %dma_wait3A_2012 = tpu.memref_slice %arg5[%multiple_of3A_722, %dma_wait3A] : memref<32768x512xf32, #tpu.memory_space<hbm>> -> memref<64x512xf32, #tpu.memory_space<hbm>>
      %dma_wait3A_2013 = arith.constant 0 : i32
      %dma_wait3A_2014 = tpu.memref_slice %arg5[%multiple_of3A_722, %dma_wait3A_2013] : memref<32768x512xf32, #tpu.memory_space<hbm>> -> memref<64x512xf32, #tpu.memory_space<hbm>>
      tpu.wait_dma2 semaphore(%arg15 : memref<!tpu.dma_semaphore, #tpu.memory_space<semaphore_mem>>) src(%arg8 : memref<64x512xf32, #tpu.memory_space<vmem>>) dst(%dma_wait3A_2014 : memref<64x512xf32, #tpu.memory_space<hbm>>)
    } else {
    }
    %add3A_726 = arith.constant 8 : i32
    %add3A_727 = arith.addi %add3A_726, %select_n3A_30 : i32
    %add3A_728 = arith.constant 1 : i32
    %add3A_729 = arith.addi %add3A_727, %add3A_728 : i32
    %mul3A_730 = arith.constant 64 : i32
    %mul3A_731 = arith.muli %add3A_729, %mul3A_730 : i32
    %ge3A_732 = arith.cmpi sge, %min3A, %mul3A_731 : i32
    %convert_element_type3A_733 = arith.extui %ge3A_732 : i1 to i32
    %cond3A_734 = arith.constant 0 : i32
    %cond3A_735 = arith.cmpi ne, %convert_element_type3A_733, %cond3A_734 : i32
    scf.if %cond3A_735 {
      %add3A_2012 = arith.constant 8 : i32
      %add3A_2013 = arith.addi %add3A_2012, %select_n3A_30 : i32
      %mul3A_2014 = arith.constant 64 : i32
      %mul3A_2015 = arith.muli %add3A_2013, %mul3A_2014 : i32
      %add3A_2016 = arith.addi %reduce_sum3A_42, %mul3A_2015 : i32
      %add3A_2017 = arith.constant 0 : i32
      %add3A_2018 = arith.addi %add3A_2016, %add3A_2017 : i32
      %add3A_2019 = vector.broadcast %add3A_2018 : i32 to vector<16xi32>
      %add3A_2020 = arith.addi %add3A_2019, %iota3A : vector<16xi32>
      %swap3A = arith.constant 0 : index
      %swap3A_2021 = tpu.vector_load %arg12[%swap3A] {strides = array<i32>} : memref<64xi32, #tpu.memory_space<vmem>>, vector<16xi32>,
      tpu.vector_store %arg12[%swap3A], %add3A_2020 {strides = array<i32>} : memref<64xi32, #tpu.memory_space<vmem>>, vector<16xi32>,
      %add3A_2022 = arith.constant 16 : i32
      %add3A_2023 = arith.addi %add3A_2016, %add3A_2022 : i32
      %add3A_2024 = vector.broadcast %add3A_2023 : i32 to vector<16xi32>
      %add3A_2025 = arith.addi %add3A_2024, %iota3A : vector<16xi32>
      %swap3A_2026 = arith.constant 16 : index
      %swap3A_2027 = tpu.vector_load %arg12[%swap3A_2026] {strides = array<i32>} : memref<64xi32, #tpu.memory_space<vmem>>, vector<16xi32>,
      tpu.vector_store %arg12[%swap3A_2026], %add3A_2025 {strides = array<i32>} : memref<64xi32, #tpu.memory_space<vmem>>, vector<16xi32>,
      %add3A_2028 = arith.constant 32 : i32
      %add3A_2029 = arith.addi %add3A_2016, %add3A_2028 : i32
      %add3A_2030 = vector.broadcast %add3A_2029 : i32 to vector<16xi32>
      %add3A_2031 = arith.addi %add3A_2030, %iota3A : vector<16xi32>
      %swap3A_2032 = arith.constant 32 : index
      %swap3A_2033 = tpu.vector_load %arg12[%swap3A_2032] {strides = array<i32>} : memref<64xi32, #tpu.memory_space<vmem>>, vector<16xi32>,
      tpu.vector_store %arg12[%swap3A_2032], %add3A_2031 {strides = array<i32>} : memref<64xi32, #tpu.memory_space<vmem>>, vector<16xi32>,
      %add3A_2034 = arith.constant 48 : i32
      %add3A_2035 = arith.addi %add3A_2016, %add3A_2034 : i32
      %add3A_2036 = vector.broadcast %add3A_2035 : i32 to vector<16xi32>
      %add3A_2037 = arith.addi %add3A_2036, %iota3A : vector<16xi32>
      %swap3A_2038 = arith.constant 48 : index
      %swap3A_2039 = tpu.vector_load %arg12[%swap3A_2038] {strides = array<i32>} : memref<64xi32, #tpu.memory_space<vmem>>, vector<16xi32>,
      tpu.vector_store %arg12[%swap3A_2038], %add3A_2037 {strides = array<i32>} : memref<64xi32, #tpu.memory_space<vmem>>, vector<16xi32>,
      %dma_start3A = arith.constant 0 : i32
      %dma_start3A_2040 = arith.constant 0 : i32
      %dma_start3A_2041 = tpu.memref_slice %arg2[%dma_start3A, %dma_start3A_2040] : memref<16384x512xf32, #tpu.memory_space<hbm>> -> memref<16384x512xf32, #tpu.memory_space<hbm>>
      tpu.enqueue_indirect_dma source(%dma_start3A_2041 : memref<16384x512xf32, #tpu.memory_space<hbm>>) target(%arg8 : memref<64x512xf32, #tpu.memory_space<vmem>>) offsets(%arg12 : memref<64xi32, #tpu.memory_space<vmem>>) semaphore(%arg14 : memref<!tpu.dma_semaphore, #tpu.memory_space<semaphore_mem>>)
    } else {
    }
    %add3A_736 = arith.constant 6 : i32
    %add3A_737 = arith.addi %add3A_736, %select_n3A_30 : i32
    %add3A_738 = arith.constant 1 : i32
    %add3A_739 = arith.addi %add3A_737, %add3A_738 : i32
    %mul3A_740 = arith.constant 64 : i32
    %mul3A_741 = arith.muli %add3A_739, %mul3A_740 : i32
    %ge3A_742 = arith.cmpi sge, %min3A, %mul3A_741 : i32
    %convert_element_type3A_743 = arith.extui %ge3A_742 : i1 to i32
    %cond3A_744 = arith.constant 0 : i32
    %cond3A_745 = arith.cmpi ne, %convert_element_type3A_743, %cond3A_744 : i32
    scf.if %cond3A_745 {
      %dma_wait3A = arith.constant 0 : i32
      %dma_wait3A_2012 = arith.constant 0 : i32
      %dma_wait3A_2013 = tpu.memref_slice %arg2[%dma_wait3A, %dma_wait3A_2012] : memref<16384x512xf32, #tpu.memory_space<hbm>> -> memref<16384x512xf32, #tpu.memory_space<hbm>>
      tpu.wait_indirect_dma semaphore(%arg14 : memref<!tpu.dma_semaphore, #tpu.memory_space<semaphore_mem>>) src(%dma_wait3A_2013 : memref<16384x512xf32, #tpu.memory_space<hbm>>) dst(%arg7 : memref<64x512xf32, #tpu.memory_space<vmem>>)
    } else {
    }
    %add3A_746 = arith.constant 6 : i32
    %add3A_747 = arith.addi %add3A_746, %select_n3A_30 : i32
    %add3A_748 = arith.constant 1 : i32
    %add3A_749 = arith.addi %add3A_747, %add3A_748 : i32
    %mul3A_750 = arith.constant 64 : i32
    %mul3A_751 = arith.muli %add3A_749, %mul3A_750 : i32
    %ge3A_752 = arith.cmpi sge, %min3A, %mul3A_751 : i32
    %add3A_753 = arith.constant 6 : i32
    %add3A_754 = arith.addi %add3A_753, %select_n3A_30 : i32
    %mul3A_755 = arith.constant 64 : i32
    %mul3A_756 = arith.muli %add3A_754, %mul3A_755 : i32
    %add3A_757 = arith.addi %mul3A_32, %mul3A_756 : i32
    %multiple_of3A_758 = tpu.assume_multiple %add3A_757, 64 : i32
    %convert_element_type3A_759 = arith.extui %ge3A_752 : i1 to i32
    %cond3A_760 = arith.constant 0 : i32
    %cond3A_761 = arith.cmpi ne, %convert_element_type3A_759, %cond3A_760 : i32
    scf.if %cond3A_761 {
      %dma_start3A = arith.constant 0 : i32
      %dma_start3A_2012 = tpu.memref_slice %arg5[%multiple_of3A_758, %dma_start3A] : memref<32768x512xf32, #tpu.memory_space<hbm>> -> memref<64x512xf32, #tpu.memory_space<hbm>>
      %dma_start3A_2013 = arith.constant 0 : i32
      %dma_start3A_2014 = tpu.memref_slice %arg5[%multiple_of3A_758, %dma_start3A_2013] : memref<32768x512xf32, #tpu.memory_space<hbm>> -> memref<64x512xf32, #tpu.memory_space<hbm>>
      tpu.enqueue_dma source(%arg7 : memref<64x512xf32, #tpu.memory_space<vmem>>) target(%dma_start3A_2014 : memref<64x512xf32, #tpu.memory_space<hbm>>) target_semaphore(%arg15 : memref<!tpu.dma_semaphore, #tpu.memory_space<semaphore_mem>>)
    } else {
    }
    %add3A_762 = arith.constant 4 : i32
    %add3A_763 = arith.addi %add3A_762, %select_n3A_30 : i32
    %add3A_764 = arith.constant 1 : i32
    %add3A_765 = arith.addi %add3A_763, %add3A_764 : i32
    %mul3A_766 = arith.constant 64 : i32
    %mul3A_767 = arith.muli %add3A_765, %mul3A_766 : i32
    %ge3A_768 = arith.cmpi sge, %min3A, %mul3A_767 : i32
    %add3A_769 = arith.constant 4 : i32
    %add3A_770 = arith.addi %add3A_769, %select_n3A_30 : i32
    %mul3A_771 = arith.constant 64 : i32
    %mul3A_772 = arith.muli %add3A_770, %mul3A_771 : i32
    %add3A_773 = arith.addi %mul3A_32, %mul3A_772 : i32
    %multiple_of3A_774 = tpu.assume_multiple %add3A_773, 64 : i32
    %convert_element_type3A_775 = arith.extui %ge3A_768 : i1 to i32
    %cond3A_776 = arith.constant 0 : i32
    %cond3A_777 = arith.cmpi ne, %convert_element_type3A_775, %cond3A_776 : i32
    scf.if %cond3A_777 {
      %dma_wait3A = arith.constant 0 : i32
      %dma_wait3A_2012 = tpu.memref_slice %arg5[%multiple_of3A_774, %dma_wait3A] : memref<32768x512xf32, #tpu.memory_space<hbm>> -> memref<64x512xf32, #tpu.memory_space<hbm>>
      %dma_wait3A_2013 = arith.constant 0 : i32
      %dma_wait3A_2014 = tpu.memref_slice %arg5[%multiple_of3A_774, %dma_wait3A_2013] : memref<32768x512xf32, #tpu.memory_space<hbm>> -> memref<64x512xf32, #tpu.memory_space<hbm>>
      tpu.wait_dma2 semaphore(%arg15 : memref<!tpu.dma_semaphore, #tpu.memory_space<semaphore_mem>>) src(%arg9 : memref<64x512xf32, #tpu.memory_space<vmem>>) dst(%dma_wait3A_2014 : memref<64x512xf32, #tpu.memory_space<hbm>>)
    } else {
    }
    %add3A_778 = arith.constant 10 : i32
    %add3A_779 = arith.addi %add3A_778, %select_n3A_30 : i32
    %add3A_780 = arith.constant 1 : i32
    %add3A_781 = arith.addi %add3A_779, %add3A_780 : i32
    %mul3A_782 = arith.constant 64 : i32
    %mul3A_783 = arith.muli %add3A_781, %mul3A_782 : i32
    %ge3A_784 = arith.cmpi sge, %min3A, %mul3A_783 : i32
    %convert_element_type3A_785 = arith.extui %ge3A_784 : i1 to i32
    %cond3A_786 = arith.constant 0 : i32
    %cond3A_787 = arith.cmpi ne, %convert_element_type3A_785, %cond3A_786 : i32
    scf.if %cond3A_787 {
      %add3A_2012 = arith.constant 10 : i32
      %add3A_2013 = arith.addi %add3A_2012, %select_n3A_30 : i32
      %mul3A_2014 = arith.constant 64 : i32
      %mul3A_2015 = arith.muli %add3A_2013, %mul3A_2014 : i32
      %add3A_2016 = arith.addi %reduce_sum3A_42, %mul3A_2015 : i32
      %add3A_2017 = arith.constant 0 : i32
      %add3A_2018 = arith.addi %add3A_2016, %add3A_2017 : i32
      %add3A_2019 = vector.broadcast %add3A_2018 : i32 to vector<16xi32>
      %add3A_2020 = arith.addi %add3A_2019, %iota3A : vector<16xi32>
      %swap3A = arith.constant 0 : index
      %swap3A_2021 = tpu.vector_load %arg13[%swap3A] {strides = array<i32>} : memref<64xi32, #tpu.memory_space<vmem>>, vector<16xi32>,
      tpu.vector_store %arg13[%swap3A], %add3A_2020 {strides = array<i32>} : memref<64xi32, #tpu.memory_space<vmem>>, vector<16xi32>,
      %add3A_2022 = arith.constant 16 : i32
      %add3A_2023 = arith.addi %add3A_2016, %add3A_2022 : i32
      %add3A_2024 = vector.broadcast %add3A_2023 : i32 to vector<16xi32>
      %add3A_2025 = arith.addi %add3A_2024, %iota3A : vector<16xi32>
      %swap3A_2026 = arith.constant 16 : index
      %swap3A_2027 = tpu.vector_load %arg13[%swap3A_2026] {strides = array<i32>} : memref<64xi32, #tpu.memory_space<vmem>>, vector<16xi32>,
      tpu.vector_store %arg13[%swap3A_2026], %add3A_2025 {strides = array<i32>} : memref<64xi32, #tpu.memory_space<vmem>>, vector<16xi32>,
      %add3A_2028 = arith.constant 32 : i32
      %add3A_2029 = arith.addi %add3A_2016, %add3A_2028 : i32
      %add3A_2030 = vector.broadcast %add3A_2029 : i32 to vector<16xi32>
      %add3A_2031 = arith.addi %add3A_2030, %iota3A : vector<16xi32>
      %swap3A_2032 = arith.constant 32 : index
      %swap3A_2033 = tpu.vector_load %arg13[%swap3A_2032] {strides = array<i32>} : memref<64xi32, #tpu.memory_space<vmem>>, vector<16xi32>,
      tpu.vector_store %arg13[%swap3A_2032], %add3A_2031 {strides = array<i32>} : memref<64xi32, #tpu.memory_space<vmem>>, vector<16xi32>,
      %add3A_2034 = arith.constant 48 : i32
      %add3A_2035 = arith.addi %add3A_2016, %add3A_2034 : i32
      %add3A_2036 = vector.broadcast %add3A_2035 : i32 to vector<16xi32>
      %add3A_2037 = arith.addi %add3A_2036, %iota3A : vector<16xi32>
      %swap3A_2038 = arith.constant 48 : index
      %swap3A_2039 = tpu.vector_load %arg13[%swap3A_2038] {strides = array<i32>} : memref<64xi32, #tpu.memory_space<vmem>>, vector<16xi32>,
      tpu.vector_store %arg13[%swap3A_2038], %add3A_2037 {strides = array<i32>} : memref<64xi32, #tpu.memory_space<vmem>>, vector<16xi32>,
      %dma_start3A = arith.constant 0 : i32
      %dma_start3A_2040 = arith.constant 0 : i32
      %dma_start3A_2041 = tpu.memref_slice %arg2[%dma_start3A, %dma_start3A_2040] : memref<16384x512xf32, #tpu.memory_space<hbm>> -> memref<16384x512xf32, #tpu.memory_space<hbm>>
      tpu.enqueue_indirect_dma source(%dma_start3A_2041 : memref<16384x512xf32, #tpu.memory_space<hbm>>) target(%arg9 : memref<64x512xf32, #tpu.memory_space<vmem>>) offsets(%arg13 : memref<64xi32, #tpu.memory_space<vmem>>) semaphore(%arg14 : memref<!tpu.dma_semaphore, #tpu.memory_space<semaphore_mem>>)
    } else {
    }
    %add3A_788 = arith.constant 8 : i32
    %add3A_789 = arith.addi %add3A_788, %select_n3A_30 : i32
    %add3A_790 = arith.constant 1 : i32
    %add3A_791 = arith.addi %add3A_789, %add3A_790 : i32
    %mul3A_792 = arith.constant 64 : i32
    %mul3A_793 = arith.muli %add3A_791, %mul3A_792 : i32
    %ge3A_794 = arith.cmpi sge, %min3A, %mul3A_793 : i32
    %convert_element_type3A_795 = arith.extui %ge3A_794 : i1 to i32
    %cond3A_796 = arith.constant 0 : i32
    %cond3A_797 = arith.cmpi ne, %convert_element_type3A_795, %cond3A_796 : i32
    scf.if %cond3A_797 {
      %dma_wait3A = arith.constant 0 : i32
      %dma_wait3A_2012 = arith.constant 0 : i32
      %dma_wait3A_2013 = tpu.memref_slice %arg2[%dma_wait3A, %dma_wait3A_2012] : memref<16384x512xf32, #tpu.memory_space<hbm>> -> memref<16384x512xf32, #tpu.memory_space<hbm>>
      tpu.wait_indirect_dma semaphore(%arg14 : memref<!tpu.dma_semaphore, #tpu.memory_space<semaphore_mem>>) src(%dma_wait3A_2013 : memref<16384x512xf32, #tpu.memory_space<hbm>>) dst(%arg8 : memref<64x512xf32, #tpu.memory_space<vmem>>)
    } else {
    }
    %add3A_798 = arith.constant 8 : i32
    %add3A_799 = arith.addi %add3A_798, %select_n3A_30 : i32
    %add3A_800 = arith.constant 1 : i32
    %add3A_801 = arith.addi %add3A_799, %add3A_800 : i32
    %mul3A_802 = arith.constant 64 : i32
    %mul3A_803 = arith.muli %add3A_801, %mul3A_802 : i32
    %ge3A_804 = arith.cmpi sge, %min3A, %mul3A_803 : i32
    %add3A_805 = arith.constant 8 : i32
    %add3A_806 = arith.addi %add3A_805, %select_n3A_30 : i32
    %mul3A_807 = arith.constant 64 : i32
    %mul3A_808 = arith.muli %add3A_806, %mul3A_807 : i32
    %add3A_809 = arith.addi %mul3A_32, %mul3A_808 : i32
    %multiple_of3A_810 = tpu.assume_multiple %add3A_809, 64 : i32
    %convert_element_type3A_811 = arith.extui %ge3A_804 : i1 to i32
    %cond3A_812 = arith.constant 0 : i32
    %cond3A_813 = arith.cmpi ne, %convert_element_type3A_811, %cond3A_812 : i32
    scf.if %cond3A_813 {
      %dma_start3A = arith.constant 0 : i32
      %dma_start3A_2012 = tpu.memref_slice %arg5[%multiple_of3A_810, %dma_start3A] : memref<32768x512xf32, #tpu.memory_space<hbm>> -> memref<64x512xf32, #tpu.memory_space<hbm>>
      %dma_start3A_2013 = arith.constant 0 : i32
      %dma_start3A_2014 = tpu.memref_slice %arg5[%multiple_of3A_810, %dma_start3A_2013] : memref<32768x512xf32, #tpu.memory_space<hbm>> -> memref<64x512xf32, #tpu.memory_space<hbm>>
      tpu.enqueue_dma source(%arg8 : memref<64x512xf32, #tpu.memory_space<vmem>>) target(%dma_start3A_2014 : memref<64x512xf32, #tpu.memory_space<hbm>>) target_semaphore(%arg15 : memref<!tpu.dma_semaphore, #tpu.memory_space<semaphore_mem>>)
    } else {
    }
    %add3A_814 = arith.constant 6 : i32
    %add3A_815 = arith.addi %add3A_814, %select_n3A_30 : i32
    %add3A_816 = arith.constant 1 : i32
    %add3A_817 = arith.addi %add3A_815, %add3A_816 : i32
    %mul3A_818 = arith.constant 64 : i32
    %mul3A_819 = arith.muli %add3A_817, %mul3A_818 : i32
    %ge3A_820 = arith.cmpi sge, %min3A, %mul3A_819 : i32
    %add3A_821 = arith.constant 6 : i32
    %add3A_822 = arith.addi %add3A_821, %select_n3A_30 : i32
    %mul3A_823 = arith.constant 64 : i32
    %mul3A_824 = arith.muli %add3A_822, %mul3A_823 : i32
    %add3A_825 = arith.addi %mul3A_32, %mul3A_824 : i32
    %multiple_of3A_826 = tpu.assume_multiple %add3A_825, 64 : i32
    %convert_element_type3A_827 = arith.extui %ge3A_820 : i1 to i32
    %cond3A_828 = arith.constant 0 : i32
    %cond3A_829 = arith.cmpi ne, %convert_element_type3A_827, %cond3A_828 : i32
    scf.if %cond3A_829 {
      %dma_wait3A = arith.constant 0 : i32
      %dma_wait3A_2012 = tpu.memref_slice %arg5[%multiple_of3A_826, %dma_wait3A] : memref<32768x512xf32, #tpu.memory_space<hbm>> -> memref<64x512xf32, #tpu.memory_space<hbm>>
      %dma_wait3A_2013 = arith.constant 0 : i32
      %dma_wait3A_2014 = tpu.memref_slice %arg5[%multiple_of3A_826, %dma_wait3A_2013] : memref<32768x512xf32, #tpu.memory_space<hbm>> -> memref<64x512xf32, #tpu.memory_space<hbm>>
      tpu.wait_dma2 semaphore(%arg15 : memref<!tpu.dma_semaphore, #tpu.memory_space<semaphore_mem>>) src(%arg7 : memref<64x512xf32, #tpu.memory_space<vmem>>) dst(%dma_wait3A_2014 : memref<64x512xf32, #tpu.memory_space<hbm>>)
    } else {
    }
    %add3A_830 = arith.constant 12 : i32
    %add3A_831 = arith.addi %add3A_830, %select_n3A_30 : i32
    %add3A_832 = arith.constant 1 : i32
    %add3A_833 = arith.addi %add3A_831, %add3A_832 : i32
    %mul3A_834 = arith.constant 64 : i32
    %mul3A_835 = arith.muli %add3A_833, %mul3A_834 : i32
    %ge3A_836 = arith.cmpi sge, %min3A, %mul3A_835 : i32
    %convert_element_type3A_837 = arith.extui %ge3A_836 : i1 to i32
    %cond3A_838 = arith.constant 0 : i32
    %cond3A_839 = arith.cmpi ne, %convert_element_type3A_837, %cond3A_838 : i32
    scf.if %cond3A_839 {
      %add3A_2012 = arith.constant 12 : i32
      %add3A_2013 = arith.addi %add3A_2012, %select_n3A_30 : i32
      %mul3A_2014 = arith.constant 64 : i32
      %mul3A_2015 = arith.muli %add3A_2013, %mul3A_2014 : i32
      %add3A_2016 = arith.addi %reduce_sum3A_42, %mul3A_2015 : i32
      %add3A_2017 = arith.constant 0 : i32
      %add3A_2018 = arith.addi %add3A_2016, %add3A_2017 : i32
      %add3A_2019 = vector.broadcast %add3A_2018 : i32 to vector<16xi32>
      %add3A_2020 = arith.addi %add3A_2019, %iota3A : vector<16xi32>
      %swap3A = arith.constant 0 : index
      %swap3A_2021 = tpu.vector_load %arg11[%swap3A] {strides = array<i32>} : memref<64xi32, #tpu.memory_space<vmem>>, vector<16xi32>,
      tpu.vector_store %arg11[%swap3A], %add3A_2020 {strides = array<i32>} : memref<64xi32, #tpu.memory_space<vmem>>, vector<16xi32>,
      %add3A_2022 = arith.constant 16 : i32
      %add3A_2023 = arith.addi %add3A_2016, %add3A_2022 : i32
      %add3A_2024 = vector.broadcast %add3A_2023 : i32 to vector<16xi32>
      %add3A_2025 = arith.addi %add3A_2024, %iota3A : vector<16xi32>
      %swap3A_2026 = arith.constant 16 : index
      %swap3A_2027 = tpu.vector_load %arg11[%swap3A_2026] {strides = array<i32>} : memref<64xi32, #tpu.memory_space<vmem>>, vector<16xi32>,
      tpu.vector_store %arg11[%swap3A_2026], %add3A_2025 {strides = array<i32>} : memref<64xi32, #tpu.memory_space<vmem>>, vector<16xi32>,
      %add3A_2028 = arith.constant 32 : i32
      %add3A_2029 = arith.addi %add3A_2016, %add3A_2028 : i32
      %add3A_2030 = vector.broadcast %add3A_2029 : i32 to vector<16xi32>
      %add3A_2031 = arith.addi %add3A_2030, %iota3A : vector<16xi32>
      %swap3A_2032 = arith.constant 32 : index
      %swap3A_2033 = tpu.vector_load %arg11[%swap3A_2032] {strides = array<i32>} : memref<64xi32, #tpu.memory_space<vmem>>, vector<16xi32>,
      tpu.vector_store %arg11[%swap3A_2032], %add3A_2031 {strides = array<i32>} : memref<64xi32, #tpu.memory_space<vmem>>, vector<16xi32>,
      %add3A_2034 = arith.constant 48 : i32
      %add3A_2035 = arith.addi %add3A_2016, %add3A_2034 : i32
      %add3A_2036 = vector.broadcast %add3A_2035 : i32 to vector<16xi32>
      %add3A_2037 = arith.addi %add3A_2036, %iota3A : vector<16xi32>
      %swap3A_2038 = arith.constant 48 : index
      %swap3A_2039 = tpu.vector_load %arg11[%swap3A_2038] {strides = array<i32>} : memref<64xi32, #tpu.memory_space<vmem>>, vector<16xi32>,
      tpu.vector_store %arg11[%swap3A_2038], %add3A_2037 {strides = array<i32>} : memref<64xi32, #tpu.memory_space<vmem>>, vector<16xi32>,
      %dma_start3A = arith.constant 0 : i32
      %dma_start3A_2040 = arith.constant 0 : i32
      %dma_start3A_2041 = tpu.memref_slice %arg2[%dma_start3A, %dma_start3A_2040] : memref<16384x512xf32, #tpu.memory_space<hbm>> -> memref<16384x512xf32, #tpu.memory_space<hbm>>
      tpu.enqueue_indirect_dma source(%dma_start3A_2041 : memref<16384x512xf32, #tpu.memory_space<hbm>>) target(%arg7 : memref<64x512xf32, #tpu.memory_space<vmem>>) offsets(%arg11 : memref<64xi32, #tpu.memory_space<vmem>>) semaphore(%arg14 : memref<!tpu.dma_semaphore, #tpu.memory_space<semaphore_mem>>)
    } else {
    }
    %add3A_840 = arith.constant 10 : i32
    %add3A_841 = arith.addi %add3A_840, %select_n3A_30 : i32
    %add3A_842 = arith.constant 1 : i32
    %add3A_843 = arith.addi %add3A_841, %add3A_842 : i32
    %mul3A_844 = arith.constant 64 : i32
    %mul3A_845 = arith.muli %add3A_843, %mul3A_844 : i32
    %ge3A_846 = arith.cmpi sge, %min3A, %mul3A_845 : i32
    %convert_element_type3A_847 = arith.extui %ge3A_846 : i1 to i32
    %cond3A_848 = arith.constant 0 : i32
    %cond3A_849 = arith.cmpi ne, %convert_element_type3A_847, %cond3A_848 : i32
    scf.if %cond3A_849 {
      %dma_wait3A = arith.constant 0 : i32
      %dma_wait3A_2012 = arith.constant 0 : i32
      %dma_wait3A_2013 = tpu.memref_slice %arg2[%dma_wait3A, %dma_wait3A_2012] : memref<16384x512xf32, #tpu.memory_space<hbm>> -> memref<16384x512xf32, #tpu.memory_space<hbm>>
      tpu.wait_indirect_dma semaphore(%arg14 : memref<!tpu.dma_semaphore, #tpu.memory_space<semaphore_mem>>) src(%dma_wait3A_2013 : memref<16384x512xf32, #tpu.memory_space<hbm>>) dst(%arg9 : memref<64x512xf32, #tpu.memory_space<vmem>>)
    } else {
    }
    %add3A_850 = arith.constant 10 : i32
    %add3A_851 = arith.addi %add3A_850, %select_n3A_30 : i32
    %add3A_852 = arith.constant 1 : i32
    %add3A_853 = arith.addi %add3A_851, %add3A_852 : i32
    %mul3A_854 = arith.constant 64 : i32
    %mul3A_855 = arith.muli %add3A_853, %mul3A_854 : i32
    %ge3A_856 = arith.cmpi sge, %min3A, %mul3A_855 : i32
    %add3A_857 = arith.constant 10 : i32
    %add3A_858 = arith.addi %add3A_857, %select_n3A_30 : i32
    %mul3A_859 = arith.constant 64 : i32
    %mul3A_860 = arith.muli %add3A_858, %mul3A_859 : i32
    %add3A_861 = arith.addi %mul3A_32, %mul3A_860 : i32
    %multiple_of3A_862 = tpu.assume_multiple %add3A_861, 64 : i32
    %convert_element_type3A_863 = arith.extui %ge3A_856 : i1 to i32
    %cond3A_864 = arith.constant 0 : i32
    %cond3A_865 = arith.cmpi ne, %convert_element_type3A_863, %cond3A_864 : i32
    scf.if %cond3A_865 {
      %dma_start3A = arith.constant 0 : i32
      %dma_start3A_2012 = tpu.memref_slice %arg5[%multiple_of3A_862, %dma_start3A] : memref<32768x512xf32, #tpu.memory_space<hbm>> -> memref<64x512xf32, #tpu.memory_space<hbm>>
      %dma_start3A_2013 = arith.constant 0 : i32
      %dma_start3A_2014 = tpu.memref_slice %arg5[%multiple_of3A_862, %dma_start3A_2013] : memref<32768x512xf32, #tpu.memory_space<hbm>> -> memref<64x512xf32, #tpu.memory_space<hbm>>
      tpu.enqueue_dma source(%arg9 : memref<64x512xf32, #tpu.memory_space<vmem>>) target(%dma_start3A_2014 : memref<64x512xf32, #tpu.memory_space<hbm>>) target_semaphore(%arg15 : memref<!tpu.dma_semaphore, #tpu.memory_space<semaphore_mem>>)
    } else {
    }
    %add3A_866 = arith.constant 8 : i32
    %add3A_867 = arith.addi %add3A_866, %select_n3A_30 : i32
    %add3A_868 = arith.constant 1 : i32
    %add3A_869 = arith.addi %add3A_867, %add3A_868 : i32
    %mul3A_870 = arith.constant 64 : i32
    %mul3A_871 = arith.muli %add3A_869, %mul3A_870 : i32
    %ge3A_872 = arith.cmpi sge, %min3A, %mul3A_871 : i32
    %add3A_873 = arith.constant 8 : i32
    %add3A_874 = arith.addi %add3A_873, %select_n3A_30 : i32
    %mul3A_875 = arith.constant 64 : i32
    %mul3A_876 = arith.muli %add3A_874, %mul3A_875 : i32
    %add3A_877 = arith.addi %mul3A_32, %mul3A_876 : i32
    %multiple_of3A_878 = tpu.assume_multiple %add3A_877, 64 : i32
    %convert_element_type3A_879 = arith.extui %ge3A_872 : i1 to i32
    %cond3A_880 = arith.constant 0 : i32
    %cond3A_881 = arith.cmpi ne, %convert_element_type3A_879, %cond3A_880 : i32
    scf.if %cond3A_881 {
      %dma_wait3A = arith.constant 0 : i32
      %dma_wait3A_2012 = tpu.memref_slice %arg5[%multiple_of3A_878, %dma_wait3A] : memref<32768x512xf32, #tpu.memory_space<hbm>> -> memref<64x512xf32, #tpu.memory_space<hbm>>
      %dma_wait3A_2013 = arith.constant 0 : i32
      %dma_wait3A_2014 = tpu.memref_slice %arg5[%multiple_of3A_878, %dma_wait3A_2013] : memref<32768x512xf32, #tpu.memory_space<hbm>> -> memref<64x512xf32, #tpu.memory_space<hbm>>
      tpu.wait_dma2 semaphore(%arg15 : memref<!tpu.dma_semaphore, #tpu.memory_space<semaphore_mem>>) src(%arg8 : memref<64x512xf32, #tpu.memory_space<vmem>>) dst(%dma_wait3A_2014 : memref<64x512xf32, #tpu.memory_space<hbm>>)
    } else {
    }
    %add3A_882 = arith.constant 14 : i32
    %add3A_883 = arith.addi %add3A_882, %select_n3A_30 : i32
    %add3A_884 = arith.constant 1 : i32
    %add3A_885 = arith.addi %add3A_883, %add3A_884 : i32
    %mul3A_886 = arith.constant 64 : i32
    %mul3A_887 = arith.muli %add3A_885, %mul3A_886 : i32
    %ge3A_888 = arith.cmpi sge, %min3A, %mul3A_887 : i32
    %convert_element_type3A_889 = arith.extui %ge3A_888 : i1 to i32
    %cond3A_890 = arith.constant 0 : i32
    %cond3A_891 = arith.cmpi ne, %convert_element_type3A_889, %cond3A_890 : i32
    scf.if %cond3A_891 {
      %add3A_2012 = arith.constant 14 : i32
      %add3A_2013 = arith.addi %add3A_2012, %select_n3A_30 : i32
      %mul3A_2014 = arith.constant 64 : i32
      %mul3A_2015 = arith.muli %add3A_2013, %mul3A_2014 : i32
      %add3A_2016 = arith.addi %reduce_sum3A_42, %mul3A_2015 : i32
      %add3A_2017 = arith.constant 0 : i32
      %add3A_2018 = arith.addi %add3A_2016, %add3A_2017 : i32
      %add3A_2019 = vector.broadcast %add3A_2018 : i32 to vector<16xi32>
      %add3A_2020 = arith.addi %add3A_2019, %iota3A : vector<16xi32>
      %swap3A = arith.constant 0 : index
      %swap3A_2021 = tpu.vector_load %arg12[%swap3A] {strides = array<i32>} : memref<64xi32, #tpu.memory_space<vmem>>, vector<16xi32>,
      tpu.vector_store %arg12[%swap3A], %add3A_2020 {strides = array<i32>} : memref<64xi32, #tpu.memory_space<vmem>>, vector<16xi32>,
      %add3A_2022 = arith.constant 16 : i32
      %add3A_2023 = arith.addi %add3A_2016, %add3A_2022 : i32
      %add3A_2024 = vector.broadcast %add3A_2023 : i32 to vector<16xi32>
      %add3A_2025 = arith.addi %add3A_2024, %iota3A : vector<16xi32>
      %swap3A_2026 = arith.constant 16 : index
      %swap3A_2027 = tpu.vector_load %arg12[%swap3A_2026] {strides = array<i32>} : memref<64xi32, #tpu.memory_space<vmem>>, vector<16xi32>,
      tpu.vector_store %arg12[%swap3A_2026], %add3A_2025 {strides = array<i32>} : memref<64xi32, #tpu.memory_space<vmem>>, vector<16xi32>,
      %add3A_2028 = arith.constant 32 : i32
      %add3A_2029 = arith.addi %add3A_2016, %add3A_2028 : i32
      %add3A_2030 = vector.broadcast %add3A_2029 : i32 to vector<16xi32>
      %add3A_2031 = arith.addi %add3A_2030, %iota3A : vector<16xi32>
      %swap3A_2032 = arith.constant 32 : index
      %swap3A_2033 = tpu.vector_load %arg12[%swap3A_2032] {strides = array<i32>} : memref<64xi32, #tpu.memory_space<vmem>>, vector<16xi32>,
      tpu.vector_store %arg12[%swap3A_2032], %add3A_2031 {strides = array<i32>} : memref<64xi32, #tpu.memory_space<vmem>>, vector<16xi32>,
      %add3A_2034 = arith.constant 48 : i32
      %add3A_2035 = arith.addi %add3A_2016, %add3A_2034 : i32
      %add3A_2036 = vector.broadcast %add3A_2035 : i32 to vector<16xi32>
      %add3A_2037 = arith.addi %add3A_2036, %iota3A : vector<16xi32>
      %swap3A_2038 = arith.constant 48 : index
      %swap3A_2039 = tpu.vector_load %arg12[%swap3A_2038] {strides = array<i32>} : memref<64xi32, #tpu.memory_space<vmem>>, vector<16xi32>,
      tpu.vector_store %arg12[%swap3A_2038], %add3A_2037 {strides = array<i32>} : memref<64xi32, #tpu.memory_space<vmem>>, vector<16xi32>,
      %dma_start3A = arith.constant 0 : i32
      %dma_start3A_2040 = arith.constant 0 : i32
      %dma_start3A_2041 = tpu.memref_slice %arg2[%dma_start3A, %dma_start3A_2040] : memref<16384x512xf32, #tpu.memory_space<hbm>> -> memref<16384x512xf32, #tpu.memory_space<hbm>>
      tpu.enqueue_indirect_dma source(%dma_start3A_2041 : memref<16384x512xf32, #tpu.memory_space<hbm>>) target(%arg8 : memref<64x512xf32, #tpu.memory_space<vmem>>) offsets(%arg12 : memref<64xi32, #tpu.memory_space<vmem>>) semaphore(%arg14 : memref<!tpu.dma_semaphore, #tpu.memory_space<semaphore_mem>>)
    } else {
    }
    %add3A_892 = arith.constant 12 : i32
    %add3A_893 = arith.addi %add3A_892, %select_n3A_30 : i32
    %add3A_894 = arith.constant 1 : i32
    %add3A_895 = arith.addi %add3A_893, %add3A_894 : i32
    %mul3A_896 = arith.constant 64 : i32
    %mul3A_897 = arith.muli %add3A_895, %mul3A_896 : i32
    %ge3A_898 = arith.cmpi sge, %min3A, %mul3A_897 : i32
    %convert_element_type3A_899 = arith.extui %ge3A_898 : i1 to i32
    %cond3A_900 = arith.constant 0 : i32
    %cond3A_901 = arith.cmpi ne, %convert_element_type3A_899, %cond3A_900 : i32
    scf.if %cond3A_901 {
      %dma_wait3A = arith.constant 0 : i32
      %dma_wait3A_2012 = arith.constant 0 : i32
      %dma_wait3A_2013 = tpu.memref_slice %arg2[%dma_wait3A, %dma_wait3A_2012] : memref<16384x512xf32, #tpu.memory_space<hbm>> -> memref<16384x512xf32, #tpu.memory_space<hbm>>
      tpu.wait_indirect_dma semaphore(%arg14 : memref<!tpu.dma_semaphore, #tpu.memory_space<semaphore_mem>>) src(%dma_wait3A_2013 : memref<16384x512xf32, #tpu.memory_space<hbm>>) dst(%arg7 : memref<64x512xf32, #tpu.memory_space<vmem>>)
    } else {
    }
    %add3A_902 = arith.constant 12 : i32
    %add3A_903 = arith.addi %add3A_902, %select_n3A_30 : i32
    %add3A_904 = arith.constant 1 : i32
    %add3A_905 = arith.addi %add3A_903, %add3A_904 : i32
    %mul3A_906 = arith.constant 64 : i32
    %mul3A_907 = arith.muli %add3A_905, %mul3A_906 : i32
    %ge3A_908 = arith.cmpi sge, %min3A, %mul3A_907 : i32
    %add3A_909 = arith.constant 12 : i32
    %add3A_910 = arith.addi %add3A_909, %select_n3A_30 : i32
    %mul3A_911 = arith.constant 64 : i32
    %mul3A_912 = arith.muli %add3A_910, %mul3A_911 : i32
    %add3A_913 = arith.addi %mul3A_32, %mul3A_912 : i32
    %multiple_of3A_914 = tpu.assume_multiple %add3A_913, 64 : i32
    %convert_element_type3A_915 = arith.extui %ge3A_908 : i1 to i32
    %cond3A_916 = arith.constant 0 : i32
    %cond3A_917 = arith.cmpi ne, %convert_element_type3A_915, %cond3A_916 : i32
    scf.if %cond3A_917 {
      %dma_start3A = arith.constant 0 : i32
      %dma_start3A_2012 = tpu.memref_slice %arg5[%multiple_of3A_914, %dma_start3A] : memref<32768x512xf32, #tpu.memory_space<hbm>> -> memref<64x512xf32, #tpu.memory_space<hbm>>
      %dma_start3A_2013 = arith.constant 0 : i32
      %dma_start3A_2014 = tpu.memref_slice %arg5[%multiple_of3A_914, %dma_start3A_2013] : memref<32768x512xf32, #tpu.memory_space<hbm>> -> memref<64x512xf32, #tpu.memory_space<hbm>>
      tpu.enqueue_dma source(%arg7 : memref<64x512xf32, #tpu.memory_space<vmem>>) target(%dma_start3A_2014 : memref<64x512xf32, #tpu.memory_space<hbm>>) target_semaphore(%arg15 : memref<!tpu.dma_semaphore, #tpu.memory_space<semaphore_mem>>)
    } else {
    }
    %add3A_918 = arith.constant 10 : i32
    %add3A_919 = arith.addi %add3A_918, %select_n3A_30 : i32
    %add3A_920 = arith.constant 1 : i32
    %add3A_921 = arith.addi %add3A_919, %add3A_920 : i32
    %mul3A_922 = arith.constant 64 : i32
    %mul3A_923 = arith.muli %add3A_921, %mul3A_922 : i32
    %ge3A_924 = arith.cmpi sge, %min3A, %mul3A_923 : i32
    %add3A_925 = arith.constant 10 : i32
    %add3A_926 = arith.addi %add3A_925, %select_n3A_30 : i32
    %mul3A_927 = arith.constant 64 : i32
    %mul3A_928 = arith.muli %add3A_926, %mul3A_927 : i32
    %add3A_929 = arith.addi %mul3A_32, %mul3A_928 : i32
    %multiple_of3A_930 = tpu.assume_multiple %add3A_929, 64 : i32
    %convert_element_type3A_931 = arith.extui %ge3A_924 : i1 to i32
    %cond3A_932 = arith.constant 0 : i32
    %cond3A_933 = arith.cmpi ne, %convert_element_type3A_931, %cond3A_932 : i32
    scf.if %cond3A_933 {
      %dma_wait3A = arith.constant 0 : i32
      %dma_wait3A_2012 = tpu.memref_slice %arg5[%multiple_of3A_930, %dma_wait3A] : memref<32768x512xf32, #tpu.memory_space<hbm>> -> memref<64x512xf32, #tpu.memory_space<hbm>>
      %dma_wait3A_2013 = arith.constant 0 : i32
      %dma_wait3A_2014 = tpu.memref_slice %arg5[%multiple_of3A_930, %dma_wait3A_2013] : memref<32768x512xf32, #tpu.memory_space<hbm>> -> memref<64x512xf32, #tpu.memory_space<hbm>>
      tpu.wait_dma2 semaphore(%arg15 : memref<!tpu.dma_semaphore, #tpu.memory_space<semaphore_mem>>) src(%arg9 : memref<64x512xf32, #tpu.memory_space<vmem>>) dst(%dma_wait3A_2014 : memref<64x512xf32, #tpu.memory_space<hbm>>)
    } else {
    }
    %add3A_934 = arith.constant 16 : i32
    %add3A_935 = arith.addi %add3A_934, %select_n3A_30 : i32
    %add3A_936 = arith.constant 1 : i32
    %add3A_937 = arith.addi %add3A_935, %add3A_936 : i32
    %mul3A_938 = arith.constant 64 : i32
    %mul3A_939 = arith.muli %add3A_937, %mul3A_938 : i32
    %ge3A_940 = arith.cmpi sge, %min3A, %mul3A_939 : i32
    %convert_element_type3A_941 = arith.extui %ge3A_940 : i1 to i32
    %cond3A_942 = arith.constant 0 : i32
    %cond3A_943 = arith.cmpi ne, %convert_element_type3A_941, %cond3A_942 : i32
    scf.if %cond3A_943 {
      %add3A_2012 = arith.constant 16 : i32
      %add3A_2013 = arith.addi %add3A_2012, %select_n3A_30 : i32
      %mul3A_2014 = arith.constant 64 : i32
      %mul3A_2015 = arith.muli %add3A_2013, %mul3A_2014 : i32
      %add3A_2016 = arith.addi %reduce_sum3A_42, %mul3A_2015 : i32
      %add3A_2017 = arith.constant 0 : i32
      %add3A_2018 = arith.addi %add3A_2016, %add3A_2017 : i32
      %add3A_2019 = vector.broadcast %add3A_2018 : i32 to vector<16xi32>
      %add3A_2020 = arith.addi %add3A_2019, %iota3A : vector<16xi32>
      %swap3A = arith.constant 0 : index
      %swap3A_2021 = tpu.vector_load %arg13[%swap3A] {strides = array<i32>} : memref<64xi32, #tpu.memory_space<vmem>>, vector<16xi32>,
      tpu.vector_store %arg13[%swap3A], %add3A_2020 {strides = array<i32>} : memref<64xi32, #tpu.memory_space<vmem>>, vector<16xi32>,
      %add3A_2022 = arith.constant 16 : i32
      %add3A_2023 = arith.addi %add3A_2016, %add3A_2022 : i32
      %add3A_2024 = vector.broadcast %add3A_2023 : i32 to vector<16xi32>
      %add3A_2025 = arith.addi %add3A_2024, %iota3A : vector<16xi32>
      %swap3A_2026 = arith.constant 16 : index
      %swap3A_2027 = tpu.vector_load %arg13[%swap3A_2026] {strides = array<i32>} : memref<64xi32, #tpu.memory_space<vmem>>, vector<16xi32>,
      tpu.vector_store %arg13[%swap3A_2026], %add3A_2025 {strides = array<i32>} : memref<64xi32, #tpu.memory_space<vmem>>, vector<16xi32>,
      %add3A_2028 = arith.constant 32 : i32
      %add3A_2029 = arith.addi %add3A_2016, %add3A_2028 : i32
      %add3A_2030 = vector.broadcast %add3A_2029 : i32 to vector<16xi32>
      %add3A_2031 = arith.addi %add3A_2030, %iota3A : vector<16xi32>
      %swap3A_2032 = arith.constant 32 : index
      %swap3A_2033 = tpu.vector_load %arg13[%swap3A_2032] {strides = array<i32>} : memref<64xi32, #tpu.memory_space<vmem>>, vector<16xi32>,
      tpu.vector_store %arg13[%swap3A_2032], %add3A_2031 {strides = array<i32>} : memref<64xi32, #tpu.memory_space<vmem>>, vector<16xi32>,
      %add3A_2034 = arith.constant 48 : i32
      %add3A_2035 = arith.addi %add3A_2016, %add3A_2034 : i32
      %add3A_2036 = vector.broadcast %add3A_2035 : i32 to vector<16xi32>
      %add3A_2037 = arith.addi %add3A_2036, %iota3A : vector<16xi32>
      %swap3A_2038 = arith.constant 48 : index
      %swap3A_2039 = tpu.vector_load %arg13[%swap3A_2038] {strides = array<i32>} : memref<64xi32, #tpu.memory_space<vmem>>, vector<16xi32>,
      tpu.vector_store %arg13[%swap3A_2038], %add3A_2037 {strides = array<i32>} : memref<64xi32, #tpu.memory_space<vmem>>, vector<16xi32>,
      %dma_start3A = arith.constant 0 : i32
      %dma_start3A_2040 = arith.constant 0 : i32
      %dma_start3A_2041 = tpu.memref_slice %arg2[%dma_start3A, %dma_start3A_2040] : memref<16384x512xf32, #tpu.memory_space<hbm>> -> memref<16384x512xf32, #tpu.memory_space<hbm>>
      tpu.enqueue_indirect_dma source(%dma_start3A_2041 : memref<16384x512xf32, #tpu.memory_space<hbm>>) target(%arg9 : memref<64x512xf32, #tpu.memory_space<vmem>>) offsets(%arg13 : memref<64xi32, #tpu.memory_space<vmem>>) semaphore(%arg14 : memref<!tpu.dma_semaphore, #tpu.memory_space<semaphore_mem>>)
    } else {
    }
    %add3A_944 = arith.constant 14 : i32
    %add3A_945 = arith.addi %add3A_944, %select_n3A_30 : i32
    %add3A_946 = arith.constant 1 : i32
    %add3A_947 = arith.addi %add3A_945, %add3A_946 : i32
    %mul3A_948 = arith.constant 64 : i32
    %mul3A_949 = arith.muli %add3A_947, %mul3A_948 : i32
    %ge3A_950 = arith.cmpi sge, %min3A, %mul3A_949 : i32
    %convert_element_type3A_951 = arith.extui %ge3A_950 : i1 to i32
    %cond3A_952 = arith.constant 0 : i32
    %cond3A_953 = arith.cmpi ne, %convert_element_type3A_951, %cond3A_952 : i32
    scf.if %cond3A_953 {
      %dma_wait3A = arith.constant 0 : i32
      %dma_wait3A_2012 = arith.constant 0 : i32
      %dma_wait3A_2013 = tpu.memref_slice %arg2[%dma_wait3A, %dma_wait3A_2012] : memref<16384x512xf32, #tpu.memory_space<hbm>> -> memref<16384x512xf32, #tpu.memory_space<hbm>>
      tpu.wait_indirect_dma semaphore(%arg14 : memref<!tpu.dma_semaphore, #tpu.memory_space<semaphore_mem>>) src(%dma_wait3A_2013 : memref<16384x512xf32, #tpu.memory_space<hbm>>) dst(%arg8 : memref<64x512xf32, #tpu.memory_space<vmem>>)
    } else {
    }
    %add3A_954 = arith.constant 14 : i32
    %add3A_955 = arith.addi %add3A_954, %select_n3A_30 : i32
    %add3A_956 = arith.constant 1 : i32
    %add3A_957 = arith.addi %add3A_955, %add3A_956 : i32
    %mul3A_958 = arith.constant 64 : i32
    %mul3A_959 = arith.muli %add3A_957, %mul3A_958 : i32
    %ge3A_960 = arith.cmpi sge, %min3A, %mul3A_959 : i32
    %add3A_961 = arith.constant 14 : i32
    %add3A_962 = arith.addi %add3A_961, %select_n3A_30 : i32
    %mul3A_963 = arith.constant 64 : i32
    %mul3A_964 = arith.muli %add3A_962, %mul3A_963 : i32
    %add3A_965 = arith.addi %mul3A_32, %mul3A_964 : i32
    %multiple_of3A_966 = tpu.assume_multiple %add3A_965, 64 : i32
    %convert_element_type3A_967 = arith.extui %ge3A_960 : i1 to i32
    %cond3A_968 = arith.constant 0 : i32
    %cond3A_969 = arith.cmpi ne, %convert_element_type3A_967, %cond3A_968 : i32
    scf.if %cond3A_969 {
      %dma_start3A = arith.constant 0 : i32
      %dma_start3A_2012 = tpu.memref_slice %arg5[%multiple_of3A_966, %dma_start3A] : memref<32768x512xf32, #tpu.memory_space<hbm>> -> memref<64x512xf32, #tpu.memory_space<hbm>>
      %dma_start3A_2013 = arith.constant 0 : i32
      %dma_start3A_2014 = tpu.memref_slice %arg5[%multiple_of3A_966, %dma_start3A_2013] : memref<32768x512xf32, #tpu.memory_space<hbm>> -> memref<64x512xf32, #tpu.memory_space<hbm>>
      tpu.enqueue_dma source(%arg8 : memref<64x512xf32, #tpu.memory_space<vmem>>) target(%dma_start3A_2014 : memref<64x512xf32, #tpu.memory_space<hbm>>) target_semaphore(%arg15 : memref<!tpu.dma_semaphore, #tpu.memory_space<semaphore_mem>>)
    } else {
    }
    %add3A_970 = arith.constant 12 : i32
    %add3A_971 = arith.addi %add3A_970, %select_n3A_30 : i32
    %add3A_972 = arith.constant 1 : i32
    %add3A_973 = arith.addi %add3A_971, %add3A_972 : i32
    %mul3A_974 = arith.constant 64 : i32
    %mul3A_975 = arith.muli %add3A_973, %mul3A_974 : i32
    %ge3A_976 = arith.cmpi sge, %min3A, %mul3A_975 : i32
    %add3A_977 = arith.constant 12 : i32
    %add3A_978 = arith.addi %add3A_977, %select_n3A_30 : i32
    %mul3A_979 = arith.constant 64 : i32
    %mul3A_980 = arith.muli %add3A_978, %mul3A_979 : i32
    %add3A_981 = arith.addi %mul3A_32, %mul3A_980 : i32
    %multiple_of3A_982 = tpu.assume_multiple %add3A_981, 64 : i32
    %convert_element_type3A_983 = arith.extui %ge3A_976 : i1 to i32
    %cond3A_984 = arith.constant 0 : i32
    %cond3A_985 = arith.cmpi ne, %convert_element_type3A_983, %cond3A_984 : i32
    scf.if %cond3A_985 {
      %dma_wait3A = arith.constant 0 : i32
      %dma_wait3A_2012 = tpu.memref_slice %arg5[%multiple_of3A_982, %dma_wait3A] : memref<32768x512xf32, #tpu.memory_space<hbm>> -> memref<64x512xf32, #tpu.memory_space<hbm>>
      %dma_wait3A_2013 = arith.constant 0 : i32
      %dma_wait3A_2014 = tpu.memref_slice %arg5[%multiple_of3A_982, %dma_wait3A_2013] : memref<32768x512xf32, #tpu.memory_space<hbm>> -> memref<64x512xf32, #tpu.memory_space<hbm>>
      tpu.wait_dma2 semaphore(%arg15 : memref<!tpu.dma_semaphore, #tpu.memory_space<semaphore_mem>>) src(%arg7 : memref<64x512xf32, #tpu.memory_space<vmem>>) dst(%dma_wait3A_2014 : memref<64x512xf32, #tpu.memory_space<hbm>>)
    } else {
    }
    %add3A_986 = arith.constant 18 : i32
    %add3A_987 = arith.addi %add3A_986, %select_n3A_30 : i32
    %add3A_988 = arith.constant 1 : i32
    %add3A_989 = arith.addi %add3A_987, %add3A_988 : i32
    %mul3A_990 = arith.constant 64 : i32
    %mul3A_991 = arith.muli %add3A_989, %mul3A_990 : i32
    %ge3A_992 = arith.cmpi sge, %min3A, %mul3A_991 : i32
    %convert_element_type3A_993 = arith.extui %ge3A_992 : i1 to i32
    %cond3A_994 = arith.constant 0 : i32
    %cond3A_995 = arith.cmpi ne, %convert_element_type3A_993, %cond3A_994 : i32
    scf.if %cond3A_995 {
      %add3A_2012 = arith.constant 18 : i32
      %add3A_2013 = arith.addi %add3A_2012, %select_n3A_30 : i32
      %mul3A_2014 = arith.constant 64 : i32
      %mul3A_2015 = arith.muli %add3A_2013, %mul3A_2014 : i32
      %add3A_2016 = arith.addi %reduce_sum3A_42, %mul3A_2015 : i32
      %add3A_2017 = arith.constant 0 : i32
      %add3A_2018 = arith.addi %add3A_2016, %add3A_2017 : i32
      %add3A_2019 = vector.broadcast %add3A_2018 : i32 to vector<16xi32>
      %add3A_2020 = arith.addi %add3A_2019, %iota3A : vector<16xi32>
      %swap3A = arith.constant 0 : index
      %swap3A_2021 = tpu.vector_load %arg11[%swap3A] {strides = array<i32>} : memref<64xi32, #tpu.memory_space<vmem>>, vector<16xi32>,
      tpu.vector_store %arg11[%swap3A], %add3A_2020 {strides = array<i32>} : memref<64xi32, #tpu.memory_space<vmem>>, vector<16xi32>,
      %add3A_2022 = arith.constant 16 : i32
      %add3A_2023 = arith.addi %add3A_2016, %add3A_2022 : i32
      %add3A_2024 = vector.broadcast %add3A_2023 : i32 to vector<16xi32>
      %add3A_2025 = arith.addi %add3A_2024, %iota3A : vector<16xi32>
      %swap3A_2026 = arith.constant 16 : index
      %swap3A_2027 = tpu.vector_load %arg11[%swap3A_2026] {strides = array<i32>} : memref<64xi32, #tpu.memory_space<vmem>>, vector<16xi32>,
      tpu.vector_store %arg11[%swap3A_2026], %add3A_2025 {strides = array<i32>} : memref<64xi32, #tpu.memory_space<vmem>>, vector<16xi32>,
      %add3A_2028 = arith.constant 32 : i32
      %add3A_2029 = arith.addi %add3A_2016, %add3A_2028 : i32
      %add3A_2030 = vector.broadcast %add3A_2029 : i32 to vector<16xi32>
      %add3A_2031 = arith.addi %add3A_2030, %iota3A : vector<16xi32>
      %swap3A_2032 = arith.constant 32 : index
      %swap3A_2033 = tpu.vector_load %arg11[%swap3A_2032] {strides = array<i32>} : memref<64xi32, #tpu.memory_space<vmem>>, vector<16xi32>,
      tpu.vector_store %arg11[%swap3A_2032], %add3A_2031 {strides = array<i32>} : memref<64xi32, #tpu.memory_space<vmem>>, vector<16xi32>,
      %add3A_2034 = arith.constant 48 : i32
      %add3A_2035 = arith.addi %add3A_2016, %add3A_2034 : i32
      %add3A_2036 = vector.broadcast %add3A_2035 : i32 to vector<16xi32>
      %add3A_2037 = arith.addi %add3A_2036, %iota3A : vector<16xi32>
      %swap3A_2038 = arith.constant 48 : index
      %swap3A_2039 = tpu.vector_load %arg11[%swap3A_2038] {strides = array<i32>} : memref<64xi32, #tpu.memory_space<vmem>>, vector<16xi32>,
      tpu.vector_store %arg11[%swap3A_2038], %add3A_2037 {strides = array<i32>} : memref<64xi32, #tpu.memory_space<vmem>>, vector<16xi32>,
      %dma_start3A = arith.constant 0 : i32
      %dma_start3A_2040 = arith.constant 0 : i32
      %dma_start3A_2041 = tpu.memref_slice %arg2[%dma_start3A, %dma_start3A_2040] : memref<16384x512xf32, #tpu.memory_space<hbm>> -> memref<16384x512xf32, #tpu.memory_space<hbm>>
      tpu.enqueue_indirect_dma source(%dma_start3A_2041 : memref<16384x512xf32, #tpu.memory_space<hbm>>) target(%arg7 : memref<64x512xf32, #tpu.memory_space<vmem>>) offsets(%arg11 : memref<64xi32, #tpu.memory_space<vmem>>) semaphore(%arg14 : memref<!tpu.dma_semaphore, #tpu.memory_space<semaphore_mem>>)
    } else {
    }
    %add3A_996 = arith.constant 16 : i32
    %add3A_997 = arith.addi %add3A_996, %select_n3A_30 : i32
    %add3A_998 = arith.constant 1 : i32
    %add3A_999 = arith.addi %add3A_997, %add3A_998 : i32
    %mul3A_1000 = arith.constant 64 : i32
    %mul3A_1001 = arith.muli %add3A_999, %mul3A_1000 : i32
    %ge3A_1002 = arith.cmpi sge, %min3A, %mul3A_1001 : i32
    %convert_element_type3A_1003 = arith.extui %ge3A_1002 : i1 to i32
    %cond3A_1004 = arith.constant 0 : i32
    %cond3A_1005 = arith.cmpi ne, %convert_element_type3A_1003, %cond3A_1004 : i32
    scf.if %cond3A_1005 {
      %dma_wait3A = arith.constant 0 : i32
      %dma_wait3A_2012 = arith.constant 0 : i32
      %dma_wait3A_2013 = tpu.memref_slice %arg2[%dma_wait3A, %dma_wait3A_2012] : memref<16384x512xf32, #tpu.memory_space<hbm>> -> memref<16384x512xf32, #tpu.memory_space<hbm>>
      tpu.wait_indirect_dma semaphore(%arg14 : memref<!tpu.dma_semaphore, #tpu.memory_space<semaphore_mem>>) src(%dma_wait3A_2013 : memref<16384x512xf32, #tpu.memory_space<hbm>>) dst(%arg9 : memref<64x512xf32, #tpu.memory_space<vmem>>)
    } else {
    }
    %add3A_1006 = arith.constant 16 : i32
    %add3A_1007 = arith.addi %add3A_1006, %select_n3A_30 : i32
    %add3A_1008 = arith.constant 1 : i32
    %add3A_1009 = arith.addi %add3A_1007, %add3A_1008 : i32
    %mul3A_1010 = arith.constant 64 : i32
    %mul3A_1011 = arith.muli %add3A_1009, %mul3A_1010 : i32
    %ge3A_1012 = arith.cmpi sge, %min3A, %mul3A_1011 : i32
    %add3A_1013 = arith.constant 16 : i32
    %add3A_1014 = arith.addi %add3A_1013, %select_n3A_30 : i32
    %mul3A_1015 = arith.constant 64 : i32
    %mul3A_1016 = arith.muli %add3A_1014, %mul3A_1015 : i32
    %add3A_1017 = arith.addi %mul3A_32, %mul3A_1016 : i32
    %multiple_of3A_1018 = tpu.assume_multiple %add3A_1017, 64 : i32
    %convert_element_type3A_1019 = arith.extui %ge3A_1012 : i1 to i32
    %cond3A_1020 = arith.constant 0 : i32
    %cond3A_1021 = arith.cmpi ne, %convert_element_type3A_1019, %cond3A_1020 : i32
    scf.if %cond3A_1021 {
      %dma_start3A = arith.constant 0 : i32
      %dma_start3A_2012 = tpu.memref_slice %arg5[%multiple_of3A_1018, %dma_start3A] : memref<32768x512xf32, #tpu.memory_space<hbm>> -> memref<64x512xf32, #tpu.memory_space<hbm>>
      %dma_start3A_2013 = arith.constant 0 : i32
      %dma_start3A_2014 = tpu.memref_slice %arg5[%multiple_of3A_1018, %dma_start3A_2013] : memref<32768x512xf32, #tpu.memory_space<hbm>> -> memref<64x512xf32, #tpu.memory_space<hbm>>
      tpu.enqueue_dma source(%arg9 : memref<64x512xf32, #tpu.memory_space<vmem>>) target(%dma_start3A_2014 : memref<64x512xf32, #tpu.memory_space<hbm>>) target_semaphore(%arg15 : memref<!tpu.dma_semaphore, #tpu.memory_space<semaphore_mem>>)
    } else {
    }
    %add3A_1022 = arith.constant 14 : i32
    %add3A_1023 = arith.addi %add3A_1022, %select_n3A_30 : i32
    %add3A_1024 = arith.constant 1 : i32
    %add3A_1025 = arith.addi %add3A_1023, %add3A_1024 : i32
    %mul3A_1026 = arith.constant 64 : i32
    %mul3A_1027 = arith.muli %add3A_1025, %mul3A_1026 : i32
    %ge3A_1028 = arith.cmpi sge, %min3A, %mul3A_1027 : i32
    %add3A_1029 = arith.constant 14 : i32
    %add3A_1030 = arith.addi %add3A_1029, %select_n3A_30 : i32
    %mul3A_1031 = arith.constant 64 : i32
    %mul3A_1032 = arith.muli %add3A_1030, %mul3A_1031 : i32
    %add3A_1033 = arith.addi %mul3A_32, %mul3A_1032 : i32
    %multiple_of3A_1034 = tpu.assume_multiple %add3A_1033, 64 : i32
    %convert_element_type3A_1035 = arith.extui %ge3A_1028 : i1 to i32
    %cond3A_1036 = arith.constant 0 : i32
    %cond3A_1037 = arith.cmpi ne, %convert_element_type3A_1035, %cond3A_1036 : i32
    scf.if %cond3A_1037 {
      %dma_wait3A = arith.constant 0 : i32
      %dma_wait3A_2012 = tpu.memref_slice %arg5[%multiple_of3A_1034, %dma_wait3A] : memref<32768x512xf32, #tpu.memory_space<hbm>> -> memref<64x512xf32, #tpu.memory_space<hbm>>
      %dma_wait3A_2013 = arith.constant 0 : i32
      %dma_wait3A_2014 = tpu.memref_slice %arg5[%multiple_of3A_1034, %dma_wait3A_2013] : memref<32768x512xf32, #tpu.memory_space<hbm>> -> memref<64x512xf32, #tpu.memory_space<hbm>>
      tpu.wait_dma2 semaphore(%arg15 : memref<!tpu.dma_semaphore, #tpu.memory_space<semaphore_mem>>) src(%arg8 : memref<64x512xf32, #tpu.memory_space<vmem>>) dst(%dma_wait3A_2014 : memref<64x512xf32, #tpu.memory_space<hbm>>)
    } else {
    }
    %add3A_1038 = arith.constant 20 : i32
    %add3A_1039 = arith.addi %add3A_1038, %select_n3A_30 : i32
    %add3A_1040 = arith.constant 1 : i32
    %add3A_1041 = arith.addi %add3A_1039, %add3A_1040 : i32
    %mul3A_1042 = arith.constant 64 : i32
    %mul3A_1043 = arith.muli %add3A_1041, %mul3A_1042 : i32
    %ge3A_1044 = arith.cmpi sge, %min3A, %mul3A_1043 : i32
    %convert_element_type3A_1045 = arith.extui %ge3A_1044 : i1 to i32
    %cond3A_1046 = arith.constant 0 : i32
    %cond3A_1047 = arith.cmpi ne, %convert_element_type3A_1045, %cond3A_1046 : i32
    scf.if %cond3A_1047 {
      %add3A_2012 = arith.constant 20 : i32
      %add3A_2013 = arith.addi %add3A_2012, %select_n3A_30 : i32
      %mul3A_2014 = arith.constant 64 : i32
      %mul3A_2015 = arith.muli %add3A_2013, %mul3A_2014 : i32
      %add3A_2016 = arith.addi %reduce_sum3A_42, %mul3A_2015 : i32
      %add3A_2017 = arith.constant 0 : i32
      %add3A_2018 = arith.addi %add3A_2016, %add3A_2017 : i32
      %add3A_2019 = vector.broadcast %add3A_2018 : i32 to vector<16xi32>
      %add3A_2020 = arith.addi %add3A_2019, %iota3A : vector<16xi32>
      %swap3A = arith.constant 0 : index
      %swap3A_2021 = tpu.vector_load %arg12[%swap3A] {strides = array<i32>} : memref<64xi32, #tpu.memory_space<vmem>>, vector<16xi32>,
      tpu.vector_store %arg12[%swap3A], %add3A_2020 {strides = array<i32>} : memref<64xi32, #tpu.memory_space<vmem>>, vector<16xi32>,
      %add3A_2022 = arith.constant 16 : i32
      %add3A_2023 = arith.addi %add3A_2016, %add3A_2022 : i32
      %add3A_2024 = vector.broadcast %add3A_2023 : i32 to vector<16xi32>
      %add3A_2025 = arith.addi %add3A_2024, %iota3A : vector<16xi32>
      %swap3A_2026 = arith.constant 16 : index
      %swap3A_2027 = tpu.vector_load %arg12[%swap3A_2026] {strides = array<i32>} : memref<64xi32, #tpu.memory_space<vmem>>, vector<16xi32>,
      tpu.vector_store %arg12[%swap3A_2026], %add3A_2025 {strides = array<i32>} : memref<64xi32, #tpu.memory_space<vmem>>, vector<16xi32>,
      %add3A_2028 = arith.constant 32 : i32
      %add3A_2029 = arith.addi %add3A_2016, %add3A_2028 : i32
      %add3A_2030 = vector.broadcast %add3A_2029 : i32 to vector<16xi32>
      %add3A_2031 = arith.addi %add3A_2030, %iota3A : vector<16xi32>
      %swap3A_2032 = arith.constant 32 : index
      %swap3A_2033 = tpu.vector_load %arg12[%swap3A_2032] {strides = array<i32>} : memref<64xi32, #tpu.memory_space<vmem>>, vector<16xi32>,
      tpu.vector_store %arg12[%swap3A_2032], %add3A_2031 {strides = array<i32>} : memref<64xi32, #tpu.memory_space<vmem>>, vector<16xi32>,
      %add3A_2034 = arith.constant 48 : i32
      %add3A_2035 = arith.addi %add3A_2016, %add3A_2034 : i32
      %add3A_2036 = vector.broadcast %add3A_2035 : i32 to vector<16xi32>
      %add3A_2037 = arith.addi %add3A_2036, %iota3A : vector<16xi32>
      %swap3A_2038 = arith.constant 48 : index
      %swap3A_2039 = tpu.vector_load %arg12[%swap3A_2038] {strides = array<i32>} : memref<64xi32, #tpu.memory_space<vmem>>, vector<16xi32>,
      tpu.vector_store %arg12[%swap3A_2038], %add3A_2037 {strides = array<i32>} : memref<64xi32, #tpu.memory_space<vmem>>, vector<16xi32>,
      %dma_start3A = arith.constant 0 : i32
      %dma_start3A_2040 = arith.constant 0 : i32
      %dma_start3A_2041 = tpu.memref_slice %arg2[%dma_start3A, %dma_start3A_2040] : memref<16384x512xf32, #tpu.memory_space<hbm>> -> memref<16384x512xf32, #tpu.memory_space<hbm>>
      tpu.enqueue_indirect_dma source(%dma_start3A_2041 : memref<16384x512xf32, #tpu.memory_space<hbm>>) target(%arg8 : memref<64x512xf32, #tpu.memory_space<vmem>>) offsets(%arg12 : memref<64xi32, #tpu.memory_space<vmem>>) semaphore(%arg14 : memref<!tpu.dma_semaphore, #tpu.memory_space<semaphore_mem>>)
    } else {
    }
    %add3A_1048 = arith.constant 18 : i32
    %add3A_1049 = arith.addi %add3A_1048, %select_n3A_30 : i32
    %add3A_1050 = arith.constant 1 : i32
    %add3A_1051 = arith.addi %add3A_1049, %add3A_1050 : i32
    %mul3A_1052 = arith.constant 64 : i32
    %mul3A_1053 = arith.muli %add3A_1051, %mul3A_1052 : i32
    %ge3A_1054 = arith.cmpi sge, %min3A, %mul3A_1053 : i32
    %convert_element_type3A_1055 = arith.extui %ge3A_1054 : i1 to i32
    %cond3A_1056 = arith.constant 0 : i32
    %cond3A_1057 = arith.cmpi ne, %convert_element_type3A_1055, %cond3A_1056 : i32
    scf.if %cond3A_1057 {
      %dma_wait3A = arith.constant 0 : i32
      %dma_wait3A_2012 = arith.constant 0 : i32
      %dma_wait3A_2013 = tpu.memref_slice %arg2[%dma_wait3A, %dma_wait3A_2012] : memref<16384x512xf32, #tpu.memory_space<hbm>> -> memref<16384x512xf32, #tpu.memory_space<hbm>>
      tpu.wait_indirect_dma semaphore(%arg14 : memref<!tpu.dma_semaphore, #tpu.memory_space<semaphore_mem>>) src(%dma_wait3A_2013 : memref<16384x512xf32, #tpu.memory_space<hbm>>) dst(%arg7 : memref<64x512xf32, #tpu.memory_space<vmem>>)
    } else {
    }
    %add3A_1058 = arith.constant 18 : i32
    %add3A_1059 = arith.addi %add3A_1058, %select_n3A_30 : i32
    %add3A_1060 = arith.constant 1 : i32
    %add3A_1061 = arith.addi %add3A_1059, %add3A_1060 : i32
    %mul3A_1062 = arith.constant 64 : i32
    %mul3A_1063 = arith.muli %add3A_1061, %mul3A_1062 : i32
    %ge3A_1064 = arith.cmpi sge, %min3A, %mul3A_1063 : i32
    %add3A_1065 = arith.constant 18 : i32
    %add3A_1066 = arith.addi %add3A_1065, %select_n3A_30 : i32
    %mul3A_1067 = arith.constant 64 : i32
    %mul3A_1068 = arith.muli %add3A_1066, %mul3A_1067 : i32
    %add3A_1069 = arith.addi %mul3A_32, %mul3A_1068 : i32
    %multiple_of3A_1070 = tpu.assume_multiple %add3A_1069, 64 : i32
    %convert_element_type3A_1071 = arith.extui %ge3A_1064 : i1 to i32
    %cond3A_1072 = arith.constant 0 : i32
    %cond3A_1073 = arith.cmpi ne, %convert_element_type3A_1071, %cond3A_1072 : i32
    scf.if %cond3A_1073 {
      %dma_start3A = arith.constant 0 : i32
      %dma_start3A_2012 = tpu.memref_slice %arg5[%multiple_of3A_1070, %dma_start3A] : memref<32768x512xf32, #tpu.memory_space<hbm>> -> memref<64x512xf32, #tpu.memory_space<hbm>>
      %dma_start3A_2013 = arith.constant 0 : i32
      %dma_start3A_2014 = tpu.memref_slice %arg5[%multiple_of3A_1070, %dma_start3A_2013] : memref<32768x512xf32, #tpu.memory_space<hbm>> -> memref<64x512xf32, #tpu.memory_space<hbm>>
      tpu.enqueue_dma source(%arg7 : memref<64x512xf32, #tpu.memory_space<vmem>>) target(%dma_start3A_2014 : memref<64x512xf32, #tpu.memory_space<hbm>>) target_semaphore(%arg15 : memref<!tpu.dma_semaphore, #tpu.memory_space<semaphore_mem>>)
    } else {
    }
    %add3A_1074 = arith.constant 16 : i32
    %add3A_1075 = arith.addi %add3A_1074, %select_n3A_30 : i32
    %add3A_1076 = arith.constant 1 : i32
    %add3A_1077 = arith.addi %add3A_1075, %add3A_1076 : i32
    %mul3A_1078 = arith.constant 64 : i32
    %mul3A_1079 = arith.muli %add3A_1077, %mul3A_1078 : i32
    %ge3A_1080 = arith.cmpi sge, %min3A, %mul3A_1079 : i32
    %add3A_1081 = arith.constant 16 : i32
    %add3A_1082 = arith.addi %add3A_1081, %select_n3A_30 : i32
    %mul3A_1083 = arith.constant 64 : i32
    %mul3A_1084 = arith.muli %add3A_1082, %mul3A_1083 : i32
    %add3A_1085 = arith.addi %mul3A_32, %mul3A_1084 : i32
    %multiple_of3A_1086 = tpu.assume_multiple %add3A_1085, 64 : i32
    %convert_element_type3A_1087 = arith.extui %ge3A_1080 : i1 to i32
    %cond3A_1088 = arith.constant 0 : i32
    %cond3A_1089 = arith.cmpi ne, %convert_element_type3A_1087, %cond3A_1088 : i32
    scf.if %cond3A_1089 {
      %dma_wait3A = arith.constant 0 : i32
      %dma_wait3A_2012 = tpu.memref_slice %arg5[%multiple_of3A_1086, %dma_wait3A] : memref<32768x512xf32, #tpu.memory_space<hbm>> -> memref<64x512xf32, #tpu.memory_space<hbm>>
      %dma_wait3A_2013 = arith.constant 0 : i32
      %dma_wait3A_2014 = tpu.memref_slice %arg5[%multiple_of3A_1086, %dma_wait3A_2013] : memref<32768x512xf32, #tpu.memory_space<hbm>> -> memref<64x512xf32, #tpu.memory_space<hbm>>
      tpu.wait_dma2 semaphore(%arg15 : memref<!tpu.dma_semaphore, #tpu.memory_space<semaphore_mem>>) src(%arg9 : memref<64x512xf32, #tpu.memory_space<vmem>>) dst(%dma_wait3A_2014 : memref<64x512xf32, #tpu.memory_space<hbm>>)
    } else {
    }
    %add3A_1090 = arith.constant 22 : i32
    %add3A_1091 = arith.addi %add3A_1090, %select_n3A_30 : i32
    %add3A_1092 = arith.constant 1 : i32
    %add3A_1093 = arith.addi %add3A_1091, %add3A_1092 : i32
    %mul3A_1094 = arith.constant 64 : i32
    %mul3A_1095 = arith.muli %add3A_1093, %mul3A_1094 : i32
    %ge3A_1096 = arith.cmpi sge, %min3A, %mul3A_1095 : i32
    %convert_element_type3A_1097 = arith.extui %ge3A_1096 : i1 to i32
    %cond3A_1098 = arith.constant 0 : i32
    %cond3A_1099 = arith.cmpi ne, %convert_element_type3A_1097, %cond3A_1098 : i32
    scf.if %cond3A_1099 {
      %add3A_2012 = arith.constant 22 : i32
      %add3A_2013 = arith.addi %add3A_2012, %select_n3A_30 : i32
      %mul3A_2014 = arith.constant 64 : i32
      %mul3A_2015 = arith.muli %add3A_2013, %mul3A_2014 : i32
      %add3A_2016 = arith.addi %reduce_sum3A_42, %mul3A_2015 : i32
      %add3A_2017 = arith.constant 0 : i32
      %add3A_2018 = arith.addi %add3A_2016, %add3A_2017 : i32
      %add3A_2019 = vector.broadcast %add3A_2018 : i32 to vector<16xi32>
      %add3A_2020 = arith.addi %add3A_2019, %iota3A : vector<16xi32>
      %swap3A = arith.constant 0 : index
      %swap3A_2021 = tpu.vector_load %arg13[%swap3A] {strides = array<i32>} : memref<64xi32, #tpu.memory_space<vmem>>, vector<16xi32>,
      tpu.vector_store %arg13[%swap3A], %add3A_2020 {strides = array<i32>} : memref<64xi32, #tpu.memory_space<vmem>>, vector<16xi32>,
      %add3A_2022 = arith.constant 16 : i32
      %add3A_2023 = arith.addi %add3A_2016, %add3A_2022 : i32
      %add3A_2024 = vector.broadcast %add3A_2023 : i32 to vector<16xi32>
      %add3A_2025 = arith.addi %add3A_2024, %iota3A : vector<16xi32>
      %swap3A_2026 = arith.constant 16 : index
      %swap3A_2027 = tpu.vector_load %arg13[%swap3A_2026] {strides = array<i32>} : memref<64xi32, #tpu.memory_space<vmem>>, vector<16xi32>,
      tpu.vector_store %arg13[%swap3A_2026], %add3A_2025 {strides = array<i32>} : memref<64xi32, #tpu.memory_space<vmem>>, vector<16xi32>,
      %add3A_2028 = arith.constant 32 : i32
      %add3A_2029 = arith.addi %add3A_2016, %add3A_2028 : i32
      %add3A_2030 = vector.broadcast %add3A_2029 : i32 to vector<16xi32>
      %add3A_2031 = arith.addi %add3A_2030, %iota3A : vector<16xi32>
      %swap3A_2032 = arith.constant 32 : index
      %swap3A_2033 = tpu.vector_load %arg13[%swap3A_2032] {strides = array<i32>} : memref<64xi32, #tpu.memory_space<vmem>>, vector<16xi32>,
      tpu.vector_store %arg13[%swap3A_2032], %add3A_2031 {strides = array<i32>} : memref<64xi32, #tpu.memory_space<vmem>>, vector<16xi32>,
      %add3A_2034 = arith.constant 48 : i32
      %add3A_2035 = arith.addi %add3A_2016, %add3A_2034 : i32
      %add3A_2036 = vector.broadcast %add3A_2035 : i32 to vector<16xi32>
      %add3A_2037 = arith.addi %add3A_2036, %iota3A : vector<16xi32>
      %swap3A_2038 = arith.constant 48 : index
      %swap3A_2039 = tpu.vector_load %arg13[%swap3A_2038] {strides = array<i32>} : memref<64xi32, #tpu.memory_space<vmem>>, vector<16xi32>,
      tpu.vector_store %arg13[%swap3A_2038], %add3A_2037 {strides = array<i32>} : memref<64xi32, #tpu.memory_space<vmem>>, vector<16xi32>,
      %dma_start3A = arith.constant 0 : i32
      %dma_start3A_2040 = arith.constant 0 : i32
      %dma_start3A_2041 = tpu.memref_slice %arg2[%dma_start3A, %dma_start3A_2040] : memref<16384x512xf32, #tpu.memory_space<hbm>> -> memref<16384x512xf32, #tpu.memory_space<hbm>>
      tpu.enqueue_indirect_dma source(%dma_start3A_2041 : memref<16384x512xf32, #tpu.memory_space<hbm>>) target(%arg9 : memref<64x512xf32, #tpu.memory_space<vmem>>) offsets(%arg13 : memref<64xi32, #tpu.memory_space<vmem>>) semaphore(%arg14 : memref<!tpu.dma_semaphore, #tpu.memory_space<semaphore_mem>>)
    } else {
    }
    %add3A_1100 = arith.constant 20 : i32
    %add3A_1101 = arith.addi %add3A_1100, %select_n3A_30 : i32
    %add3A_1102 = arith.constant 1 : i32
    %add3A_1103 = arith.addi %add3A_1101, %add3A_1102 : i32
    %mul3A_1104 = arith.constant 64 : i32
    %mul3A_1105 = arith.muli %add3A_1103, %mul3A_1104 : i32
    %ge3A_1106 = arith.cmpi sge, %min3A, %mul3A_1105 : i32
    %convert_element_type3A_1107 = arith.extui %ge3A_1106 : i1 to i32
    %cond3A_1108 = arith.constant 0 : i32
    %cond3A_1109 = arith.cmpi ne, %convert_element_type3A_1107, %cond3A_1108 : i32
    scf.if %cond3A_1109 {
      %dma_wait3A = arith.constant 0 : i32
      %dma_wait3A_2012 = arith.constant 0 : i32
      %dma_wait3A_2013 = tpu.memref_slice %arg2[%dma_wait3A, %dma_wait3A_2012] : memref<16384x512xf32, #tpu.memory_space<hbm>> -> memref<16384x512xf32, #tpu.memory_space<hbm>>
      tpu.wait_indirect_dma semaphore(%arg14 : memref<!tpu.dma_semaphore, #tpu.memory_space<semaphore_mem>>) src(%dma_wait3A_2013 : memref<16384x512xf32, #tpu.memory_space<hbm>>) dst(%arg8 : memref<64x512xf32, #tpu.memory_space<vmem>>)
    } else {
    }
    %add3A_1110 = arith.constant 20 : i32
    %add3A_1111 = arith.addi %add3A_1110, %select_n3A_30 : i32
    %add3A_1112 = arith.constant 1 : i32
    %add3A_1113 = arith.addi %add3A_1111, %add3A_1112 : i32
    %mul3A_1114 = arith.constant 64 : i32
    %mul3A_1115 = arith.muli %add3A_1113, %mul3A_1114 : i32
    %ge3A_1116 = arith.cmpi sge, %min3A, %mul3A_1115 : i32
    %add3A_1117 = arith.constant 20 : i32
    %add3A_1118 = arith.addi %add3A_1117, %select_n3A_30 : i32
    %mul3A_1119 = arith.constant 64 : i32
    %mul3A_1120 = arith.muli %add3A_1118, %mul3A_1119 : i32
    %add3A_1121 = arith.addi %mul3A_32, %mul3A_1120 : i32
    %multiple_of3A_1122 = tpu.assume_multiple %add3A_1121, 64 : i32
    %convert_element_type3A_1123 = arith.extui %ge3A_1116 : i1 to i32
    %cond3A_1124 = arith.constant 0 : i32
    %cond3A_1125 = arith.cmpi ne, %convert_element_type3A_1123, %cond3A_1124 : i32
    scf.if %cond3A_1125 {
      %dma_start3A = arith.constant 0 : i32
      %dma_start3A_2012 = tpu.memref_slice %arg5[%multiple_of3A_1122, %dma_start3A] : memref<32768x512xf32, #tpu.memory_space<hbm>> -> memref<64x512xf32, #tpu.memory_space<hbm>>
      %dma_start3A_2013 = arith.constant 0 : i32
      %dma_start3A_2014 = tpu.memref_slice %arg5[%multiple_of3A_1122, %dma_start3A_2013] : memref<32768x512xf32, #tpu.memory_space<hbm>> -> memref<64x512xf32, #tpu.memory_space<hbm>>
      tpu.enqueue_dma source(%arg8 : memref<64x512xf32, #tpu.memory_space<vmem>>) target(%dma_start3A_2014 : memref<64x512xf32, #tpu.memory_space<hbm>>) target_semaphore(%arg15 : memref<!tpu.dma_semaphore, #tpu.memory_space<semaphore_mem>>)
    } else {
    }
    %add3A_1126 = arith.constant 18 : i32
    %add3A_1127 = arith.addi %add3A_1126, %select_n3A_30 : i32
    %add3A_1128 = arith.constant 1 : i32
    %add3A_1129 = arith.addi %add3A_1127, %add3A_1128 : i32
    %mul3A_1130 = arith.constant 64 : i32
    %mul3A_1131 = arith.muli %add3A_1129, %mul3A_1130 : i32
    %ge3A_1132 = arith.cmpi sge, %min3A, %mul3A_1131 : i32
    %add3A_1133 = arith.constant 18 : i32
    %add3A_1134 = arith.addi %add3A_1133, %select_n3A_30 : i32
    %mul3A_1135 = arith.constant 64 : i32
    %mul3A_1136 = arith.muli %add3A_1134, %mul3A_1135 : i32
    %add3A_1137 = arith.addi %mul3A_32, %mul3A_1136 : i32
    %multiple_of3A_1138 = tpu.assume_multiple %add3A_1137, 64 : i32
    %convert_element_type3A_1139 = arith.extui %ge3A_1132 : i1 to i32
    %cond3A_1140 = arith.constant 0 : i32
    %cond3A_1141 = arith.cmpi ne, %convert_element_type3A_1139, %cond3A_1140 : i32
    scf.if %cond3A_1141 {
      %dma_wait3A = arith.constant 0 : i32
      %dma_wait3A_2012 = tpu.memref_slice %arg5[%multiple_of3A_1138, %dma_wait3A] : memref<32768x512xf32, #tpu.memory_space<hbm>> -> memref<64x512xf32, #tpu.memory_space<hbm>>
      %dma_wait3A_2013 = arith.constant 0 : i32
      %dma_wait3A_2014 = tpu.memref_slice %arg5[%multiple_of3A_1138, %dma_wait3A_2013] : memref<32768x512xf32, #tpu.memory_space<hbm>> -> memref<64x512xf32, #tpu.memory_space<hbm>>
      tpu.wait_dma2 semaphore(%arg15 : memref<!tpu.dma_semaphore, #tpu.memory_space<semaphore_mem>>) src(%arg7 : memref<64x512xf32, #tpu.memory_space<vmem>>) dst(%dma_wait3A_2014 : memref<64x512xf32, #tpu.memory_space<hbm>>)
    } else {
    }
    %add3A_1142 = arith.constant 24 : i32
    %add3A_1143 = arith.addi %add3A_1142, %select_n3A_30 : i32
    %add3A_1144 = arith.constant 1 : i32
    %add3A_1145 = arith.addi %add3A_1143, %add3A_1144 : i32
    %mul3A_1146 = arith.constant 64 : i32
    %mul3A_1147 = arith.muli %add3A_1145, %mul3A_1146 : i32
    %ge3A_1148 = arith.cmpi sge, %min3A, %mul3A_1147 : i32
    %convert_element_type3A_1149 = arith.extui %ge3A_1148 : i1 to i32
    %cond3A_1150 = arith.constant 0 : i32
    %cond3A_1151 = arith.cmpi ne, %convert_element_type3A_1149, %cond3A_1150 : i32
    scf.if %cond3A_1151 {
      %add3A_2012 = arith.constant 24 : i32
      %add3A_2013 = arith.addi %add3A_2012, %select_n3A_30 : i32
      %mul3A_2014 = arith.constant 64 : i32
      %mul3A_2015 = arith.muli %add3A_2013, %mul3A_2014 : i32
      %add3A_2016 = arith.addi %reduce_sum3A_42, %mul3A_2015 : i32
      %add3A_2017 = arith.constant 0 : i32
      %add3A_2018 = arith.addi %add3A_2016, %add3A_2017 : i32
      %add3A_2019 = vector.broadcast %add3A_2018 : i32 to vector<16xi32>
      %add3A_2020 = arith.addi %add3A_2019, %iota3A : vector<16xi32>
      %swap3A = arith.constant 0 : index
      %swap3A_2021 = tpu.vector_load %arg11[%swap3A] {strides = array<i32>} : memref<64xi32, #tpu.memory_space<vmem>>, vector<16xi32>,
      tpu.vector_store %arg11[%swap3A], %add3A_2020 {strides = array<i32>} : memref<64xi32, #tpu.memory_space<vmem>>, vector<16xi32>,
      %add3A_2022 = arith.constant 16 : i32
      %add3A_2023 = arith.addi %add3A_2016, %add3A_2022 : i32
      %add3A_2024 = vector.broadcast %add3A_2023 : i32 to vector<16xi32>
      %add3A_2025 = arith.addi %add3A_2024, %iota3A : vector<16xi32>
      %swap3A_2026 = arith.constant 16 : index
      %swap3A_2027 = tpu.vector_load %arg11[%swap3A_2026] {strides = array<i32>} : memref<64xi32, #tpu.memory_space<vmem>>, vector<16xi32>,
      tpu.vector_store %arg11[%swap3A_2026], %add3A_2025 {strides = array<i32>} : memref<64xi32, #tpu.memory_space<vmem>>, vector<16xi32>,
      %add3A_2028 = arith.constant 32 : i32
      %add3A_2029 = arith.addi %add3A_2016, %add3A_2028 : i32
      %add3A_2030 = vector.broadcast %add3A_2029 : i32 to vector<16xi32>
      %add3A_2031 = arith.addi %add3A_2030, %iota3A : vector<16xi32>
      %swap3A_2032 = arith.constant 32 : index
      %swap3A_2033 = tpu.vector_load %arg11[%swap3A_2032] {strides = array<i32>} : memref<64xi32, #tpu.memory_space<vmem>>, vector<16xi32>,
      tpu.vector_store %arg11[%swap3A_2032], %add3A_2031 {strides = array<i32>} : memref<64xi32, #tpu.memory_space<vmem>>, vector<16xi32>,
      %add3A_2034 = arith.constant 48 : i32
      %add3A_2035 = arith.addi %add3A_2016, %add3A_2034 : i32
      %add3A_2036 = vector.broadcast %add3A_2035 : i32 to vector<16xi32>
      %add3A_2037 = arith.addi %add3A_2036, %iota3A : vector<16xi32>
      %swap3A_2038 = arith.constant 48 : index
      %swap3A_2039 = tpu.vector_load %arg11[%swap3A_2038] {strides = array<i32>} : memref<64xi32, #tpu.memory_space<vmem>>, vector<16xi32>,
      tpu.vector_store %arg11[%swap3A_2038], %add3A_2037 {strides = array<i32>} : memref<64xi32, #tpu.memory_space<vmem>>, vector<16xi32>,
      %dma_start3A = arith.constant 0 : i32
      %dma_start3A_2040 = arith.constant 0 : i32
      %dma_start3A_2041 = tpu.memref_slice %arg2[%dma_start3A, %dma_start3A_2040] : memref<16384x512xf32, #tpu.memory_space<hbm>> -> memref<16384x512xf32, #tpu.memory_space<hbm>>
      tpu.enqueue_indirect_dma source(%dma_start3A_2041 : memref<16384x512xf32, #tpu.memory_space<hbm>>) target(%arg7 : memref<64x512xf32, #tpu.memory_space<vmem>>) offsets(%arg11 : memref<64xi32, #tpu.memory_space<vmem>>) semaphore(%arg14 : memref<!tpu.dma_semaphore, #tpu.memory_space<semaphore_mem>>)
    } else {
    }
    %add3A_1152 = arith.constant 22 : i32
    %add3A_1153 = arith.addi %add3A_1152, %select_n3A_30 : i32
    %add3A_1154 = arith.constant 1 : i32
    %add3A_1155 = arith.addi %add3A_1153, %add3A_1154 : i32
    %mul3A_1156 = arith.constant 64 : i32
    %mul3A_1157 = arith.muli %add3A_1155, %mul3A_1156 : i32
    %ge3A_1158 = arith.cmpi sge, %min3A, %mul3A_1157 : i32
    %convert_element_type3A_1159 = arith.extui %ge3A_1158 : i1 to i32
    %cond3A_1160 = arith.constant 0 : i32
    %cond3A_1161 = arith.cmpi ne, %convert_element_type3A_1159, %cond3A_1160 : i32
    scf.if %cond3A_1161 {
      %dma_wait3A = arith.constant 0 : i32
      %dma_wait3A_2012 = arith.constant 0 : i32
      %dma_wait3A_2013 = tpu.memref_slice %arg2[%dma_wait3A, %dma_wait3A_2012] : memref<16384x512xf32, #tpu.memory_space<hbm>> -> memref<16384x512xf32, #tpu.memory_space<hbm>>
      tpu.wait_indirect_dma semaphore(%arg14 : memref<!tpu.dma_semaphore, #tpu.memory_space<semaphore_mem>>) src(%dma_wait3A_2013 : memref<16384x512xf32, #tpu.memory_space<hbm>>) dst(%arg9 : memref<64x512xf32, #tpu.memory_space<vmem>>)
    } else {
    }
    %add3A_1162 = arith.constant 22 : i32
    %add3A_1163 = arith.addi %add3A_1162, %select_n3A_30 : i32
    %add3A_1164 = arith.constant 1 : i32
    %add3A_1165 = arith.addi %add3A_1163, %add3A_1164 : i32
    %mul3A_1166 = arith.constant 64 : i32
    %mul3A_1167 = arith.muli %add3A_1165, %mul3A_1166 : i32
    %ge3A_1168 = arith.cmpi sge, %min3A, %mul3A_1167 : i32
    %add3A_1169 = arith.constant 22 : i32
    %add3A_1170 = arith.addi %add3A_1169, %select_n3A_30 : i32
    %mul3A_1171 = arith.constant 64 : i32
    %mul3A_1172 = arith.muli %add3A_1170, %mul3A_1171 : i32
    %add3A_1173 = arith.addi %mul3A_32, %mul3A_1172 : i32
    %multiple_of3A_1174 = tpu.assume_multiple %add3A_1173, 64 : i32
    %convert_element_type3A_1175 = arith.extui %ge3A_1168 : i1 to i32
    %cond3A_1176 = arith.constant 0 : i32
    %cond3A_1177 = arith.cmpi ne, %convert_element_type3A_1175, %cond3A_1176 : i32
    scf.if %cond3A_1177 {
      %dma_start3A = arith.constant 0 : i32
      %dma_start3A_2012 = tpu.memref_slice %arg5[%multiple_of3A_1174, %dma_start3A] : memref<32768x512xf32, #tpu.memory_space<hbm>> -> memref<64x512xf32, #tpu.memory_space<hbm>>
      %dma_start3A_2013 = arith.constant 0 : i32
      %dma_start3A_2014 = tpu.memref_slice %arg5[%multiple_of3A_1174, %dma_start3A_2013] : memref<32768x512xf32, #tpu.memory_space<hbm>> -> memref<64x512xf32, #tpu.memory_space<hbm>>
      tpu.enqueue_dma source(%arg9 : memref<64x512xf32, #tpu.memory_space<vmem>>) target(%dma_start3A_2014 : memref<64x512xf32, #tpu.memory_space<hbm>>) target_semaphore(%arg15 : memref<!tpu.dma_semaphore, #tpu.memory_space<semaphore_mem>>)
    } else {
    }
    %add3A_1178 = arith.constant 20 : i32
    %add3A_1179 = arith.addi %add3A_1178, %select_n3A_30 : i32
    %add3A_1180 = arith.constant 1 : i32
    %add3A_1181 = arith.addi %add3A_1179, %add3A_1180 : i32
    %mul3A_1182 = arith.constant 64 : i32
    %mul3A_1183 = arith.muli %add3A_1181, %mul3A_1182 : i32
    %ge3A_1184 = arith.cmpi sge, %min3A, %mul3A_1183 : i32
    %add3A_1185 = arith.constant 20 : i32
    %add3A_1186 = arith.addi %add3A_1185, %select_n3A_30 : i32
    %mul3A_1187 = arith.constant 64 : i32
    %mul3A_1188 = arith.muli %add3A_1186, %mul3A_1187 : i32
    %add3A_1189 = arith.addi %mul3A_32, %mul3A_1188 : i32
    %multiple_of3A_1190 = tpu.assume_multiple %add3A_1189, 64 : i32
    %convert_element_type3A_1191 = arith.extui %ge3A_1184 : i1 to i32
    %cond3A_1192 = arith.constant 0 : i32
    %cond3A_1193 = arith.cmpi ne, %convert_element_type3A_1191, %cond3A_1192 : i32
    scf.if %cond3A_1193 {
      %dma_wait3A = arith.constant 0 : i32
      %dma_wait3A_2012 = tpu.memref_slice %arg5[%multiple_of3A_1190, %dma_wait3A] : memref<32768x512xf32, #tpu.memory_space<hbm>> -> memref<64x512xf32, #tpu.memory_space<hbm>>
      %dma_wait3A_2013 = arith.constant 0 : i32
      %dma_wait3A_2014 = tpu.memref_slice %arg5[%multiple_of3A_1190, %dma_wait3A_2013] : memref<32768x512xf32, #tpu.memory_space<hbm>> -> memref<64x512xf32, #tpu.memory_space<hbm>>
      tpu.wait_dma2 semaphore(%arg15 : memref<!tpu.dma_semaphore, #tpu.memory_space<semaphore_mem>>) src(%arg8 : memref<64x512xf32, #tpu.memory_space<vmem>>) dst(%dma_wait3A_2014 : memref<64x512xf32, #tpu.memory_space<hbm>>)
    } else {
    }
    %add3A_1194 = arith.constant 26 : i32
    %add3A_1195 = arith.addi %add3A_1194, %select_n3A_30 : i32
    %add3A_1196 = arith.constant 1 : i32
    %add3A_1197 = arith.addi %add3A_1195, %add3A_1196 : i32
    %mul3A_1198 = arith.constant 64 : i32
    %mul3A_1199 = arith.muli %add3A_1197, %mul3A_1198 : i32
    %ge3A_1200 = arith.cmpi sge, %min3A, %mul3A_1199 : i32
    %convert_element_type3A_1201 = arith.extui %ge3A_1200 : i1 to i32
    %cond3A_1202 = arith.constant 0 : i32
    %cond3A_1203 = arith.cmpi ne, %convert_element_type3A_1201, %cond3A_1202 : i32
    scf.if %cond3A_1203 {
      %add3A_2012 = arith.constant 26 : i32
      %add3A_2013 = arith.addi %add3A_2012, %select_n3A_30 : i32
      %mul3A_2014 = arith.constant 64 : i32
      %mul3A_2015 = arith.muli %add3A_2013, %mul3A_2014 : i32
      %add3A_2016 = arith.addi %reduce_sum3A_42, %mul3A_2015 : i32
      %add3A_2017 = arith.constant 0 : i32
      %add3A_2018 = arith.addi %add3A_2016, %add3A_2017 : i32
      %add3A_2019 = vector.broadcast %add3A_2018 : i32 to vector<16xi32>
      %add3A_2020 = arith.addi %add3A_2019, %iota3A : vector<16xi32>
      %swap3A = arith.constant 0 : index
      %swap3A_2021 = tpu.vector_load %arg12[%swap3A] {strides = array<i32>} : memref<64xi32, #tpu.memory_space<vmem>>, vector<16xi32>,
      tpu.vector_store %arg12[%swap3A], %add3A_2020 {strides = array<i32>} : memref<64xi32, #tpu.memory_space<vmem>>, vector<16xi32>,
      %add3A_2022 = arith.constant 16 : i32
      %add3A_2023 = arith.addi %add3A_2016, %add3A_2022 : i32
      %add3A_2024 = vector.broadcast %add3A_2023 : i32 to vector<16xi32>
      %add3A_2025 = arith.addi %add3A_2024, %iota3A : vector<16xi32>
      %swap3A_2026 = arith.constant 16 : index
      %swap3A_2027 = tpu.vector_load %arg12[%swap3A_2026] {strides = array<i32>} : memref<64xi32, #tpu.memory_space<vmem>>, vector<16xi32>,
      tpu.vector_store %arg12[%swap3A_2026], %add3A_2025 {strides = array<i32>} : memref<64xi32, #tpu.memory_space<vmem>>, vector<16xi32>,
      %add3A_2028 = arith.constant 32 : i32
      %add3A_2029 = arith.addi %add3A_2016, %add3A_2028 : i32
      %add3A_2030 = vector.broadcast %add3A_2029 : i32 to vector<16xi32>
      %add3A_2031 = arith.addi %add3A_2030, %iota3A : vector<16xi32>
      %swap3A_2032 = arith.constant 32 : index
      %swap3A_2033 = tpu.vector_load %arg12[%swap3A_2032] {strides = array<i32>} : memref<64xi32, #tpu.memory_space<vmem>>, vector<16xi32>,
      tpu.vector_store %arg12[%swap3A_2032], %add3A_2031 {strides = array<i32>} : memref<64xi32, #tpu.memory_space<vmem>>, vector<16xi32>,
      %add3A_2034 = arith.constant 48 : i32
      %add3A_2035 = arith.addi %add3A_2016, %add3A_2034 : i32
      %add3A_2036 = vector.broadcast %add3A_2035 : i32 to vector<16xi32>
      %add3A_2037 = arith.addi %add3A_2036, %iota3A : vector<16xi32>
      %swap3A_2038 = arith.constant 48 : index
      %swap3A_2039 = tpu.vector_load %arg12[%swap3A_2038] {strides = array<i32>} : memref<64xi32, #tpu.memory_space<vmem>>, vector<16xi32>,
      tpu.vector_store %arg12[%swap3A_2038], %add3A_2037 {strides = array<i32>} : memref<64xi32, #tpu.memory_space<vmem>>, vector<16xi32>,
      %dma_start3A = arith.constant 0 : i32
      %dma_start3A_2040 = arith.constant 0 : i32
      %dma_start3A_2041 = tpu.memref_slice %arg2[%dma_start3A, %dma_start3A_2040] : memref<16384x512xf32, #tpu.memory_space<hbm>> -> memref<16384x512xf32, #tpu.memory_space<hbm>>
      tpu.enqueue_indirect_dma source(%dma_start3A_2041 : memref<16384x512xf32, #tpu.memory_space<hbm>>) target(%arg8 : memref<64x512xf32, #tpu.memory_space<vmem>>) offsets(%arg12 : memref<64xi32, #tpu.memory_space<vmem>>) semaphore(%arg14 : memref<!tpu.dma_semaphore, #tpu.memory_space<semaphore_mem>>)
    } else {
    }
    %add3A_1204 = arith.constant 24 : i32
    %add3A_1205 = arith.addi %add3A_1204, %select_n3A_30 : i32
    %add3A_1206 = arith.constant 1 : i32
    %add3A_1207 = arith.addi %add3A_1205, %add3A_1206 : i32
    %mul3A_1208 = arith.constant 64 : i32
    %mul3A_1209 = arith.muli %add3A_1207, %mul3A_1208 : i32
    %ge3A_1210 = arith.cmpi sge, %min3A, %mul3A_1209 : i32
    %convert_element_type3A_1211 = arith.extui %ge3A_1210 : i1 to i32
    %cond3A_1212 = arith.constant 0 : i32
    %cond3A_1213 = arith.cmpi ne, %convert_element_type3A_1211, %cond3A_1212 : i32
    scf.if %cond3A_1213 {
      %dma_wait3A = arith.constant 0 : i32
      %dma_wait3A_2012 = arith.constant 0 : i32
      %dma_wait3A_2013 = tpu.memref_slice %arg2[%dma_wait3A, %dma_wait3A_2012] : memref<16384x512xf32, #tpu.memory_space<hbm>> -> memref<16384x512xf32, #tpu.memory_space<hbm>>
      tpu.wait_indirect_dma semaphore(%arg14 : memref<!tpu.dma_semaphore, #tpu.memory_space<semaphore_mem>>) src(%dma_wait3A_2013 : memref<16384x512xf32, #tpu.memory_space<hbm>>) dst(%arg7 : memref<64x512xf32, #tpu.memory_space<vmem>>)
    } else {
    }
    %add3A_1214 = arith.constant 24 : i32
    %add3A_1215 = arith.addi %add3A_1214, %select_n3A_30 : i32
    %add3A_1216 = arith.constant 1 : i32
    %add3A_1217 = arith.addi %add3A_1215, %add3A_1216 : i32
    %mul3A_1218 = arith.constant 64 : i32
    %mul3A_1219 = arith.muli %add3A_1217, %mul3A_1218 : i32
    %ge3A_1220 = arith.cmpi sge, %min3A, %mul3A_1219 : i32
    %add3A_1221 = arith.constant 24 : i32
    %add3A_1222 = arith.addi %add3A_1221, %select_n3A_30 : i32
    %mul3A_1223 = arith.constant 64 : i32
    %mul3A_1224 = arith.muli %add3A_1222, %mul3A_1223 : i32
    %add3A_1225 = arith.addi %mul3A_32, %mul3A_1224 : i32
    %multiple_of3A_1226 = tpu.assume_multiple %add3A_1225, 64 : i32
    %convert_element_type3A_1227 = arith.extui %ge3A_1220 : i1 to i32
    %cond3A_1228 = arith.constant 0 : i32
    %cond3A_1229 = arith.cmpi ne, %convert_element_type3A_1227, %cond3A_1228 : i32
    scf.if %cond3A_1229 {
      %dma_start3A = arith.constant 0 : i32
      %dma_start3A_2012 = tpu.memref_slice %arg5[%multiple_of3A_1226, %dma_start3A] : memref<32768x512xf32, #tpu.memory_space<hbm>> -> memref<64x512xf32, #tpu.memory_space<hbm>>
      %dma_start3A_2013 = arith.constant 0 : i32
      %dma_start3A_2014 = tpu.memref_slice %arg5[%multiple_of3A_1226, %dma_start3A_2013] : memref<32768x512xf32, #tpu.memory_space<hbm>> -> memref<64x512xf32, #tpu.memory_space<hbm>>
      tpu.enqueue_dma source(%arg7 : memref<64x512xf32, #tpu.memory_space<vmem>>) target(%dma_start3A_2014 : memref<64x512xf32, #tpu.memory_space<hbm>>) target_semaphore(%arg15 : memref<!tpu.dma_semaphore, #tpu.memory_space<semaphore_mem>>)
    } else {
    }
    %add3A_1230 = arith.constant 22 : i32
    %add3A_1231 = arith.addi %add3A_1230, %select_n3A_30 : i32
    %add3A_1232 = arith.constant 1 : i32
    %add3A_1233 = arith.addi %add3A_1231, %add3A_1232 : i32
    %mul3A_1234 = arith.constant 64 : i32
    %mul3A_1235 = arith.muli %add3A_1233, %mul3A_1234 : i32
    %ge3A_1236 = arith.cmpi sge, %min3A, %mul3A_1235 : i32
    %add3A_1237 = arith.constant 22 : i32
    %add3A_1238 = arith.addi %add3A_1237, %select_n3A_30 : i32
    %mul3A_1239 = arith.constant 64 : i32
    %mul3A_1240 = arith.muli %add3A_1238, %mul3A_1239 : i32
    %add3A_1241 = arith.addi %mul3A_32, %mul3A_1240 : i32
    %multiple_of3A_1242 = tpu.assume_multiple %add3A_1241, 64 : i32
    %convert_element_type3A_1243 = arith.extui %ge3A_1236 : i1 to i32
    %cond3A_1244 = arith.constant 0 : i32
    %cond3A_1245 = arith.cmpi ne, %convert_element_type3A_1243, %cond3A_1244 : i32
    scf.if %cond3A_1245 {
      %dma_wait3A = arith.constant 0 : i32
      %dma_wait3A_2012 = tpu.memref_slice %arg5[%multiple_of3A_1242, %dma_wait3A] : memref<32768x512xf32, #tpu.memory_space<hbm>> -> memref<64x512xf32, #tpu.memory_space<hbm>>
      %dma_wait3A_2013 = arith.constant 0 : i32
      %dma_wait3A_2014 = tpu.memref_slice %arg5[%multiple_of3A_1242, %dma_wait3A_2013] : memref<32768x512xf32, #tpu.memory_space<hbm>> -> memref<64x512xf32, #tpu.memory_space<hbm>>
      tpu.wait_dma2 semaphore(%arg15 : memref<!tpu.dma_semaphore, #tpu.memory_space<semaphore_mem>>) src(%arg9 : memref<64x512xf32, #tpu.memory_space<vmem>>) dst(%dma_wait3A_2014 : memref<64x512xf32, #tpu.memory_space<hbm>>)
    } else {
    }
    %add3A_1246 = arith.constant 28 : i32
    %add3A_1247 = arith.addi %add3A_1246, %select_n3A_30 : i32
    %add3A_1248 = arith.constant 1 : i32
    %add3A_1249 = arith.addi %add3A_1247, %add3A_1248 : i32
    %mul3A_1250 = arith.constant 64 : i32
    %mul3A_1251 = arith.muli %add3A_1249, %mul3A_1250 : i32
    %ge3A_1252 = arith.cmpi sge, %min3A, %mul3A_1251 : i32
    %convert_element_type3A_1253 = arith.extui %ge3A_1252 : i1 to i32
    %cond3A_1254 = arith.constant 0 : i32
    %cond3A_1255 = arith.cmpi ne, %convert_element_type3A_1253, %cond3A_1254 : i32
    scf.if %cond3A_1255 {
      %add3A_2012 = arith.constant 28 : i32
      %add3A_2013 = arith.addi %add3A_2012, %select_n3A_30 : i32
      %mul3A_2014 = arith.constant 64 : i32
      %mul3A_2015 = arith.muli %add3A_2013, %mul3A_2014 : i32
      %add3A_2016 = arith.addi %reduce_sum3A_42, %mul3A_2015 : i32
      %add3A_2017 = arith.constant 0 : i32
      %add3A_2018 = arith.addi %add3A_2016, %add3A_2017 : i32
      %add3A_2019 = vector.broadcast %add3A_2018 : i32 to vector<16xi32>
      %add3A_2020 = arith.addi %add3A_2019, %iota3A : vector<16xi32>
      %swap3A = arith.constant 0 : index
      %swap3A_2021 = tpu.vector_load %arg13[%swap3A] {strides = array<i32>} : memref<64xi32, #tpu.memory_space<vmem>>, vector<16xi32>,
      tpu.vector_store %arg13[%swap3A], %add3A_2020 {strides = array<i32>} : memref<64xi32, #tpu.memory_space<vmem>>, vector<16xi32>,
      %add3A_2022 = arith.constant 16 : i32
      %add3A_2023 = arith.addi %add3A_2016, %add3A_2022 : i32
      %add3A_2024 = vector.broadcast %add3A_2023 : i32 to vector<16xi32>
      %add3A_2025 = arith.addi %add3A_2024, %iota3A : vector<16xi32>
      %swap3A_2026 = arith.constant 16 : index
      %swap3A_2027 = tpu.vector_load %arg13[%swap3A_2026] {strides = array<i32>} : memref<64xi32, #tpu.memory_space<vmem>>, vector<16xi32>,
      tpu.vector_store %arg13[%swap3A_2026], %add3A_2025 {strides = array<i32>} : memref<64xi32, #tpu.memory_space<vmem>>, vector<16xi32>,
      %add3A_2028 = arith.constant 32 : i32
      %add3A_2029 = arith.addi %add3A_2016, %add3A_2028 : i32
      %add3A_2030 = vector.broadcast %add3A_2029 : i32 to vector<16xi32>
      %add3A_2031 = arith.addi %add3A_2030, %iota3A : vector<16xi32>
      %swap3A_2032 = arith.constant 32 : index
      %swap3A_2033 = tpu.vector_load %arg13[%swap3A_2032] {strides = array<i32>} : memref<64xi32, #tpu.memory_space<vmem>>, vector<16xi32>,
      tpu.vector_store %arg13[%swap3A_2032], %add3A_2031 {strides = array<i32>} : memref<64xi32, #tpu.memory_space<vmem>>, vector<16xi32>,
      %add3A_2034 = arith.constant 48 : i32
      %add3A_2035 = arith.addi %add3A_2016, %add3A_2034 : i32
      %add3A_2036 = vector.broadcast %add3A_2035 : i32 to vector<16xi32>
      %add3A_2037 = arith.addi %add3A_2036, %iota3A : vector<16xi32>
      %swap3A_2038 = arith.constant 48 : index
      %swap3A_2039 = tpu.vector_load %arg13[%swap3A_2038] {strides = array<i32>} : memref<64xi32, #tpu.memory_space<vmem>>, vector<16xi32>,
      tpu.vector_store %arg13[%swap3A_2038], %add3A_2037 {strides = array<i32>} : memref<64xi32, #tpu.memory_space<vmem>>, vector<16xi32>,
      %dma_start3A = arith.constant 0 : i32
      %dma_start3A_2040 = arith.constant 0 : i32
      %dma_start3A_2041 = tpu.memref_slice %arg2[%dma_start3A, %dma_start3A_2040] : memref<16384x512xf32, #tpu.memory_space<hbm>> -> memref<16384x512xf32, #tpu.memory_space<hbm>>
      tpu.enqueue_indirect_dma source(%dma_start3A_2041 : memref<16384x512xf32, #tpu.memory_space<hbm>>) target(%arg9 : memref<64x512xf32, #tpu.memory_space<vmem>>) offsets(%arg13 : memref<64xi32, #tpu.memory_space<vmem>>) semaphore(%arg14 : memref<!tpu.dma_semaphore, #tpu.memory_space<semaphore_mem>>)
    } else {
    }
    %add3A_1256 = arith.constant 26 : i32
    %add3A_1257 = arith.addi %add3A_1256, %select_n3A_30 : i32
    %add3A_1258 = arith.constant 1 : i32
    %add3A_1259 = arith.addi %add3A_1257, %add3A_1258 : i32
    %mul3A_1260 = arith.constant 64 : i32
    %mul3A_1261 = arith.muli %add3A_1259, %mul3A_1260 : i32
    %ge3A_1262 = arith.cmpi sge, %min3A, %mul3A_1261 : i32
    %convert_element_type3A_1263 = arith.extui %ge3A_1262 : i1 to i32
    %cond3A_1264 = arith.constant 0 : i32
    %cond3A_1265 = arith.cmpi ne, %convert_element_type3A_1263, %cond3A_1264 : i32
    scf.if %cond3A_1265 {
      %dma_wait3A = arith.constant 0 : i32
      %dma_wait3A_2012 = arith.constant 0 : i32
      %dma_wait3A_2013 = tpu.memref_slice %arg2[%dma_wait3A, %dma_wait3A_2012] : memref<16384x512xf32, #tpu.memory_space<hbm>> -> memref<16384x512xf32, #tpu.memory_space<hbm>>
      tpu.wait_indirect_dma semaphore(%arg14 : memref<!tpu.dma_semaphore, #tpu.memory_space<semaphore_mem>>) src(%dma_wait3A_2013 : memref<16384x512xf32, #tpu.memory_space<hbm>>) dst(%arg8 : memref<64x512xf32, #tpu.memory_space<vmem>>)
    } else {
    }
    %add3A_1266 = arith.constant 26 : i32
    %add3A_1267 = arith.addi %add3A_1266, %select_n3A_30 : i32
    %add3A_1268 = arith.constant 1 : i32
    %add3A_1269 = arith.addi %add3A_1267, %add3A_1268 : i32
    %mul3A_1270 = arith.constant 64 : i32
    %mul3A_1271 = arith.muli %add3A_1269, %mul3A_1270 : i32
    %ge3A_1272 = arith.cmpi sge, %min3A, %mul3A_1271 : i32
    %add3A_1273 = arith.constant 26 : i32
    %add3A_1274 = arith.addi %add3A_1273, %select_n3A_30 : i32
    %mul3A_1275 = arith.constant 64 : i32
    %mul3A_1276 = arith.muli %add3A_1274, %mul3A_1275 : i32
    %add3A_1277 = arith.addi %mul3A_32, %mul3A_1276 : i32
    %multiple_of3A_1278 = tpu.assume_multiple %add3A_1277, 64 : i32
    %convert_element_type3A_1279 = arith.extui %ge3A_1272 : i1 to i32
    %cond3A_1280 = arith.constant 0 : i32
    %cond3A_1281 = arith.cmpi ne, %convert_element_type3A_1279, %cond3A_1280 : i32
    scf.if %cond3A_1281 {
      %dma_start3A = arith.constant 0 : i32
      %dma_start3A_2012 = tpu.memref_slice %arg5[%multiple_of3A_1278, %dma_start3A] : memref<32768x512xf32, #tpu.memory_space<hbm>> -> memref<64x512xf32, #tpu.memory_space<hbm>>
      %dma_start3A_2013 = arith.constant 0 : i32
      %dma_start3A_2014 = tpu.memref_slice %arg5[%multiple_of3A_1278, %dma_start3A_2013] : memref<32768x512xf32, #tpu.memory_space<hbm>> -> memref<64x512xf32, #tpu.memory_space<hbm>>
      tpu.enqueue_dma source(%arg8 : memref<64x512xf32, #tpu.memory_space<vmem>>) target(%dma_start3A_2014 : memref<64x512xf32, #tpu.memory_space<hbm>>) target_semaphore(%arg15 : memref<!tpu.dma_semaphore, #tpu.memory_space<semaphore_mem>>)
    } else {
    }
    %add3A_1282 = arith.constant 24 : i32
    %add3A_1283 = arith.addi %add3A_1282, %select_n3A_30 : i32
    %add3A_1284 = arith.constant 1 : i32
    %add3A_1285 = arith.addi %add3A_1283, %add3A_1284 : i32
    %mul3A_1286 = arith.constant 64 : i32
    %mul3A_1287 = arith.muli %add3A_1285, %mul3A_1286 : i32
    %ge3A_1288 = arith.cmpi sge, %min3A, %mul3A_1287 : i32
    %add3A_1289 = arith.constant 24 : i32
    %add3A_1290 = arith.addi %add3A_1289, %select_n3A_30 : i32
    %mul3A_1291 = arith.constant 64 : i32
    %mul3A_1292 = arith.muli %add3A_1290, %mul3A_1291 : i32
    %add3A_1293 = arith.addi %mul3A_32, %mul3A_1292 : i32
    %multiple_of3A_1294 = tpu.assume_multiple %add3A_1293, 64 : i32
    %convert_element_type3A_1295 = arith.extui %ge3A_1288 : i1 to i32
    %cond3A_1296 = arith.constant 0 : i32
    %cond3A_1297 = arith.cmpi ne, %convert_element_type3A_1295, %cond3A_1296 : i32
    scf.if %cond3A_1297 {
      %dma_wait3A = arith.constant 0 : i32
      %dma_wait3A_2012 = tpu.memref_slice %arg5[%multiple_of3A_1294, %dma_wait3A] : memref<32768x512xf32, #tpu.memory_space<hbm>> -> memref<64x512xf32, #tpu.memory_space<hbm>>
      %dma_wait3A_2013 = arith.constant 0 : i32
      %dma_wait3A_2014 = tpu.memref_slice %arg5[%multiple_of3A_1294, %dma_wait3A_2013] : memref<32768x512xf32, #tpu.memory_space<hbm>> -> memref<64x512xf32, #tpu.memory_space<hbm>>
      tpu.wait_dma2 semaphore(%arg15 : memref<!tpu.dma_semaphore, #tpu.memory_space<semaphore_mem>>) src(%arg7 : memref<64x512xf32, #tpu.memory_space<vmem>>) dst(%dma_wait3A_2014 : memref<64x512xf32, #tpu.memory_space<hbm>>)
    } else {
    }
    %add3A_1298 = arith.constant 30 : i32
    %add3A_1299 = arith.addi %add3A_1298, %select_n3A_30 : i32
    %add3A_1300 = arith.constant 1 : i32
    %add3A_1301 = arith.addi %add3A_1299, %add3A_1300 : i32
    %mul3A_1302 = arith.constant 64 : i32
    %mul3A_1303 = arith.muli %add3A_1301, %mul3A_1302 : i32
    %ge3A_1304 = arith.cmpi sge, %min3A, %mul3A_1303 : i32
    %convert_element_type3A_1305 = arith.extui %ge3A_1304 : i1 to i32
    %cond3A_1306 = arith.constant 0 : i32
    %cond3A_1307 = arith.cmpi ne, %convert_element_type3A_1305, %cond3A_1306 : i32
    scf.if %cond3A_1307 {
      %add3A_2012 = arith.constant 30 : i32
      %add3A_2013 = arith.addi %add3A_2012, %select_n3A_30 : i32
      %mul3A_2014 = arith.constant 64 : i32
      %mul3A_2015 = arith.muli %add3A_2013, %mul3A_2014 : i32
      %add3A_2016 = arith.addi %reduce_sum3A_42, %mul3A_2015 : i32
      %add3A_2017 = arith.constant 0 : i32
      %add3A_2018 = arith.addi %add3A_2016, %add3A_2017 : i32
      %add3A_2019 = vector.broadcast %add3A_2018 : i32 to vector<16xi32>
      %add3A_2020 = arith.addi %add3A_2019, %iota3A : vector<16xi32>
      %swap3A = arith.constant 0 : index
      %swap3A_2021 = tpu.vector_load %arg11[%swap3A] {strides = array<i32>} : memref<64xi32, #tpu.memory_space<vmem>>, vector<16xi32>,
      tpu.vector_store %arg11[%swap3A], %add3A_2020 {strides = array<i32>} : memref<64xi32, #tpu.memory_space<vmem>>, vector<16xi32>,
      %add3A_2022 = arith.constant 16 : i32
      %add3A_2023 = arith.addi %add3A_2016, %add3A_2022 : i32
      %add3A_2024 = vector.broadcast %add3A_2023 : i32 to vector<16xi32>
      %add3A_2025 = arith.addi %add3A_2024, %iota3A : vector<16xi32>
      %swap3A_2026 = arith.constant 16 : index
      %swap3A_2027 = tpu.vector_load %arg11[%swap3A_2026] {strides = array<i32>} : memref<64xi32, #tpu.memory_space<vmem>>, vector<16xi32>,
      tpu.vector_store %arg11[%swap3A_2026], %add3A_2025 {strides = array<i32>} : memref<64xi32, #tpu.memory_space<vmem>>, vector<16xi32>,
      %add3A_2028 = arith.constant 32 : i32
      %add3A_2029 = arith.addi %add3A_2016, %add3A_2028 : i32
      %add3A_2030 = vector.broadcast %add3A_2029 : i32 to vector<16xi32>
      %add3A_2031 = arith.addi %add3A_2030, %iota3A : vector<16xi32>
      %swap3A_2032 = arith.constant 32 : index
      %swap3A_2033 = tpu.vector_load %arg11[%swap3A_2032] {strides = array<i32>} : memref<64xi32, #tpu.memory_space<vmem>>, vector<16xi32>,
      tpu.vector_store %arg11[%swap3A_2032], %add3A_2031 {strides = array<i32>} : memref<64xi32, #tpu.memory_space<vmem>>, vector<16xi32>,
      %add3A_2034 = arith.constant 48 : i32
      %add3A_2035 = arith.addi %add3A_2016, %add3A_2034 : i32
      %add3A_2036 = vector.broadcast %add3A_2035 : i32 to vector<16xi32>
      %add3A_2037 = arith.addi %add3A_2036, %iota3A : vector<16xi32>
      %swap3A_2038 = arith.constant 48 : index
      %swap3A_2039 = tpu.vector_load %arg11[%swap3A_2038] {strides = array<i32>} : memref<64xi32, #tpu.memory_space<vmem>>, vector<16xi32>,
      tpu.vector_store %arg11[%swap3A_2038], %add3A_2037 {strides = array<i32>} : memref<64xi32, #tpu.memory_space<vmem>>, vector<16xi32>,
      %dma_start3A = arith.constant 0 : i32
      %dma_start3A_2040 = arith.constant 0 : i32
      %dma_start3A_2041 = tpu.memref_slice %arg2[%dma_start3A, %dma_start3A_2040] : memref<16384x512xf32, #tpu.memory_space<hbm>> -> memref<16384x512xf32, #tpu.memory_space<hbm>>
      tpu.enqueue_indirect_dma source(%dma_start3A_2041 : memref<16384x512xf32, #tpu.memory_space<hbm>>) target(%arg7 : memref<64x512xf32, #tpu.memory_space<vmem>>) offsets(%arg11 : memref<64xi32, #tpu.memory_space<vmem>>) semaphore(%arg14 : memref<!tpu.dma_semaphore, #tpu.memory_space<semaphore_mem>>)
    } else {
    }
    %add3A_1308 = arith.constant 28 : i32
    %add3A_1309 = arith.addi %add3A_1308, %select_n3A_30 : i32
    %add3A_1310 = arith.constant 1 : i32
    %add3A_1311 = arith.addi %add3A_1309, %add3A_1310 : i32
    %mul3A_1312 = arith.constant 64 : i32
    %mul3A_1313 = arith.muli %add3A_1311, %mul3A_1312 : i32
    %ge3A_1314 = arith.cmpi sge, %min3A, %mul3A_1313 : i32
    %convert_element_type3A_1315 = arith.extui %ge3A_1314 : i1 to i32
    %cond3A_1316 = arith.constant 0 : i32
    %cond3A_1317 = arith.cmpi ne, %convert_element_type3A_1315, %cond3A_1316 : i32
    scf.if %cond3A_1317 {
      %dma_wait3A = arith.constant 0 : i32
      %dma_wait3A_2012 = arith.constant 0 : i32
      %dma_wait3A_2013 = tpu.memref_slice %arg2[%dma_wait3A, %dma_wait3A_2012] : memref<16384x512xf32, #tpu.memory_space<hbm>> -> memref<16384x512xf32, #tpu.memory_space<hbm>>
      tpu.wait_indirect_dma semaphore(%arg14 : memref<!tpu.dma_semaphore, #tpu.memory_space<semaphore_mem>>) src(%dma_wait3A_2013 : memref<16384x512xf32, #tpu.memory_space<hbm>>) dst(%arg9 : memref<64x512xf32, #tpu.memory_space<vmem>>)
    } else {
    }
    %add3A_1318 = arith.constant 28 : i32
    %add3A_1319 = arith.addi %add3A_1318, %select_n3A_30 : i32
    %add3A_1320 = arith.constant 1 : i32
    %add3A_1321 = arith.addi %add3A_1319, %add3A_1320 : i32
    %mul3A_1322 = arith.constant 64 : i32
    %mul3A_1323 = arith.muli %add3A_1321, %mul3A_1322 : i32
    %ge3A_1324 = arith.cmpi sge, %min3A, %mul3A_1323 : i32
    %add3A_1325 = arith.constant 28 : i32
    %add3A_1326 = arith.addi %add3A_1325, %select_n3A_30 : i32
    %mul3A_1327 = arith.constant 64 : i32
    %mul3A_1328 = arith.muli %add3A_1326, %mul3A_1327 : i32
    %add3A_1329 = arith.addi %mul3A_32, %mul3A_1328 : i32
    %multiple_of3A_1330 = tpu.assume_multiple %add3A_1329, 64 : i32
    %convert_element_type3A_1331 = arith.extui %ge3A_1324 : i1 to i32
    %cond3A_1332 = arith.constant 0 : i32
    %cond3A_1333 = arith.cmpi ne, %convert_element_type3A_1331, %cond3A_1332 : i32
    scf.if %cond3A_1333 {
      %dma_start3A = arith.constant 0 : i32
      %dma_start3A_2012 = tpu.memref_slice %arg5[%multiple_of3A_1330, %dma_start3A] : memref<32768x512xf32, #tpu.memory_space<hbm>> -> memref<64x512xf32, #tpu.memory_space<hbm>>
      %dma_start3A_2013 = arith.constant 0 : i32
      %dma_start3A_2014 = tpu.memref_slice %arg5[%multiple_of3A_1330, %dma_start3A_2013] : memref<32768x512xf32, #tpu.memory_space<hbm>> -> memref<64x512xf32, #tpu.memory_space<hbm>>
      tpu.enqueue_dma source(%arg9 : memref<64x512xf32, #tpu.memory_space<vmem>>) target(%dma_start3A_2014 : memref<64x512xf32, #tpu.memory_space<hbm>>) target_semaphore(%arg15 : memref<!tpu.dma_semaphore, #tpu.memory_space<semaphore_mem>>)
    } else {
    }
    %add3A_1334 = arith.constant 26 : i32
    %add3A_1335 = arith.addi %add3A_1334, %select_n3A_30 : i32
    %add3A_1336 = arith.constant 1 : i32
    %add3A_1337 = arith.addi %add3A_1335, %add3A_1336 : i32
    %mul3A_1338 = arith.constant 64 : i32
    %mul3A_1339 = arith.muli %add3A_1337, %mul3A_1338 : i32
    %ge3A_1340 = arith.cmpi sge, %min3A, %mul3A_1339 : i32
    %add3A_1341 = arith.constant 26 : i32
    %add3A_1342 = arith.addi %add3A_1341, %select_n3A_30 : i32
    %mul3A_1343 = arith.constant 64 : i32
    %mul3A_1344 = arith.muli %add3A_1342, %mul3A_1343 : i32
    %add3A_1345 = arith.addi %mul3A_32, %mul3A_1344 : i32
    %multiple_of3A_1346 = tpu.assume_multiple %add3A_1345, 64 : i32
    %convert_element_type3A_1347 = arith.extui %ge3A_1340 : i1 to i32
    %cond3A_1348 = arith.constant 0 : i32
    %cond3A_1349 = arith.cmpi ne, %convert_element_type3A_1347, %cond3A_1348 : i32
    scf.if %cond3A_1349 {
      %dma_wait3A = arith.constant 0 : i32
      %dma_wait3A_2012 = tpu.memref_slice %arg5[%multiple_of3A_1346, %dma_wait3A] : memref<32768x512xf32, #tpu.memory_space<hbm>> -> memref<64x512xf32, #tpu.memory_space<hbm>>
      %dma_wait3A_2013 = arith.constant 0 : i32
      %dma_wait3A_2014 = tpu.memref_slice %arg5[%multiple_of3A_1346, %dma_wait3A_2013] : memref<32768x512xf32, #tpu.memory_space<hbm>> -> memref<64x512xf32, #tpu.memory_space<hbm>>
      tpu.wait_dma2 semaphore(%arg15 : memref<!tpu.dma_semaphore, #tpu.memory_space<semaphore_mem>>) src(%arg8 : memref<64x512xf32, #tpu.memory_space<vmem>>) dst(%dma_wait3A_2014 : memref<64x512xf32, #tpu.memory_space<hbm>>)
    } else {
    }
    %add3A_1350 = arith.constant 30 : i32
    %add3A_1351 = arith.addi %add3A_1350, %select_n3A_30 : i32
    %add3A_1352 = arith.constant 1 : i32
    %add3A_1353 = arith.addi %add3A_1351, %add3A_1352 : i32
    %mul3A_1354 = arith.constant 64 : i32
    %mul3A_1355 = arith.muli %add3A_1353, %mul3A_1354 : i32
    %ge3A_1356 = arith.cmpi sge, %min3A, %mul3A_1355 : i32
    %convert_element_type3A_1357 = arith.extui %ge3A_1356 : i1 to i32
    %cond3A_1358 = arith.constant 0 : i32
    %cond3A_1359 = arith.cmpi ne, %convert_element_type3A_1357, %cond3A_1358 : i32
    scf.if %cond3A_1359 {
      %dma_wait3A = arith.constant 0 : i32
      %dma_wait3A_2012 = arith.constant 0 : i32
      %dma_wait3A_2013 = tpu.memref_slice %arg2[%dma_wait3A, %dma_wait3A_2012] : memref<16384x512xf32, #tpu.memory_space<hbm>> -> memref<16384x512xf32, #tpu.memory_space<hbm>>
      tpu.wait_indirect_dma semaphore(%arg14 : memref<!tpu.dma_semaphore, #tpu.memory_space<semaphore_mem>>) src(%dma_wait3A_2013 : memref<16384x512xf32, #tpu.memory_space<hbm>>) dst(%arg7 : memref<64x512xf32, #tpu.memory_space<vmem>>)
    } else {
    }
    %add3A_1360 = arith.constant 30 : i32
    %add3A_1361 = arith.addi %add3A_1360, %select_n3A_30 : i32
    %add3A_1362 = arith.constant 1 : i32
    %add3A_1363 = arith.addi %add3A_1361, %add3A_1362 : i32
    %mul3A_1364 = arith.constant 64 : i32
    %mul3A_1365 = arith.muli %add3A_1363, %mul3A_1364 : i32
    %ge3A_1366 = arith.cmpi sge, %min3A, %mul3A_1365 : i32
    %add3A_1367 = arith.constant 30 : i32
    %add3A_1368 = arith.addi %add3A_1367, %select_n3A_30 : i32
    %mul3A_1369 = arith.constant 64 : i32
    %mul3A_1370 = arith.muli %add3A_1368, %mul3A_1369 : i32
    %add3A_1371 = arith.addi %mul3A_32, %mul3A_1370 : i32
    %multiple_of3A_1372 = tpu.assume_multiple %add3A_1371, 64 : i32
    %convert_element_type3A_1373 = arith.extui %ge3A_1366 : i1 to i32
    %cond3A_1374 = arith.constant 0 : i32
    %cond3A_1375 = arith.cmpi ne, %convert_element_type3A_1373, %cond3A_1374 : i32
    scf.if %cond3A_1375 {
      %dma_start3A = arith.constant 0 : i32
      %dma_start3A_2012 = tpu.memref_slice %arg5[%multiple_of3A_1372, %dma_start3A] : memref<32768x512xf32, #tpu.memory_space<hbm>> -> memref<64x512xf32, #tpu.memory_space<hbm>>
      %dma_start3A_2013 = arith.constant 0 : i32
      %dma_start3A_2014 = tpu.memref_slice %arg5[%multiple_of3A_1372, %dma_start3A_2013] : memref<32768x512xf32, #tpu.memory_space<hbm>> -> memref<64x512xf32, #tpu.memory_space<hbm>>
      tpu.enqueue_dma source(%arg7 : memref<64x512xf32, #tpu.memory_space<vmem>>) target(%dma_start3A_2014 : memref<64x512xf32, #tpu.memory_space<hbm>>) target_semaphore(%arg15 : memref<!tpu.dma_semaphore, #tpu.memory_space<semaphore_mem>>)
    } else {
    }
    %add3A_1376 = arith.constant 28 : i32
    %add3A_1377 = arith.addi %add3A_1376, %select_n3A_30 : i32
    %add3A_1378 = arith.constant 1 : i32
    %add3A_1379 = arith.addi %add3A_1377, %add3A_1378 : i32
    %mul3A_1380 = arith.constant 64 : i32
    %mul3A_1381 = arith.muli %add3A_1379, %mul3A_1380 : i32
    %ge3A_1382 = arith.cmpi sge, %min3A, %mul3A_1381 : i32
    %add3A_1383 = arith.constant 28 : i32
    %add3A_1384 = arith.addi %add3A_1383, %select_n3A_30 : i32
    %mul3A_1385 = arith.constant 64 : i32
    %mul3A_1386 = arith.muli %add3A_1384, %mul3A_1385 : i32
    %add3A_1387 = arith.addi %mul3A_32, %mul3A_1386 : i32
    %multiple_of3A_1388 = tpu.assume_multiple %add3A_1387, 64 : i32
    %convert_element_type3A_1389 = arith.extui %ge3A_1382 : i1 to i32
    %cond3A_1390 = arith.constant 0 : i32
    %cond3A_1391 = arith.cmpi ne, %convert_element_type3A_1389, %cond3A_1390 : i32
    scf.if %cond3A_1391 {
      %dma_wait3A = arith.constant 0 : i32
      %dma_wait3A_2012 = tpu.memref_slice %arg5[%multiple_of3A_1388, %dma_wait3A] : memref<32768x512xf32, #tpu.memory_space<hbm>> -> memref<64x512xf32, #tpu.memory_space<hbm>>
      %dma_wait3A_2013 = arith.constant 0 : i32
      %dma_wait3A_2014 = tpu.memref_slice %arg5[%multiple_of3A_1388, %dma_wait3A_2013] : memref<32768x512xf32, #tpu.memory_space<hbm>> -> memref<64x512xf32, #tpu.memory_space<hbm>>
      tpu.wait_dma2 semaphore(%arg15 : memref<!tpu.dma_semaphore, #tpu.memory_space<semaphore_mem>>) src(%arg9 : memref<64x512xf32, #tpu.memory_space<vmem>>) dst(%dma_wait3A_2014 : memref<64x512xf32, #tpu.memory_space<hbm>>)
    } else {
    }
    %add3A_1392 = arith.constant 30 : i32
    %add3A_1393 = arith.addi %add3A_1392, %select_n3A_30 : i32
    %add3A_1394 = arith.constant 1 : i32
    %add3A_1395 = arith.addi %add3A_1393, %add3A_1394 : i32
    %mul3A_1396 = arith.constant 64 : i32
    %mul3A_1397 = arith.muli %add3A_1395, %mul3A_1396 : i32
    %ge3A_1398 = arith.cmpi sge, %min3A, %mul3A_1397 : i32
    %add3A_1399 = arith.constant 30 : i32
    %add3A_1400 = arith.addi %add3A_1399, %select_n3A_30 : i32
    %mul3A_1401 = arith.constant 64 : i32
    %mul3A_1402 = arith.muli %add3A_1400, %mul3A_1401 : i32
    %add3A_1403 = arith.addi %mul3A_32, %mul3A_1402 : i32
    %multiple_of3A_1404 = tpu.assume_multiple %add3A_1403, 64 : i32
    %convert_element_type3A_1405 = arith.extui %ge3A_1398 : i1 to i32
    %cond3A_1406 = arith.constant 0 : i32
    %cond3A_1407 = arith.cmpi ne, %convert_element_type3A_1405, %cond3A_1406 : i32
    scf.if %cond3A_1407 {
      %dma_wait3A = arith.constant 0 : i32
      %dma_wait3A_2012 = tpu.memref_slice %arg5[%multiple_of3A_1404, %dma_wait3A] : memref<32768x512xf32, #tpu.memory_space<hbm>> -> memref<64x512xf32, #tpu.memory_space<hbm>>
      %dma_wait3A_2013 = arith.constant 0 : i32
      %dma_wait3A_2014 = tpu.memref_slice %arg5[%multiple_of3A_1404, %dma_wait3A_2013] : memref<32768x512xf32, #tpu.memory_space<hbm>> -> memref<64x512xf32, #tpu.memory_space<hbm>>
      tpu.wait_dma2 semaphore(%arg15 : memref<!tpu.dma_semaphore, #tpu.memory_space<semaphore_mem>>) src(%arg7 : memref<64x512xf32, #tpu.memory_space<vmem>>) dst(%dma_wait3A_2014 : memref<64x512xf32, #tpu.memory_space<hbm>>)
    } else {
    }
    %jit3A_1408 = arith.constant 64 : i32
    %eq3A_1409 = arith.constant 0 : i32
    %eq3A_1410 = arith.cmpi eq, %jit3A_1408, %eq3A_1409 : i32
    %jit3A_1411 = arith.constant 1 : i32
    %select_n3A_1412 = arith.select %eq3A_1410, %jit3A_1411, %jit3A_1408 : i32
    %rem3A_1413 = arith.remsi %min3A, %select_n3A_1412 : i32
    %ne3A_1414 = arith.constant 0 : i32
    %ne3A_1415 = arith.cmpi ne, %rem3A_1413, %ne3A_1414 : i32
    %lt3A_1416 = arith.constant 0 : i32
    %lt3A_1417 = arith.cmpi slt, %rem3A_1413, %lt3A_1416 : i32
    %lt3A_1418 = arith.constant 0 : i32
    %lt3A_1419 = arith.cmpi slt, %select_n3A_1412, %lt3A_1418 : i32
    %ne3A_1420 = arith.xori %lt3A_1417, %lt3A_1419 : i1
    %and3A_1421 = arith.andi %ne3A_1420, %ne3A_1415 : i1
    %add3A_1422 = arith.addi %rem3A_1413, %select_n3A_1412 : i32
    %select_n3A_1423 = arith.select %and3A_1421, %add3A_1422, %rem3A_1413 : i32
    %jit3A_1424 = arith.constant 64 : i32
    %div3A_1425 = arith.divsi %min3A, %jit3A_1424 : i32
    %sign3A_1426 = arith.constant 0 : i32
    %sign3A_1427 = arith.cmpi sgt, %min3A, %sign3A_1426 : i32
    %sign3A_1428 = arith.extui %sign3A_1427 : i1 to i32
    %sign3A_1429 = arith.constant 0 : i32
    %sign3A_1430 = arith.cmpi slt, %min3A, %sign3A_1429 : i32
    %sign3A_1431 = arith.extui %sign3A_1430 : i1 to i32
    %sign3A_1432 = arith.subi %sign3A_1428, %sign3A_1431 : i32
    %sign3A_1433 = arith.constant 0 : i32
    %sign3A_1434 = arith.cmpi sgt, %jit3A_1424, %sign3A_1433 : i32
    %sign3A_1435 = arith.extui %sign3A_1434 : i1 to i32
    %sign3A_1436 = arith.constant 0 : i32
    %sign3A_1437 = arith.cmpi slt, %jit3A_1424, %sign3A_1436 : i32
    %sign3A_1438 = arith.extui %sign3A_1437 : i1 to i32
    %sign3A_1439 = arith.subi %sign3A_1435, %sign3A_1438 : i32
    %ne3A_1440 = arith.cmpi ne, %sign3A_1432, %sign3A_1439 : i32
    %rem3A_1441 = arith.remsi %min3A, %jit3A_1424 : i32
    %ne3A_1442 = arith.constant 0 : i32
    %ne3A_1443 = arith.cmpi ne, %rem3A_1441, %ne3A_1442 : i32
    %and3A_1444 = arith.andi %ne3A_1440, %ne3A_1443 : i1
    %sub3A_1445 = arith.constant 1 : i32
    %sub3A_1446 = arith.subi %div3A_1425, %sub3A_1445 : i32
    %select_n3A_1447 = arith.select %and3A_1444, %sub3A_1446, %div3A_1425 : i32
    %mul3A_1448 = arith.constant 64 : i32
    %mul3A_1449 = arith.muli %select_n3A_1447, %mul3A_1448 : i32
    %add3A_1450 = arith.constant 7 : i32
    %add3A_1451 = arith.addi %select_n3A_1423, %add3A_1450 : i32
    %and3A_1452 = arith.constant -8 : i32
    %and3A_1453 = arith.andi %add3A_1451, %and3A_1452 : i32
    %gt3A = arith.constant 0 : i32
    %gt3A_1454 = arith.cmpi sgt, %select_n3A_1423, %gt3A : i32
    %jit3A_1455 = arith.constant 64 : i32
    %div3A_1456 = arith.divsi %min3A, %jit3A_1455 : i32
    %sign3A_1457 = arith.constant 0 : i32
    %sign3A_1458 = arith.cmpi sgt, %min3A, %sign3A_1457 : i32
    %sign3A_1459 = arith.extui %sign3A_1458 : i1 to i32
    %sign3A_1460 = arith.constant 0 : i32
    %sign3A_1461 = arith.cmpi slt, %min3A, %sign3A_1460 : i32
    %sign3A_1462 = arith.extui %sign3A_1461 : i1 to i32
    %sign3A_1463 = arith.subi %sign3A_1459, %sign3A_1462 : i32
    %sign3A_1464 = arith.constant 0 : i32
    %sign3A_1465 = arith.cmpi sgt, %jit3A_1455, %sign3A_1464 : i32
    %sign3A_1466 = arith.extui %sign3A_1465 : i1 to i32
    %sign3A_1467 = arith.constant 0 : i32
    %sign3A_1468 = arith.cmpi slt, %jit3A_1455, %sign3A_1467 : i32
    %sign3A_1469 = arith.extui %sign3A_1468 : i1 to i32
    %sign3A_1470 = arith.subi %sign3A_1466, %sign3A_1469 : i32
    %ne3A_1471 = arith.cmpi ne, %sign3A_1463, %sign3A_1470 : i32
    %rem3A_1472 = arith.remsi %min3A, %jit3A_1455 : i32
    %ne3A_1473 = arith.constant 0 : i32
    %ne3A_1474 = arith.cmpi ne, %rem3A_1472, %ne3A_1473 : i32
    %and3A_1475 = arith.andi %ne3A_1471, %ne3A_1474 : i1
    %sub3A_1476 = arith.constant 1 : i32
    %sub3A_1477 = arith.subi %div3A_1456, %sub3A_1476 : i32
    %select_n3A_1478 = arith.select %and3A_1475, %sub3A_1477, %div3A_1456 : i32
    %jit3A_1479 = arith.constant 2 : i32
    %eq3A_1480 = arith.constant 0 : i32
    %eq3A_1481 = arith.cmpi eq, %jit3A_1479, %eq3A_1480 : i32
    %jit3A_1482 = arith.constant 1 : i32
    %select_n3A_1483 = arith.select %eq3A_1481, %jit3A_1482, %jit3A_1479 : i32
    %rem3A_1484 = arith.remsi %select_n3A_1478, %select_n3A_1483 : i32
    %ne3A_1485 = arith.constant 0 : i32
    %ne3A_1486 = arith.cmpi ne, %rem3A_1484, %ne3A_1485 : i32
    %lt3A_1487 = arith.constant 0 : i32
    %lt3A_1488 = arith.cmpi slt, %rem3A_1484, %lt3A_1487 : i32
    %lt3A_1489 = arith.constant 0 : i32
    %lt3A_1490 = arith.cmpi slt, %select_n3A_1483, %lt3A_1489 : i32
    %ne3A_1491 = arith.xori %lt3A_1488, %lt3A_1490 : i1
    %and3A_1492 = arith.andi %ne3A_1491, %ne3A_1486 : i1
    %add3A_1493 = arith.addi %rem3A_1484, %select_n3A_1483 : i32
    %select_n3A_1494 = arith.select %and3A_1492, %add3A_1493, %rem3A_1484 : i32
    %eq3A_1495 = arith.cmpi eq, %select_n3A_1494, %select_n3A_30 : i32
    %and3A_1496 = arith.andi %gt3A_1454, %eq3A_1495 : i1
    %convert_element_type3A_1497 = arith.extui %and3A_1496 : i1 to i32
    %cond3A_1498 = arith.constant 0 : i32
    %cond3A_1499 = arith.cmpi ne, %convert_element_type3A_1497, %cond3A_1498 : i32
    scf.if %cond3A_1499 {
      %add3A_2012 = arith.addi %reduce_sum3A_42, %mul3A_1449 : i32
      %add3A_2013 = arith.constant 0 : i32
      %add3A_2014 = vector.broadcast %add3A_2013 : i32 to vector<16xi32>
      %add3A_2015 = arith.addi %add3A_2014, %iota3A : vector<16xi32>
      %sub3A_2016 = arith.constant 1 : i32
      %sub3A_2017 = arith.subi %select_n3A_1423, %sub3A_2016 : i32
      %min3A_2018 = vector.broadcast %sub3A_2017 : i32 to vector<16xi32>
      %min3A_2019 = arith.minsi %add3A_2015, %min3A_2018 : vector<16xi32>
      %add3A_2020 = vector.broadcast %add3A_2012 : i32 to vector<16xi32>
      %add3A_2021 = arith.addi %add3A_2020, %min3A_2019 : vector<16xi32>
      %swap3A = arith.constant 0 : index
      %swap3A_2022 = tpu.vector_load %arg11[%swap3A] {strides = array<i32>} : memref<64xi32, #tpu.memory_space<vmem>>, vector<16xi32>,
      tpu.vector_store %arg11[%swap3A], %add3A_2021 {strides = array<i32>} : memref<64xi32, #tpu.memory_space<vmem>>, vector<16xi32>,
      %add3A_2023 = arith.addi %reduce_sum3A_42, %mul3A_1449 : i32
      %add3A_2024 = arith.constant 16 : i32
      %add3A_2025 = vector.broadcast %add3A_2024 : i32 to vector<16xi32>
      %add3A_2026 = arith.addi %add3A_2025, %iota3A : vector<16xi32>
      %sub3A_2027 = arith.constant 1 : i32
      %sub3A_2028 = arith.subi %select_n3A_1423, %sub3A_2027 : i32
      %min3A_2029 = vector.broadcast %sub3A_2028 : i32 to vector<16xi32>
      %min3A_2030 = arith.minsi %add3A_2026, %min3A_2029 : vector<16xi32>
      %add3A_2031 = vector.broadcast %add3A_2023 : i32 to vector<16xi32>
      %add3A_2032 = arith.addi %add3A_2031, %min3A_2030 : vector<16xi32>
      %swap3A_2033 = arith.constant 16 : index
      %swap3A_2034 = tpu.vector_load %arg11[%swap3A_2033] {strides = array<i32>} : memref<64xi32, #tpu.memory_space<vmem>>, vector<16xi32>,
      tpu.vector_store %arg11[%swap3A_2033], %add3A_2032 {strides = array<i32>} : memref<64xi32, #tpu.memory_space<vmem>>, vector<16xi32>,
      %add3A_2035 = arith.addi %reduce_sum3A_42, %mul3A_1449 : i32
      %add3A_2036 = arith.constant 32 : i32
      %add3A_2037 = vector.broadcast %add3A_2036 : i32 to vector<16xi32>
      %add3A_2038 = arith.addi %add3A_2037, %iota3A : vector<16xi32>
      %sub3A_2039 = arith.constant 1 : i32
      %sub3A_2040 = arith.subi %select_n3A_1423, %sub3A_2039 : i32
      %min3A_2041 = vector.broadcast %sub3A_2040 : i32 to vector<16xi32>
      %min3A_2042 = arith.minsi %add3A_2038, %min3A_2041 : vector<16xi32>
      %add3A_2043 = vector.broadcast %add3A_2035 : i32 to vector<16xi32>
      %add3A_2044 = arith.addi %add3A_2043, %min3A_2042 : vector<16xi32>
      %swap3A_2045 = arith.constant 32 : index
      %swap3A_2046 = tpu.vector_load %arg11[%swap3A_2045] {strides = array<i32>} : memref<64xi32, #tpu.memory_space<vmem>>, vector<16xi32>,
      tpu.vector_store %arg11[%swap3A_2045], %add3A_2044 {strides = array<i32>} : memref<64xi32, #tpu.memory_space<vmem>>, vector<16xi32>,
      %add3A_2047 = arith.addi %reduce_sum3A_42, %mul3A_1449 : i32
      %add3A_2048 = arith.constant 48 : i32
      %add3A_2049 = vector.broadcast %add3A_2048 : i32 to vector<16xi32>
      %add3A_2050 = arith.addi %add3A_2049, %iota3A : vector<16xi32>
      %sub3A_2051 = arith.constant 1 : i32
      %sub3A_2052 = arith.subi %select_n3A_1423, %sub3A_2051 : i32
      %min3A_2053 = vector.broadcast %sub3A_2052 : i32 to vector<16xi32>
      %min3A_2054 = arith.minsi %add3A_2050, %min3A_2053 : vector<16xi32>
      %add3A_2055 = vector.broadcast %add3A_2047 : i32 to vector<16xi32>
      %add3A_2056 = arith.addi %add3A_2055, %min3A_2054 : vector<16xi32>
      %swap3A_2057 = arith.constant 48 : index
      %swap3A_2058 = tpu.vector_load %arg11[%swap3A_2057] {strides = array<i32>} : memref<64xi32, #tpu.memory_space<vmem>>, vector<16xi32>,
      tpu.vector_store %arg11[%swap3A_2057], %add3A_2056 {strides = array<i32>} : memref<64xi32, #tpu.memory_space<vmem>>, vector<16xi32>,
      %dma_start3A = arith.constant 0 : i32
      %dma_start3A_2059 = arith.constant 0 : i32
      %dma_start3A_2060 = tpu.memref_slice %arg2[%dma_start3A, %dma_start3A_2059] : memref<16384x512xf32, #tpu.memory_space<hbm>> -> memref<16384x512xf32, #tpu.memory_space<hbm>>
      tpu.enqueue_indirect_dma source(%dma_start3A_2060 : memref<16384x512xf32, #tpu.memory_space<hbm>>) target(%arg7 : memref<64x512xf32, #tpu.memory_space<vmem>>) offsets(%arg11 : memref<64xi32, #tpu.memory_space<vmem>>) semaphore(%arg14 : memref<!tpu.dma_semaphore, #tpu.memory_space<semaphore_mem>>)
      %dma_wait3A = arith.constant 0 : i32
      %dma_wait3A_2061 = arith.constant 0 : i32
      %dma_wait3A_2062 = tpu.memref_slice %arg2[%dma_wait3A, %dma_wait3A_2061] : memref<16384x512xf32, #tpu.memory_space<hbm>> -> memref<16384x512xf32, #tpu.memory_space<hbm>>
      tpu.wait_indirect_dma semaphore(%arg14 : memref<!tpu.dma_semaphore, #tpu.memory_space<semaphore_mem>>) src(%dma_wait3A_2062 : memref<16384x512xf32, #tpu.memory_space<hbm>>) dst(%arg7 : memref<64x512xf32, #tpu.memory_space<vmem>>)
      %while3A = arith.constant 0 : i32
      %while3A_2063 = arith.subi %and3A_1453, %select_n3A_1423 : i32
      %while3A_2064 = arith.addi %select_n3A_1423, %while3A_2063 : i32
      %while3A_2065 = arith.constant 1 : i32
      %while3A_2066 = arith.divsi %while3A_2063, %while3A_2065 : i32
      %while3A_2067 = arith.muli %while3A_2066, %while3A_2065 : i32
      %while3A_2068 = arith.addi %select_n3A_1423, %while3A_2067 : i32
      %while3A_2069 = arith.constant 1 : i32
      %while3A_2070 = scf.for %while3A_2160 = %select_n3A_1423 to %while3A_2068 step %while3A_2069 iter_args(%while3A_2161 = %while3A) -> (i32)  : i32 {
        %broadcast_in_dim3A_2162 = arith.constant 0.000000e+00 : f32
        %broadcast_in_dim3A_2163 = vector.broadcast %broadcast_in_dim3A_2162 : f32 to vector<16xf32>
        %swap3A_2164 = arith.index_cast %while3A_2160 : i32 to index
        %swap3A_2165 = arith.constant 0 : index
        %swap3A_2166 = tpu.vector_load %arg7[%swap3A_2164, %swap3A_2165] {strides = array<i32>} : memref<64x512xf32, #tpu.memory_space<vmem>>, vector<16xf32>,
        tpu.vector_store %arg7[%swap3A_2164, %swap3A_2165], %broadcast_in_dim3A_2163 {strides = array<i32>} : memref<64x512xf32, #tpu.memory_space<vmem>>, vector<16xf32>,
        %broadcast_in_dim3A_2167 = arith.constant 0.000000e+00 : f32
        %broadcast_in_dim3A_2168 = vector.broadcast %broadcast_in_dim3A_2167 : f32 to vector<16xf32>
        %swap3A_2169 = arith.index_cast %while3A_2160 : i32 to index
        %swap3A_2170 = arith.constant 16 : index
        %swap3A_2171 = tpu.vector_load %arg7[%swap3A_2169, %swap3A_2170] {strides = array<i32>} : memref<64x512xf32, #tpu.memory_space<vmem>>, vector<16xf32>,
        tpu.vector_store %arg7[%swap3A_2169, %swap3A_2170], %broadcast_in_dim3A_2168 {strides = array<i32>} : memref<64x512xf32, #tpu.memory_space<vmem>>, vector<16xf32>,
        %broadcast_in_dim3A_2172 = arith.constant 0.000000e+00 : f32
        %broadcast_in_dim3A_2173 = vector.broadcast %broadcast_in_dim3A_2172 : f32 to vector<16xf32>
        %swap3A_2174 = arith.index_cast %while3A_2160 : i32 to index
        %swap3A_2175 = arith.constant 32 : index
        %swap3A_2176 = tpu.vector_load %arg7[%swap3A_2174, %swap3A_2175] {strides = array<i32>} : memref<64x512xf32, #tpu.memory_space<vmem>>, vector<16xf32>,
        tpu.vector_store %arg7[%swap3A_2174, %swap3A_2175], %broadcast_in_dim3A_2173 {strides = array<i32>} : memref<64x512xf32, #tpu.memory_space<vmem>>, vector<16xf32>,
        %broadcast_in_dim3A_2177 = arith.constant 0.000000e+00 : f32
        %broadcast_in_dim3A_2178 = vector.broadcast %broadcast_in_dim3A_2177 : f32 to vector<16xf32>
        %swap3A_2179 = arith.index_cast %while3A_2160 : i32 to index
        %swap3A_2180 = arith.constant 48 : index
        %swap3A_2181 = tpu.vector_load %arg7[%swap3A_2179, %swap3A_2180] {strides = array<i32>} : memref<64x512xf32, #tpu.memory_space<vmem>>, vector<16xf32>,
        tpu.vector_store %arg7[%swap3A_2179, %swap3A_2180], %broadcast_in_dim3A_2178 {strides = array<i32>} : memref<64x512xf32, #tpu.memory_space<vmem>>, vector<16xf32>,
        %broadcast_in_dim3A_2182 = arith.constant 0.000000e+00 : f32
        %broadcast_in_dim3A_2183 = vector.broadcast %broadcast_in_dim3A_2182 : f32 to vector<16xf32>
        %swap3A_2184 = arith.index_cast %while3A_2160 : i32 to index
        %swap3A_2185 = arith.constant 64 : index
        %swap3A_2186 = tpu.vector_load %arg7[%swap3A_2184, %swap3A_2185] {strides = array<i32>} : memref<64x512xf32, #tpu.memory_space<vmem>>, vector<16xf32>,
        tpu.vector_store %arg7[%swap3A_2184, %swap3A_2185], %broadcast_in_dim3A_2183 {strides = array<i32>} : memref<64x512xf32, #tpu.memory_space<vmem>>, vector<16xf32>,
        %broadcast_in_dim3A_2187 = arith.constant 0.000000e+00 : f32
        %broadcast_in_dim3A_2188 = vector.broadcast %broadcast_in_dim3A_2187 : f32 to vector<16xf32>
        %swap3A_2189 = arith.index_cast %while3A_2160 : i32 to index
        %swap3A_2190 = arith.constant 80 : index
        %swap3A_2191 = tpu.vector_load %arg7[%swap3A_2189, %swap3A_2190] {strides = array<i32>} : memref<64x512xf32, #tpu.memory_space<vmem>>, vector<16xf32>,
        tpu.vector_store %arg7[%swap3A_2189, %swap3A_2190], %broadcast_in_dim3A_2188 {strides = array<i32>} : memref<64x512xf32, #tpu.memory_space<vmem>>, vector<16xf32>,
        %broadcast_in_dim3A_2192 = arith.constant 0.000000e+00 : f32
        %broadcast_in_dim3A_2193 = vector.broadcast %broadcast_in_dim3A_2192 : f32 to vector<16xf32>
        %swap3A_2194 = arith.index_cast %while3A_2160 : i32 to index
        %swap3A_2195 = arith.constant 96 : index
        %swap3A_2196 = tpu.vector_load %arg7[%swap3A_2194, %swap3A_2195] {strides = array<i32>} : memref<64x512xf32, #tpu.memory_space<vmem>>, vector<16xf32>,
        tpu.vector_store %arg7[%swap3A_2194, %swap3A_2195], %broadcast_in_dim3A_2193 {strides = array<i32>} : memref<64x512xf32, #tpu.memory_space<vmem>>, vector<16xf32>,
        %broadcast_in_dim3A_2197 = arith.constant 0.000000e+00 : f32
        %broadcast_in_dim3A_2198 = vector.broadcast %broadcast_in_dim3A_2197 : f32 to vector<16xf32>
        %swap3A_2199 = arith.index_cast %while3A_2160 : i32 to index
        %swap3A_2200 = arith.constant 112 : index
        %swap3A_2201 = tpu.vector_load %arg7[%swap3A_2199, %swap3A_2200] {strides = array<i32>} : memref<64x512xf32, #tpu.memory_space<vmem>>, vector<16xf32>,
        tpu.vector_store %arg7[%swap3A_2199, %swap3A_2200], %broadcast_in_dim3A_2198 {strides = array<i32>} : memref<64x512xf32, #tpu.memory_space<vmem>>, vector<16xf32>,
        %broadcast_in_dim3A_2202 = arith.constant 0.000000e+00 : f32
        %broadcast_in_dim3A_2203 = vector.broadcast %broadcast_in_dim3A_2202 : f32 to vector<16xf32>
        %swap3A_2204 = arith.index_cast %while3A_2160 : i32 to index
        %swap3A_2205 = arith.constant 128 : index
        %swap3A_2206 = tpu.vector_load %arg7[%swap3A_2204, %swap3A_2205] {strides = array<i32>} : memref<64x512xf32, #tpu.memory_space<vmem>>, vector<16xf32>,
        tpu.vector_store %arg7[%swap3A_2204, %swap3A_2205], %broadcast_in_dim3A_2203 {strides = array<i32>} : memref<64x512xf32, #tpu.memory_space<vmem>>, vector<16xf32>,
        %broadcast_in_dim3A_2207 = arith.constant 0.000000e+00 : f32
        %broadcast_in_dim3A_2208 = vector.broadcast %broadcast_in_dim3A_2207 : f32 to vector<16xf32>
        %swap3A_2209 = arith.index_cast %while3A_2160 : i32 to index
        %swap3A_2210 = arith.constant 144 : index
        %swap3A_2211 = tpu.vector_load %arg7[%swap3A_2209, %swap3A_2210] {strides = array<i32>} : memref<64x512xf32, #tpu.memory_space<vmem>>, vector<16xf32>,
        tpu.vector_store %arg7[%swap3A_2209, %swap3A_2210], %broadcast_in_dim3A_2208 {strides = array<i32>} : memref<64x512xf32, #tpu.memory_space<vmem>>, vector<16xf32>,
        %broadcast_in_dim3A_2212 = arith.constant 0.000000e+00 : f32
        %broadcast_in_dim3A_2213 = vector.broadcast %broadcast_in_dim3A_2212 : f32 to vector<16xf32>
        %swap3A_2214 = arith.index_cast %while3A_2160 : i32 to index
        %swap3A_2215 = arith.constant 160 : index
        %swap3A_2216 = tpu.vector_load %arg7[%swap3A_2214, %swap3A_2215] {strides = array<i32>} : memref<64x512xf32, #tpu.memory_space<vmem>>, vector<16xf32>,
        tpu.vector_store %arg7[%swap3A_2214, %swap3A_2215], %broadcast_in_dim3A_2213 {strides = array<i32>} : memref<64x512xf32, #tpu.memory_space<vmem>>, vector<16xf32>,
        %broadcast_in_dim3A_2217 = arith.constant 0.000000e+00 : f32
        %broadcast_in_dim3A_2218 = vector.broadcast %broadcast_in_dim3A_2217 : f32 to vector<16xf32>
        %swap3A_2219 = arith.index_cast %while3A_2160 : i32 to index
        %swap3A_2220 = arith.constant 176 : index
        %swap3A_2221 = tpu.vector_load %arg7[%swap3A_2219, %swap3A_2220] {strides = array<i32>} : memref<64x512xf32, #tpu.memory_space<vmem>>, vector<16xf32>,
        tpu.vector_store %arg7[%swap3A_2219, %swap3A_2220], %broadcast_in_dim3A_2218 {strides = array<i32>} : memref<64x512xf32, #tpu.memory_space<vmem>>, vector<16xf32>,
        %broadcast_in_dim3A_2222 = arith.constant 0.000000e+00 : f32
        %broadcast_in_dim3A_2223 = vector.broadcast %broadcast_in_dim3A_2222 : f32 to vector<16xf32>
        %swap3A_2224 = arith.index_cast %while3A_2160 : i32 to index
        %swap3A_2225 = arith.constant 192 : index
        %swap3A_2226 = tpu.vector_load %arg7[%swap3A_2224, %swap3A_2225] {strides = array<i32>} : memref<64x512xf32, #tpu.memory_space<vmem>>, vector<16xf32>,
        tpu.vector_store %arg7[%swap3A_2224, %swap3A_2225], %broadcast_in_dim3A_2223 {strides = array<i32>} : memref<64x512xf32, #tpu.memory_space<vmem>>, vector<16xf32>,
        %broadcast_in_dim3A_2227 = arith.constant 0.000000e+00 : f32
        %broadcast_in_dim3A_2228 = vector.broadcast %broadcast_in_dim3A_2227 : f32 to vector<16xf32>
        %swap3A_2229 = arith.index_cast %while3A_2160 : i32 to index
        %swap3A_2230 = arith.constant 208 : index
        %swap3A_2231 = tpu.vector_load %arg7[%swap3A_2229, %swap3A_2230] {strides = array<i32>} : memref<64x512xf32, #tpu.memory_space<vmem>>, vector<16xf32>,
        tpu.vector_store %arg7[%swap3A_2229, %swap3A_2230], %broadcast_in_dim3A_2228 {strides = array<i32>} : memref<64x512xf32, #tpu.memory_space<vmem>>, vector<16xf32>,
        %broadcast_in_dim3A_2232 = arith.constant 0.000000e+00 : f32
        %broadcast_in_dim3A_2233 = vector.broadcast %broadcast_in_dim3A_2232 : f32 to vector<16xf32>
        %swap3A_2234 = arith.index_cast %while3A_2160 : i32 to index
        %swap3A_2235 = arith.constant 224 : index
        %swap3A_2236 = tpu.vector_load %arg7[%swap3A_2234, %swap3A_2235] {strides = array<i32>} : memref<64x512xf32, #tpu.memory_space<vmem>>, vector<16xf32>,
        tpu.vector_store %arg7[%swap3A_2234, %swap3A_2235], %broadcast_in_dim3A_2233 {strides = array<i32>} : memref<64x512xf32, #tpu.memory_space<vmem>>, vector<16xf32>,
        %broadcast_in_dim3A_2237 = arith.constant 0.000000e+00 : f32
        %broadcast_in_dim3A_2238 = vector.broadcast %broadcast_in_dim3A_2237 : f32 to vector<16xf32>
        %swap3A_2239 = arith.index_cast %while3A_2160 : i32 to index
        %swap3A_2240 = arith.constant 240 : index
        %swap3A_2241 = tpu.vector_load %arg7[%swap3A_2239, %swap3A_2240] {strides = array<i32>} : memref<64x512xf32, #tpu.memory_space<vmem>>, vector<16xf32>,
        tpu.vector_store %arg7[%swap3A_2239, %swap3A_2240], %broadcast_in_dim3A_2238 {strides = array<i32>} : memref<64x512xf32, #tpu.memory_space<vmem>>, vector<16xf32>,
        %broadcast_in_dim3A_2242 = arith.constant 0.000000e+00 : f32
        %broadcast_in_dim3A_2243 = vector.broadcast %broadcast_in_dim3A_2242 : f32 to vector<16xf32>
        %swap3A_2244 = arith.index_cast %while3A_2160 : i32 to index
        %swap3A_2245 = arith.constant 256 : index
        %swap3A_2246 = tpu.vector_load %arg7[%swap3A_2244, %swap3A_2245] {strides = array<i32>} : memref<64x512xf32, #tpu.memory_space<vmem>>, vector<16xf32>,
        tpu.vector_store %arg7[%swap3A_2244, %swap3A_2245], %broadcast_in_dim3A_2243 {strides = array<i32>} : memref<64x512xf32, #tpu.memory_space<vmem>>, vector<16xf32>,
        %broadcast_in_dim3A_2247 = arith.constant 0.000000e+00 : f32
        %broadcast_in_dim3A_2248 = vector.broadcast %broadcast_in_dim3A_2247 : f32 to vector<16xf32>
        %swap3A_2249 = arith.index_cast %while3A_2160 : i32 to index
        %swap3A_2250 = arith.constant 272 : index
        %swap3A_2251 = tpu.vector_load %arg7[%swap3A_2249, %swap3A_2250] {strides = array<i32>} : memref<64x512xf32, #tpu.memory_space<vmem>>, vector<16xf32>,
        tpu.vector_store %arg7[%swap3A_2249, %swap3A_2250], %broadcast_in_dim3A_2248 {strides = array<i32>} : memref<64x512xf32, #tpu.memory_space<vmem>>, vector<16xf32>,
        %broadcast_in_dim3A_2252 = arith.constant 0.000000e+00 : f32
        %broadcast_in_dim3A_2253 = vector.broadcast %broadcast_in_dim3A_2252 : f32 to vector<16xf32>
        %swap3A_2254 = arith.index_cast %while3A_2160 : i32 to index
        %swap3A_2255 = arith.constant 288 : index
        %swap3A_2256 = tpu.vector_load %arg7[%swap3A_2254, %swap3A_2255] {strides = array<i32>} : memref<64x512xf32, #tpu.memory_space<vmem>>, vector<16xf32>,
        tpu.vector_store %arg7[%swap3A_2254, %swap3A_2255], %broadcast_in_dim3A_2253 {strides = array<i32>} : memref<64x512xf32, #tpu.memory_space<vmem>>, vector<16xf32>,
        %broadcast_in_dim3A_2257 = arith.constant 0.000000e+00 : f32
        %broadcast_in_dim3A_2258 = vector.broadcast %broadcast_in_dim3A_2257 : f32 to vector<16xf32>
        %swap3A_2259 = arith.index_cast %while3A_2160 : i32 to index
        %swap3A_2260 = arith.constant 304 : index
        %swap3A_2261 = tpu.vector_load %arg7[%swap3A_2259, %swap3A_2260] {strides = array<i32>} : memref<64x512xf32, #tpu.memory_space<vmem>>, vector<16xf32>,
        tpu.vector_store %arg7[%swap3A_2259, %swap3A_2260], %broadcast_in_dim3A_2258 {strides = array<i32>} : memref<64x512xf32, #tpu.memory_space<vmem>>, vector<16xf32>,
        %broadcast_in_dim3A_2262 = arith.constant 0.000000e+00 : f32
        %broadcast_in_dim3A_2263 = vector.broadcast %broadcast_in_dim3A_2262 : f32 to vector<16xf32>
        %swap3A_2264 = arith.index_cast %while3A_2160 : i32 to index
        %swap3A_2265 = arith.constant 320 : index
        %swap3A_2266 = tpu.vector_load %arg7[%swap3A_2264, %swap3A_2265] {strides = array<i32>} : memref<64x512xf32, #tpu.memory_space<vmem>>, vector<16xf32>,
        tpu.vector_store %arg7[%swap3A_2264, %swap3A_2265], %broadcast_in_dim3A_2263 {strides = array<i32>} : memref<64x512xf32, #tpu.memory_space<vmem>>, vector<16xf32>,
        %broadcast_in_dim3A_2267 = arith.constant 0.000000e+00 : f32
        %broadcast_in_dim3A_2268 = vector.broadcast %broadcast_in_dim3A_2267 : f32 to vector<16xf32>
        %swap3A_2269 = arith.index_cast %while3A_2160 : i32 to index
        %swap3A_2270 = arith.constant 336 : index
        %swap3A_2271 = tpu.vector_load %arg7[%swap3A_2269, %swap3A_2270] {strides = array<i32>} : memref<64x512xf32, #tpu.memory_space<vmem>>, vector<16xf32>,
        tpu.vector_store %arg7[%swap3A_2269, %swap3A_2270], %broadcast_in_dim3A_2268 {strides = array<i32>} : memref<64x512xf32, #tpu.memory_space<vmem>>, vector<16xf32>,
        %broadcast_in_dim3A_2272 = arith.constant 0.000000e+00 : f32
        %broadcast_in_dim3A_2273 = vector.broadcast %broadcast_in_dim3A_2272 : f32 to vector<16xf32>
        %swap3A_2274 = arith.index_cast %while3A_2160 : i32 to index
        %swap3A_2275 = arith.constant 352 : index
        %swap3A_2276 = tpu.vector_load %arg7[%swap3A_2274, %swap3A_2275] {strides = array<i32>} : memref<64x512xf32, #tpu.memory_space<vmem>>, vector<16xf32>,
        tpu.vector_store %arg7[%swap3A_2274, %swap3A_2275], %broadcast_in_dim3A_2273 {strides = array<i32>} : memref<64x512xf32, #tpu.memory_space<vmem>>, vector<16xf32>,
        %broadcast_in_dim3A_2277 = arith.constant 0.000000e+00 : f32
        %broadcast_in_dim3A_2278 = vector.broadcast %broadcast_in_dim3A_2277 : f32 to vector<16xf32>
        %swap3A_2279 = arith.index_cast %while3A_2160 : i32 to index
        %swap3A_2280 = arith.constant 368 : index
        %swap3A_2281 = tpu.vector_load %arg7[%swap3A_2279, %swap3A_2280] {strides = array<i32>} : memref<64x512xf32, #tpu.memory_space<vmem>>, vector<16xf32>,
        tpu.vector_store %arg7[%swap3A_2279, %swap3A_2280], %broadcast_in_dim3A_2278 {strides = array<i32>} : memref<64x512xf32, #tpu.memory_space<vmem>>, vector<16xf32>,
        %broadcast_in_dim3A_2282 = arith.constant 0.000000e+00 : f32
        %broadcast_in_dim3A_2283 = vector.broadcast %broadcast_in_dim3A_2282 : f32 to vector<16xf32>
        %swap3A_2284 = arith.index_cast %while3A_2160 : i32 to index
        %swap3A_2285 = arith.constant 384 : index
        %swap3A_2286 = tpu.vector_load %arg7[%swap3A_2284, %swap3A_2285] {strides = array<i32>} : memref<64x512xf32, #tpu.memory_space<vmem>>, vector<16xf32>,
        tpu.vector_store %arg7[%swap3A_2284, %swap3A_2285], %broadcast_in_dim3A_2283 {strides = array<i32>} : memref<64x512xf32, #tpu.memory_space<vmem>>, vector<16xf32>,
        %broadcast_in_dim3A_2287 = arith.constant 0.000000e+00 : f32
        %broadcast_in_dim3A_2288 = vector.broadcast %broadcast_in_dim3A_2287 : f32 to vector<16xf32>
        %swap3A_2289 = arith.index_cast %while3A_2160 : i32 to index
        %swap3A_2290 = arith.constant 400 : index
        %swap3A_2291 = tpu.vector_load %arg7[%swap3A_2289, %swap3A_2290] {strides = array<i32>} : memref<64x512xf32, #tpu.memory_space<vmem>>, vector<16xf32>,
        tpu.vector_store %arg7[%swap3A_2289, %swap3A_2290], %broadcast_in_dim3A_2288 {strides = array<i32>} : memref<64x512xf32, #tpu.memory_space<vmem>>, vector<16xf32>,
        %broadcast_in_dim3A_2292 = arith.constant 0.000000e+00 : f32
        %broadcast_in_dim3A_2293 = vector.broadcast %broadcast_in_dim3A_2292 : f32 to vector<16xf32>
        %swap3A_2294 = arith.index_cast %while3A_2160 : i32 to index
        %swap3A_2295 = arith.constant 416 : index
        %swap3A_2296 = tpu.vector_load %arg7[%swap3A_2294, %swap3A_2295] {strides = array<i32>} : memref<64x512xf32, #tpu.memory_space<vmem>>, vector<16xf32>,
        tpu.vector_store %arg7[%swap3A_2294, %swap3A_2295], %broadcast_in_dim3A_2293 {strides = array<i32>} : memref<64x512xf32, #tpu.memory_space<vmem>>, vector<16xf32>,
        %broadcast_in_dim3A_2297 = arith.constant 0.000000e+00 : f32
        %broadcast_in_dim3A_2298 = vector.broadcast %broadcast_in_dim3A_2297 : f32 to vector<16xf32>
        %swap3A_2299 = arith.index_cast %while3A_2160 : i32 to index
        %swap3A_2300 = arith.constant 432 : index
        %swap3A_2301 = tpu.vector_load %arg7[%swap3A_2299, %swap3A_2300] {strides = array<i32>} : memref<64x512xf32, #tpu.memory_space<vmem>>, vector<16xf32>,
        tpu.vector_store %arg7[%swap3A_2299, %swap3A_2300], %broadcast_in_dim3A_2298 {strides = array<i32>} : memref<64x512xf32, #tpu.memory_space<vmem>>, vector<16xf32>,
        %broadcast_in_dim3A_2302 = arith.constant 0.000000e+00 : f32
        %broadcast_in_dim3A_2303 = vector.broadcast %broadcast_in_dim3A_2302 : f32 to vector<16xf32>
        %swap3A_2304 = arith.index_cast %while3A_2160 : i32 to index
        %swap3A_2305 = arith.constant 448 : index
        %swap3A_2306 = tpu.vector_load %arg7[%swap3A_2304, %swap3A_2305] {strides = array<i32>} : memref<64x512xf32, #tpu.memory_space<vmem>>, vector<16xf32>,
        tpu.vector_store %arg7[%swap3A_2304, %swap3A_2305], %broadcast_in_dim3A_2303 {strides = array<i32>} : memref<64x512xf32, #tpu.memory_space<vmem>>, vector<16xf32>,
        %broadcast_in_dim3A_2307 = arith.constant 0.000000e+00 : f32
        %broadcast_in_dim3A_2308 = vector.broadcast %broadcast_in_dim3A_2307 : f32 to vector<16xf32>
        %swap3A_2309 = arith.index_cast %while3A_2160 : i32 to index
        %swap3A_2310 = arith.constant 464 : index
        %swap3A_2311 = tpu.vector_load %arg7[%swap3A_2309, %swap3A_2310] {strides = array<i32>} : memref<64x512xf32, #tpu.memory_space<vmem>>, vector<16xf32>,
        tpu.vector_store %arg7[%swap3A_2309, %swap3A_2310], %broadcast_in_dim3A_2308 {strides = array<i32>} : memref<64x512xf32, #tpu.memory_space<vmem>>, vector<16xf32>,
        %broadcast_in_dim3A_2312 = arith.constant 0.000000e+00 : f32
        %broadcast_in_dim3A_2313 = vector.broadcast %broadcast_in_dim3A_2312 : f32 to vector<16xf32>
        %swap3A_2314 = arith.index_cast %while3A_2160 : i32 to index
        %swap3A_2315 = arith.constant 480 : index
        %swap3A_2316 = tpu.vector_load %arg7[%swap3A_2314, %swap3A_2315] {strides = array<i32>} : memref<64x512xf32, #tpu.memory_space<vmem>>, vector<16xf32>,
        tpu.vector_store %arg7[%swap3A_2314, %swap3A_2315], %broadcast_in_dim3A_2313 {strides = array<i32>} : memref<64x512xf32, #tpu.memory_space<vmem>>, vector<16xf32>,
        %broadcast_in_dim3A_2317 = arith.constant 0.000000e+00 : f32
        %broadcast_in_dim3A_2318 = vector.broadcast %broadcast_in_dim3A_2317 : f32 to vector<16xf32>
        %swap3A_2319 = arith.index_cast %while3A_2160 : i32 to index
        %swap3A_2320 = arith.constant 496 : index
        %swap3A_2321 = tpu.vector_load %arg7[%swap3A_2319, %swap3A_2320] {strides = array<i32>} : memref<64x512xf32, #tpu.memory_space<vmem>>, vector<16xf32>,
        tpu.vector_store %arg7[%swap3A_2319, %swap3A_2320], %broadcast_in_dim3A_2318 {strides = array<i32>} : memref<64x512xf32, #tpu.memory_space<vmem>>, vector<16xf32>,
        %while3A_2322 = arith.constant 0 : i32
        scf.yield %while3A_2322 : i32
      }
      %while3A_2071 = arith.constant 1 : i32
      %while3A_2072 = scf.for %while3A_2160 = %while3A_2068 to %while3A_2064 step %while3A_2071 iter_args(%while3A_2161 = %while3A_2070) -> (i32)  : i32 {
        %broadcast_in_dim3A_2162 = arith.constant 0.000000e+00 : f32
        %broadcast_in_dim3A_2163 = vector.broadcast %broadcast_in_dim3A_2162 : f32 to vector<16xf32>
        %swap3A_2164 = arith.index_cast %while3A_2160 : i32 to index
        %swap3A_2165 = arith.constant 0 : index
        %swap3A_2166 = tpu.vector_load %arg7[%swap3A_2164, %swap3A_2165] {strides = array<i32>} : memref<64x512xf32, #tpu.memory_space<vmem>>, vector<16xf32>,
        tpu.vector_store %arg7[%swap3A_2164, %swap3A_2165], %broadcast_in_dim3A_2163 {strides = array<i32>} : memref<64x512xf32, #tpu.memory_space<vmem>>, vector<16xf32>,
        %broadcast_in_dim3A_2167 = arith.constant 0.000000e+00 : f32
        %broadcast_in_dim3A_2168 = vector.broadcast %broadcast_in_dim3A_2167 : f32 to vector<16xf32>
        %swap3A_2169 = arith.index_cast %while3A_2160 : i32 to index
        %swap3A_2170 = arith.constant 16 : index
        %swap3A_2171 = tpu.vector_load %arg7[%swap3A_2169, %swap3A_2170] {strides = array<i32>} : memref<64x512xf32, #tpu.memory_space<vmem>>, vector<16xf32>,
        tpu.vector_store %arg7[%swap3A_2169, %swap3A_2170], %broadcast_in_dim3A_2168 {strides = array<i32>} : memref<64x512xf32, #tpu.memory_space<vmem>>, vector<16xf32>,
        %broadcast_in_dim3A_2172 = arith.constant 0.000000e+00 : f32
        %broadcast_in_dim3A_2173 = vector.broadcast %broadcast_in_dim3A_2172 : f32 to vector<16xf32>
        %swap3A_2174 = arith.index_cast %while3A_2160 : i32 to index
        %swap3A_2175 = arith.constant 32 : index
        %swap3A_2176 = tpu.vector_load %arg7[%swap3A_2174, %swap3A_2175] {strides = array<i32>} : memref<64x512xf32, #tpu.memory_space<vmem>>, vector<16xf32>,
        tpu.vector_store %arg7[%swap3A_2174, %swap3A_2175], %broadcast_in_dim3A_2173 {strides = array<i32>} : memref<64x512xf32, #tpu.memory_space<vmem>>, vector<16xf32>,
        %broadcast_in_dim3A_2177 = arith.constant 0.000000e+00 : f32
        %broadcast_in_dim3A_2178 = vector.broadcast %broadcast_in_dim3A_2177 : f32 to vector<16xf32>
        %swap3A_2179 = arith.index_cast %while3A_2160 : i32 to index
        %swap3A_2180 = arith.constant 48 : index
        %swap3A_2181 = tpu.vector_load %arg7[%swap3A_2179, %swap3A_2180] {strides = array<i32>} : memref<64x512xf32, #tpu.memory_space<vmem>>, vector<16xf32>,
        tpu.vector_store %arg7[%swap3A_2179, %swap3A_2180], %broadcast_in_dim3A_2178 {strides = array<i32>} : memref<64x512xf32, #tpu.memory_space<vmem>>, vector<16xf32>,
        %broadcast_in_dim3A_2182 = arith.constant 0.000000e+00 : f32
        %broadcast_in_dim3A_2183 = vector.broadcast %broadcast_in_dim3A_2182 : f32 to vector<16xf32>
        %swap3A_2184 = arith.index_cast %while3A_2160 : i32 to index
        %swap3A_2185 = arith.constant 64 : index
        %swap3A_2186 = tpu.vector_load %arg7[%swap3A_2184, %swap3A_2185] {strides = array<i32>} : memref<64x512xf32, #tpu.memory_space<vmem>>, vector<16xf32>,
        tpu.vector_store %arg7[%swap3A_2184, %swap3A_2185], %broadcast_in_dim3A_2183 {strides = array<i32>} : memref<64x512xf32, #tpu.memory_space<vmem>>, vector<16xf32>,
        %broadcast_in_dim3A_2187 = arith.constant 0.000000e+00 : f32
        %broadcast_in_dim3A_2188 = vector.broadcast %broadcast_in_dim3A_2187 : f32 to vector<16xf32>
        %swap3A_2189 = arith.index_cast %while3A_2160 : i32 to index
        %swap3A_2190 = arith.constant 80 : index
        %swap3A_2191 = tpu.vector_load %arg7[%swap3A_2189, %swap3A_2190] {strides = array<i32>} : memref<64x512xf32, #tpu.memory_space<vmem>>, vector<16xf32>,
        tpu.vector_store %arg7[%swap3A_2189, %swap3A_2190], %broadcast_in_dim3A_2188 {strides = array<i32>} : memref<64x512xf32, #tpu.memory_space<vmem>>, vector<16xf32>,
        %broadcast_in_dim3A_2192 = arith.constant 0.000000e+00 : f32
        %broadcast_in_dim3A_2193 = vector.broadcast %broadcast_in_dim3A_2192 : f32 to vector<16xf32>
        %swap3A_2194 = arith.index_cast %while3A_2160 : i32 to index
        %swap3A_2195 = arith.constant 96 : index
        %swap3A_2196 = tpu.vector_load %arg7[%swap3A_2194, %swap3A_2195] {strides = array<i32>} : memref<64x512xf32, #tpu.memory_space<vmem>>, vector<16xf32>,
        tpu.vector_store %arg7[%swap3A_2194, %swap3A_2195], %broadcast_in_dim3A_2193 {strides = array<i32>} : memref<64x512xf32, #tpu.memory_space<vmem>>, vector<16xf32>,
        %broadcast_in_dim3A_2197 = arith.constant 0.000000e+00 : f32
        %broadcast_in_dim3A_2198 = vector.broadcast %broadcast_in_dim3A_2197 : f32 to vector<16xf32>
        %swap3A_2199 = arith.index_cast %while3A_2160 : i32 to index
        %swap3A_2200 = arith.constant 112 : index
        %swap3A_2201 = tpu.vector_load %arg7[%swap3A_2199, %swap3A_2200] {strides = array<i32>} : memref<64x512xf32, #tpu.memory_space<vmem>>, vector<16xf32>,
        tpu.vector_store %arg7[%swap3A_2199, %swap3A_2200], %broadcast_in_dim3A_2198 {strides = array<i32>} : memref<64x512xf32, #tpu.memory_space<vmem>>, vector<16xf32>,
        %broadcast_in_dim3A_2202 = arith.constant 0.000000e+00 : f32
        %broadcast_in_dim3A_2203 = vector.broadcast %broadcast_in_dim3A_2202 : f32 to vector<16xf32>
        %swap3A_2204 = arith.index_cast %while3A_2160 : i32 to index
        %swap3A_2205 = arith.constant 128 : index
        %swap3A_2206 = tpu.vector_load %arg7[%swap3A_2204, %swap3A_2205] {strides = array<i32>} : memref<64x512xf32, #tpu.memory_space<vmem>>, vector<16xf32>,
        tpu.vector_store %arg7[%swap3A_2204, %swap3A_2205], %broadcast_in_dim3A_2203 {strides = array<i32>} : memref<64x512xf32, #tpu.memory_space<vmem>>, vector<16xf32>,
        %broadcast_in_dim3A_2207 = arith.constant 0.000000e+00 : f32
        %broadcast_in_dim3A_2208 = vector.broadcast %broadcast_in_dim3A_2207 : f32 to vector<16xf32>
        %swap3A_2209 = arith.index_cast %while3A_2160 : i32 to index
        %swap3A_2210 = arith.constant 144 : index
        %swap3A_2211 = tpu.vector_load %arg7[%swap3A_2209, %swap3A_2210] {strides = array<i32>} : memref<64x512xf32, #tpu.memory_space<vmem>>, vector<16xf32>,
        tpu.vector_store %arg7[%swap3A_2209, %swap3A_2210], %broadcast_in_dim3A_2208 {strides = array<i32>} : memref<64x512xf32, #tpu.memory_space<vmem>>, vector<16xf32>,
        %broadcast_in_dim3A_2212 = arith.constant 0.000000e+00 : f32
        %broadcast_in_dim3A_2213 = vector.broadcast %broadcast_in_dim3A_2212 : f32 to vector<16xf32>
        %swap3A_2214 = arith.index_cast %while3A_2160 : i32 to index
        %swap3A_2215 = arith.constant 160 : index
        %swap3A_2216 = tpu.vector_load %arg7[%swap3A_2214, %swap3A_2215] {strides = array<i32>} : memref<64x512xf32, #tpu.memory_space<vmem>>, vector<16xf32>,
        tpu.vector_store %arg7[%swap3A_2214, %swap3A_2215], %broadcast_in_dim3A_2213 {strides = array<i32>} : memref<64x512xf32, #tpu.memory_space<vmem>>, vector<16xf32>,
        %broadcast_in_dim3A_2217 = arith.constant 0.000000e+00 : f32
        %broadcast_in_dim3A_2218 = vector.broadcast %broadcast_in_dim3A_2217 : f32 to vector<16xf32>
        %swap3A_2219 = arith.index_cast %while3A_2160 : i32 to index
        %swap3A_2220 = arith.constant 176 : index
        %swap3A_2221 = tpu.vector_load %arg7[%swap3A_2219, %swap3A_2220] {strides = array<i32>} : memref<64x512xf32, #tpu.memory_space<vmem>>, vector<16xf32>,
        tpu.vector_store %arg7[%swap3A_2219, %swap3A_2220], %broadcast_in_dim3A_2218 {strides = array<i32>} : memref<64x512xf32, #tpu.memory_space<vmem>>, vector<16xf32>,
        %broadcast_in_dim3A_2222 = arith.constant 0.000000e+00 : f32
        %broadcast_in_dim3A_2223 = vector.broadcast %broadcast_in_dim3A_2222 : f32 to vector<16xf32>
        %swap3A_2224 = arith.index_cast %while3A_2160 : i32 to index
        %swap3A_2225 = arith.constant 192 : index
        %swap3A_2226 = tpu.vector_load %arg7[%swap3A_2224, %swap3A_2225] {strides = array<i32>} : memref<64x512xf32, #tpu.memory_space<vmem>>, vector<16xf32>,
        tpu.vector_store %arg7[%swap3A_2224, %swap3A_2225], %broadcast_in_dim3A_2223 {strides = array<i32>} : memref<64x512xf32, #tpu.memory_space<vmem>>, vector<16xf32>,
        %broadcast_in_dim3A_2227 = arith.constant 0.000000e+00 : f32
        %broadcast_in_dim3A_2228 = vector.broadcast %broadcast_in_dim3A_2227 : f32 to vector<16xf32>
        %swap3A_2229 = arith.index_cast %while3A_2160 : i32 to index
        %swap3A_2230 = arith.constant 208 : index
        %swap3A_2231 = tpu.vector_load %arg7[%swap3A_2229, %swap3A_2230] {strides = array<i32>} : memref<64x512xf32, #tpu.memory_space<vmem>>, vector<16xf32>,
        tpu.vector_store %arg7[%swap3A_2229, %swap3A_2230], %broadcast_in_dim3A_2228 {strides = array<i32>} : memref<64x512xf32, #tpu.memory_space<vmem>>, vector<16xf32>,
        %broadcast_in_dim3A_2232 = arith.constant 0.000000e+00 : f32
        %broadcast_in_dim3A_2233 = vector.broadcast %broadcast_in_dim3A_2232 : f32 to vector<16xf32>
        %swap3A_2234 = arith.index_cast %while3A_2160 : i32 to index
        %swap3A_2235 = arith.constant 224 : index
        %swap3A_2236 = tpu.vector_load %arg7[%swap3A_2234, %swap3A_2235] {strides = array<i32>} : memref<64x512xf32, #tpu.memory_space<vmem>>, vector<16xf32>,
        tpu.vector_store %arg7[%swap3A_2234, %swap3A_2235], %broadcast_in_dim3A_2233 {strides = array<i32>} : memref<64x512xf32, #tpu.memory_space<vmem>>, vector<16xf32>,
        %broadcast_in_dim3A_2237 = arith.constant 0.000000e+00 : f32
        %broadcast_in_dim3A_2238 = vector.broadcast %broadcast_in_dim3A_2237 : f32 to vector<16xf32>
        %swap3A_2239 = arith.index_cast %while3A_2160 : i32 to index
        %swap3A_2240 = arith.constant 240 : index
        %swap3A_2241 = tpu.vector_load %arg7[%swap3A_2239, %swap3A_2240] {strides = array<i32>} : memref<64x512xf32, #tpu.memory_space<vmem>>, vector<16xf32>,
        tpu.vector_store %arg7[%swap3A_2239, %swap3A_2240], %broadcast_in_dim3A_2238 {strides = array<i32>} : memref<64x512xf32, #tpu.memory_space<vmem>>, vector<16xf32>,
        %broadcast_in_dim3A_2242 = arith.constant 0.000000e+00 : f32
        %broadcast_in_dim3A_2243 = vector.broadcast %broadcast_in_dim3A_2242 : f32 to vector<16xf32>
        %swap3A_2244 = arith.index_cast %while3A_2160 : i32 to index
        %swap3A_2245 = arith.constant 256 : index
        %swap3A_2246 = tpu.vector_load %arg7[%swap3A_2244, %swap3A_2245] {strides = array<i32>} : memref<64x512xf32, #tpu.memory_space<vmem>>, vector<16xf32>,
        tpu.vector_store %arg7[%swap3A_2244, %swap3A_2245], %broadcast_in_dim3A_2243 {strides = array<i32>} : memref<64x512xf32, #tpu.memory_space<vmem>>, vector<16xf32>,
        %broadcast_in_dim3A_2247 = arith.constant 0.000000e+00 : f32
        %broadcast_in_dim3A_2248 = vector.broadcast %broadcast_in_dim3A_2247 : f32 to vector<16xf32>
        %swap3A_2249 = arith.index_cast %while3A_2160 : i32 to index
        %swap3A_2250 = arith.constant 272 : index
        %swap3A_2251 = tpu.vector_load %arg7[%swap3A_2249, %swap3A_2250] {strides = array<i32>} : memref<64x512xf32, #tpu.memory_space<vmem>>, vector<16xf32>,
        tpu.vector_store %arg7[%swap3A_2249, %swap3A_2250], %broadcast_in_dim3A_2248 {strides = array<i32>} : memref<64x512xf32, #tpu.memory_space<vmem>>, vector<16xf32>,
        %broadcast_in_dim3A_2252 = arith.constant 0.000000e+00 : f32
        %broadcast_in_dim3A_2253 = vector.broadcast %broadcast_in_dim3A_2252 : f32 to vector<16xf32>
        %swap3A_2254 = arith.index_cast %while3A_2160 : i32 to index
        %swap3A_2255 = arith.constant 288 : index
        %swap3A_2256 = tpu.vector_load %arg7[%swap3A_2254, %swap3A_2255] {strides = array<i32>} : memref<64x512xf32, #tpu.memory_space<vmem>>, vector<16xf32>,
        tpu.vector_store %arg7[%swap3A_2254, %swap3A_2255], %broadcast_in_dim3A_2253 {strides = array<i32>} : memref<64x512xf32, #tpu.memory_space<vmem>>, vector<16xf32>,
        %broadcast_in_dim3A_2257 = arith.constant 0.000000e+00 : f32
        %broadcast_in_dim3A_2258 = vector.broadcast %broadcast_in_dim3A_2257 : f32 to vector<16xf32>
        %swap3A_2259 = arith.index_cast %while3A_2160 : i32 to index
        %swap3A_2260 = arith.constant 304 : index
        %swap3A_2261 = tpu.vector_load %arg7[%swap3A_2259, %swap3A_2260] {strides = array<i32>} : memref<64x512xf32, #tpu.memory_space<vmem>>, vector<16xf32>,
        tpu.vector_store %arg7[%swap3A_2259, %swap3A_2260], %broadcast_in_dim3A_2258 {strides = array<i32>} : memref<64x512xf32, #tpu.memory_space<vmem>>, vector<16xf32>,
        %broadcast_in_dim3A_2262 = arith.constant 0.000000e+00 : f32
        %broadcast_in_dim3A_2263 = vector.broadcast %broadcast_in_dim3A_2262 : f32 to vector<16xf32>
        %swap3A_2264 = arith.index_cast %while3A_2160 : i32 to index
        %swap3A_2265 = arith.constant 320 : index
        %swap3A_2266 = tpu.vector_load %arg7[%swap3A_2264, %swap3A_2265] {strides = array<i32>} : memref<64x512xf32, #tpu.memory_space<vmem>>, vector<16xf32>,
        tpu.vector_store %arg7[%swap3A_2264, %swap3A_2265], %broadcast_in_dim3A_2263 {strides = array<i32>} : memref<64x512xf32, #tpu.memory_space<vmem>>, vector<16xf32>,
        %broadcast_in_dim3A_2267 = arith.constant 0.000000e+00 : f32
        %broadcast_in_dim3A_2268 = vector.broadcast %broadcast_in_dim3A_2267 : f32 to vector<16xf32>
        %swap3A_2269 = arith.index_cast %while3A_2160 : i32 to index
        %swap3A_2270 = arith.constant 336 : index
        %swap3A_2271 = tpu.vector_load %arg7[%swap3A_2269, %swap3A_2270] {strides = array<i32>} : memref<64x512xf32, #tpu.memory_space<vmem>>, vector<16xf32>,
        tpu.vector_store %arg7[%swap3A_2269, %swap3A_2270], %broadcast_in_dim3A_2268 {strides = array<i32>} : memref<64x512xf32, #tpu.memory_space<vmem>>, vector<16xf32>,
        %broadcast_in_dim3A_2272 = arith.constant 0.000000e+00 : f32
        %broadcast_in_dim3A_2273 = vector.broadcast %broadcast_in_dim3A_2272 : f32 to vector<16xf32>
        %swap3A_2274 = arith.index_cast %while3A_2160 : i32 to index
        %swap3A_2275 = arith.constant 352 : index
        %swap3A_2276 = tpu.vector_load %arg7[%swap3A_2274, %swap3A_2275] {strides = array<i32>} : memref<64x512xf32, #tpu.memory_space<vmem>>, vector<16xf32>,
        tpu.vector_store %arg7[%swap3A_2274, %swap3A_2275], %broadcast_in_dim3A_2273 {strides = array<i32>} : memref<64x512xf32, #tpu.memory_space<vmem>>, vector<16xf32>,
        %broadcast_in_dim3A_2277 = arith.constant 0.000000e+00 : f32
        %broadcast_in_dim3A_2278 = vector.broadcast %broadcast_in_dim3A_2277 : f32 to vector<16xf32>
        %swap3A_2279 = arith.index_cast %while3A_2160 : i32 to index
        %swap3A_2280 = arith.constant 368 : index
        %swap3A_2281 = tpu.vector_load %arg7[%swap3A_2279, %swap3A_2280] {strides = array<i32>} : memref<64x512xf32, #tpu.memory_space<vmem>>, vector<16xf32>,
        tpu.vector_store %arg7[%swap3A_2279, %swap3A_2280], %broadcast_in_dim3A_2278 {strides = array<i32>} : memref<64x512xf32, #tpu.memory_space<vmem>>, vector<16xf32>,
        %broadcast_in_dim3A_2282 = arith.constant 0.000000e+00 : f32
        %broadcast_in_dim3A_2283 = vector.broadcast %broadcast_in_dim3A_2282 : f32 to vector<16xf32>
        %swap3A_2284 = arith.index_cast %while3A_2160 : i32 to index
        %swap3A_2285 = arith.constant 384 : index
        %swap3A_2286 = tpu.vector_load %arg7[%swap3A_2284, %swap3A_2285] {strides = array<i32>} : memref<64x512xf32, #tpu.memory_space<vmem>>, vector<16xf32>,
        tpu.vector_store %arg7[%swap3A_2284, %swap3A_2285], %broadcast_in_dim3A_2283 {strides = array<i32>} : memref<64x512xf32, #tpu.memory_space<vmem>>, vector<16xf32>,
        %broadcast_in_dim3A_2287 = arith.constant 0.000000e+00 : f32
        %broadcast_in_dim3A_2288 = vector.broadcast %broadcast_in_dim3A_2287 : f32 to vector<16xf32>
        %swap3A_2289 = arith.index_cast %while3A_2160 : i32 to index
        %swap3A_2290 = arith.constant 400 : index
        %swap3A_2291 = tpu.vector_load %arg7[%swap3A_2289, %swap3A_2290] {strides = array<i32>} : memref<64x512xf32, #tpu.memory_space<vmem>>, vector<16xf32>,
        tpu.vector_store %arg7[%swap3A_2289, %swap3A_2290], %broadcast_in_dim3A_2288 {strides = array<i32>} : memref<64x512xf32, #tpu.memory_space<vmem>>, vector<16xf32>,
        %broadcast_in_dim3A_2292 = arith.constant 0.000000e+00 : f32
        %broadcast_in_dim3A_2293 = vector.broadcast %broadcast_in_dim3A_2292 : f32 to vector<16xf32>
        %swap3A_2294 = arith.index_cast %while3A_2160 : i32 to index
        %swap3A_2295 = arith.constant 416 : index
        %swap3A_2296 = tpu.vector_load %arg7[%swap3A_2294, %swap3A_2295] {strides = array<i32>} : memref<64x512xf32, #tpu.memory_space<vmem>>, vector<16xf32>,
        tpu.vector_store %arg7[%swap3A_2294, %swap3A_2295], %broadcast_in_dim3A_2293 {strides = array<i32>} : memref<64x512xf32, #tpu.memory_space<vmem>>, vector<16xf32>,
        %broadcast_in_dim3A_2297 = arith.constant 0.000000e+00 : f32
        %broadcast_in_dim3A_2298 = vector.broadcast %broadcast_in_dim3A_2297 : f32 to vector<16xf32>
        %swap3A_2299 = arith.index_cast %while3A_2160 : i32 to index
        %swap3A_2300 = arith.constant 432 : index
        %swap3A_2301 = tpu.vector_load %arg7[%swap3A_2299, %swap3A_2300] {strides = array<i32>} : memref<64x512xf32, #tpu.memory_space<vmem>>, vector<16xf32>,
        tpu.vector_store %arg7[%swap3A_2299, %swap3A_2300], %broadcast_in_dim3A_2298 {strides = array<i32>} : memref<64x512xf32, #tpu.memory_space<vmem>>, vector<16xf32>,
        %broadcast_in_dim3A_2302 = arith.constant 0.000000e+00 : f32
        %broadcast_in_dim3A_2303 = vector.broadcast %broadcast_in_dim3A_2302 : f32 to vector<16xf32>
        %swap3A_2304 = arith.index_cast %while3A_2160 : i32 to index
        %swap3A_2305 = arith.constant 448 : index
        %swap3A_2306 = tpu.vector_load %arg7[%swap3A_2304, %swap3A_2305] {strides = array<i32>} : memref<64x512xf32, #tpu.memory_space<vmem>>, vector<16xf32>,
        tpu.vector_store %arg7[%swap3A_2304, %swap3A_2305], %broadcast_in_dim3A_2303 {strides = array<i32>} : memref<64x512xf32, #tpu.memory_space<vmem>>, vector<16xf32>,
        %broadcast_in_dim3A_2307 = arith.constant 0.000000e+00 : f32
        %broadcast_in_dim3A_2308 = vector.broadcast %broadcast_in_dim3A_2307 : f32 to vector<16xf32>
        %swap3A_2309 = arith.index_cast %while3A_2160 : i32 to index
        %swap3A_2310 = arith.constant 464 : index
        %swap3A_2311 = tpu.vector_load %arg7[%swap3A_2309, %swap3A_2310] {strides = array<i32>} : memref<64x512xf32, #tpu.memory_space<vmem>>, vector<16xf32>,
        tpu.vector_store %arg7[%swap3A_2309, %swap3A_2310], %broadcast_in_dim3A_2308 {strides = array<i32>} : memref<64x512xf32, #tpu.memory_space<vmem>>, vector<16xf32>,
        %broadcast_in_dim3A_2312 = arith.constant 0.000000e+00 : f32
        %broadcast_in_dim3A_2313 = vector.broadcast %broadcast_in_dim3A_2312 : f32 to vector<16xf32>
        %swap3A_2314 = arith.index_cast %while3A_2160 : i32 to index
        %swap3A_2315 = arith.constant 480 : index
        %swap3A_2316 = tpu.vector_load %arg7[%swap3A_2314, %swap3A_2315] {strides = array<i32>} : memref<64x512xf32, #tpu.memory_space<vmem>>, vector<16xf32>,
        tpu.vector_store %arg7[%swap3A_2314, %swap3A_2315], %broadcast_in_dim3A_2313 {strides = array<i32>} : memref<64x512xf32, #tpu.memory_space<vmem>>, vector<16xf32>,
        %broadcast_in_dim3A_2317 = arith.constant 0.000000e+00 : f32
        %broadcast_in_dim3A_2318 = vector.broadcast %broadcast_in_dim3A_2317 : f32 to vector<16xf32>
        %swap3A_2319 = arith.index_cast %while3A_2160 : i32 to index
        %swap3A_2320 = arith.constant 496 : index
        %swap3A_2321 = tpu.vector_load %arg7[%swap3A_2319, %swap3A_2320] {strides = array<i32>} : memref<64x512xf32, #tpu.memory_space<vmem>>, vector<16xf32>,
        tpu.vector_store %arg7[%swap3A_2319, %swap3A_2320], %broadcast_in_dim3A_2318 {strides = array<i32>} : memref<64x512xf32, #tpu.memory_space<vmem>>, vector<16xf32>,
        %while3A_2322 = arith.constant 0 : i32
        scf.yield %while3A_2322 : i32
      }
      %shift_right_arithmetic3A = arith.constant 6 : i32
      %shift_right_arithmetic3A_2073 = arith.shrsi %and3A_1453, %shift_right_arithmetic3A : i32
      %and3A_2074 = arith.constant 1 : i32
      %and3A_2075 = arith.andi %shift_right_arithmetic3A_2073, %and3A_2074 : i32
      %eq3A_2076 = arith.constant 1 : i32
      %eq3A_2077 = arith.cmpi eq, %and3A_2075, %eq3A_2076 : i32
      %convert_element_type3A_2078 = arith.extui %eq3A_2077 : i1 to i32
      %cond3A_2079 = arith.constant 0 : i32
      %cond3A_2080 = arith.constant 0 : i32
      %cond3A_2081 = arith.cmpi ne, %convert_element_type3A_2078, %cond3A_2080 : i32
      scf.if %cond3A_2081 {
        %multiple_of3A_2160 = tpu.assume_multiple %cond3A_2079, 8 : i32
        %add3A_2161 = arith.addi %mul3A_32, %mul3A_1449 : i32
        %add3A_2162 = arith.addi %add3A_2161, %cond3A_2079 : i32
        %multiple_of3A_2163 = tpu.assume_multiple %add3A_2162, 8 : i32
        %dma_start3A_2164 = arith.constant 0 : i32
        %dma_start3A_2165 = tpu.memref_slice %arg7[%multiple_of3A_2160, %dma_start3A_2164] : memref<64x512xf32, #tpu.memory_space<vmem>> -> memref<64x512xf32, #tpu.memory_space<vmem>>
        %dma_start3A_2166 = arith.constant 0 : i32
        %dma_start3A_2167 = tpu.memref_slice %arg5[%multiple_of3A_2163, %dma_start3A_2166] : memref<32768x512xf32, #tpu.memory_space<hbm>> -> memref<64x512xf32, #tpu.memory_space<hbm>>
        %dma_start3A_2168 = arith.constant 0 : i32
        %dma_start3A_2169 = tpu.memref_slice %arg5[%multiple_of3A_2163, %dma_start3A_2168] : memref<32768x512xf32, #tpu.memory_space<hbm>> -> memref<64x512xf32, #tpu.memory_space<hbm>>
        %dma_start3A_2170 = arith.constant 0 : i32
        %dma_start3A_2171 = tpu.memref_slice %arg7[%multiple_of3A_2160, %dma_start3A_2170] : memref<64x512xf32, #tpu.memory_space<vmem>> -> memref<64x512xf32, #tpu.memory_space<vmem>>
        tpu.enqueue_dma source(%dma_start3A_2171 : memref<64x512xf32, #tpu.memory_space<vmem>>) target(%dma_start3A_2169 : memref<64x512xf32, #tpu.memory_space<hbm>>) target_semaphore(%arg15 : memref<!tpu.dma_semaphore, #tpu.memory_space<semaphore_mem>>)
        %dma_wait3A_2172 = arith.constant 0 : i32
        %dma_wait3A_2173 = tpu.memref_slice %arg7[%multiple_of3A_2160, %dma_wait3A_2172] : memref<64x512xf32, #tpu.memory_space<vmem>> -> memref<64x512xf32, #tpu.memory_space<vmem>>
        %dma_wait3A_2174 = arith.constant 0 : i32
        %dma_wait3A_2175 = tpu.memref_slice %arg5[%multiple_of3A_2163, %dma_wait3A_2174] : memref<32768x512xf32, #tpu.memory_space<hbm>> -> memref<64x512xf32, #tpu.memory_space<hbm>>
        %dma_wait3A_2176 = arith.constant 0 : i32
        %dma_wait3A_2177 = tpu.memref_slice %arg5[%multiple_of3A_2163, %dma_wait3A_2176] : memref<32768x512xf32, #tpu.memory_space<hbm>> -> memref<64x512xf32, #tpu.memory_space<hbm>>
        %dma_wait3A_2178 = arith.constant 0 : i32
        %dma_wait3A_2179 = tpu.memref_slice %arg7[%multiple_of3A_2160, %dma_wait3A_2178] : memref<64x512xf32, #tpu.memory_space<vmem>> -> memref<64x512xf32, #tpu.memory_space<vmem>>
        tpu.wait_dma2 semaphore(%arg15 : memref<!tpu.dma_semaphore, #tpu.memory_space<semaphore_mem>>) src(%dma_wait3A_2179 : memref<64x512xf32, #tpu.memory_space<vmem>>) dst(%dma_wait3A_2177 : memref<64x512xf32, #tpu.memory_space<hbm>>)
      } else {
      }
      %mul3A_2082 = arith.constant 64 : i32
      %mul3A_2083 = arith.muli %and3A_2075, %mul3A_2082 : i32
      %add3A_2084 = arith.constant 0 : i32
      %add3A_2085 = arith.addi %add3A_2084, %mul3A_2083 : i32
      %shift_right_arithmetic3A_2086 = arith.constant 5 : i32
      %shift_right_arithmetic3A_2087 = arith.shrsi %and3A_1453, %shift_right_arithmetic3A_2086 : i32
      %and3A_2088 = arith.constant 1 : i32
      %and3A_2089 = arith.andi %shift_right_arithmetic3A_2087, %and3A_2088 : i32
      %eq3A_2090 = arith.constant 1 : i32
      %eq3A_2091 = arith.cmpi eq, %and3A_2089, %eq3A_2090 : i32
      %convert_element_type3A_2092 = arith.extui %eq3A_2091 : i1 to i32
      %cond3A_2093 = arith.constant 0 : i32
      %cond3A_2094 = arith.cmpi ne, %convert_element_type3A_2092, %cond3A_2093 : i32
      scf.if %cond3A_2094 {
        %multiple_of3A_2160 = tpu.assume_multiple %add3A_2085, 8 : i32
        %add3A_2161 = arith.addi %mul3A_32, %mul3A_1449 : i32
        %add3A_2162 = arith.addi %add3A_2161, %add3A_2085 : i32
        %multiple_of3A_2163 = tpu.assume_multiple %add3A_2162, 8 : i32
        %dma_start3A_2164 = arith.constant 0 : i32
        %dma_start3A_2165 = tpu.memref_slice %arg7[%multiple_of3A_2160, %dma_start3A_2164] : memref<64x512xf32, #tpu.memory_space<vmem>> -> memref<32x512xf32, #tpu.memory_space<vmem>>
        %dma_start3A_2166 = arith.constant 0 : i32
        %dma_start3A_2167 = tpu.memref_slice %arg5[%multiple_of3A_2163, %dma_start3A_2166] : memref<32768x512xf32, #tpu.memory_space<hbm>> -> memref<32x512xf32, #tpu.memory_space<hbm>>
        %dma_start3A_2168 = arith.constant 0 : i32
        %dma_start3A_2169 = tpu.memref_slice %arg5[%multiple_of3A_2163, %dma_start3A_2168] : memref<32768x512xf32, #tpu.memory_space<hbm>> -> memref<32x512xf32, #tpu.memory_space<hbm>>
        %dma_start3A_2170 = arith.constant 0 : i32
        %dma_start3A_2171 = tpu.memref_slice %arg7[%multiple_of3A_2160, %dma_start3A_2170] : memref<64x512xf32, #tpu.memory_space<vmem>> -> memref<32x512xf32, #tpu.memory_space<vmem>>
        tpu.enqueue_dma source(%dma_start3A_2171 : memref<32x512xf32, #tpu.memory_space<vmem>>) target(%dma_start3A_2169 : memref<32x512xf32, #tpu.memory_space<hbm>>) target_semaphore(%arg15 : memref<!tpu.dma_semaphore, #tpu.memory_space<semaphore_mem>>)
        %dma_wait3A_2172 = arith.constant 0 : i32
        %dma_wait3A_2173 = tpu.memref_slice %arg7[%multiple_of3A_2160, %dma_wait3A_2172] : memref<64x512xf32, #tpu.memory_space<vmem>> -> memref<32x512xf32, #tpu.memory_space<vmem>>
        %dma_wait3A_2174 = arith.constant 0 : i32
        %dma_wait3A_2175 = tpu.memref_slice %arg5[%multiple_of3A_2163, %dma_wait3A_2174] : memref<32768x512xf32, #tpu.memory_space<hbm>> -> memref<32x512xf32, #tpu.memory_space<hbm>>
        %dma_wait3A_2176 = arith.constant 0 : i32
        %dma_wait3A_2177 = tpu.memref_slice %arg5[%multiple_of3A_2163, %dma_wait3A_2176] : memref<32768x512xf32, #tpu.memory_space<hbm>> -> memref<32x512xf32, #tpu.memory_space<hbm>>
        %dma_wait3A_2178 = arith.constant 0 : i32
        %dma_wait3A_2179 = tpu.memref_slice %arg7[%multiple_of3A_2160, %dma_wait3A_2178] : memref<64x512xf32, #tpu.memory_space<vmem>> -> memref<32x512xf32, #tpu.memory_space<vmem>>
        tpu.wait_dma2 semaphore(%arg15 : memref<!tpu.dma_semaphore, #tpu.memory_space<semaphore_mem>>) src(%dma_wait3A_2179 : memref<32x512xf32, #tpu.memory_space<vmem>>) dst(%dma_wait3A_2177 : memref<32x512xf32, #tpu.memory_space<hbm>>)
      } else {
      }
      %mul3A_2095 = arith.constant 32 : i32
      %mul3A_2096 = arith.muli %and3A_2089, %mul3A_2095 : i32
      %add3A_2097 = arith.addi %add3A_2085, %mul3A_2096 : i32
      %shift_right_arithmetic3A_2098 = arith.constant 4 : i32
      %shift_right_arithmetic3A_2099 = arith.shrsi %and3A_1453, %shift_right_arithmetic3A_2098 : i32
      %and3A_2100 = arith.constant 1 : i32
      %and3A_2101 = arith.andi %shift_right_arithmetic3A_2099, %and3A_2100 : i32
      %eq3A_2102 = arith.constant 1 : i32
      %eq3A_2103 = arith.cmpi eq, %and3A_2101, %eq3A_2102 : i32
      %convert_element_type3A_2104 = arith.extui %eq3A_2103 : i1 to i32
      %cond3A_2105 = arith.constant 0 : i32
      %cond3A_2106 = arith.cmpi ne, %convert_element_type3A_2104, %cond3A_2105 : i32
      scf.if %cond3A_2106 {
        %multiple_of3A_2160 = tpu.assume_multiple %add3A_2097, 8 : i32
        %add3A_2161 = arith.addi %mul3A_32, %mul3A_1449 : i32
        %add3A_2162 = arith.addi %add3A_2161, %add3A_2097 : i32
        %multiple_of3A_2163 = tpu.assume_multiple %add3A_2162, 8 : i32
        %dma_start3A_2164 = arith.constant 0 : i32
        %dma_start3A_2165 = tpu.memref_slice %arg7[%multiple_of3A_2160, %dma_start3A_2164] : memref<64x512xf32, #tpu.memory_space<vmem>> -> memref<16x512xf32, #tpu.memory_space<vmem>>
        %dma_start3A_2166 = arith.constant 0 : i32
        %dma_start3A_2167 = tpu.memref_slice %arg5[%multiple_of3A_2163, %dma_start3A_2166] : memref<32768x512xf32, #tpu.memory_space<hbm>> -> memref<16x512xf32, #tpu.memory_space<hbm>>
        %dma_start3A_2168 = arith.constant 0 : i32
        %dma_start3A_2169 = tpu.memref_slice %arg5[%multiple_of3A_2163, %dma_start3A_2168] : memref<32768x512xf32, #tpu.memory_space<hbm>> -> memref<16x512xf32, #tpu.memory_space<hbm>>
        %dma_start3A_2170 = arith.constant 0 : i32
        %dma_start3A_2171 = tpu.memref_slice %arg7[%multiple_of3A_2160, %dma_start3A_2170] : memref<64x512xf32, #tpu.memory_space<vmem>> -> memref<16x512xf32, #tpu.memory_space<vmem>>
        tpu.enqueue_dma source(%dma_start3A_2171 : memref<16x512xf32, #tpu.memory_space<vmem>>) target(%dma_start3A_2169 : memref<16x512xf32, #tpu.memory_space<hbm>>) target_semaphore(%arg15 : memref<!tpu.dma_semaphore, #tpu.memory_space<semaphore_mem>>)
        %dma_wait3A_2172 = arith.constant 0 : i32
        %dma_wait3A_2173 = tpu.memref_slice %arg7[%multiple_of3A_2160, %dma_wait3A_2172] : memref<64x512xf32, #tpu.memory_space<vmem>> -> memref<16x512xf32, #tpu.memory_space<vmem>>
        %dma_wait3A_2174 = arith.constant 0 : i32
        %dma_wait3A_2175 = tpu.memref_slice %arg5[%multiple_of3A_2163, %dma_wait3A_2174] : memref<32768x512xf32, #tpu.memory_space<hbm>> -> memref<16x512xf32, #tpu.memory_space<hbm>>
        %dma_wait3A_2176 = arith.constant 0 : i32
        %dma_wait3A_2177 = tpu.memref_slice %arg5[%multiple_of3A_2163, %dma_wait3A_2176] : memref<32768x512xf32, #tpu.memory_space<hbm>> -> memref<16x512xf32, #tpu.memory_space<hbm>>
        %dma_wait3A_2178 = arith.constant 0 : i32
        %dma_wait3A_2179 = tpu.memref_slice %arg7[%multiple_of3A_2160, %dma_wait3A_2178] : memref<64x512xf32, #tpu.memory_space<vmem>> -> memref<16x512xf32, #tpu.memory_space<vmem>>
        tpu.wait_dma2 semaphore(%arg15 : memref<!tpu.dma_semaphore, #tpu.memory_space<semaphore_mem>>) src(%dma_wait3A_2179 : memref<16x512xf32, #tpu.memory_space<vmem>>) dst(%dma_wait3A_2177 : memref<16x512xf32, #tpu.memory_space<hbm>>)
      } else {
      }
      %mul3A_2107 = arith.constant 16 : i32
      %mul3A_2108 = arith.muli %and3A_2101, %mul3A_2107 : i32
      %add3A_2109 = arith.addi %add3A_2097, %mul3A_2108 : i32
      %shift_right_arithmetic3A_2110 = arith.constant 3 : i32
      %shift_right_arithmetic3A_2111 = arith.shrsi %and3A_1453, %shift_right_arithmetic3A_2110 : i32
      %and3A_2112 = arith.constant 1 : i32
      %and3A_2113 = arith.andi %shift_right_arithmetic3A_2111, %and3A_2112 : i32
      %eq3A_2114 = arith.constant 1 : i32
      %eq3A_2115 = arith.cmpi eq, %and3A_2113, %eq3A_2114 : i32
      %convert_element_type3A_2116 = arith.extui %eq3A_2115 : i1 to i32
      %cond3A_2117 = arith.constant 0 : i32
      %cond3A_2118 = arith.cmpi ne, %convert_element_type3A_2116, %cond3A_2117 : i32
      scf.if %cond3A_2118 {
        %multiple_of3A_2160 = tpu.assume_multiple %add3A_2109, 8 : i32
        %add3A_2161 = arith.addi %mul3A_32, %mul3A_1449 : i32
        %add3A_2162 = arith.addi %add3A_2161, %add3A_2109 : i32
        %multiple_of3A_2163 = tpu.assume_multiple %add3A_2162, 8 : i32
        %dma_start3A_2164 = arith.constant 0 : i32
        %dma_start3A_2165 = tpu.memref_slice %arg7[%multiple_of3A_2160, %dma_start3A_2164] : memref<64x512xf32, #tpu.memory_space<vmem>> -> memref<8x512xf32, #tpu.memory_space<vmem>>
        %dma_start3A_2166 = arith.constant 0 : i32
        %dma_start3A_2167 = tpu.memref_slice %arg5[%multiple_of3A_2163, %dma_start3A_2166] : memref<32768x512xf32, #tpu.memory_space<hbm>> -> memref<8x512xf32, #tpu.memory_space<hbm>>
        %dma_start3A_2168 = arith.constant 0 : i32
        %dma_start3A_2169 = tpu.memref_slice %arg5[%multiple_of3A_2163, %dma_start3A_2168] : memref<32768x512xf32, #tpu.memory_space<hbm>> -> memref<8x512xf32, #tpu.memory_space<hbm>>
        %dma_start3A_2170 = arith.constant 0 : i32
        %dma_start3A_2171 = tpu.memref_slice %arg7[%multiple_of3A_2160, %dma_start3A_2170] : memref<64x512xf32, #tpu.memory_space<vmem>> -> memref<8x512xf32, #tpu.memory_space<vmem>>
        tpu.enqueue_dma source(%dma_start3A_2171 : memref<8x512xf32, #tpu.memory_space<vmem>>) target(%dma_start3A_2169 : memref<8x512xf32, #tpu.memory_space<hbm>>) target_semaphore(%arg15 : memref<!tpu.dma_semaphore, #tpu.memory_space<semaphore_mem>>)
        %dma_wait3A_2172 = arith.constant 0 : i32
        %dma_wait3A_2173 = tpu.memref_slice %arg7[%multiple_of3A_2160, %dma_wait3A_2172] : memref<64x512xf32, #tpu.memory_space<vmem>> -> memref<8x512xf32, #tpu.memory_space<vmem>>
        %dma_wait3A_2174 = arith.constant 0 : i32
        %dma_wait3A_2175 = tpu.memref_slice %arg5[%multiple_of3A_2163, %dma_wait3A_2174] : memref<32768x512xf32, #tpu.memory_space<hbm>> -> memref<8x512xf32, #tpu.memory_space<hbm>>
        %dma_wait3A_2176 = arith.constant 0 : i32
        %dma_wait3A_2177 = tpu.memref_slice %arg5[%multiple_of3A_2163, %dma_wait3A_2176] : memref<32768x512xf32, #tpu.memory_space<hbm>> -> memref<8x512xf32, #tpu.memory_space<hbm>>
        %dma_wait3A_2178 = arith.constant 0 : i32
        %dma_wait3A_2179 = tpu.memref_slice %arg7[%multiple_of3A_2160, %dma_wait3A_2178] : memref<64x512xf32, #tpu.memory_space<vmem>> -> memref<8x512xf32, #tpu.memory_space<vmem>>
        tpu.wait_dma2 semaphore(%arg15 : memref<!tpu.dma_semaphore, #tpu.memory_space<semaphore_mem>>) src(%dma_wait3A_2179 : memref<8x512xf32, #tpu.memory_space<vmem>>) dst(%dma_wait3A_2177 : memref<8x512xf32, #tpu.memory_space<hbm>>)
      } else {
      }
      %mul3A_2119 = arith.constant 8 : i32
      %mul3A_2120 = arith.muli %and3A_2113, %mul3A_2119 : i32
      %add3A_2121 = arith.addi %add3A_2109, %mul3A_2120 : i32
      %sub3A_2122 = arith.constant 64 : i32
      %sub3A_2123 = arith.subi %sub3A_2122, %and3A_1453 : i32
      %shift_right_arithmetic3A_2124 = arith.constant 5 : i32
      %shift_right_arithmetic3A_2125 = arith.shrsi %sub3A_2123, %shift_right_arithmetic3A_2124 : i32
      %and3A_2126 = arith.constant 1 : i32
      %and3A_2127 = arith.andi %shift_right_arithmetic3A_2125, %and3A_2126 : i32
      %eq3A_2128 = arith.constant 1 : i32
      %eq3A_2129 = arith.cmpi eq, %and3A_2127, %eq3A_2128 : i32
      %convert_element_type3A_2130 = arith.extui %eq3A_2129 : i1 to i32
      %cond3A_2131 = arith.constant 0 : i32
      %cond3A_2132 = arith.cmpi ne, %convert_element_type3A_2130, %cond3A_2131 : i32
      scf.if %cond3A_2132 {
        %add3A_2160 = arith.addi %mul3A_32, %mul3A_1449 : i32
        %add3A_2161 = arith.addi %add3A_2160, %and3A_1453 : i32
        %multiple_of3A_2162 = tpu.assume_multiple %add3A_2161, 8 : i32
        %dma_start3A_2163 = arith.constant 0 : i32
        %dma_start3A_2164 = arith.constant 0 : i32
        %dma_start3A_2165 = tpu.memref_slice %arg10[%dma_start3A_2163, %dma_start3A_2164] : memref<32x512xf32, #tpu.memory_space<vmem>> -> memref<32x512xf32, #tpu.memory_space<vmem>>
        %dma_start3A_2166 = arith.constant 0 : i32
        %dma_start3A_2167 = tpu.memref_slice %arg5[%multiple_of3A_2162, %dma_start3A_2166] : memref<32768x512xf32, #tpu.memory_space<hbm>> -> memref<32x512xf32, #tpu.memory_space<hbm>>
        %dma_start3A_2168 = arith.constant 0 : i32
        %dma_start3A_2169 = tpu.memref_slice %arg5[%multiple_of3A_2162, %dma_start3A_2168] : memref<32768x512xf32, #tpu.memory_space<hbm>> -> memref<32x512xf32, #tpu.memory_space<hbm>>
        %dma_start3A_2170 = arith.constant 0 : i32
        %dma_start3A_2171 = arith.constant 0 : i32
        %dma_start3A_2172 = tpu.memref_slice %arg10[%dma_start3A_2170, %dma_start3A_2171] : memref<32x512xf32, #tpu.memory_space<vmem>> -> memref<32x512xf32, #tpu.memory_space<vmem>>
        tpu.enqueue_dma source(%dma_start3A_2172 : memref<32x512xf32, #tpu.memory_space<vmem>>) target(%dma_start3A_2169 : memref<32x512xf32, #tpu.memory_space<hbm>>) target_semaphore(%arg16 : memref<!tpu.dma_semaphore, #tpu.memory_space<semaphore_mem>>)
        %dma_wait3A_2173 = arith.constant 0 : i32
        %dma_wait3A_2174 = arith.constant 0 : i32
        %dma_wait3A_2175 = tpu.memref_slice %arg10[%dma_wait3A_2173, %dma_wait3A_2174] : memref<32x512xf32, #tpu.memory_space<vmem>> -> memref<32x512xf32, #tpu.memory_space<vmem>>
        %dma_wait3A_2176 = arith.constant 0 : i32
        %dma_wait3A_2177 = tpu.memref_slice %arg5[%multiple_of3A_2162, %dma_wait3A_2176] : memref<32768x512xf32, #tpu.memory_space<hbm>> -> memref<32x512xf32, #tpu.memory_space<hbm>>
        %dma_wait3A_2178 = arith.constant 0 : i32
        %dma_wait3A_2179 = tpu.memref_slice %arg5[%multiple_of3A_2162, %dma_wait3A_2178] : memref<32768x512xf32, #tpu.memory_space<hbm>> -> memref<32x512xf32, #tpu.memory_space<hbm>>
        %dma_wait3A_2180 = arith.constant 0 : i32
        %dma_wait3A_2181 = arith.constant 0 : i32
        %dma_wait3A_2182 = tpu.memref_slice %arg10[%dma_wait3A_2180, %dma_wait3A_2181] : memref<32x512xf32, #tpu.memory_space<vmem>> -> memref<32x512xf32, #tpu.memory_space<vmem>>
        tpu.wait_dma2 semaphore(%arg16 : memref<!tpu.dma_semaphore, #tpu.memory_space<semaphore_mem>>) src(%dma_wait3A_2182 : memref<32x512xf32, #tpu.memory_space<vmem>>) dst(%dma_wait3A_2179 : memref<32x512xf32, #tpu.memory_space<hbm>>)
      } else {
      }
      %mul3A_2133 = arith.constant 32 : i32
      %mul3A_2134 = arith.muli %and3A_2127, %mul3A_2133 : i32
      %add3A_2135 = arith.addi %and3A_1453, %mul3A_2134 : i32
      %shift_right_arithmetic3A_2136 = arith.constant 4 : i32
      %shift_right_arithmetic3A_2137 = arith.shrsi %sub3A_2123, %shift_right_arithmetic3A_2136 : i32
      %and3A_2138 = arith.constant 1 : i32
      %and3A_2139 = arith.andi %shift_right_arithmetic3A_2137, %and3A_2138 : i32
      %eq3A_2140 = arith.constant 1 : i32
      %eq3A_2141 = arith.cmpi eq, %and3A_2139, %eq3A_2140 : i32
      %convert_element_type3A_2142 = arith.extui %eq3A_2141 : i1 to i32
      %cond3A_2143 = arith.constant 0 : i32
      %cond3A_2144 = arith.cmpi ne, %convert_element_type3A_2142, %cond3A_2143 : i32
      scf.if %cond3A_2144 {
        %add3A_2160 = arith.addi %mul3A_32, %mul3A_1449 : i32
        %add3A_2161 = arith.addi %add3A_2160, %add3A_2135 : i32
        %multiple_of3A_2162 = tpu.assume_multiple %add3A_2161, 8 : i32
        %dma_start3A_2163 = arith.constant 0 : i32
        %dma_start3A_2164 = arith.constant 0 : i32
        %dma_start3A_2165 = tpu.memref_slice %arg10[%dma_start3A_2163, %dma_start3A_2164] : memref<32x512xf32, #tpu.memory_space<vmem>> -> memref<16x512xf32, #tpu.memory_space<vmem>>
        %dma_start3A_2166 = arith.constant 0 : i32
        %dma_start3A_2167 = tpu.memref_slice %arg5[%multiple_of3A_2162, %dma_start3A_2166] : memref<32768x512xf32, #tpu.memory_space<hbm>> -> memref<16x512xf32, #tpu.memory_space<hbm>>
        %dma_start3A_2168 = arith.constant 0 : i32
        %dma_start3A_2169 = tpu.memref_slice %arg5[%multiple_of3A_2162, %dma_start3A_2168] : memref<32768x512xf32, #tpu.memory_space<hbm>> -> memref<16x512xf32, #tpu.memory_space<hbm>>
        %dma_start3A_2170 = arith.constant 0 : i32
        %dma_start3A_2171 = arith.constant 0 : i32
        %dma_start3A_2172 = tpu.memref_slice %arg10[%dma_start3A_2170, %dma_start3A_2171] : memref<32x512xf32, #tpu.memory_space<vmem>> -> memref<16x512xf32, #tpu.memory_space<vmem>>
        tpu.enqueue_dma source(%dma_start3A_2172 : memref<16x512xf32, #tpu.memory_space<vmem>>) target(%dma_start3A_2169 : memref<16x512xf32, #tpu.memory_space<hbm>>) target_semaphore(%arg16 : memref<!tpu.dma_semaphore, #tpu.memory_space<semaphore_mem>>)
        %dma_wait3A_2173 = arith.constant 0 : i32
        %dma_wait3A_2174 = arith.constant 0 : i32
        %dma_wait3A_2175 = tpu.memref_slice %arg10[%dma_wait3A_2173, %dma_wait3A_2174] : memref<32x512xf32, #tpu.memory_space<vmem>> -> memref<16x512xf32, #tpu.memory_space<vmem>>
        %dma_wait3A_2176 = arith.constant 0 : i32
        %dma_wait3A_2177 = tpu.memref_slice %arg5[%multiple_of3A_2162, %dma_wait3A_2176] : memref<32768x512xf32, #tpu.memory_space<hbm>> -> memref<16x512xf32, #tpu.memory_space<hbm>>
        %dma_wait3A_2178 = arith.constant 0 : i32
        %dma_wait3A_2179 = tpu.memref_slice %arg5[%multiple_of3A_2162, %dma_wait3A_2178] : memref<32768x512xf32, #tpu.memory_space<hbm>> -> memref<16x512xf32, #tpu.memory_space<hbm>>
        %dma_wait3A_2180 = arith.constant 0 : i32
        %dma_wait3A_2181 = arith.constant 0 : i32
        %dma_wait3A_2182 = tpu.memref_slice %arg10[%dma_wait3A_2180, %dma_wait3A_2181] : memref<32x512xf32, #tpu.memory_space<vmem>> -> memref<16x512xf32, #tpu.memory_space<vmem>>
        tpu.wait_dma2 semaphore(%arg16 : memref<!tpu.dma_semaphore, #tpu.memory_space<semaphore_mem>>) src(%dma_wait3A_2182 : memref<16x512xf32, #tpu.memory_space<vmem>>) dst(%dma_wait3A_2179 : memref<16x512xf32, #tpu.memory_space<hbm>>)
      } else {
      }
      %mul3A_2145 = arith.constant 16 : i32
      %mul3A_2146 = arith.muli %and3A_2139, %mul3A_2145 : i32
      %add3A_2147 = arith.addi %add3A_2135, %mul3A_2146 : i32
      %shift_right_arithmetic3A_2148 = arith.constant 3 : i32
      %shift_right_arithmetic3A_2149 = arith.shrsi %sub3A_2123, %shift_right_arithmetic3A_2148 : i32
      %and3A_2150 = arith.constant 1 : i32
      %and3A_2151 = arith.andi %shift_right_arithmetic3A_2149, %and3A_2150 : i32
      %eq3A_2152 = arith.constant 1 : i32
      %eq3A_2153 = arith.cmpi eq, %and3A_2151, %eq3A_2152 : i32
      %convert_element_type3A_2154 = arith.extui %eq3A_2153 : i1 to i32
      %cond3A_2155 = arith.constant 0 : i32
      %cond3A_2156 = arith.cmpi ne, %convert_element_type3A_2154, %cond3A_2155 : i32
      scf.if %cond3A_2156 {
        %add3A_2160 = arith.addi %mul3A_32, %mul3A_1449 : i32
        %add3A_2161 = arith.addi %add3A_2160, %add3A_2147 : i32
        %multiple_of3A_2162 = tpu.assume_multiple %add3A_2161, 8 : i32
        %dma_start3A_2163 = arith.constant 0 : i32
        %dma_start3A_2164 = arith.constant 0 : i32
        %dma_start3A_2165 = tpu.memref_slice %arg10[%dma_start3A_2163, %dma_start3A_2164] : memref<32x512xf32, #tpu.memory_space<vmem>> -> memref<8x512xf32, #tpu.memory_space<vmem>>
        %dma_start3A_2166 = arith.constant 0 : i32
        %dma_start3A_2167 = tpu.memref_slice %arg5[%multiple_of3A_2162, %dma_start3A_2166] : memref<32768x512xf32, #tpu.memory_space<hbm>> -> memref<8x512xf32, #tpu.memory_space<hbm>>
        %dma_start3A_2168 = arith.constant 0 : i32
        %dma_start3A_2169 = tpu.memref_slice %arg5[%multiple_of3A_2162, %dma_start3A_2168] : memref<32768x512xf32, #tpu.memory_space<hbm>> -> memref<8x512xf32, #tpu.memory_space<hbm>>
        %dma_start3A_2170 = arith.constant 0 : i32
        %dma_start3A_2171 = arith.constant 0 : i32
        %dma_start3A_2172 = tpu.memref_slice %arg10[%dma_start3A_2170, %dma_start3A_2171] : memref<32x512xf32, #tpu.memory_space<vmem>> -> memref<8x512xf32, #tpu.memory_space<vmem>>
        tpu.enqueue_dma source(%dma_start3A_2172 : memref<8x512xf32, #tpu.memory_space<vmem>>) target(%dma_start3A_2169 : memref<8x512xf32, #tpu.memory_space<hbm>>) target_semaphore(%arg16 : memref<!tpu.dma_semaphore, #tpu.memory_space<semaphore_mem>>)
        %dma_wait3A_2173 = arith.constant 0 : i32
        %dma_wait3A_2174 = arith.constant 0 : i32
        %dma_wait3A_2175 = tpu.memref_slice %arg10[%dma_wait3A_2173, %dma_wait3A_2174] : memref<32x512xf32, #tpu.memory_space<vmem>> -> memref<8x512xf32, #tpu.memory_space<vmem>>
        %dma_wait3A_2176 = arith.constant 0 : i32
        %dma_wait3A_2177 = tpu.memref_slice %arg5[%multiple_of3A_2162, %dma_wait3A_2176] : memref<32768x512xf32, #tpu.memory_space<hbm>> -> memref<8x512xf32, #tpu.memory_space<hbm>>
        %dma_wait3A_2178 = arith.constant 0 : i32
        %dma_wait3A_2179 = tpu.memref_slice %arg5[%multiple_of3A_2162, %dma_wait3A_2178] : memref<32768x512xf32, #tpu.memory_space<hbm>> -> memref<8x512xf32, #tpu.memory_space<hbm>>
        %dma_wait3A_2180 = arith.constant 0 : i32
        %dma_wait3A_2181 = arith.constant 0 : i32
        %dma_wait3A_2182 = tpu.memref_slice %arg10[%dma_wait3A_2180, %dma_wait3A_2181] : memref<32x512xf32, #tpu.memory_space<vmem>> -> memref<8x512xf32, #tpu.memory_space<vmem>>
        tpu.wait_dma2 semaphore(%arg16 : memref<!tpu.dma_semaphore, #tpu.memory_space<semaphore_mem>>) src(%dma_wait3A_2182 : memref<8x512xf32, #tpu.memory_space<vmem>>) dst(%dma_wait3A_2179 : memref<8x512xf32, #tpu.memory_space<hbm>>)
      } else {
      }
      %mul3A_2157 = arith.constant 8 : i32
      %mul3A_2158 = arith.muli %and3A_2151, %mul3A_2157 : i32
      %add3A_2159 = arith.addi %add3A_2147, %mul3A_2158 : i32
    } else {
    }
    %add3A_1500 = arith.constant 0 : i32
    %add3A_1501 = arith.addi %add3A_1500, %select_n3A_30 : i32
    %mul3A_1502 = arith.constant 64 : i32
    %mul3A_1503 = arith.muli %add3A_1501, %mul3A_1502 : i32
    %le3A_1504 = arith.cmpi sle, %min3A, %mul3A_1503 : i32
    %add3A_1505 = arith.constant 0 : i32
    %add3A_1506 = arith.addi %add3A_1505, %select_n3A_30 : i32
    %mul3A_1507 = arith.constant 64 : i32
    %mul3A_1508 = arith.muli %add3A_1506, %mul3A_1507 : i32
    %add3A_1509 = arith.addi %mul3A_32, %mul3A_1508 : i32
    %add3A_1510 = arith.constant 0 : i32
    %add3A_1511 = arith.addi %add3A_1509, %add3A_1510 : i32
    %multiple_of3A_1512 = tpu.assume_multiple %add3A_1511, 32 : i32
    %convert_element_type3A_1513 = arith.extui %le3A_1504 : i1 to i32
    %cond3A_1514 = arith.constant 0 : i32
    %cond3A_1515 = arith.cmpi ne, %convert_element_type3A_1513, %cond3A_1514 : i32
    scf.if %cond3A_1515 {
      %dma_wait3A = arith.constant 0 : i32
      %dma_wait3A_2012 = tpu.memref_slice %arg5[%multiple_of3A_1512, %dma_wait3A] : memref<32768x512xf32, #tpu.memory_space<hbm>> -> memref<32x512xf32, #tpu.memory_space<hbm>>
      %dma_wait3A_2013 = arith.constant 0 : i32
      %dma_wait3A_2014 = tpu.memref_slice %arg5[%multiple_of3A_1512, %dma_wait3A_2013] : memref<32768x512xf32, #tpu.memory_space<hbm>> -> memref<32x512xf32, #tpu.memory_space<hbm>>
      tpu.wait_dma2 semaphore(%arg16 : memref<!tpu.dma_semaphore, #tpu.memory_space<semaphore_mem>>) src(%arg10 : memref<32x512xf32, #tpu.memory_space<vmem>>) dst(%dma_wait3A_2014 : memref<32x512xf32, #tpu.memory_space<hbm>>)
    } else {
    }
    %add3A_1516 = arith.constant 0 : i32
    %add3A_1517 = arith.addi %add3A_1516, %select_n3A_30 : i32
    %mul3A_1518 = arith.constant 64 : i32
    %mul3A_1519 = arith.muli %add3A_1517, %mul3A_1518 : i32
    %le3A_1520 = arith.cmpi sle, %min3A, %mul3A_1519 : i32
    %add3A_1521 = arith.constant 0 : i32
    %add3A_1522 = arith.addi %add3A_1521, %select_n3A_30 : i32
    %mul3A_1523 = arith.constant 64 : i32
    %mul3A_1524 = arith.muli %add3A_1522, %mul3A_1523 : i32
    %add3A_1525 = arith.addi %mul3A_32, %mul3A_1524 : i32
    %add3A_1526 = arith.constant 32 : i32
    %add3A_1527 = arith.addi %add3A_1525, %add3A_1526 : i32
    %multiple_of3A_1528 = tpu.assume_multiple %add3A_1527, 32 : i32
    %convert_element_type3A_1529 = arith.extui %le3A_1520 : i1 to i32
    %cond3A_1530 = arith.constant 0 : i32
    %cond3A_1531 = arith.cmpi ne, %convert_element_type3A_1529, %cond3A_1530 : i32
    scf.if %cond3A_1531 {
      %dma_wait3A = arith.constant 0 : i32
      %dma_wait3A_2012 = tpu.memref_slice %arg5[%multiple_of3A_1528, %dma_wait3A] : memref<32768x512xf32, #tpu.memory_space<hbm>> -> memref<32x512xf32, #tpu.memory_space<hbm>>
      %dma_wait3A_2013 = arith.constant 0 : i32
      %dma_wait3A_2014 = tpu.memref_slice %arg5[%multiple_of3A_1528, %dma_wait3A_2013] : memref<32768x512xf32, #tpu.memory_space<hbm>> -> memref<32x512xf32, #tpu.memory_space<hbm>>
      tpu.wait_dma2 semaphore(%arg16 : memref<!tpu.dma_semaphore, #tpu.memory_space<semaphore_mem>>) src(%arg10 : memref<32x512xf32, #tpu.memory_space<vmem>>) dst(%dma_wait3A_2014 : memref<32x512xf32, #tpu.memory_space<hbm>>)
    } else {
    }
    %add3A_1532 = arith.constant 2 : i32
    %add3A_1533 = arith.addi %add3A_1532, %select_n3A_30 : i32
    %mul3A_1534 = arith.constant 64 : i32
    %mul3A_1535 = arith.muli %add3A_1533, %mul3A_1534 : i32
    %le3A_1536 = arith.cmpi sle, %min3A, %mul3A_1535 : i32
    %add3A_1537 = arith.constant 2 : i32
    %add3A_1538 = arith.addi %add3A_1537, %select_n3A_30 : i32
    %mul3A_1539 = arith.constant 64 : i32
    %mul3A_1540 = arith.muli %add3A_1538, %mul3A_1539 : i32
    %add3A_1541 = arith.addi %mul3A_32, %mul3A_1540 : i32
    %add3A_1542 = arith.constant 0 : i32
    %add3A_1543 = arith.addi %add3A_1541, %add3A_1542 : i32
    %multiple_of3A_1544 = tpu.assume_multiple %add3A_1543, 32 : i32
    %convert_element_type3A_1545 = arith.extui %le3A_1536 : i1 to i32
    %cond3A_1546 = arith.constant 0 : i32
    %cond3A_1547 = arith.cmpi ne, %convert_element_type3A_1545, %cond3A_1546 : i32
    scf.if %cond3A_1547 {
      %dma_wait3A = arith.constant 0 : i32
      %dma_wait3A_2012 = tpu.memref_slice %arg5[%multiple_of3A_1544, %dma_wait3A] : memref<32768x512xf32, #tpu.memory_space<hbm>> -> memref<32x512xf32, #tpu.memory_space<hbm>>
      %dma_wait3A_2013 = arith.constant 0 : i32
      %dma_wait3A_2014 = tpu.memref_slice %arg5[%multiple_of3A_1544, %dma_wait3A_2013] : memref<32768x512xf32, #tpu.memory_space<hbm>> -> memref<32x512xf32, #tpu.memory_space<hbm>>
      tpu.wait_dma2 semaphore(%arg16 : memref<!tpu.dma_semaphore, #tpu.memory_space<semaphore_mem>>) src(%arg10 : memref<32x512xf32, #tpu.memory_space<vmem>>) dst(%dma_wait3A_2014 : memref<32x512xf32, #tpu.memory_space<hbm>>)
    } else {
    }
    %add3A_1548 = arith.constant 2 : i32
    %add3A_1549 = arith.addi %add3A_1548, %select_n3A_30 : i32
    %mul3A_1550 = arith.constant 64 : i32
    %mul3A_1551 = arith.muli %add3A_1549, %mul3A_1550 : i32
    %le3A_1552 = arith.cmpi sle, %min3A, %mul3A_1551 : i32
    %add3A_1553 = arith.constant 2 : i32
    %add3A_1554 = arith.addi %add3A_1553, %select_n3A_30 : i32
    %mul3A_1555 = arith.constant 64 : i32
    %mul3A_1556 = arith.muli %add3A_1554, %mul3A_1555 : i32
    %add3A_1557 = arith.addi %mul3A_32, %mul3A_1556 : i32
    %add3A_1558 = arith.constant 32 : i32
    %add3A_1559 = arith.addi %add3A_1557, %add3A_1558 : i32
    %multiple_of3A_1560 = tpu.assume_multiple %add3A_1559, 32 : i32
    %convert_element_type3A_1561 = arith.extui %le3A_1552 : i1 to i32
    %cond3A_1562 = arith.constant 0 : i32
    %cond3A_1563 = arith.cmpi ne, %convert_element_type3A_1561, %cond3A_1562 : i32
    scf.if %cond3A_1563 {
      %dma_wait3A = arith.constant 0 : i32
      %dma_wait3A_2012 = tpu.memref_slice %arg5[%multiple_of3A_1560, %dma_wait3A] : memref<32768x512xf32, #tpu.memory_space<hbm>> -> memref<32x512xf32, #tpu.memory_space<hbm>>
      %dma_wait3A_2013 = arith.constant 0 : i32
      %dma_wait3A_2014 = tpu.memref_slice %arg5[%multiple_of3A_1560, %dma_wait3A_2013] : memref<32768x512xf32, #tpu.memory_space<hbm>> -> memref<32x512xf32, #tpu.memory_space<hbm>>
      tpu.wait_dma2 semaphore(%arg16 : memref<!tpu.dma_semaphore, #tpu.memory_space<semaphore_mem>>) src(%arg10 : memref<32x512xf32, #tpu.memory_space<vmem>>) dst(%dma_wait3A_2014 : memref<32x512xf32, #tpu.memory_space<hbm>>)
    } else {
    }
    %add3A_1564 = arith.constant 4 : i32
    %add3A_1565 = arith.addi %add3A_1564, %select_n3A_30 : i32
    %mul3A_1566 = arith.constant 64 : i32
    %mul3A_1567 = arith.muli %add3A_1565, %mul3A_1566 : i32
    %le3A_1568 = arith.cmpi sle, %min3A, %mul3A_1567 : i32
    %add3A_1569 = arith.constant 4 : i32
    %add3A_1570 = arith.addi %add3A_1569, %select_n3A_30 : i32
    %mul3A_1571 = arith.constant 64 : i32
    %mul3A_1572 = arith.muli %add3A_1570, %mul3A_1571 : i32
    %add3A_1573 = arith.addi %mul3A_32, %mul3A_1572 : i32
    %add3A_1574 = arith.constant 0 : i32
    %add3A_1575 = arith.addi %add3A_1573, %add3A_1574 : i32
    %multiple_of3A_1576 = tpu.assume_multiple %add3A_1575, 32 : i32
    %convert_element_type3A_1577 = arith.extui %le3A_1568 : i1 to i32
    %cond3A_1578 = arith.constant 0 : i32
    %cond3A_1579 = arith.cmpi ne, %convert_element_type3A_1577, %cond3A_1578 : i32
    scf.if %cond3A_1579 {
      %dma_wait3A = arith.constant 0 : i32
      %dma_wait3A_2012 = tpu.memref_slice %arg5[%multiple_of3A_1576, %dma_wait3A] : memref<32768x512xf32, #tpu.memory_space<hbm>> -> memref<32x512xf32, #tpu.memory_space<hbm>>
      %dma_wait3A_2013 = arith.constant 0 : i32
      %dma_wait3A_2014 = tpu.memref_slice %arg5[%multiple_of3A_1576, %dma_wait3A_2013] : memref<32768x512xf32, #tpu.memory_space<hbm>> -> memref<32x512xf32, #tpu.memory_space<hbm>>
      tpu.wait_dma2 semaphore(%arg16 : memref<!tpu.dma_semaphore, #tpu.memory_space<semaphore_mem>>) src(%arg10 : memref<32x512xf32, #tpu.memory_space<vmem>>) dst(%dma_wait3A_2014 : memref<32x512xf32, #tpu.memory_space<hbm>>)
    } else {
    }
    %add3A_1580 = arith.constant 4 : i32
    %add3A_1581 = arith.addi %add3A_1580, %select_n3A_30 : i32
    %mul3A_1582 = arith.constant 64 : i32
    %mul3A_1583 = arith.muli %add3A_1581, %mul3A_1582 : i32
    %le3A_1584 = arith.cmpi sle, %min3A, %mul3A_1583 : i32
    %add3A_1585 = arith.constant 4 : i32
    %add3A_1586 = arith.addi %add3A_1585, %select_n3A_30 : i32
    %mul3A_1587 = arith.constant 64 : i32
    %mul3A_1588 = arith.muli %add3A_1586, %mul3A_1587 : i32
    %add3A_1589 = arith.addi %mul3A_32, %mul3A_1588 : i32
    %add3A_1590 = arith.constant 32 : i32
    %add3A_1591 = arith.addi %add3A_1589, %add3A_1590 : i32
    %multiple_of3A_1592 = tpu.assume_multiple %add3A_1591, 32 : i32
    %convert_element_type3A_1593 = arith.extui %le3A_1584 : i1 to i32
    %cond3A_1594 = arith.constant 0 : i32
    %cond3A_1595 = arith.cmpi ne, %convert_element_type3A_1593, %cond3A_1594 : i32
    scf.if %cond3A_1595 {
      %dma_wait3A = arith.constant 0 : i32
      %dma_wait3A_2012 = tpu.memref_slice %arg5[%multiple_of3A_1592, %dma_wait3A] : memref<32768x512xf32, #tpu.memory_space<hbm>> -> memref<32x512xf32, #tpu.memory_space<hbm>>
      %dma_wait3A_2013 = arith.constant 0 : i32
      %dma_wait3A_2014 = tpu.memref_slice %arg5[%multiple_of3A_1592, %dma_wait3A_2013] : memref<32768x512xf32, #tpu.memory_space<hbm>> -> memref<32x512xf32, #tpu.memory_space<hbm>>
      tpu.wait_dma2 semaphore(%arg16 : memref<!tpu.dma_semaphore, #tpu.memory_space<semaphore_mem>>) src(%arg10 : memref<32x512xf32, #tpu.memory_space<vmem>>) dst(%dma_wait3A_2014 : memref<32x512xf32, #tpu.memory_space<hbm>>)
    } else {
    }
    %add3A_1596 = arith.constant 6 : i32
    %add3A_1597 = arith.addi %add3A_1596, %select_n3A_30 : i32
    %mul3A_1598 = arith.constant 64 : i32
    %mul3A_1599 = arith.muli %add3A_1597, %mul3A_1598 : i32
    %le3A_1600 = arith.cmpi sle, %min3A, %mul3A_1599 : i32
    %add3A_1601 = arith.constant 6 : i32
    %add3A_1602 = arith.addi %add3A_1601, %select_n3A_30 : i32
    %mul3A_1603 = arith.constant 64 : i32
    %mul3A_1604 = arith.muli %add3A_1602, %mul3A_1603 : i32
    %add3A_1605 = arith.addi %mul3A_32, %mul3A_1604 : i32
    %add3A_1606 = arith.constant 0 : i32
    %add3A_1607 = arith.addi %add3A_1605, %add3A_1606 : i32
    %multiple_of3A_1608 = tpu.assume_multiple %add3A_1607, 32 : i32
    %convert_element_type3A_1609 = arith.extui %le3A_1600 : i1 to i32
    %cond3A_1610 = arith.constant 0 : i32
    %cond3A_1611 = arith.cmpi ne, %convert_element_type3A_1609, %cond3A_1610 : i32
    scf.if %cond3A_1611 {
      %dma_wait3A = arith.constant 0 : i32
      %dma_wait3A_2012 = tpu.memref_slice %arg5[%multiple_of3A_1608, %dma_wait3A] : memref<32768x512xf32, #tpu.memory_space<hbm>> -> memref<32x512xf32, #tpu.memory_space<hbm>>
      %dma_wait3A_2013 = arith.constant 0 : i32
      %dma_wait3A_2014 = tpu.memref_slice %arg5[%multiple_of3A_1608, %dma_wait3A_2013] : memref<32768x512xf32, #tpu.memory_space<hbm>> -> memref<32x512xf32, #tpu.memory_space<hbm>>
      tpu.wait_dma2 semaphore(%arg16 : memref<!tpu.dma_semaphore, #tpu.memory_space<semaphore_mem>>) src(%arg10 : memref<32x512xf32, #tpu.memory_space<vmem>>) dst(%dma_wait3A_2014 : memref<32x512xf32, #tpu.memory_space<hbm>>)
    } else {
    }
    %add3A_1612 = arith.constant 6 : i32
    %add3A_1613 = arith.addi %add3A_1612, %select_n3A_30 : i32
    %mul3A_1614 = arith.constant 64 : i32
    %mul3A_1615 = arith.muli %add3A_1613, %mul3A_1614 : i32
    %le3A_1616 = arith.cmpi sle, %min3A, %mul3A_1615 : i32
    %add3A_1617 = arith.constant 6 : i32
    %add3A_1618 = arith.addi %add3A_1617, %select_n3A_30 : i32
    %mul3A_1619 = arith.constant 64 : i32
    %mul3A_1620 = arith.muli %add3A_1618, %mul3A_1619 : i32
    %add3A_1621 = arith.addi %mul3A_32, %mul3A_1620 : i32
    %add3A_1622 = arith.constant 32 : i32
    %add3A_1623 = arith.addi %add3A_1621, %add3A_1622 : i32
    %multiple_of3A_1624 = tpu.assume_multiple %add3A_1623, 32 : i32
    %convert_element_type3A_1625 = arith.extui %le3A_1616 : i1 to i32
    %cond3A_1626 = arith.constant 0 : i32
    %cond3A_1627 = arith.cmpi ne, %convert_element_type3A_1625, %cond3A_1626 : i32
    scf.if %cond3A_1627 {
      %dma_wait3A = arith.constant 0 : i32
      %dma_wait3A_2012 = tpu.memref_slice %arg5[%multiple_of3A_1624, %dma_wait3A] : memref<32768x512xf32, #tpu.memory_space<hbm>> -> memref<32x512xf32, #tpu.memory_space<hbm>>
      %dma_wait3A_2013 = arith.constant 0 : i32
      %dma_wait3A_2014 = tpu.memref_slice %arg5[%multiple_of3A_1624, %dma_wait3A_2013] : memref<32768x512xf32, #tpu.memory_space<hbm>> -> memref<32x512xf32, #tpu.memory_space<hbm>>
      tpu.wait_dma2 semaphore(%arg16 : memref<!tpu.dma_semaphore, #tpu.memory_space<semaphore_mem>>) src(%arg10 : memref<32x512xf32, #tpu.memory_space<vmem>>) dst(%dma_wait3A_2014 : memref<32x512xf32, #tpu.memory_space<hbm>>)
    } else {
    }
    %add3A_1628 = arith.constant 8 : i32
    %add3A_1629 = arith.addi %add3A_1628, %select_n3A_30 : i32
    %mul3A_1630 = arith.constant 64 : i32
    %mul3A_1631 = arith.muli %add3A_1629, %mul3A_1630 : i32
    %le3A_1632 = arith.cmpi sle, %min3A, %mul3A_1631 : i32
    %add3A_1633 = arith.constant 8 : i32
    %add3A_1634 = arith.addi %add3A_1633, %select_n3A_30 : i32
    %mul3A_1635 = arith.constant 64 : i32
    %mul3A_1636 = arith.muli %add3A_1634, %mul3A_1635 : i32
    %add3A_1637 = arith.addi %mul3A_32, %mul3A_1636 : i32
    %add3A_1638 = arith.constant 0 : i32
    %add3A_1639 = arith.addi %add3A_1637, %add3A_1638 : i32
    %multiple_of3A_1640 = tpu.assume_multiple %add3A_1639, 32 : i32
    %convert_element_type3A_1641 = arith.extui %le3A_1632 : i1 to i32
    %cond3A_1642 = arith.constant 0 : i32
    %cond3A_1643 = arith.cmpi ne, %convert_element_type3A_1641, %cond3A_1642 : i32
    scf.if %cond3A_1643 {
      %dma_wait3A = arith.constant 0 : i32
      %dma_wait3A_2012 = tpu.memref_slice %arg5[%multiple_of3A_1640, %dma_wait3A] : memref<32768x512xf32, #tpu.memory_space<hbm>> -> memref<32x512xf32, #tpu.memory_space<hbm>>
      %dma_wait3A_2013 = arith.constant 0 : i32
      %dma_wait3A_2014 = tpu.memref_slice %arg5[%multiple_of3A_1640, %dma_wait3A_2013] : memref<32768x512xf32, #tpu.memory_space<hbm>> -> memref<32x512xf32, #tpu.memory_space<hbm>>
      tpu.wait_dma2 semaphore(%arg16 : memref<!tpu.dma_semaphore, #tpu.memory_space<semaphore_mem>>) src(%arg10 : memref<32x512xf32, #tpu.memory_space<vmem>>) dst(%dma_wait3A_2014 : memref<32x512xf32, #tpu.memory_space<hbm>>)
    } else {
    }
    %add3A_1644 = arith.constant 8 : i32
    %add3A_1645 = arith.addi %add3A_1644, %select_n3A_30 : i32
    %mul3A_1646 = arith.constant 64 : i32
    %mul3A_1647 = arith.muli %add3A_1645, %mul3A_1646 : i32
    %le3A_1648 = arith.cmpi sle, %min3A, %mul3A_1647 : i32
    %add3A_1649 = arith.constant 8 : i32
    %add3A_1650 = arith.addi %add3A_1649, %select_n3A_30 : i32
    %mul3A_1651 = arith.constant 64 : i32
    %mul3A_1652 = arith.muli %add3A_1650, %mul3A_1651 : i32
    %add3A_1653 = arith.addi %mul3A_32, %mul3A_1652 : i32
    %add3A_1654 = arith.constant 32 : i32
    %add3A_1655 = arith.addi %add3A_1653, %add3A_1654 : i32
    %multiple_of3A_1656 = tpu.assume_multiple %add3A_1655, 32 : i32
    %convert_element_type3A_1657 = arith.extui %le3A_1648 : i1 to i32
    %cond3A_1658 = arith.constant 0 : i32
    %cond3A_1659 = arith.cmpi ne, %convert_element_type3A_1657, %cond3A_1658 : i32
    scf.if %cond3A_1659 {
      %dma_wait3A = arith.constant 0 : i32
      %dma_wait3A_2012 = tpu.memref_slice %arg5[%multiple_of3A_1656, %dma_wait3A] : memref<32768x512xf32, #tpu.memory_space<hbm>> -> memref<32x512xf32, #tpu.memory_space<hbm>>
      %dma_wait3A_2013 = arith.constant 0 : i32
      %dma_wait3A_2014 = tpu.memref_slice %arg5[%multiple_of3A_1656, %dma_wait3A_2013] : memref<32768x512xf32, #tpu.memory_space<hbm>> -> memref<32x512xf32, #tpu.memory_space<hbm>>
      tpu.wait_dma2 semaphore(%arg16 : memref<!tpu.dma_semaphore, #tpu.memory_space<semaphore_mem>>) src(%arg10 : memref<32x512xf32, #tpu.memory_space<vmem>>) dst(%dma_wait3A_2014 : memref<32x512xf32, #tpu.memory_space<hbm>>)
    } else {
    }
    %add3A_1660 = arith.constant 10 : i32
    %add3A_1661 = arith.addi %add3A_1660, %select_n3A_30 : i32
    %mul3A_1662 = arith.constant 64 : i32
    %mul3A_1663 = arith.muli %add3A_1661, %mul3A_1662 : i32
    %le3A_1664 = arith.cmpi sle, %min3A, %mul3A_1663 : i32
    %add3A_1665 = arith.constant 10 : i32
    %add3A_1666 = arith.addi %add3A_1665, %select_n3A_30 : i32
    %mul3A_1667 = arith.constant 64 : i32
    %mul3A_1668 = arith.muli %add3A_1666, %mul3A_1667 : i32
    %add3A_1669 = arith.addi %mul3A_32, %mul3A_1668 : i32
    %add3A_1670 = arith.constant 0 : i32
    %add3A_1671 = arith.addi %add3A_1669, %add3A_1670 : i32
    %multiple_of3A_1672 = tpu.assume_multiple %add3A_1671, 32 : i32
    %convert_element_type3A_1673 = arith.extui %le3A_1664 : i1 to i32
    %cond3A_1674 = arith.constant 0 : i32
    %cond3A_1675 = arith.cmpi ne, %convert_element_type3A_1673, %cond3A_1674 : i32
    scf.if %cond3A_1675 {
      %dma_wait3A = arith.constant 0 : i32
      %dma_wait3A_2012 = tpu.memref_slice %arg5[%multiple_of3A_1672, %dma_wait3A] : memref<32768x512xf32, #tpu.memory_space<hbm>> -> memref<32x512xf32, #tpu.memory_space<hbm>>
      %dma_wait3A_2013 = arith.constant 0 : i32
      %dma_wait3A_2014 = tpu.memref_slice %arg5[%multiple_of3A_1672, %dma_wait3A_2013] : memref<32768x512xf32, #tpu.memory_space<hbm>> -> memref<32x512xf32, #tpu.memory_space<hbm>>
      tpu.wait_dma2 semaphore(%arg16 : memref<!tpu.dma_semaphore, #tpu.memory_space<semaphore_mem>>) src(%arg10 : memref<32x512xf32, #tpu.memory_space<vmem>>) dst(%dma_wait3A_2014 : memref<32x512xf32, #tpu.memory_space<hbm>>)
    } else {
    }
    %add3A_1676 = arith.constant 10 : i32
    %add3A_1677 = arith.addi %add3A_1676, %select_n3A_30 : i32
    %mul3A_1678 = arith.constant 64 : i32
    %mul3A_1679 = arith.muli %add3A_1677, %mul3A_1678 : i32
    %le3A_1680 = arith.cmpi sle, %min3A, %mul3A_1679 : i32
    %add3A_1681 = arith.constant 10 : i32
    %add3A_1682 = arith.addi %add3A_1681, %select_n3A_30 : i32
    %mul3A_1683 = arith.constant 64 : i32
    %mul3A_1684 = arith.muli %add3A_1682, %mul3A_1683 : i32
    %add3A_1685 = arith.addi %mul3A_32, %mul3A_1684 : i32
    %add3A_1686 = arith.constant 32 : i32
    %add3A_1687 = arith.addi %add3A_1685, %add3A_1686 : i32
    %multiple_of3A_1688 = tpu.assume_multiple %add3A_1687, 32 : i32
    %convert_element_type3A_1689 = arith.extui %le3A_1680 : i1 to i32
    %cond3A_1690 = arith.constant 0 : i32
    %cond3A_1691 = arith.cmpi ne, %convert_element_type3A_1689, %cond3A_1690 : i32
    scf.if %cond3A_1691 {
      %dma_wait3A = arith.constant 0 : i32
      %dma_wait3A_2012 = tpu.memref_slice %arg5[%multiple_of3A_1688, %dma_wait3A] : memref<32768x512xf32, #tpu.memory_space<hbm>> -> memref<32x512xf32, #tpu.memory_space<hbm>>
      %dma_wait3A_2013 = arith.constant 0 : i32
      %dma_wait3A_2014 = tpu.memref_slice %arg5[%multiple_of3A_1688, %dma_wait3A_2013] : memref<32768x512xf32, #tpu.memory_space<hbm>> -> memref<32x512xf32, #tpu.memory_space<hbm>>
      tpu.wait_dma2 semaphore(%arg16 : memref<!tpu.dma_semaphore, #tpu.memory_space<semaphore_mem>>) src(%arg10 : memref<32x512xf32, #tpu.memory_space<vmem>>) dst(%dma_wait3A_2014 : memref<32x512xf32, #tpu.memory_space<hbm>>)
    } else {
    }
    %add3A_1692 = arith.constant 12 : i32
    %add3A_1693 = arith.addi %add3A_1692, %select_n3A_30 : i32
    %mul3A_1694 = arith.constant 64 : i32
    %mul3A_1695 = arith.muli %add3A_1693, %mul3A_1694 : i32
    %le3A_1696 = arith.cmpi sle, %min3A, %mul3A_1695 : i32
    %add3A_1697 = arith.constant 12 : i32
    %add3A_1698 = arith.addi %add3A_1697, %select_n3A_30 : i32
    %mul3A_1699 = arith.constant 64 : i32
    %mul3A_1700 = arith.muli %add3A_1698, %mul3A_1699 : i32
    %add3A_1701 = arith.addi %mul3A_32, %mul3A_1700 : i32
    %add3A_1702 = arith.constant 0 : i32
    %add3A_1703 = arith.addi %add3A_1701, %add3A_1702 : i32
    %multiple_of3A_1704 = tpu.assume_multiple %add3A_1703, 32 : i32
    %convert_element_type3A_1705 = arith.extui %le3A_1696 : i1 to i32
    %cond3A_1706 = arith.constant 0 : i32
    %cond3A_1707 = arith.cmpi ne, %convert_element_type3A_1705, %cond3A_1706 : i32
    scf.if %cond3A_1707 {
      %dma_wait3A = arith.constant 0 : i32
      %dma_wait3A_2012 = tpu.memref_slice %arg5[%multiple_of3A_1704, %dma_wait3A] : memref<32768x512xf32, #tpu.memory_space<hbm>> -> memref<32x512xf32, #tpu.memory_space<hbm>>
      %dma_wait3A_2013 = arith.constant 0 : i32
      %dma_wait3A_2014 = tpu.memref_slice %arg5[%multiple_of3A_1704, %dma_wait3A_2013] : memref<32768x512xf32, #tpu.memory_space<hbm>> -> memref<32x512xf32, #tpu.memory_space<hbm>>
      tpu.wait_dma2 semaphore(%arg16 : memref<!tpu.dma_semaphore, #tpu.memory_space<semaphore_mem>>) src(%arg10 : memref<32x512xf32, #tpu.memory_space<vmem>>) dst(%dma_wait3A_2014 : memref<32x512xf32, #tpu.memory_space<hbm>>)
    } else {
    }
    %add3A_1708 = arith.constant 12 : i32
    %add3A_1709 = arith.addi %add3A_1708, %select_n3A_30 : i32
    %mul3A_1710 = arith.constant 64 : i32
    %mul3A_1711 = arith.muli %add3A_1709, %mul3A_1710 : i32
    %le3A_1712 = arith.cmpi sle, %min3A, %mul3A_1711 : i32
    %add3A_1713 = arith.constant 12 : i32
    %add3A_1714 = arith.addi %add3A_1713, %select_n3A_30 : i32
    %mul3A_1715 = arith.constant 64 : i32
    %mul3A_1716 = arith.muli %add3A_1714, %mul3A_1715 : i32
    %add3A_1717 = arith.addi %mul3A_32, %mul3A_1716 : i32
    %add3A_1718 = arith.constant 32 : i32
    %add3A_1719 = arith.addi %add3A_1717, %add3A_1718 : i32
    %multiple_of3A_1720 = tpu.assume_multiple %add3A_1719, 32 : i32
    %convert_element_type3A_1721 = arith.extui %le3A_1712 : i1 to i32
    %cond3A_1722 = arith.constant 0 : i32
    %cond3A_1723 = arith.cmpi ne, %convert_element_type3A_1721, %cond3A_1722 : i32
    scf.if %cond3A_1723 {
      %dma_wait3A = arith.constant 0 : i32
      %dma_wait3A_2012 = tpu.memref_slice %arg5[%multiple_of3A_1720, %dma_wait3A] : memref<32768x512xf32, #tpu.memory_space<hbm>> -> memref<32x512xf32, #tpu.memory_space<hbm>>
      %dma_wait3A_2013 = arith.constant 0 : i32
      %dma_wait3A_2014 = tpu.memref_slice %arg5[%multiple_of3A_1720, %dma_wait3A_2013] : memref<32768x512xf32, #tpu.memory_space<hbm>> -> memref<32x512xf32, #tpu.memory_space<hbm>>
      tpu.wait_dma2 semaphore(%arg16 : memref<!tpu.dma_semaphore, #tpu.memory_space<semaphore_mem>>) src(%arg10 : memref<32x512xf32, #tpu.memory_space<vmem>>) dst(%dma_wait3A_2014 : memref<32x512xf32, #tpu.memory_space<hbm>>)
    } else {
    }
    %add3A_1724 = arith.constant 14 : i32
    %add3A_1725 = arith.addi %add3A_1724, %select_n3A_30 : i32
    %mul3A_1726 = arith.constant 64 : i32
    %mul3A_1727 = arith.muli %add3A_1725, %mul3A_1726 : i32
    %le3A_1728 = arith.cmpi sle, %min3A, %mul3A_1727 : i32
    %add3A_1729 = arith.constant 14 : i32
    %add3A_1730 = arith.addi %add3A_1729, %select_n3A_30 : i32
    %mul3A_1731 = arith.constant 64 : i32
    %mul3A_1732 = arith.muli %add3A_1730, %mul3A_1731 : i32
    %add3A_1733 = arith.addi %mul3A_32, %mul3A_1732 : i32
    %add3A_1734 = arith.constant 0 : i32
    %add3A_1735 = arith.addi %add3A_1733, %add3A_1734 : i32
    %multiple_of3A_1736 = tpu.assume_multiple %add3A_1735, 32 : i32
    %convert_element_type3A_1737 = arith.extui %le3A_1728 : i1 to i32
    %cond3A_1738 = arith.constant 0 : i32
    %cond3A_1739 = arith.cmpi ne, %convert_element_type3A_1737, %cond3A_1738 : i32
    scf.if %cond3A_1739 {
      %dma_wait3A = arith.constant 0 : i32
      %dma_wait3A_2012 = tpu.memref_slice %arg5[%multiple_of3A_1736, %dma_wait3A] : memref<32768x512xf32, #tpu.memory_space<hbm>> -> memref<32x512xf32, #tpu.memory_space<hbm>>
      %dma_wait3A_2013 = arith.constant 0 : i32
      %dma_wait3A_2014 = tpu.memref_slice %arg5[%multiple_of3A_1736, %dma_wait3A_2013] : memref<32768x512xf32, #tpu.memory_space<hbm>> -> memref<32x512xf32, #tpu.memory_space<hbm>>
      tpu.wait_dma2 semaphore(%arg16 : memref<!tpu.dma_semaphore, #tpu.memory_space<semaphore_mem>>) src(%arg10 : memref<32x512xf32, #tpu.memory_space<vmem>>) dst(%dma_wait3A_2014 : memref<32x512xf32, #tpu.memory_space<hbm>>)
    } else {
    }
    %add3A_1740 = arith.constant 14 : i32
    %add3A_1741 = arith.addi %add3A_1740, %select_n3A_30 : i32
    %mul3A_1742 = arith.constant 64 : i32
    %mul3A_1743 = arith.muli %add3A_1741, %mul3A_1742 : i32
    %le3A_1744 = arith.cmpi sle, %min3A, %mul3A_1743 : i32
    %add3A_1745 = arith.constant 14 : i32
    %add3A_1746 = arith.addi %add3A_1745, %select_n3A_30 : i32
    %mul3A_1747 = arith.constant 64 : i32
    %mul3A_1748 = arith.muli %add3A_1746, %mul3A_1747 : i32
    %add3A_1749 = arith.addi %mul3A_32, %mul3A_1748 : i32
    %add3A_1750 = arith.constant 32 : i32
    %add3A_1751 = arith.addi %add3A_1749, %add3A_1750 : i32
    %multiple_of3A_1752 = tpu.assume_multiple %add3A_1751, 32 : i32
    %convert_element_type3A_1753 = arith.extui %le3A_1744 : i1 to i32
    %cond3A_1754 = arith.constant 0 : i32
    %cond3A_1755 = arith.cmpi ne, %convert_element_type3A_1753, %cond3A_1754 : i32
    scf.if %cond3A_1755 {
      %dma_wait3A = arith.constant 0 : i32
      %dma_wait3A_2012 = tpu.memref_slice %arg5[%multiple_of3A_1752, %dma_wait3A] : memref<32768x512xf32, #tpu.memory_space<hbm>> -> memref<32x512xf32, #tpu.memory_space<hbm>>
      %dma_wait3A_2013 = arith.constant 0 : i32
      %dma_wait3A_2014 = tpu.memref_slice %arg5[%multiple_of3A_1752, %dma_wait3A_2013] : memref<32768x512xf32, #tpu.memory_space<hbm>> -> memref<32x512xf32, #tpu.memory_space<hbm>>
      tpu.wait_dma2 semaphore(%arg16 : memref<!tpu.dma_semaphore, #tpu.memory_space<semaphore_mem>>) src(%arg10 : memref<32x512xf32, #tpu.memory_space<vmem>>) dst(%dma_wait3A_2014 : memref<32x512xf32, #tpu.memory_space<hbm>>)
    } else {
    }
    %add3A_1756 = arith.constant 16 : i32
    %add3A_1757 = arith.addi %add3A_1756, %select_n3A_30 : i32
    %mul3A_1758 = arith.constant 64 : i32
    %mul3A_1759 = arith.muli %add3A_1757, %mul3A_1758 : i32
    %le3A_1760 = arith.cmpi sle, %min3A, %mul3A_1759 : i32
    %add3A_1761 = arith.constant 16 : i32
    %add3A_1762 = arith.addi %add3A_1761, %select_n3A_30 : i32
    %mul3A_1763 = arith.constant 64 : i32
    %mul3A_1764 = arith.muli %add3A_1762, %mul3A_1763 : i32
    %add3A_1765 = arith.addi %mul3A_32, %mul3A_1764 : i32
    %add3A_1766 = arith.constant 0 : i32
    %add3A_1767 = arith.addi %add3A_1765, %add3A_1766 : i32
    %multiple_of3A_1768 = tpu.assume_multiple %add3A_1767, 32 : i32
    %convert_element_type3A_1769 = arith.extui %le3A_1760 : i1 to i32
    %cond3A_1770 = arith.constant 0 : i32
    %cond3A_1771 = arith.cmpi ne, %convert_element_type3A_1769, %cond3A_1770 : i32
    scf.if %cond3A_1771 {
      %dma_wait3A = arith.constant 0 : i32
      %dma_wait3A_2012 = tpu.memref_slice %arg5[%multiple_of3A_1768, %dma_wait3A] : memref<32768x512xf32, #tpu.memory_space<hbm>> -> memref<32x512xf32, #tpu.memory_space<hbm>>
      %dma_wait3A_2013 = arith.constant 0 : i32
      %dma_wait3A_2014 = tpu.memref_slice %arg5[%multiple_of3A_1768, %dma_wait3A_2013] : memref<32768x512xf32, #tpu.memory_space<hbm>> -> memref<32x512xf32, #tpu.memory_space<hbm>>
      tpu.wait_dma2 semaphore(%arg16 : memref<!tpu.dma_semaphore, #tpu.memory_space<semaphore_mem>>) src(%arg10 : memref<32x512xf32, #tpu.memory_space<vmem>>) dst(%dma_wait3A_2014 : memref<32x512xf32, #tpu.memory_space<hbm>>)
    } else {
    }
    %add3A_1772 = arith.constant 16 : i32
    %add3A_1773 = arith.addi %add3A_1772, %select_n3A_30 : i32
    %mul3A_1774 = arith.constant 64 : i32
    %mul3A_1775 = arith.muli %add3A_1773, %mul3A_1774 : i32
    %le3A_1776 = arith.cmpi sle, %min3A, %mul3A_1775 : i32
    %add3A_1777 = arith.constant 16 : i32
    %add3A_1778 = arith.addi %add3A_1777, %select_n3A_30 : i32
    %mul3A_1779 = arith.constant 64 : i32
    %mul3A_1780 = arith.muli %add3A_1778, %mul3A_1779 : i32
    %add3A_1781 = arith.addi %mul3A_32, %mul3A_1780 : i32
    %add3A_1782 = arith.constant 32 : i32
    %add3A_1783 = arith.addi %add3A_1781, %add3A_1782 : i32
    %multiple_of3A_1784 = tpu.assume_multiple %add3A_1783, 32 : i32
    %convert_element_type3A_1785 = arith.extui %le3A_1776 : i1 to i32
    %cond3A_1786 = arith.constant 0 : i32
    %cond3A_1787 = arith.cmpi ne, %convert_element_type3A_1785, %cond3A_1786 : i32
    scf.if %cond3A_1787 {
      %dma_wait3A = arith.constant 0 : i32
      %dma_wait3A_2012 = tpu.memref_slice %arg5[%multiple_of3A_1784, %dma_wait3A] : memref<32768x512xf32, #tpu.memory_space<hbm>> -> memref<32x512xf32, #tpu.memory_space<hbm>>
      %dma_wait3A_2013 = arith.constant 0 : i32
      %dma_wait3A_2014 = tpu.memref_slice %arg5[%multiple_of3A_1784, %dma_wait3A_2013] : memref<32768x512xf32, #tpu.memory_space<hbm>> -> memref<32x512xf32, #tpu.memory_space<hbm>>
      tpu.wait_dma2 semaphore(%arg16 : memref<!tpu.dma_semaphore, #tpu.memory_space<semaphore_mem>>) src(%arg10 : memref<32x512xf32, #tpu.memory_space<vmem>>) dst(%dma_wait3A_2014 : memref<32x512xf32, #tpu.memory_space<hbm>>)
    } else {
    }
    %add3A_1788 = arith.constant 18 : i32
    %add3A_1789 = arith.addi %add3A_1788, %select_n3A_30 : i32
    %mul3A_1790 = arith.constant 64 : i32
    %mul3A_1791 = arith.muli %add3A_1789, %mul3A_1790 : i32
    %le3A_1792 = arith.cmpi sle, %min3A, %mul3A_1791 : i32
    %add3A_1793 = arith.constant 18 : i32
    %add3A_1794 = arith.addi %add3A_1793, %select_n3A_30 : i32
    %mul3A_1795 = arith.constant 64 : i32
    %mul3A_1796 = arith.muli %add3A_1794, %mul3A_1795 : i32
    %add3A_1797 = arith.addi %mul3A_32, %mul3A_1796 : i32
    %add3A_1798 = arith.constant 0 : i32
    %add3A_1799 = arith.addi %add3A_1797, %add3A_1798 : i32
    %multiple_of3A_1800 = tpu.assume_multiple %add3A_1799, 32 : i32
    %convert_element_type3A_1801 = arith.extui %le3A_1792 : i1 to i32
    %cond3A_1802 = arith.constant 0 : i32
    %cond3A_1803 = arith.cmpi ne, %convert_element_type3A_1801, %cond3A_1802 : i32
    scf.if %cond3A_1803 {
      %dma_wait3A = arith.constant 0 : i32
      %dma_wait3A_2012 = tpu.memref_slice %arg5[%multiple_of3A_1800, %dma_wait3A] : memref<32768x512xf32, #tpu.memory_space<hbm>> -> memref<32x512xf32, #tpu.memory_space<hbm>>
      %dma_wait3A_2013 = arith.constant 0 : i32
      %dma_wait3A_2014 = tpu.memref_slice %arg5[%multiple_of3A_1800, %dma_wait3A_2013] : memref<32768x512xf32, #tpu.memory_space<hbm>> -> memref<32x512xf32, #tpu.memory_space<hbm>>
      tpu.wait_dma2 semaphore(%arg16 : memref<!tpu.dma_semaphore, #tpu.memory_space<semaphore_mem>>) src(%arg10 : memref<32x512xf32, #tpu.memory_space<vmem>>) dst(%dma_wait3A_2014 : memref<32x512xf32, #tpu.memory_space<hbm>>)
    } else {
    }
    %add3A_1804 = arith.constant 18 : i32
    %add3A_1805 = arith.addi %add3A_1804, %select_n3A_30 : i32
    %mul3A_1806 = arith.constant 64 : i32
    %mul3A_1807 = arith.muli %add3A_1805, %mul3A_1806 : i32
    %le3A_1808 = arith.cmpi sle, %min3A, %mul3A_1807 : i32
    %add3A_1809 = arith.constant 18 : i32
    %add3A_1810 = arith.addi %add3A_1809, %select_n3A_30 : i32
    %mul3A_1811 = arith.constant 64 : i32
    %mul3A_1812 = arith.muli %add3A_1810, %mul3A_1811 : i32
    %add3A_1813 = arith.addi %mul3A_32, %mul3A_1812 : i32
    %add3A_1814 = arith.constant 32 : i32
    %add3A_1815 = arith.addi %add3A_1813, %add3A_1814 : i32
    %multiple_of3A_1816 = tpu.assume_multiple %add3A_1815, 32 : i32
    %convert_element_type3A_1817 = arith.extui %le3A_1808 : i1 to i32
    %cond3A_1818 = arith.constant 0 : i32
    %cond3A_1819 = arith.cmpi ne, %convert_element_type3A_1817, %cond3A_1818 : i32
    scf.if %cond3A_1819 {
      %dma_wait3A = arith.constant 0 : i32
      %dma_wait3A_2012 = tpu.memref_slice %arg5[%multiple_of3A_1816, %dma_wait3A] : memref<32768x512xf32, #tpu.memory_space<hbm>> -> memref<32x512xf32, #tpu.memory_space<hbm>>
      %dma_wait3A_2013 = arith.constant 0 : i32
      %dma_wait3A_2014 = tpu.memref_slice %arg5[%multiple_of3A_1816, %dma_wait3A_2013] : memref<32768x512xf32, #tpu.memory_space<hbm>> -> memref<32x512xf32, #tpu.memory_space<hbm>>
      tpu.wait_dma2 semaphore(%arg16 : memref<!tpu.dma_semaphore, #tpu.memory_space<semaphore_mem>>) src(%arg10 : memref<32x512xf32, #tpu.memory_space<vmem>>) dst(%dma_wait3A_2014 : memref<32x512xf32, #tpu.memory_space<hbm>>)
    } else {
    }
    %add3A_1820 = arith.constant 20 : i32
    %add3A_1821 = arith.addi %add3A_1820, %select_n3A_30 : i32
    %mul3A_1822 = arith.constant 64 : i32
    %mul3A_1823 = arith.muli %add3A_1821, %mul3A_1822 : i32
    %le3A_1824 = arith.cmpi sle, %min3A, %mul3A_1823 : i32
    %add3A_1825 = arith.constant 20 : i32
    %add3A_1826 = arith.addi %add3A_1825, %select_n3A_30 : i32
    %mul3A_1827 = arith.constant 64 : i32
    %mul3A_1828 = arith.muli %add3A_1826, %mul3A_1827 : i32
    %add3A_1829 = arith.addi %mul3A_32, %mul3A_1828 : i32
    %add3A_1830 = arith.constant 0 : i32
    %add3A_1831 = arith.addi %add3A_1829, %add3A_1830 : i32
    %multiple_of3A_1832 = tpu.assume_multiple %add3A_1831, 32 : i32
    %convert_element_type3A_1833 = arith.extui %le3A_1824 : i1 to i32
    %cond3A_1834 = arith.constant 0 : i32
    %cond3A_1835 = arith.cmpi ne, %convert_element_type3A_1833, %cond3A_1834 : i32
    scf.if %cond3A_1835 {
      %dma_wait3A = arith.constant 0 : i32
      %dma_wait3A_2012 = tpu.memref_slice %arg5[%multiple_of3A_1832, %dma_wait3A] : memref<32768x512xf32, #tpu.memory_space<hbm>> -> memref<32x512xf32, #tpu.memory_space<hbm>>
      %dma_wait3A_2013 = arith.constant 0 : i32
      %dma_wait3A_2014 = tpu.memref_slice %arg5[%multiple_of3A_1832, %dma_wait3A_2013] : memref<32768x512xf32, #tpu.memory_space<hbm>> -> memref<32x512xf32, #tpu.memory_space<hbm>>
      tpu.wait_dma2 semaphore(%arg16 : memref<!tpu.dma_semaphore, #tpu.memory_space<semaphore_mem>>) src(%arg10 : memref<32x512xf32, #tpu.memory_space<vmem>>) dst(%dma_wait3A_2014 : memref<32x512xf32, #tpu.memory_space<hbm>>)
    } else {
    }
    %add3A_1836 = arith.constant 20 : i32
    %add3A_1837 = arith.addi %add3A_1836, %select_n3A_30 : i32
    %mul3A_1838 = arith.constant 64 : i32
    %mul3A_1839 = arith.muli %add3A_1837, %mul3A_1838 : i32
    %le3A_1840 = arith.cmpi sle, %min3A, %mul3A_1839 : i32
    %add3A_1841 = arith.constant 20 : i32
    %add3A_1842 = arith.addi %add3A_1841, %select_n3A_30 : i32
    %mul3A_1843 = arith.constant 64 : i32
    %mul3A_1844 = arith.muli %add3A_1842, %mul3A_1843 : i32
    %add3A_1845 = arith.addi %mul3A_32, %mul3A_1844 : i32
    %add3A_1846 = arith.constant 32 : i32
    %add3A_1847 = arith.addi %add3A_1845, %add3A_1846 : i32
    %multiple_of3A_1848 = tpu.assume_multiple %add3A_1847, 32 : i32
    %convert_element_type3A_1849 = arith.extui %le3A_1840 : i1 to i32
    %cond3A_1850 = arith.constant 0 : i32
    %cond3A_1851 = arith.cmpi ne, %convert_element_type3A_1849, %cond3A_1850 : i32
    scf.if %cond3A_1851 {
      %dma_wait3A = arith.constant 0 : i32
      %dma_wait3A_2012 = tpu.memref_slice %arg5[%multiple_of3A_1848, %dma_wait3A] : memref<32768x512xf32, #tpu.memory_space<hbm>> -> memref<32x512xf32, #tpu.memory_space<hbm>>
      %dma_wait3A_2013 = arith.constant 0 : i32
      %dma_wait3A_2014 = tpu.memref_slice %arg5[%multiple_of3A_1848, %dma_wait3A_2013] : memref<32768x512xf32, #tpu.memory_space<hbm>> -> memref<32x512xf32, #tpu.memory_space<hbm>>
      tpu.wait_dma2 semaphore(%arg16 : memref<!tpu.dma_semaphore, #tpu.memory_space<semaphore_mem>>) src(%arg10 : memref<32x512xf32, #tpu.memory_space<vmem>>) dst(%dma_wait3A_2014 : memref<32x512xf32, #tpu.memory_space<hbm>>)
    } else {
    }
    %add3A_1852 = arith.constant 22 : i32
    %add3A_1853 = arith.addi %add3A_1852, %select_n3A_30 : i32
    %mul3A_1854 = arith.constant 64 : i32
    %mul3A_1855 = arith.muli %add3A_1853, %mul3A_1854 : i32
    %le3A_1856 = arith.cmpi sle, %min3A, %mul3A_1855 : i32
    %add3A_1857 = arith.constant 22 : i32
    %add3A_1858 = arith.addi %add3A_1857, %select_n3A_30 : i32
    %mul3A_1859 = arith.constant 64 : i32
    %mul3A_1860 = arith.muli %add3A_1858, %mul3A_1859 : i32
    %add3A_1861 = arith.addi %mul3A_32, %mul3A_1860 : i32
    %add3A_1862 = arith.constant 0 : i32
    %add3A_1863 = arith.addi %add3A_1861, %add3A_1862 : i32
    %multiple_of3A_1864 = tpu.assume_multiple %add3A_1863, 32 : i32
    %convert_element_type3A_1865 = arith.extui %le3A_1856 : i1 to i32
    %cond3A_1866 = arith.constant 0 : i32
    %cond3A_1867 = arith.cmpi ne, %convert_element_type3A_1865, %cond3A_1866 : i32
    scf.if %cond3A_1867 {
      %dma_wait3A = arith.constant 0 : i32
      %dma_wait3A_2012 = tpu.memref_slice %arg5[%multiple_of3A_1864, %dma_wait3A] : memref<32768x512xf32, #tpu.memory_space<hbm>> -> memref<32x512xf32, #tpu.memory_space<hbm>>
      %dma_wait3A_2013 = arith.constant 0 : i32
      %dma_wait3A_2014 = tpu.memref_slice %arg5[%multiple_of3A_1864, %dma_wait3A_2013] : memref<32768x512xf32, #tpu.memory_space<hbm>> -> memref<32x512xf32, #tpu.memory_space<hbm>>
      tpu.wait_dma2 semaphore(%arg16 : memref<!tpu.dma_semaphore, #tpu.memory_space<semaphore_mem>>) src(%arg10 : memref<32x512xf32, #tpu.memory_space<vmem>>) dst(%dma_wait3A_2014 : memref<32x512xf32, #tpu.memory_space<hbm>>)
    } else {
    }
    %add3A_1868 = arith.constant 22 : i32
    %add3A_1869 = arith.addi %add3A_1868, %select_n3A_30 : i32
    %mul3A_1870 = arith.constant 64 : i32
    %mul3A_1871 = arith.muli %add3A_1869, %mul3A_1870 : i32
    %le3A_1872 = arith.cmpi sle, %min3A, %mul3A_1871 : i32
    %add3A_1873 = arith.constant 22 : i32
    %add3A_1874 = arith.addi %add3A_1873, %select_n3A_30 : i32
    %mul3A_1875 = arith.constant 64 : i32
    %mul3A_1876 = arith.muli %add3A_1874, %mul3A_1875 : i32
    %add3A_1877 = arith.addi %mul3A_32, %mul3A_1876 : i32
    %add3A_1878 = arith.constant 32 : i32
    %add3A_1879 = arith.addi %add3A_1877, %add3A_1878 : i32
    %multiple_of3A_1880 = tpu.assume_multiple %add3A_1879, 32 : i32
    %convert_element_type3A_1881 = arith.extui %le3A_1872 : i1 to i32
    %cond3A_1882 = arith.constant 0 : i32
    %cond3A_1883 = arith.cmpi ne, %convert_element_type3A_1881, %cond3A_1882 : i32
    scf.if %cond3A_1883 {
      %dma_wait3A = arith.constant 0 : i32
      %dma_wait3A_2012 = tpu.memref_slice %arg5[%multiple_of3A_1880, %dma_wait3A] : memref<32768x512xf32, #tpu.memory_space<hbm>> -> memref<32x512xf32, #tpu.memory_space<hbm>>
      %dma_wait3A_2013 = arith.constant 0 : i32
      %dma_wait3A_2014 = tpu.memref_slice %arg5[%multiple_of3A_1880, %dma_wait3A_2013] : memref<32768x512xf32, #tpu.memory_space<hbm>> -> memref<32x512xf32, #tpu.memory_space<hbm>>
      tpu.wait_dma2 semaphore(%arg16 : memref<!tpu.dma_semaphore, #tpu.memory_space<semaphore_mem>>) src(%arg10 : memref<32x512xf32, #tpu.memory_space<vmem>>) dst(%dma_wait3A_2014 : memref<32x512xf32, #tpu.memory_space<hbm>>)
    } else {
    }
    %add3A_1884 = arith.constant 24 : i32
    %add3A_1885 = arith.addi %add3A_1884, %select_n3A_30 : i32
    %mul3A_1886 = arith.constant 64 : i32
    %mul3A_1887 = arith.muli %add3A_1885, %mul3A_1886 : i32
    %le3A_1888 = arith.cmpi sle, %min3A, %mul3A_1887 : i32
    %add3A_1889 = arith.constant 24 : i32
    %add3A_1890 = arith.addi %add3A_1889, %select_n3A_30 : i32
    %mul3A_1891 = arith.constant 64 : i32
    %mul3A_1892 = arith.muli %add3A_1890, %mul3A_1891 : i32
    %add3A_1893 = arith.addi %mul3A_32, %mul3A_1892 : i32
    %add3A_1894 = arith.constant 0 : i32
    %add3A_1895 = arith.addi %add3A_1893, %add3A_1894 : i32
    %multiple_of3A_1896 = tpu.assume_multiple %add3A_1895, 32 : i32
    %convert_element_type3A_1897 = arith.extui %le3A_1888 : i1 to i32
    %cond3A_1898 = arith.constant 0 : i32
    %cond3A_1899 = arith.cmpi ne, %convert_element_type3A_1897, %cond3A_1898 : i32
    scf.if %cond3A_1899 {
      %dma_wait3A = arith.constant 0 : i32
      %dma_wait3A_2012 = tpu.memref_slice %arg5[%multiple_of3A_1896, %dma_wait3A] : memref<32768x512xf32, #tpu.memory_space<hbm>> -> memref<32x512xf32, #tpu.memory_space<hbm>>
      %dma_wait3A_2013 = arith.constant 0 : i32
      %dma_wait3A_2014 = tpu.memref_slice %arg5[%multiple_of3A_1896, %dma_wait3A_2013] : memref<32768x512xf32, #tpu.memory_space<hbm>> -> memref<32x512xf32, #tpu.memory_space<hbm>>
      tpu.wait_dma2 semaphore(%arg16 : memref<!tpu.dma_semaphore, #tpu.memory_space<semaphore_mem>>) src(%arg10 : memref<32x512xf32, #tpu.memory_space<vmem>>) dst(%dma_wait3A_2014 : memref<32x512xf32, #tpu.memory_space<hbm>>)
    } else {
    }
    %add3A_1900 = arith.constant 24 : i32
    %add3A_1901 = arith.addi %add3A_1900, %select_n3A_30 : i32
    %mul3A_1902 = arith.constant 64 : i32
    %mul3A_1903 = arith.muli %add3A_1901, %mul3A_1902 : i32
    %le3A_1904 = arith.cmpi sle, %min3A, %mul3A_1903 : i32
    %add3A_1905 = arith.constant 24 : i32
    %add3A_1906 = arith.addi %add3A_1905, %select_n3A_30 : i32
    %mul3A_1907 = arith.constant 64 : i32
    %mul3A_1908 = arith.muli %add3A_1906, %mul3A_1907 : i32
    %add3A_1909 = arith.addi %mul3A_32, %mul3A_1908 : i32
    %add3A_1910 = arith.constant 32 : i32
    %add3A_1911 = arith.addi %add3A_1909, %add3A_1910 : i32
    %multiple_of3A_1912 = tpu.assume_multiple %add3A_1911, 32 : i32
    %convert_element_type3A_1913 = arith.extui %le3A_1904 : i1 to i32
    %cond3A_1914 = arith.constant 0 : i32
    %cond3A_1915 = arith.cmpi ne, %convert_element_type3A_1913, %cond3A_1914 : i32
    scf.if %cond3A_1915 {
      %dma_wait3A = arith.constant 0 : i32
      %dma_wait3A_2012 = tpu.memref_slice %arg5[%multiple_of3A_1912, %dma_wait3A] : memref<32768x512xf32, #tpu.memory_space<hbm>> -> memref<32x512xf32, #tpu.memory_space<hbm>>
      %dma_wait3A_2013 = arith.constant 0 : i32
      %dma_wait3A_2014 = tpu.memref_slice %arg5[%multiple_of3A_1912, %dma_wait3A_2013] : memref<32768x512xf32, #tpu.memory_space<hbm>> -> memref<32x512xf32, #tpu.memory_space<hbm>>
      tpu.wait_dma2 semaphore(%arg16 : memref<!tpu.dma_semaphore, #tpu.memory_space<semaphore_mem>>) src(%arg10 : memref<32x512xf32, #tpu.memory_space<vmem>>) dst(%dma_wait3A_2014 : memref<32x512xf32, #tpu.memory_space<hbm>>)
    } else {
    }
    %add3A_1916 = arith.constant 26 : i32
    %add3A_1917 = arith.addi %add3A_1916, %select_n3A_30 : i32
    %mul3A_1918 = arith.constant 64 : i32
    %mul3A_1919 = arith.muli %add3A_1917, %mul3A_1918 : i32
    %le3A_1920 = arith.cmpi sle, %min3A, %mul3A_1919 : i32
    %add3A_1921 = arith.constant 26 : i32
    %add3A_1922 = arith.addi %add3A_1921, %select_n3A_30 : i32
    %mul3A_1923 = arith.constant 64 : i32
    %mul3A_1924 = arith.muli %add3A_1922, %mul3A_1923 : i32
    %add3A_1925 = arith.addi %mul3A_32, %mul3A_1924 : i32
    %add3A_1926 = arith.constant 0 : i32
    %add3A_1927 = arith.addi %add3A_1925, %add3A_1926 : i32
    %multiple_of3A_1928 = tpu.assume_multiple %add3A_1927, 32 : i32
    %convert_element_type3A_1929 = arith.extui %le3A_1920 : i1 to i32
    %cond3A_1930 = arith.constant 0 : i32
    %cond3A_1931 = arith.cmpi ne, %convert_element_type3A_1929, %cond3A_1930 : i32
    scf.if %cond3A_1931 {
      %dma_wait3A = arith.constant 0 : i32
      %dma_wait3A_2012 = tpu.memref_slice %arg5[%multiple_of3A_1928, %dma_wait3A] : memref<32768x512xf32, #tpu.memory_space<hbm>> -> memref<32x512xf32, #tpu.memory_space<hbm>>
      %dma_wait3A_2013 = arith.constant 0 : i32
      %dma_wait3A_2014 = tpu.memref_slice %arg5[%multiple_of3A_1928, %dma_wait3A_2013] : memref<32768x512xf32, #tpu.memory_space<hbm>> -> memref<32x512xf32, #tpu.memory_space<hbm>>
      tpu.wait_dma2 semaphore(%arg16 : memref<!tpu.dma_semaphore, #tpu.memory_space<semaphore_mem>>) src(%arg10 : memref<32x512xf32, #tpu.memory_space<vmem>>) dst(%dma_wait3A_2014 : memref<32x512xf32, #tpu.memory_space<hbm>>)
    } else {
    }
    %add3A_1932 = arith.constant 26 : i32
    %add3A_1933 = arith.addi %add3A_1932, %select_n3A_30 : i32
    %mul3A_1934 = arith.constant 64 : i32
    %mul3A_1935 = arith.muli %add3A_1933, %mul3A_1934 : i32
    %le3A_1936 = arith.cmpi sle, %min3A, %mul3A_1935 : i32
    %add3A_1937 = arith.constant 26 : i32
    %add3A_1938 = arith.addi %add3A_1937, %select_n3A_30 : i32
    %mul3A_1939 = arith.constant 64 : i32
    %mul3A_1940 = arith.muli %add3A_1938, %mul3A_1939 : i32
    %add3A_1941 = arith.addi %mul3A_32, %mul3A_1940 : i32
    %add3A_1942 = arith.constant 32 : i32
    %add3A_1943 = arith.addi %add3A_1941, %add3A_1942 : i32
    %multiple_of3A_1944 = tpu.assume_multiple %add3A_1943, 32 : i32
    %convert_element_type3A_1945 = arith.extui %le3A_1936 : i1 to i32
    %cond3A_1946 = arith.constant 0 : i32
    %cond3A_1947 = arith.cmpi ne, %convert_element_type3A_1945, %cond3A_1946 : i32
    scf.if %cond3A_1947 {
      %dma_wait3A = arith.constant 0 : i32
      %dma_wait3A_2012 = tpu.memref_slice %arg5[%multiple_of3A_1944, %dma_wait3A] : memref<32768x512xf32, #tpu.memory_space<hbm>> -> memref<32x512xf32, #tpu.memory_space<hbm>>
      %dma_wait3A_2013 = arith.constant 0 : i32
      %dma_wait3A_2014 = tpu.memref_slice %arg5[%multiple_of3A_1944, %dma_wait3A_2013] : memref<32768x512xf32, #tpu.memory_space<hbm>> -> memref<32x512xf32, #tpu.memory_space<hbm>>
      tpu.wait_dma2 semaphore(%arg16 : memref<!tpu.dma_semaphore, #tpu.memory_space<semaphore_mem>>) src(%arg10 : memref<32x512xf32, #tpu.memory_space<vmem>>) dst(%dma_wait3A_2014 : memref<32x512xf32, #tpu.memory_space<hbm>>)
    } else {
    }
    %add3A_1948 = arith.constant 28 : i32
    %add3A_1949 = arith.addi %add3A_1948, %select_n3A_30 : i32
    %mul3A_1950 = arith.constant 64 : i32
    %mul3A_1951 = arith.muli %add3A_1949, %mul3A_1950 : i32
    %le3A_1952 = arith.cmpi sle, %min3A, %mul3A_1951 : i32
    %add3A_1953 = arith.constant 28 : i32
    %add3A_1954 = arith.addi %add3A_1953, %select_n3A_30 : i32
    %mul3A_1955 = arith.constant 64 : i32
    %mul3A_1956 = arith.muli %add3A_1954, %mul3A_1955 : i32
    %add3A_1957 = arith.addi %mul3A_32, %mul3A_1956 : i32
    %add3A_1958 = arith.constant 0 : i32
    %add3A_1959 = arith.addi %add3A_1957, %add3A_1958 : i32
    %multiple_of3A_1960 = tpu.assume_multiple %add3A_1959, 32 : i32
    %convert_element_type3A_1961 = arith.extui %le3A_1952 : i1 to i32
    %cond3A_1962 = arith.constant 0 : i32
    %cond3A_1963 = arith.cmpi ne, %convert_element_type3A_1961, %cond3A_1962 : i32
    scf.if %cond3A_1963 {
      %dma_wait3A = arith.constant 0 : i32
      %dma_wait3A_2012 = tpu.memref_slice %arg5[%multiple_of3A_1960, %dma_wait3A] : memref<32768x512xf32, #tpu.memory_space<hbm>> -> memref<32x512xf32, #tpu.memory_space<hbm>>
      %dma_wait3A_2013 = arith.constant 0 : i32
      %dma_wait3A_2014 = tpu.memref_slice %arg5[%multiple_of3A_1960, %dma_wait3A_2013] : memref<32768x512xf32, #tpu.memory_space<hbm>> -> memref<32x512xf32, #tpu.memory_space<hbm>>
      tpu.wait_dma2 semaphore(%arg16 : memref<!tpu.dma_semaphore, #tpu.memory_space<semaphore_mem>>) src(%arg10 : memref<32x512xf32, #tpu.memory_space<vmem>>) dst(%dma_wait3A_2014 : memref<32x512xf32, #tpu.memory_space<hbm>>)
    } else {
    }
    %add3A_1964 = arith.constant 28 : i32
    %add3A_1965 = arith.addi %add3A_1964, %select_n3A_30 : i32
    %mul3A_1966 = arith.constant 64 : i32
    %mul3A_1967 = arith.muli %add3A_1965, %mul3A_1966 : i32
    %le3A_1968 = arith.cmpi sle, %min3A, %mul3A_1967 : i32
    %add3A_1969 = arith.constant 28 : i32
    %add3A_1970 = arith.addi %add3A_1969, %select_n3A_30 : i32
    %mul3A_1971 = arith.constant 64 : i32
    %mul3A_1972 = arith.muli %add3A_1970, %mul3A_1971 : i32
    %add3A_1973 = arith.addi %mul3A_32, %mul3A_1972 : i32
    %add3A_1974 = arith.constant 32 : i32
    %add3A_1975 = arith.addi %add3A_1973, %add3A_1974 : i32
    %multiple_of3A_1976 = tpu.assume_multiple %add3A_1975, 32 : i32
    %convert_element_type3A_1977 = arith.extui %le3A_1968 : i1 to i32
    %cond3A_1978 = arith.constant 0 : i32
    %cond3A_1979 = arith.cmpi ne, %convert_element_type3A_1977, %cond3A_1978 : i32
    scf.if %cond3A_1979 {
      %dma_wait3A = arith.constant 0 : i32
      %dma_wait3A_2012 = tpu.memref_slice %arg5[%multiple_of3A_1976, %dma_wait3A] : memref<32768x512xf32, #tpu.memory_space<hbm>> -> memref<32x512xf32, #tpu.memory_space<hbm>>
      %dma_wait3A_2013 = arith.constant 0 : i32
      %dma_wait3A_2014 = tpu.memref_slice %arg5[%multiple_of3A_1976, %dma_wait3A_2013] : memref<32768x512xf32, #tpu.memory_space<hbm>> -> memref<32x512xf32, #tpu.memory_space<hbm>>
      tpu.wait_dma2 semaphore(%arg16 : memref<!tpu.dma_semaphore, #tpu.memory_space<semaphore_mem>>) src(%arg10 : memref<32x512xf32, #tpu.memory_space<vmem>>) dst(%dma_wait3A_2014 : memref<32x512xf32, #tpu.memory_space<hbm>>)
    } else {
    }
    %add3A_1980 = arith.constant 30 : i32
    %add3A_1981 = arith.addi %add3A_1980, %select_n3A_30 : i32
    %mul3A_1982 = arith.constant 64 : i32
    %mul3A_1983 = arith.muli %add3A_1981, %mul3A_1982 : i32
    %le3A_1984 = arith.cmpi sle, %min3A, %mul3A_1983 : i32
    %add3A_1985 = arith.constant 30 : i32
    %add3A_1986 = arith.addi %add3A_1985, %select_n3A_30 : i32
    %mul3A_1987 = arith.constant 64 : i32
    %mul3A_1988 = arith.muli %add3A_1986, %mul3A_1987 : i32
    %add3A_1989 = arith.addi %mul3A_32, %mul3A_1988 : i32
    %add3A_1990 = arith.constant 0 : i32
    %add3A_1991 = arith.addi %add3A_1989, %add3A_1990 : i32
    %multiple_of3A_1992 = tpu.assume_multiple %add3A_1991, 32 : i32
    %convert_element_type3A_1993 = arith.extui %le3A_1984 : i1 to i32
    %cond3A_1994 = arith.constant 0 : i32
    %cond3A_1995 = arith.cmpi ne, %convert_element_type3A_1993, %cond3A_1994 : i32
    scf.if %cond3A_1995 {
      %dma_wait3A = arith.constant 0 : i32
      %dma_wait3A_2012 = tpu.memref_slice %arg5[%multiple_of3A_1992, %dma_wait3A] : memref<32768x512xf32, #tpu.memory_space<hbm>> -> memref<32x512xf32, #tpu.memory_space<hbm>>
      %dma_wait3A_2013 = arith.constant 0 : i32
      %dma_wait3A_2014 = tpu.memref_slice %arg5[%multiple_of3A_1992, %dma_wait3A_2013] : memref<32768x512xf32, #tpu.memory_space<hbm>> -> memref<32x512xf32, #tpu.memory_space<hbm>>
      tpu.wait_dma2 semaphore(%arg16 : memref<!tpu.dma_semaphore, #tpu.memory_space<semaphore_mem>>) src(%arg10 : memref<32x512xf32, #tpu.memory_space<vmem>>) dst(%dma_wait3A_2014 : memref<32x512xf32, #tpu.memory_space<hbm>>)
    } else {
    }
    %add3A_1996 = arith.constant 30 : i32
    %add3A_1997 = arith.addi %add3A_1996, %select_n3A_30 : i32
    %mul3A_1998 = arith.constant 64 : i32
    %mul3A_1999 = arith.muli %add3A_1997, %mul3A_1998 : i32
    %le3A_2000 = arith.cmpi sle, %min3A, %mul3A_1999 : i32
    %add3A_2001 = arith.constant 30 : i32
    %add3A_2002 = arith.addi %add3A_2001, %select_n3A_30 : i32
    %mul3A_2003 = arith.constant 64 : i32
    %mul3A_2004 = arith.muli %add3A_2002, %mul3A_2003 : i32
    %add3A_2005 = arith.addi %mul3A_32, %mul3A_2004 : i32
    %add3A_2006 = arith.constant 32 : i32
    %add3A_2007 = arith.addi %add3A_2005, %add3A_2006 : i32
    %multiple_of3A_2008 = tpu.assume_multiple %add3A_2007, 32 : i32
    %convert_element_type3A_2009 = arith.extui %le3A_2000 : i1 to i32
    %cond3A_2010 = arith.constant 0 : i32
    %cond3A_2011 = arith.cmpi ne, %convert_element_type3A_2009, %cond3A_2010 : i32
    scf.if %cond3A_2011 {
      %dma_wait3A = arith.constant 0 : i32
      %dma_wait3A_2012 = tpu.memref_slice %arg5[%multiple_of3A_2008, %dma_wait3A] : memref<32768x512xf32, #tpu.memory_space<hbm>> -> memref<32x512xf32, #tpu.memory_space<hbm>>
      %dma_wait3A_2013 = arith.constant 0 : i32
      %dma_wait3A_2014 = tpu.memref_slice %arg5[%multiple_of3A_2008, %dma_wait3A_2013] : memref<32768x512xf32, #tpu.memory_space<hbm>> -> memref<32x512xf32, #tpu.memory_space<hbm>>
      tpu.wait_dma2 semaphore(%arg16 : memref<!tpu.dma_semaphore, #tpu.memory_space<semaphore_mem>>) src(%arg10 : memref<32x512xf32, #tpu.memory_space<vmem>>) dst(%dma_wait3A_2014 : memref<32x512xf32, #tpu.memory_space<hbm>>)
    } else {
    }
    return
  }
}

</mosaic_0001>

<sc_bundles>
// kernel: kernel.3.cloned.1.call-start
scs
__scs_entry_jumppad:
0x0: {  	(pc) =	sbr.rel $0x88, $3  }
0x1: {  	(tag) =	ssettag $0x0;
	lr =	simm.s32 $0x1  }
0x2: {  	[smem:$0x3F9F] =	sst lr;
	_ =	strace $0xD0000000  }
0x3: {  	_ = 	snop  }
0x4: {  	_ = 	snop  }
0x5: {  	_ = 	snop  }
0x6: {  	_ = 	snop  }
0x7: {  	_ = 	snop  }
__scs_overlays_trampoline_lowered:
0x8: {  	[smem:$0x3FAE] =	sst s0  }
0x9: {  	[smem:$0x3FAF] =	sst s1  }
0xa: {  	[smem:$0x3FB0] =	sst s2  }
0xb: {  	[smem:$0x3FB1] =	sst s3  }
0xc: {  	[smem:$0x3FB2] =	sst s4  }
0xd: {  	[smem:$0x3FB3] =	sst s5  }
0xe: {  	[smem:$0x3FB4] =	sst s6  }
0xf: {  	[smem:$0x3FB5] =	sst s7  }
0x10: {  	[smem:$0x3FB6] =	sst s8  }
0x11: {  	[smem:$0x3FB7] =	sst s9;
	s0 =	simm.s32 @!p0 $0x0  }
0x12: {  	s1 =	sld [smem:$0x3F9D];
	s0 =	simm.s32 @p0 $0x1  }
0x13: {  	[smem:$0x3FB8] =	sst s0;
	s0 =	simm.s32 @!p1 $0x0  }
0x14: {  	s2 =	sld [smem:$0x3F9C];
	s0 =	simm.s32 @p1 $0x1  }
0x15: {  	[smem:$0x3FB9] =	sst s0;
	s0 =	simm.s32 @!p2 $0x0  }
0x16: {  	s3 =	sld [smem:$0x3FDB];
	s0 =	simm.s32 @p2 $0x1  }
0x17: {  	s4 =	simm.s32 $0x1BF5;
	[smem:$0x3FBB] =	sst s0  }
0x18: {  	s0 =	sld [smem:$0x3F9E];
	_ =	swait.ge [sflag:s4], $0x0  }
0x19: {  	s7 =	sld [smem:$0x3F9F]  }
0x1a: {  	s8 =	sadd.s32 $0xFFFFE003, lr  }
0x1b: {  	s9 =	sadd.s32 $0xFFFFFEF7, lr;
	s5 =	simm.s32 $0xFFFFFFFF;
	p2 =	slt.u32 s8, $0xFFFFF086  }
0x1c: {  	p1 =	slt.u32 s9, $0xF7A;
	s5 =	simm.s32 @!p2 $0x0  }
0x1d: {  	s5 =	simm.s32 @p1 $0x1;
	p0 =	seq.s32 s7, s2  }
0x1e: {  	s7 =	smul.u32 @!p0 $0xF7A, s2;
	p2 =	seq.s32 @!p0 s5, $0x0  }
0x1f: {  	s9 =	smul.u32 $0xF7A, s1;
	s8 =	simm.s32 @!p0 $0x1BF5;
	p2 =	por !p2, p0  }
0x20: {  	[sflag:s8] =	ssyncset.s32 @!p0 $0xFFFFF086;
	s6 =	sadd.s32 @!p0 s3, s7;
	s7 =	simm.s32 @!p0 $0x108  }
0x21: {  	s3 =	sadd.s32 s3, s9;
	s6 =	sadd.s32 @!p0 $0x88, s6;
	s7 =	simm.s32 @p2 $0x1082  }
0x22: {  	[simem:s7], [sflag:s8] =	dma.local @!p0 [hbm:s6], $0xF7A  }
0x23: {  	s9 =	sor.u32 $0xD0000000, s2;
	s6 =	simm.s32 $0x108;
	_ =	swait.ge @!p0 [sflag:s8], $0x0  }
0x24: {  	s3 =	sadd.s32 $0x88, s3;
	s6 =	simm.s32 @!p1 $0x1082;
	[sflag:s4] =	ssyncset.s32 $0xFFFFF086  }
0x25: {  	[simem:s6], [sflag:s4] =	dma.local [hbm:s3], $0xF7A  }
0x26: {  	[smem:$0x3F9F] =	sst s1;
	(tag) =	ssettag s2;
	_ =	strace s9  }
0x27: {  	s1 =	sld [smem:$0x3FAF]  }
0x28: {  	s2 =	sld [smem:$0x3FB0]  }
0x29: {  	s4 =	sld [smem:$0x3FB2]  }
0x2a: {  	p0 =	seq.s32 s5, $0x0;
	s5 =	sld [smem:$0x3FB3]  }
0x2b: {  	s6 =	sld [smem:$0x3FB4]  }
0x2c: {  	s7 =	sld [smem:$0x3FB5]  }
0x2d: {  	s3 =	simm.s32 $0x108;
	s8 =	sld [smem:$0x3FB6]  }
0x2e: {  	s3 =	simm.s32 @!p0 $0x1082;
	s9 =	sld [smem:$0x3FB7]  }
0x2f: {  	lr =	sadd.s32 s0, s3;
	s0 =	sld [smem:$0x3FAE]  }
0x30: {  	s3 =	sld [smem:$0x3FB1]  }
0x31: {  	[smem:$0x3FBA] =	sst s10  }
0x32: {  	s10 =	sld [smem:$0x3FB8];
	_ =	sdelay $0x3  }
0x33: {  	p0 =	seq.s32 s10, $0x1;
	s10 =	sld [smem:$0x3FBA];
	_ =	sdelay $0x3  }
0x34: {  	[smem:$0x3FBA] =	sst s10  }
0x35: {  	s10 =	sld [smem:$0x3FB9];
	_ =	sdelay $0x3  }
0x36: {  	p1 =	seq.s32 s10, $0x1;
	s10 =	sld [smem:$0x3FBA];
	_ =	sdelay $0x3  }
0x37: {  	[smem:$0x3FBA] =	sst s10  }
0x38: {  	s10 =	sld [smem:$0x3FBB]  }
0x39: {  	_ = 	snop;
	(pc) =	sbr.ind lr, $3  }
0x3a: {  	_ = 	snop  }
0x3b: {  	_ = 	snop  }
0x3c: {  	p2 =	seq.s32 s10, $0x1;
	s10 =	sld [smem:$0x3FBA]  }
0x3d: {  	_ =	shalt  }
0x3e: {  	_ =	shalt  }
0x3f: {  	_ =	shalt  }
0x40: {  	_ =	shalt  }
0x41: {  	_ =	shalt  }
0x42: {  	_ =	shalt  }
0x43: {  	_ =	shalt  }
0x44: {  	_ =	shalt  }
0x45: {  	_ =	shalt  }
0x46: {  	_ =	shalt  }
0x47: {  	_ =	shalt  }
0x48: {  	_ =	shalt  }
0x49: {  	_ =	shalt  }
0x4a: {  	_ =	shalt  }
0x4b: {  	_ =	shalt  }
0x4c: {  	_ =	shalt  }
0x4d: {  	_ =	shalt  }
0x4e: {  	_ =	shalt  }
0x4f: {  	_ =	shalt  }
0x50: {  	_ =	shalt  }
0x51: {  	_ =	shalt  }
0x52: {  	_ =	shalt  }
0x53: {  	_ =	shalt  }
0x54: {  	_ =	shalt  }
0x55: {  	_ =	shalt  }
0x56: {  	_ =	shalt  }
0x57: {  	_ =	shalt  }
0x58: {  	_ =	shalt  }
0x59: {  	_ =	shalt  }
0x5a: {  	_ =	shalt  }
0x5b: {  	_ =	shalt  }
0x5c: {  	_ =	shalt  }
0x5d: {  	_ =	shalt  }
0x5e: {  	_ =	shalt  }
0x5f: {  	_ =	shalt  }
0x60: {  	_ =	shalt  }
0x61: {  	_ =	shalt  }
0x62: {  	_ =	shalt  }
0x63: {  	_ =	shalt  }
0x64: {  	_ =	shalt  }
0x65: {  	_ =	shalt  }
0x66: {  	_ =	shalt  }
0x67: {  	_ =	shalt  }
0x68: {  	_ =	shalt  }
0x69: {  	_ =	shalt  }
0x6a: {  	_ =	shalt  }
0x6b: {  	_ =	shalt  }
0x6c: {  	_ =	shalt  }
0x6d: {  	_ =	shalt  }
0x6e: {  	_ =	shalt  }
0x6f: {  	_ =	shalt  }
0x70: {  	_ =	shalt  }
0x71: {  	_ =	shalt  }
0x72: {  	_ =	shalt  }
0x73: {  	_ =	shalt  }
0x74: {  	_ =	shalt  }
0x75: {  	_ =	shalt  }
0x76: {  	_ =	shalt  }
0x77: {  	_ =	shalt  }
0x78: {  	_ =	shalt  }
0x79: {  	_ =	shalt  }
0x7a: {  	_ =	shalt  }
0x7b: {  	_ =	shalt  }
0x7c: {  	_ =	shalt  }
0x7d: {  	_ =	shalt  }
0x7e: {  	_ =	shalt  }
0x7f: {  	_ =	shalt  }
0x80: {  	_ =	shalt  }
0x81: {  	_ =	shalt  }
0x82: {  	_ =	shalt  }
0x83: {  	_ =	shalt  }
0x84: {  	_ =	shalt  }
0x85: {  	_ =	shalt  }
0x86: {  	_ =	shalt  }
0x87: {  	_ =	shalt  }
.Lfunc_end0:
.L_simem_size_0:
called_computation_lowered:
.L_overlay_start_0:
0x88: {  	s2 =	sld [smem:$0x3FD9]  }
0x89: {  	s3 =	sld [smem:$0x3FFE];
	_ =	sdelay $0x1  }
0x8a: {  	s1 =	srdreg.scid  }
0x8b: {  	s0 =	sand.u32 $0x1, s1  }
0x8c: {  	s17 =	sshll.u32 s0, $0xA;
	s2 =	sadd.s32 s3, s2  }
0x8d: {  	s2 =	sadd.s32 s2, s17  }
0x8e: {  	[smem:$0x3FC6] =	sst s2  }
0x8f: {  	_ = 	snop  }
0x90: {  	s2 =	sld [smem:$0x3FC9]  }
0x91: {  	s18 =	sld [smem:$0x3FD0];
	(tm) =	ssettm $0x1  }
0x92: {  	s4 =	sld [smem:$0x3FFB];
	_ =	sdelay $0x3  }
0x93: {  	_ =	strace s4  }
0x94: {  	s4 =	sld [smem:$0x3FFC];
	_ =	sdelay $0x3  }
0x95: {  	_ =	strace s4  }
0x96: {  	s4 =	sld [smem:$0x3FFD];
	_ =	sdelay $0x3  }
0x97: {  	_ =	strace s4  }
0x98: {  	_ =	strace $0x8FFFFFFF  }
0x99: {  	s19 =	sld [smem:$0x3FDB];
	_ =	sdelay $0x1  }
0x9a: {  	s5 =	simm.s32 $_scs_section_size  }
0x9b: {  	s6 =	simm.s32 $_size__tile_overlayer_lowered;
	s7 =	simm.s32 $_tile_overlayer_lowered  }
0x9c: {  	s22 =	simm.s32 $0x1BFF;
	s21 =	sshll.u32 s7, $0x1;
	s4 =	sadd.s32 s5, s19  }
0x9d: {  	s8 =	simm.s32 $0x0;
	s20 =	sshll.u32 s6, $0x1;
	s6 =	sadd.s32 s21, s4  }
0x9e: {  	[timem:s8], [sflag:s22] =	dma.local [hbm:s6], s20  }
0x9f: {  	_ =	swait.ge [sflag:s22], s20  }
0xa0: {  	s5 =	ssub.s32 $0x0, s20;
	[sflag:s22] =	ssyncset.done $0x0  }
0xa1: {  	[sflag:s22] =	ssyncadd.s32 s5;
	_ =	sdelay $0x1  }
0xa2: {  	s23 =	simm.s32 $0x1B8B  }
0xa3: {  	_ =	swait.ge [sflag:s23], $0x1  }
0xa4: {  	[sflag:s23] =	ssyncset.done $0x0  }
0xa5: {  	s25 =	simm.s32 $0x1B8E;
	s24 =	sld [smem:$0x3FFE];
	[sflag:s23] =	ssyncadd.s32 $0xFFFFFFFF  }
0xa6: {  	s26 =	simm.s32 $execute0_lowered;
	[smem:$0x3FD2] =	sst s25  }
0xa7: {  	s6 =	sshll.u32 s26, $0x1;
	_ =	strace $0x80000046;
	[dreg:$0x1] =	wrdreg $0xFFFFFFFF  }
0xa8: {  	s28 =	simm.s32 $_size_execute0_lowered;
	s4 =	sadd.s32 s4, s6;
	[dreg:$0x0] =	wrdreg $0x0  }
0xa9: {  	s6 =	sshll.u32 s28, $0x1;
	[dreg:$0x2] =	wrdreg s4  }
0xaa: {  	[dreg:$0x3] =	wrdreg s6  }
0xab: {  	[dreg:$0x4] =	wrdreg $0xC0  }
0xac: {  	_ =	task [dreg:s8], $0x5FFFF  }
0xad: {  	[dreg:$0x1] =	wrdreg $0xFFFFFFFF  }
0xae: {  	[dreg:$0x0] =	wrdreg $0x60  }
0xaf: {  	[dreg:$0x2] =	wrdreg s2  }
0xb0: {  	[dreg:$0x3] =	wrdreg s24  }
0xb1: {  	[dreg:$0x4] =	wrdreg s18  }
0xb2: {  	[dreg:$0x5] =	wrdreg $0x9  }
0xb3: {  	_ =	task.clear_ibuf [dreg:s8], $0x6FFFF;
	_ =	strace $0x90000046  }
0xb4: {  	s29 =	simm.s32 $0x9;
	_ =	strace $0x80000048  }
0xb5: {  	_ =	swait.ge [sflag:s29], $0x1  }
0xb6: {  	[sflag:s29] =	ssyncadd.s32 $0xFFFFFFFF  }
0xb7: {  	_ =	strace $0x90000048  }
0xb8: {  	_ =	sfence  }
0xb9: {  	s30 =	sld [smem:$0x0];
	_ =	sdelay $0x2  }
0xba: {  	s31 =	sshll.u32 s1, $0xD;
	s1 =	sshrl.u32 s1, $0x2  }
0xbb: {  	s3 =	sand.u32 $0x4000, s31;
	s1 =	sadd.s32 s1, s30  }
0xbc: {  	s0 =	sor.u32 s3, s0;
	s1 =	sshll.u32 s1, $0x11  }
0xbd: {  	s0 =	sor.u32 s1, s0  }
0xbe: {  	s0 =	sadd.s32 $0x8F2B, s0  }
0xbf: {  	[sflag:s0] =	ssyncadd.remote.s32 $0x1  }
0xc0: {  	_ =	sfence.sel $0xFFFF  }
0xc1: {  	[dreg:$0x0] =	wrdreg $0xFFFFFFFF;
	(pc) =	sbr.abs _section_cstart, $3  }
0xc2: {  	[dreg:$0x1] =	wrdreg $0xFFFFFFFF  }
0xc3: {  	_ =	task.clear_ibuf [dreg:s8], $0x2FFFF;
	_ =	strace $0x9FFFFFFF  }
0xc4: {  	(tm) =	ssettm $0x7FFFFFFF  }
0xc5: {  	_ =	shalt  }
tec
execute0_lowered:
.L_overlay_start_1:
0x0: {  	(tag) =	ssettag $0x1  }
0x1: {  	s0 =	srdreg.scid;
	s31 =	rddreg [dreg:$0x2];
	s3 =	simm.s32 $0x0  }
0x2: {  	s1 =	stileid.u32;
	s4 =	sand.u32 $0x1, s0;
	[smem:$0x7FF] =	sst s3  }
0x3: {  	[smem:$0x7DC] =	sst s4;
	s0 =	sor.u32 s4, s1  }
0x4: {  	p1 =	seq.s32 s4, $0x1;
	s2 =	sshll.u32 s4, $0x6;
	s7 =	ssub.s32 $0x2, s4  }
0x5: {  	p0 =	seq.s32 s0, $0x0;
	s0 =	simm.s32 $0x1;
	s9 =	sor.u32 $0x80, s2  }
0x6: {  	s8 =	sshrl.u32 s7, $0x1;
	s15 =	sor.u32 $0x100, s2;
	[smem:$0x7DD] =	sst s9  }
0x7: {  	s16 =	sor.u32 $0x180, s2;
	p0 =	por !p0, !p1;
	[smem:$0x7E0] =	sst s15  }
0x8: {  	s21 =	sor.u32 $0x200, s2;
	[smem:$0x7E1] =	sst s16;
	p0 =	por !p0, !p0  }
0x9: {  	s4 =	sor.u32 $0x300, s2;
	[dreg:$0x1f] =	wrdreg s21;
	s0 =	simm.s32 @!p0 $0x0  }
0xa: {  	s11 =	ssub.s32 s7, s8;
	[dreg:$0x1a] =	wrdreg s4;
	s29 =	ssub.s32 s1, s0  }
0xb: {  	[smem:$0x7E8] =	sst s11;
	s0 =	sor.u32 $0x280, s2;
	s18 =	sshll.u32 s29, $0xB  }
0xc: {  	s6 =	sadd.s32 $0x800, s31;
	[dreg:$0x1b] =	wrdreg s0;
	s10 =	sor.u32 s2, s18  }
0xd: {  	s1 =	sor.u32 s9, s18;
	s17 =	sor.u32 s15, s18;
	s19 =	sor.u32 s16, s18  }
0xe: {  	s5 =	sor.u32 s0, s18;
	s8 =	sor.u32 s4, s18;
	[dreg:$0x4] =	wrdreg s18  }
0xf: {  	s20 =	sshll.u32 s10, $0x6;
	s22 =	sshll.u32 s1, $0x6;
	s23 =	sshll.u32 s19, $0x6  }
0x10: {  	s10 =	sor.u32 s21, s18;
	s21 =	sor.u32 $0x400, s2;
	[smem:$0x7E2] =	sst s23  }
0x11: {  	s7 =	sshll.u32 s17, $0x6;
	s1 =	sshll.u32 s10, $0x6;
	[dreg:$0x5] =	wrdreg s21  }
0x12: {  	s9 =	sand.u32 $0x1FFE1000, s20;
	s10 =	sshll.u32 s8, $0x6;
	[smem:$0x7E3] =	sst s1  }
0x13: {  	s13 =	sand.u32 $0x1FFE3000, s22;
	s12 =	sadd.s32 s9, s6;
	[smem:$0x7E4] =	sst s10  }
0x14: {  	s11 =	sand.u32 $0x1FFE5000, s7;
	s14 =	sadd.s32 s13, s6;
	[smem:$0x7DE] =	sst s12  }
0x15: {  	s30 =	sshll.u32 s5, $0x6;
	s24 =	sadd.s32 s11, s6;
	[smem:$0x7DF] =	sst s14  }
0x16: {  	s26 =	sand.u32 $0x1FFE9000, s1;
	s9 =	sor.u32 $0x380, s2;
	[dreg:$0x1e] =	wrdreg s24  }
0x17: {  	s12 =	sand.u32 $0x1FFE7000, s23;
	s28 =	sadd.s32 s26, s6;
	[dreg:$0x18] =	wrdreg s9  }
0x18: {  	s13 =	sor.u32 s9, s18;
	s14 =	sand.u32 $0x1FFED000, s10;
	s23 =	sor.u32 s21, s18  }
0x19: {  	s9 =	sor.u32 $0x500, s2;
	s25 =	sadd.s32 s12, s6;
	[dreg:$0x1c] =	wrdreg s28  }
0x1a: {  	s11 =	sshll.u32 s13, $0x6;
	s12 =	sand.u32 $0x1FFEB000, s30;
	s16 =	sadd.s32 s14, s6  }
0x1b: {  	s8 =	sshll.u32 s23, $0x6;
	[dreg:$0x1d] =	wrdreg s25;
	s15 =	sadd.s32 s12, s6  }
0x1c: {  	[dreg:$0xc] =	wrdreg s16;
	s17 =	sand.u32 $0x1FFEF000, s11;
	s12 =	sor.u32 $0x480, s2  }
0x1d: {  	s25 =	sor.u32 s9, s18;
	s26 =	sand.u32 $0x1FFF1000, s8;
	s16 =	sor.u32 $0x600, s2  }
0x1e: {  	[dreg:$0x12] =	wrdreg s15;
	s19 =	sadd.s32 s17, s6;
	s24 =	sor.u32 s12, s18  }
0x1f: {  	s21 =	sshll.u32 s25, $0x6;
	s28 =	sadd.s32 s26, s6;
	[dreg:$0xb] =	wrdreg s19  }
0x20: {  	s10 =	sor.u32 s16, s18;
	s17 =	sshll.u32 s24, $0x6;
	[dreg:$0x8] =	wrdreg s28  }
0x21: {  	s4 =	sand.u32 $0x1FFF5000, s21;
	s0 =	sshll.u32 s10, $0x6;
	s14 =	sand.u32 $0x1FFF3000, s17  }
0x22: {  	s13 =	sadd.s32 s4, s6;
	s4 =	sor.u32 $0x580, s2;
	s1 =	sadd.s32 s14, s6  }
0x23: {  	[dreg:$0xa] =	wrdreg s13;
	s5 =	sor.u32 s4, s18;
	s14 =	sand.u32 $0x1FFF9000, s0  }
0x24: {  	[dreg:$0x9] =	wrdreg s1;
	s1 =	sor.u32 $0x680, s2;
	s23 =	sshll.u32 s5, $0x6  }
0x25: {  	s24 =	sadd.s32 s14, s6;
	s5 =	sor.u32 $0x700, s2;
	s14 =	rddreg [dreg:$0x1]  }
0x26: {  	s15 =	sor.u32 s1, s18;
	s19 =	sand.u32 $0x1FFF7000, s23;
	[dreg:$0xf] =	wrdreg s24  }
0x27: {  	s28 =	sor.u32 s5, s18;
	s25 =	sshll.u32 s15, $0x6;
	s13 =	sadd.s32 s19, s6  }
0x28: {  	s15 =	sor.u32 $0x780, s2;
	[dreg:$0xe] =	wrdreg s13;
	s26 =	sand.u32 $0x1FFFB000, s25  }
0x29: {  	s18 =	sor.u32 s15, s18;
	s13 =	sadd.s32 s26, s6;
	s26 =	sshll.u32 s28, $0x6  }
0x2a: {  	s28 =	sshll.u32 s18, $0x6;
	[dreg:$0x10] =	wrdreg s13;
	s10 =	sand.u32 $0x1FFFD000, s26  }
0x2b: {  	s13 =	rddreg [dreg:$0x0];
	s19 =	sand.u32 $0x1FFFF000, s28;
	s18 =	sadd.s32 s10, s6  }
0x2c: {  	s6 =	sadd.s32 s19, s6;
	[dreg:$0x13] =	wrdreg s18  }
0x2d: {  	s24 =	sadd.s32 $0x400, s14;
	[dreg:$0x14] =	wrdreg s6  }
0x2e: {  	s10 =	sadd.s32 $0x600, s14;
	_ =	strace $0x80000047;
	[dreg:$0x15] =	wrdreg s24  }
0x2f: {  	s14 =	sadd.s32 s31, s20;
	[dreg:$0x16] =	wrdreg s10  }
0x30: {  	s25 =	sadd.s32 s31, s25;
	[dreg:$0x17] =	wrdreg s14  }
0x31: {  	s7 =	sadd.s32 s31, s7;
	[smem:$0x7E5] =	sst s25  }
0x32: {  	[dreg:$0x19] =	wrdreg s7  }
0x33: {  	s18 =	sld [smem:$0x7E2]  }
0x34: {  	s24 =	sadd.s32 s31, s22;
	s22 =	sadd.s32 s31, s30;
	s19 =	sld [smem:$0x7E3]  }
0x35: {  	s30 =	sadd.s32 s31, s0;
	s0 =	smov.u32 s9;
	s20 =	sld [smem:$0x7E4]  }
0x36: {  	s14 =	smov.u32 s2;
	[dreg:$0x7] =	wrdreg s0  }
0x37: {  	[dreg:$0x11] =	wrdreg s14  }
0x38: {  	[smem:$0x7FD] =	sst s30  }
0x39: {  	s10 =	sadd.s32 s31, s18;
	s6 =	sadd.s32 s31, s19;
	s2 =	sadd.s32 s31, s20  }
0x3a: {  	s20 =	sadd.s32 s31, s11;
	s19 =	sadd.s32 s31, s8;
	s18 =	sadd.s32 s31, s17  }
0x3b: {  	s17 =	sadd.s32 s31, s21;
	s21 =	sadd.s32 s31, s23;
	s8 =	sadd.s32 s31, s26  }
0x3c: {  	s11 =	sadd.s32 s31, s28;
	s31 =	smov.u32 s12;
	s12 =	sld [smem:$0x7E8]  }
0x3d: {  	[smem:$0x7E6] =	sst s8  }
0x3e: {  	s23 =	sadd.s32 $0x140, s14;
	[smem:$0x7E7] =	sst s11  }
0x3f: {  	s28 =	sadd.s32 $0x1C0, s14;
	[smem:$0x7EC] =	sst s23  }
0x40: {  	[smem:$0x7ED] =	sst s28  }
0x41: {  	s26 =	smov.u32 s1;
	[dreg:$0x6] =	wrdreg s31  }
0x42: {  	[dreg:$0xd] =	wrdreg s26  }
0x43: {  	s25 =	smov.u32 s17;
	[smem:$0x7FA] =	sst s18  }
0x44: {  	s9 =	smov.u32 s6;
	s17 =	sadd.s32 $0x40, s14;
	[smem:$0x7FC] =	sst s21  }
0x45: {  	s6 =	smov.u32 s22;
	s22 =	sadd.s32 $0xC0, s14;
	[smem:$0x7EA] =	sst s17  }
0x46: {  	s11 =	sadd.s32 $0x240, s14;
	[smem:$0x7EB] =	sst s22  }
0x47: {  	s23 =	sadd.s32 $0x340, s14;
	[smem:$0x7EE] =	sst s11  }
0x48: {  	s28 =	sadd.s32 $0x3C0, s14;
	[smem:$0x7F0] =	sst s23  }
0x49: {  	[smem:$0x7F1] =	sst s28  }
0x4a: {  	s22 =	sadd.s32 $0x2C0, s14;
	[smem:$0x7FB] =	sst s25  }
0x4b: {  	s11 =	sadd.s32 $0x440, s14;
	[smem:$0x7EF] =	sst s22  }
0x4c: {  	s23 =	sadd.s32 $0x540, s14;
	[smem:$0x7F2] =	sst s11  }
0x4d: {  	s28 =	sadd.s32 $0x5C0, s14;
	[smem:$0x7F4] =	sst s23  }
0x4e: {  	s1 =	smov.u32 s2;
	s2 =	smax.u32 s12, $0x1;
	[smem:$0x7F5] =	sst s28  }
0x4f: {  	v0 =	vlaneseq.u32;
	s22 =	sadd.s32 $0x4C0, s14;
	[smem:$0x7E9] =	sst s2  }
.Ltmp0:
0x50: {  	vm3 =	vmmov $0xffff;
	v7 =	vimm.f32 $0.0e+00;
	v5 =	vshrl.u32 v0, $0x3;
	s11 =	sadd.s32 $0x640, s14;
	[smem:$0x7F3] =	sst s22;
	(pc) =	sbr.rel .LBB2_1-.Ltmp0, $4  }
0x51: {  	v4 =	vand.u32 $0x7, v0;
	v6 =	vor.u32 $0x8, v0;
	v1 =	vmov s29;
	s8 =	sadd.s32 $0x1, s29;
	s23 =	sadd.s32 $0x740, s14;
	[smem:$0x7F6] =	sst s11  }
0x52: {  	v5 =	vmul.u32 $0x8, v5;
	vm2 =	veq.s32 v1, v0;
	v2 =	vmov s8;
	s12 =	sadd.s32 $0xFFFFFFF1, s29;
	s28 =	sadd.s32 $0x7C0, s14;
	[smem:$0x7F8] =	sst s23  }
0x53: {  	v1 =	vor.u32 $0x10, v0;
	vm1 =	veq.s32 v2, v0;
	s22 =	sadd.s32 $0x6C0, s14;
	[smem:$0x7F9] =	sst s28;
	v3 =	vmov s12  }
0x54: {  	s17 =	sadd.s32 $0x100, s13;
	v2 =	vor.u32 $0x20, v0;
	[smem:$0x7F7] =	sst s22;
	vm0 =	veq.s32 v3, v0;
	v3 =	vor.u32 $0x30, v0;
	s22 =	simm.s32 $0x0  }
.LBB2_36:
0x55: {  	_ = 	snop  }
.LBB2_39:
0x56: {  	s8 =	sor.u32 s26, s25;
	[tilespmem:s21+$0xCE0] =	vst @p2 v7  }
0x57: {  	[tilespmem:s8+$0xCF0] =	vst v7  }
0x58: {  	[tilespmem:s8+$0x80] =	vst v7  }
0x59: {  	[tilespmem:s8+$0x90] =	vst v7  }
0x5a: {  	[tilespmem:s8+$0xA0] =	vst v7  }
0x5b: {  	[tilespmem:s8+$0xB0] =	vst v7  }
0x5c: {  	[tilespmem:s8+$0xC0] =	vst v7  }
0x5d: {  	[tilespmem:s8+$0xD0] =	vst v7  }
0x5e: {  	[tilespmem:s8+$0xE0] =	vst v7  }
0x5f: {  	[tilespmem:s8+$0xF0] =	vst v7  }
0x60: {  	[tilespmem:s8+$0x480] =	vst v7  }
0x61: {  	[tilespmem:s8+$0x490] =	vst v7  }
0x62: {  	[tilespmem:s8+$0x4A0] =	vst v7  }
0x63: {  	[tilespmem:s8+$0x4B0] =	vst v7  }
0x64: {  	[tilespmem:s8+$0x4C0] =	vst v7  }
0x65: {  	[tilespmem:s8+$0x4D0] =	vst v7  }
0x66: {  	[tilespmem:s8+$0x4E0] =	vst v7  }
0x67: {  	[tilespmem:s8+$0x4F0] =	vst v7  }
0x68: {  	[tilespmem:s8+$0x880] =	vst v7  }
0x69: {  	[tilespmem:s8+$0x890] =	vst v7  }
0x6a: {  	[tilespmem:s8+$0x8A0] =	vst v7  }
0x6b: {  	[tilespmem:s8+$0x8B0] =	vst v7  }
0x6c: {  	[tilespmem:s8+$0x8C0] =	vst v7  }
0x6d: {  	[tilespmem:s8+$0x8D0] =	vst v7  }
0x6e: {  	[tilespmem:s8+$0x8E0] =	vst v7  }
0x6f: {  	[tilespmem:s8+$0x8F0] =	vst v7  }
0x70: {  	[tilespmem:s8+$0xC80] =	vst v7  }
0x71: {  	[tilespmem:s8+$0xC90] =	vst v7  }
0x72: {  	s14 =	rddreg [dreg:$0x11];
	[tilespmem:s8+$0xCA0] =	vst v7  }
0x73: {  	s31 =	rddreg [dreg:$0x6];
	[tilespmem:s8+$0xCB0] =	vst v7  }
0x74: {  	s0 =	rddreg [dreg:$0x7];
	[tilespmem:s8+$0xCC0] =	vst v7  }
0x75: {  	s26 =	rddreg [dreg:$0xd];
	[tilespmem:s8+$0xCD0] =	vst v7  }
0x76: {  	s7 =	rddreg [dreg:$0x19];
	[tilespmem:s8+$0xCE0] =	vst v7  }
.LBB2_40:
0x77: {  	p3 =	slt.u32 s30, $0x39;
	s4 =	rddreg [dreg:$0x4]  }
0x78: {  	s8 =	sadd.s32 @!p3 s4, s28  }
0x79: {  	s2 =	rddreg [dreg:$0x2];
	s8 =	sshll.u32 @!p3 s8, $0x6  }
0x7a: {  	s12 =	simm.s32 @!p3 $0x0;
	s21 =	simm.s32 @!p3 $0x80;
	s8 =	sadd.s32 @!p3 s2, s8  }
0x7b: {  	[hbm4b:s8+s12] =	stream.linear.scatter @!p3 [tilespmem:s21], [sflag:$0x2], $0x8000, $0x38;
	[tilespmem:$0x1C200] =	vst v63  }
0x7c: {  	s21 =	sshrl.u32 s29, $0x5  }
0x7d: {  	s8 =	sand.u32 $0x1, s21  }
0x7e: {  	s12 =	simm.s32 @!p3 $0x2;
	s21 =	sand.u32 $0x40, s29;
	p2 =	seq.s32 s8, $0x0  }
0x7f: {  	_ =	swait.ge @!p3 [sflag:s12], $0x8000;
	s24 =	sor.u32 @!p2 s4, s21  }
0x80: {  	[sflag:s12] =	ssyncset.done @!p3 $0x0;
	s24 =	sadd.s32 @!p2 s28, s24  }
0x81: {  	[sflag:s12] =	ssyncadd.s32 @!p3 $0xFFFF8000;
	s12 =	sshll.u32 @!p2 s21, $0x9;
	s24 =	sshll.u32 @!p2 s24, $0x6  }
0x82: {  	s25 =	simm.s32 @!p2 $0x0;
	s12 =	sor.u32 @!p2 $0x80, s12;
	s24 =	sadd.s32 @!p2 s2, s24  }
0x83: {  	[hbm4b:s24+s25] =	stream.linear.scatter @!p2 [tilespmem:s12], [sflag:$0x2], $0x4000, $0x38;
	[tilespmem:$0x1C200] =	vst v63  }
0x84: {  	s24 =	sshrl.u32 s29, $0x4  }
0x85: {  	s12 =	sand.u32 $0x1, s24  }
0x86: {  	s8 =	sshll.u32 s8, $0x5;
	s24 =	simm.s32 @!p2 $0x2;
	p3 =	seq.s32 s12, $0x0  }
0x87: {  	s8 =	sor.u32 s21, s8;
	_ =	swait.ge @!p2 [sflag:s24], $0x4000;
	s21 =	sadd.s32 @!p3 s4, s28  }
0x88: {  	[sflag:s24] =	ssyncset.done @!p2 $0x0;
	s21 =	sadd.s32 @!p3 s8, s21  }
0x89: {  	[sflag:s24] =	ssyncadd.s32 @!p2 $0xFFFFC000;
	s24 =	sshll.u32 @!p3 s8, $0x9;
	s21 =	sshll.u32 @!p3 s21, $0x6  }
0x8a: {  	s25 =	simm.s32 @!p3 $0x0;
	s24 =	sor.u32 @!p3 $0x80, s24;
	s21 =	sadd.s32 @!p3 s2, s21  }
0x8b: {  	[hbm4b:s21+s25] =	stream.linear.scatter @!p3 [tilespmem:s24], [sflag:$0x2], $0x2000, $0x38;
	[tilespmem:$0x1C200] =	vst v63  }
0x8c: {  	s25 =	sand.u32 $0x8, s29  }
0x8d: {  	p2 =	seq.s32 s25, $0x0  }
0x8e: {  	s21 =	simm.s32 @!p3 $0x2;
	s12 =	sshll.u32 @!p2 s12, $0x4  }
0x8f: {  	_ =	swait.ge @!p3 [sflag:s21], $0x2000;
	s8 =	sor.u32 @!p2 s12, s8;
	s12 =	sadd.s32 @!p2 s4, s28  }
0x90: {  	[sflag:s21] =	ssyncset.done @!p3 $0x0;
	s12 =	sadd.s32 @!p2 s8, s12  }
0x91: {  	[sflag:s21] =	ssyncadd.s32 @!p3 $0xFFFFE000;
	s8 =	sshll.u32 @!p2 s8, $0x9;
	s12 =	sshll.u32 @!p2 s12, $0x6  }
0x92: {  	s21 =	simm.s32 @!p2 $0x0;
	s8 =	sor.u32 @!p2 $0x80, s8;
	s12 =	sadd.s32 @!p2 s2, s12  }
0x93: {  	[hbm4b:s12+s21] =	stream.linear.scatter @!p2 [tilespmem:s8], [sflag:$0x2], $0x1000, $0x38;
	[tilespmem:$0x1C200] =	vst v63  }
0x94: {  	s8 =	ssub.s32 $0x40, s23  }
0x95: {  	s29 =	sshrl.u32 s8, $0x5  }
0x96: {  	s12 =	sand.u32 $0x1, s29  }
0x97: {  	s21 =	simm.s32 @!p2 $0x2;
	p3 =	seq.s32 s12, $0x0  }
0x98: {  	_ =	swait.ge @!p2 [sflag:s21], $0x1000;
	s24 =	sadd.s32 @!p3 s4, s28  }
0x99: {  	[sflag:s21] =	ssyncset.done @!p2 $0x0;
	s24 =	sadd.s32 @!p3 s23, s24  }
0x9a: {  	s30 =	sshrl.u32 s8, $0x4;
	[sflag:s21] =	ssyncadd.s32 @!p2 $0xFFFFF000;
	s21 =	sshll.u32 @!p3 s24, $0x6  }
0x9b: {  	s25 =	simm.s32 @!p3 $0x18080;
	s24 =	simm.s32 @!p3 $0x0;
	s21 =	sadd.s32 @!p3 s2, s21  }
0x9c: {  	[hbm4b:s21+s24] =	stream.linear.scatter @!p3 [tilespmem:s25], [sflag:$0x3], $0x4000, $0x38;
	[tilespmem:$0x1C200] =	vst v63  }
0x9d: {  	s8 =	sand.u32 $0x8, s8;
	s21 =	sand.u32 $0x1, s30;
	s24 =	simm.s32 @!p3 $0x3  }
0x9e: {  	s12 =	sshll.u32 s12, $0x5;
	p2 =	seq.s32 s21, $0x0;
	_ =	swait.ge @!p3 [sflag:s24], $0x4000  }
0x9f: {  	s12 =	sadd.s32 s23, s12;
	s23 =	sadd.s32 @!p2 s4, s28;
	[sflag:s24] =	ssyncset.done @!p3 $0x0  }
0xa0: {  	s25 =	simm.s32 @!p2 $0x18080;
	s23 =	sadd.s32 @!p2 s12, s23;
	[sflag:s24] =	ssyncadd.s32 @!p3 $0xFFFFC000  }
0xa1: {  	s24 =	simm.s32 @!p2 $0x0;
	p3 =	seq.s32 s8, $0x0;
	s23 =	sshll.u32 @!p2 s23, $0x6  }
0xa2: {  	s8 =	simm.s32 @!p2 $0x3;
	s21 =	sshll.u32 @!p3 s21, $0x4;
	s23 =	sadd.s32 @!p2 s2, s23  }
0xa3: {  	[hbm4b:s23+s24] =	stream.linear.scatter @!p2 [tilespmem:s25], [sflag:$0x3], $0x2000, $0x38;
	[tilespmem:$0x1C200] =	vst v63  }
0xa4: {  	s23 =	sadd.s32 @!p3 s4, s28;
	s4 =	smov.u32 s16;
	s16 =	smov.u32 s5  }
0xa5: {  	s5 =	smov.u32 s15;
	_ =	swait.ge @!p2 [sflag:s8], $0x2000;
	s21 =	sor.u32 @!p3 s21, s23  }
0xa6: {  	s24 =	smov.u32 s10;
	[sflag:s8] =	ssyncset.done @!p2 $0x0;
	s12 =	sadd.s32 @!p3 s12, s21  }
0xa7: {  	s10 =	smov.u32 s9;
	[sflag:s8] =	ssyncadd.s32 @!p2 $0xFFFFE000;
	s8 =	sshll.u32 @!p3 s12, $0x6  }
0xa8: {  	s21 =	simm.s32 @!p3 $0x18080;
	s12 =	simm.s32 @!p3 $0x0;
	s8 =	sadd.s32 @!p3 s2, s8  }
0xa9: {  	[hbm4b:s8+s12] =	stream.linear.scatter @!p3 [tilespmem:s21], [sflag:$0x3], $0x1000, $0x38;
	[tilespmem:$0x1C200] =	vst v63  }
0xaa: {  	s9 =	smov.u32 s6;
	s6 =	smov.u32 s1;
	s8 =	simm.s32 @!p3 $0x3  }
0xab: {  	s1 =	smov.u32 s20;
	s20 =	smov.u32 s19;
	_ =	swait.ge @!p3 [sflag:s8], $0x1000  }
0xac: {  	s19 =	smov.u32 s18;
	[sflag:s8] =	ssyncset.done @!p3 $0x0;
	s18 =	sld [smem:$0x7FA]  }
0xad: {  	s15 =	smov.u32 s11;
	s25 =	sld [smem:$0x7FB];
	[sflag:s8] =	ssyncadd.s32 @!p3 $0xFFFFF000  }
.LBB2_41:
0xae: {  	s8 =	simm.s32 @!p1 $0x3  }
0xaf: {  	_ =	swait.ge @!p1 [sflag:s8], $0x4000  }
0xb0: {  	[sflag:s8] =	ssyncset.done @!p1 $0x0  }
0xb1: {  	[sflag:s8] =	ssyncadd.s32 @!p1 $0xFFFFC000  }
0xb2: {  	_ =	swait.ge @!p1 [sflag:s8], $0x4000  }
0xb3: {  	[sflag:s8] =	ssyncset.done @!p1 $0x0  }
0xb4: {  	[sflag:s8] =	ssyncadd.s32 @!p1 $0xFFFFC000;
	s8 =	simm.s32 @!p0 $0x3  }
0xb5: {  	_ =	swait.ge @!p0 [sflag:s8], $0x4000  }
0xb6: {  	[sflag:s8] =	ssyncset.done @!p0 $0x0  }
0xb7: {  	[sflag:s8] =	ssyncadd.s32 @!p0 $0xFFFFC000  }
0xb8: {  	_ =	swait.ge @!p0 [sflag:s8], $0x4000  }
0xb9: {  	[sflag:s8] =	ssyncset.done @!p0 $0x0  }
0xba: {  	[sflag:s8] =	ssyncadd.s32 @!p0 $0xFFFFC000;
	s8 =	simm.s32 @!p6 $0x3  }
0xbb: {  	_ =	swait.ge @!p6 [sflag:s8], $0x4000  }
0xbc: {  	[sflag:s8] =	ssyncset.done @!p6 $0x0  }
0xbd: {  	[sflag:s8] =	ssyncadd.s32 @!p6 $0xFFFFC000  }
0xbe: {  	_ =	swait.ge @!p6 [sflag:s8], $0x4000  }
0xbf: {  	s2 =	sld [smem:$0x7CE];
	_ =	sdelay $0x2  }
0xc0: {  	[sflag:s8] =	ssyncset.done @!p6 $0x0;
	p0 =	seq.s32 s2, $0x1  }
0xc1: {  	[sflag:s8] =	ssyncadd.s32 @!p6 $0xFFFFC000;
	s8 =	simm.s32 @!p0 $0x3  }
0xc2: {  	_ =	swait.ge @!p0 [sflag:s8], $0x4000  }
0xc3: {  	[sflag:s8] =	ssyncset.done @!p0 $0x0  }
0xc4: {  	[sflag:s8] =	ssyncadd.s32 @!p0 $0xFFFFC000  }
0xc5: {  	_ =	swait.ge @!p0 [sflag:s8], $0x4000  }
0xc6: {  	s11 =	sld [smem:$0x7CF];
	_ =	sdelay $0x1  }
0xc7: {  	[sflag:s8] =	ssyncset.done @!p0 $0x0  }
0xc8: {  	[sflag:s8] =	ssyncadd.s32 @!p0 $0xFFFFC000;
	p0 =	seq.s32 s11, $0x1  }
0xc9: {  	s8 =	simm.s32 @!p0 $0x3  }
0xca: {  	_ =	swait.ge @!p0 [sflag:s8], $0x4000  }
0xcb: {  	[sflag:s8] =	ssyncset.done @!p0 $0x0  }
0xcc: {  	[sflag:s8] =	ssyncadd.s32 @!p0 $0xFFFFC000  }
0xcd: {  	_ =	swait.ge @!p0 [sflag:s8], $0x4000  }
0xce: {  	s12 =	sld [smem:$0x7D0];
	_ =	sdelay $0x1  }
0xcf: {  	[sflag:s8] =	ssyncset.done @!p0 $0x0  }
0xd0: {  	[sflag:s8] =	ssyncadd.s32 @!p0 $0xFFFFC000;
	p0 =	seq.s32 s12, $0x1  }
0xd1: {  	s8 =	simm.s32 @!p0 $0x3  }
0xd2: {  	_ =	swait.ge @!p0 [sflag:s8], $0x4000  }
0xd3: {  	[sflag:s8] =	ssyncset.done @!p0 $0x0  }
0xd4: {  	[sflag:s8] =	ssyncadd.s32 @!p0 $0xFFFFC000  }
0xd5: {  	_ =	swait.ge @!p0 [sflag:s8], $0x4000  }
0xd6: {  	s21 =	sld [smem:$0x7D1];
	_ =	sdelay $0x1  }
0xd7: {  	[sflag:s8] =	ssyncset.done @!p0 $0x0  }
0xd8: {  	[sflag:s8] =	ssyncadd.s32 @!p0 $0xFFFFC000;
	p0 =	seq.s32 s21, $0x1  }
0xd9: {  	s8 =	simm.s32 @!p0 $0x3  }
0xda: {  	_ =	swait.ge @!p0 [sflag:s8], $0x4000  }
0xdb: {  	[sflag:s8] =	ssyncset.done @!p0 $0x0  }
0xdc: {  	[sflag:s8] =	ssyncadd.s32 @!p0 $0xFFFFC000  }
0xdd: {  	_ =	swait.ge @!p0 [sflag:s8], $0x4000  }
0xde: {  	s23 =	sld [smem:$0x7D2];
	_ =	sdelay $0x1  }
0xdf: {  	[sflag:s8] =	ssyncset.done @!p0 $0x0  }
0xe0: {  	[sflag:s8] =	ssyncadd.s32 @!p0 $0xFFFFC000;
	p0 =	seq.s32 s23, $0x1  }
0xe1: {  	s8 =	simm.s32 @!p0 $0x3  }
0xe2: {  	_ =	swait.ge @!p0 [sflag:s8], $0x4000  }
0xe3: {  	[sflag:s8] =	ssyncset.done @!p0 $0x0  }
0xe4: {  	[sflag:s8] =	ssyncadd.s32 @!p0 $0xFFFFC000  }
0xe5: {  	_ =	swait.ge @!p0 [sflag:s8], $0x4000  }
0xe6: {  	s28 =	sld [smem:$0x7D3];
	_ =	sdelay $0x1  }
0xe7: {  	[sflag:s8] =	ssyncset.done @!p0 $0x0  }
0xe8: {  	[sflag:s8] =	ssyncadd.s32 @!p0 $0xFFFFC000;
	p0 =	seq.s32 s28, $0x1  }
0xe9: {  	s8 =	simm.s32 @!p0 $0x3  }
0xea: {  	_ =	swait.ge @!p0 [sflag:s8], $0x4000  }
0xeb: {  	[sflag:s8] =	ssyncset.done @!p0 $0x0  }
0xec: {  	[sflag:s8] =	ssyncadd.s32 @!p0 $0xFFFFC000  }
0xed: {  	_ =	swait.ge @!p0 [sflag:s8], $0x4000  }
0xee: {  	s29 =	sld [smem:$0x7D4];
	_ =	sdelay $0x1  }
0xef: {  	[sflag:s8] =	ssyncset.done @!p0 $0x0  }
0xf0: {  	[sflag:s8] =	ssyncadd.s32 @!p0 $0xFFFFC000;
	p0 =	seq.s32 s29, $0x1  }
0xf1: {  	s8 =	simm.s32 @!p0 $0x3  }
0xf2: {  	_ =	swait.ge @!p0 [sflag:s8], $0x4000  }
0xf3: {  	[sflag:s8] =	ssyncset.done @!p0 $0x0  }
0xf4: {  	[sflag:s8] =	ssyncadd.s32 @!p0 $0xFFFFC000  }
0xf5: {  	_ =	swait.ge @!p0 [sflag:s8], $0x4000  }
0xf6: {  	[sflag:s8] =	ssyncset.done @!p0 $0x0  }
0xf7: {  	[sflag:s8] =	ssyncadd.s32 @!p0 $0xFFFFC000;
	s8 =	sld [smem:$0x7D5];
	_ =	sdelay $0x2  }
0xf8: {  	p0 =	seq.s32 s8, $0x1  }
0xf9: {  	s8 =	simm.s32 @!p0 $0x3  }
0xfa: {  	_ =	swait.ge @!p0 [sflag:s8], $0x4000  }
0xfb: {  	[sflag:s8] =	ssyncset.done @!p0 $0x0  }
0xfc: {  	[sflag:s8] =	ssyncadd.s32 @!p0 $0xFFFFC000  }
0xfd: {  	_ =	swait.ge @!p0 [sflag:s8], $0x4000  }
0xfe: {  	s11 =	sld [smem:$0x7D6];
	_ =	sdelay $0x1  }
0xff: {  	[sflag:s8] =	ssyncset.done @!p0 $0x0  }
0x100: {  	[sflag:s8] =	ssyncadd.s32 @!p0 $0xFFFFC000;
	p0 =	seq.s32 s11, $0x1  }
0x101: {  	s8 =	simm.s32 @!p0 $0x3  }
0x102: {  	_ =	swait.ge @!p0 [sflag:s8], $0x4000  }
0x103: {  	[sflag:s8] =	ssyncset.done @!p0 $0x0  }
0x104: {  	[sflag:s8] =	ssyncadd.s32 @!p0 $0xFFFFC000  }
0x105: {  	_ =	swait.ge @!p0 [sflag:s8], $0x4000  }
0x106: {  	s12 =	sld [smem:$0x7D7];
	_ =	sdelay $0x1  }
0x107: {  	[sflag:s8] =	ssyncset.done @!p0 $0x0  }
0x108: {  	[sflag:s8] =	ssyncadd.s32 @!p0 $0xFFFFC000;
	p0 =	seq.s32 s12, $0x1  }
0x109: {  	s8 =	simm.s32 @!p0 $0x3  }
0x10a: {  	_ =	swait.ge @!p0 [sflag:s8], $0x4000  }
0x10b: {  	[sflag:s8] =	ssyncset.done @!p0 $0x0  }
0x10c: {  	[sflag:s8] =	ssyncadd.s32 @!p0 $0xFFFFC000  }
0x10d: {  	_ =	swait.ge @!p0 [sflag:s8], $0x4000  }
0x10e: {  	s21 =	sld [smem:$0x7D8];
	_ =	sdelay $0x1  }
0x10f: {  	[sflag:s8] =	ssyncset.done @!p0 $0x0  }
0x110: {  	[sflag:s8] =	ssyncadd.s32 @!p0 $0xFFFFC000;
	p0 =	seq.s32 s21, $0x1  }
0x111: {  	s8 =	simm.s32 @!p0 $0x3  }
0x112: {  	_ =	swait.ge @!p0 [sflag:s8], $0x4000  }
0x113: {  	[sflag:s8] =	ssyncset.done @!p0 $0x0  }
0x114: {  	[sflag:s8] =	ssyncadd.s32 @!p0 $0xFFFFC000  }
0x115: {  	_ =	swait.ge @!p0 [sflag:s8], $0x4000  }
0x116: {  	s23 =	sld [smem:$0x7D9];
	_ =	sdelay $0x1  }
0x117: {  	[sflag:s8] =	ssyncset.done @!p0 $0x0  }
0x118: {  	[sflag:s8] =	ssyncadd.s32 @!p0 $0xFFFFC000;
	p0 =	seq.s32 s23, $0x1  }
0x119: {  	s8 =	simm.s32 @!p0 $0x3  }
0x11a: {  	_ =	swait.ge @!p0 [sflag:s8], $0x4000  }
0x11b: {  	[sflag:s8] =	ssyncset.done @!p0 $0x0  }
0x11c: {  	[sflag:s8] =	ssyncadd.s32 @!p0 $0xFFFFC000  }
0x11d: {  	_ =	swait.ge @!p0 [sflag:s8], $0x4000  }
0x11e: {  	s28 =	sld [smem:$0x7DB];
	_ =	sdelay $0x2  }
0x11f: {  	[sflag:s8] =	ssyncset.done @!p0 $0x0;
	p1 =	seq.s32 s28, $0x1  }
0x120: {  	[sflag:s8] =	ssyncadd.s32 @!p0 $0xFFFFC000;
	s8 =	simm.s32 @!p1 $0x3  }
0x121: {  	_ =	swait.ge @!p1 [sflag:s8], $0x4000  }
0x122: {  	[sflag:s8] =	ssyncset.done @!p1 $0x0  }
0x123: {  	[sflag:s8] =	ssyncadd.s32 @!p1 $0xFFFFC000  }
0x124: {  	_ =	swait.ge @!p1 [sflag:s8], $0x4000  }
0x125: {  	s29 =	sld [smem:$0x7E9];
	_ =	sdelay $0x1  }
0x126: {  	s22 =	sadd.s32 $0x1, s22  }
0x127: {  	p0 =	sne.s32 s22, s29  }
.Ltmp1:
0x128: {  	_ = 	snop;
	(pc) =	sbr.rel @!p0 .LBB2_42-.Ltmp1, $3  }
0x129: {  	_ =	sdelay $0x1  }
0x12a: {  	[sflag:s8] =	ssyncset.done @!p1 $0x0;
	s21 =	sld [smem:$0x7FC]  }
0x12b: {  	s30 =	sld [smem:$0x7FD];
	[sflag:s8] =	ssyncadd.s32 @!p1 $0xFFFFC000  }
.LBB2_1:
0x12c: {  	s2 =	rddreg [dreg:$0x15]  }
0x12d: {  	[tilespmem:s3], [sflag:$0x1] =	stream.linear.gather [hbm4b:s2+s3], $0x80, $0x38;
	[tilespmem:$0x1C200] =	vst v63  }
0x12e: {  	s23 =	rddreg [dreg:$0x16];
	s8 =	simm.s32 $0x18080  }
0x12f: {  	[tilespmem:s8], [sflag:$0x3] =	stream.linear.gather [hbm4b:s23+s3], $0x4000, $0x38;
	[tilespmem:$0x1C200] =	vst v63  }
0x130: {  	s8 =	simm.s32 $0x1  }
0x131: {  	_ =	swait.ge [sflag:s8], $0x80  }
0x132: {  	[sflag:s8] =	ssyncset.done $0x0  }
0x133: {  	[sflag:s8] =	ssyncadd.s32 $0xFFFFFF80  }
0x134: {  	v8 =	vld [tilespmem:$0x0];
	_ =	sdelay $0x1  }
0x135: {  	v9 =	vld [tilespmem:$0x10];
	_ =	sdelay $0x2  }
0x136: {  	v10 =	vnsel vm2, $0x0, v8  }
0x137: {  	v8 =	vnsel vm1, $0x0, v8;
	(xrf0) =	vadd.scan.msk.s32 $0xffff, v10  }
0x138: {  	(xrf0) =	vadd.scan.msk.s32 $0xffff, v8;
	v8 =	vnsel vm0, $0x0, v9  }
0x139: {  	(xrf0) =	vadd.scan.msk.s32 $0xffff, v8;
	_ =	sdelay $0x3  }
0x13a: {  	v8, _, _ =	vpop (xrf0)  }
0x13b: {  	v63, _, _ =	vpop (xrf0);
	(v2sf) =	vpush v8, $0xF  }
0x13c: {  	(v2sf) =	vpush v63, $0xF;
	v8, _, _ =	vpop (xrf0)  }
0x13d: {  	(v2sf) =	vpush v8, $0xF;
	_ =	sdelay $0xc  }
0x13e: {  	s23 =	spop (v2sf)  }
0x13f: {  	s11 =	spop (v2sf)  }
0x140: {  	s12 =	spop (v2sf);
	s8 =	ssub.s32 s11, s23  }
0x141: {  	s29 =	sadd.s32 s12, s8  }
0x142: {  	s12 =	sld [smem:$0x7EA];
	p0 =	sgt.s32 s29, $0x0;
	s8 =	smov.u32 s29  }
0x143: {  	s8 =	simm.s32 @!p0 $0x0  }
0x144: {  	s28 =	smin.u32 s8, $0x800  }
0x145: {  	p3 =	slt.u32 s28, s12  }
.Ltmp2:
0x146: {  	_ = 	snop;
	(pc) =	sbr.rel @p3 .LBB2_3-.Ltmp2, $1  }
0x147: {  	_ =	sdelay $0x3  }
0x148: {  	s8 =	sadd.s32 s14, s23  }
0x149: {  	v8 =	vadd.s32 s8, v0  }
0x14a: {  	v9 =	vshll.u32 v8, $0x2  }
0x14b: {  	v10 =	vand.u32 $0x7, v8;
	v9 =	vand.u32 $0xFFFFFFE0, v9  }
0x14c: {  	v9 =	vor.u32 v10, v9  }
0x14d: {  	v10 =	vperm.xlane v9, v4;
	_ =	sdelay $0x1  }
0x14e: {  	s12 =	sadd.s32 $0x10, s8;
	v10 =	vadd.s32 v5, v10  }
0x14f: {  	s2 =	sadd.s32 $0x20, s8;
	[tilespmem:$0x1C080] =	vst v8;
	v8 =	vadd.s32 s12, v0  }
0x150: {  	s8 =	sadd.s32 $0x30, s8;
	[tilespmem:$0x1C090] =	vst v8;
	v8 =	vadd.s32 s2, v0;
	v9 =	vperm.xlane v9, v6  }
0x151: {  	[tilespmem:$0x1C0A0] =	vst v8;
	v8 =	vadd.s32 s8, v0  }
0x152: {  	s2 =	simm.s32 $0x80;
	[tilespmem:$0x1C0B0] =	vst v8;
	v8 =	vadd.s32 v5, v9  }
0x153: {  	[tilespmem:s2], [sflag:$0x1] =	stream.indirect_vreg.gather [hbm4b:s13+s3], $0x80, v10, vm3, $0xb8;
	[tilespmem:$0x1C200] =	vst v63  }
0x154: {  	s8 =	simm.s32 $0x880  }
0x155: {  	[tilespmem:s8], [sflag:$0x1] =	stream.indirect_vreg.gather [hbm4b:s17+s3], $0x80, v10, vm3, $0xb8;
	[tilespmem:$0x1C200] =	vst v63  }
0x156: {  	s11 =	simm.s32 $0x1080  }
0x157: {  	[tilespmem:s11], [sflag:$0x1] =	stream.indirect_vreg.gather [hbm4b:s13+s3], $0x80, v8, vm3, $0xb8;
	[tilespmem:$0x1C200] =	vst v63  }
0x158: {  	s12 =	simm.s32 $0x1880  }
0x159: {  	[tilespmem:s12], [sflag:$0x1] =	stream.indirect_vreg.gather [hbm4b:s17+s3], $0x80, v8, vm3, $0xb8;
	[tilespmem:$0x1C200] =	vst v63  }
0x15a: {  	v8 =	vld [tilespmem:$0x1C090];
	_ =	sdelay $0x4  }
0x15b: {  	v61 =	vshll.u32 v8, $0x2  }
0x15c: {  	v8 =	vand.u32 $0x7, v8;
	v9 =	vand.u32 $0xFFFFFFE0, v61  }
0x15d: {  	v8 =	vor.u32 v8, v9  }
0x15e: {  	v9 =	vperm.xlane v8, v4;
	_ =	sdelay $0x1  }
0x15f: {  	v9 =	vadd.s32 v5, v9;
	_ =	sdelay $0x1  }
0x160: {  	v8 =	vperm.xlane v8, v6;
	_ =	sdelay $0x1  }
0x161: {  	s8 =	simm.s32 $0x2080;
	v8 =	vadd.s32 v5, v8  }
0x162: {  	[tilespmem:s8], [sflag:$0x1] =	stream.indirect_vreg.gather [hbm4b:s13+s3], $0x80, v9, vm3, $0xb8;
	[tilespmem:$0x1C200] =	vst v63  }
0x163: {  	s11 =	simm.s32 $0x2880  }
0x164: {  	[tilespmem:s11], [sflag:$0x1] =	stream.indirect_vreg.gather [hbm4b:s17+s3], $0x80, v9, vm3, $0xb8;
	[tilespmem:$0x1C200] =	vst v63  }
0x165: {  	s12 =	simm.s32 $0x3080  }
0x166: {  	[tilespmem:s12], [sflag:$0x1] =	stream.indirect_vreg.gather [hbm4b:s13+s3], $0x80, v8, vm3, $0xb8;
	[tilespmem:$0x1C200] =	vst v63  }
0x167: {  	s8 =	simm.s32 $0x3880  }
0x168: {  	[tilespmem:s8], [sflag:$0x1] =	stream.indirect_vreg.gather [hbm4b:s17+s3], $0x80, v8, vm3, $0xb8;
	[tilespmem:$0x1C200] =	vst v63  }
0x169: {  	v8 =	vld [tilespmem:$0x1C0A0];
	_ =	sdelay $0x4  }
0x16a: {  	v62 =	vshll.u32 v8, $0x2  }
0x16b: {  	v8 =	vand.u32 $0x7, v8;
	v9 =	vand.u32 $0xFFFFFFE0, v62  }
0x16c: {  	v8 =	vor.u32 v8, v9  }
0x16d: {  	v9 =	vperm.xlane v8, v4;
	_ =	sdelay $0x1  }
0x16e: {  	v9 =	vadd.s32 v5, v9;
	_ =	sdelay $0x1  }
0x16f: {  	v8 =	vperm.xlane v8, v6;
	_ =	sdelay $0x1  }
0x170: {  	s11 =	simm.s32 $0x4080;
	v8 =	vadd.s32 v5, v8  }
0x171: {  	[tilespmem:s11], [sflag:$0x1] =	stream.indirect_vreg.gather [hbm4b:s13+s3], $0x80, v9, vm3, $0xb8;
	[tilespmem:$0x1C200] =	vst v63  }
0x172: {  	s12 =	simm.s32 $0x4880  }
0x173: {  	[tilespmem:s12], [sflag:$0x1] =	stream.indirect_vreg.gather [hbm4b:s17+s3], $0x80, v9, vm3, $0xb8;
	[tilespmem:$0x1C200] =	vst v63  }
0x174: {  	s8 =	simm.s32 $0x5080  }
0x175: {  	[tilespmem:s8], [sflag:$0x1] =	stream.indirect_vreg.gather [hbm4b:s13+s3], $0x80, v8, vm3, $0xb8;
	[tilespmem:$0x1C200] =	vst v63  }
0x176: {  	s11 =	simm.s32 $0x5880  }
0x177: {  	[tilespmem:s11], [sflag:$0x1] =	stream.indirect_vreg.gather [hbm4b:s17+s3], $0x80, v8, vm3, $0xb8;
	[tilespmem:$0x1C200] =	vst v63  }
0x178: {  	v8 =	vld [tilespmem:$0x1C0B0];
	_ =	sdelay $0x4  }
0x179: {  	v63 =	vshll.u32 v8, $0x2  }
0x17a: {  	v8 =	vand.u32 $0x7, v8;
	v9 =	vand.u32 $0xFFFFFFE0, v63  }
0x17b: {  	v8 =	vor.u32 v8, v9  }
0x17c: {  	v9 =	vperm.xlane v8, v4;
	_ =	sdelay $0x1  }
0x17d: {  	v9 =	vadd.s32 v5, v9;
	_ =	sdelay $0x1  }
0x17e: {  	v8 =	vperm.xlane v8, v6;
	_ =	sdelay $0x1  }
0x17f: {  	s12 =	simm.s32 $0x6080;
	v8 =	vadd.s32 v5, v8  }
0x180: {  	[tilespmem:s12], [sflag:$0x1] =	stream.indirect_vreg.gather [hbm4b:s13+s3], $0x80, v9, vm3, $0xb8;
	[tilespmem:$0x1C200] =	vst v63  }
0x181: {  	s8 =	simm.s32 $0x6880  }
0x182: {  	[tilespmem:s8], [sflag:$0x1] =	stream.indirect_vreg.gather [hbm4b:s17+s3], $0x80, v9, vm3, $0xb8;
	[tilespmem:$0x1C200] =	vst v63  }
0x183: {  	s11 =	simm.s32 $0x7080  }
0x184: {  	[tilespmem:s11], [sflag:$0x1] =	stream.indirect_vreg.gather [hbm4b:s13+s3], $0x80, v8, vm3, $0xb8;
	[tilespmem:$0x1C200] =	vst v63  }
0x185: {  	s12 =	simm.s32 $0x7880  }
0x186: {  	[tilespmem:s12], [sflag:$0x1] =	stream.indirect_vreg.gather [hbm4b:s17+s3], $0x80, v8, vm3, $0xb8;
	[tilespmem:$0x1C200] =	vst v63  }
.LBB2_3:
0x187: {  	s2 =	sld [smem:$0x7EB];
	_ =	sdelay $0x2  }
0x188: {  	p2 =	slt.u32 s28, s2  }
.Ltmp3:
0x189: {  	_ = 	snop;
	(pc) =	sbr.rel @p2 .LBB2_5-.Ltmp3, $1  }
0x18a: {  	_ =	sdelay $0x3  }
0x18b: {  	s2 =	sld [smem:$0x7DD];
	_ =	sdelay $0x2  }
0x18c: {  	s8 =	sadd.s32 s2, s23  }
0x18d: {  	v8 =	vadd.s32 s8, v0  }
0x18e: {  	v9 =	vshll.u32 v8, $0x2  }
0x18f: {  	v10 =	vand.u32 $0x7, v8;
	v9 =	vand.u32 $0xFFFFFFE0, v9  }
0x190: {  	v9 =	vor.u32 v10, v9  }
0x191: {  	v10 =	vperm.xlane v9, v4;
	_ =	sdelay $0x1  }
0x192: {  	s12 =	sadd.s32 $0x10, s8;
	v10 =	vadd.s32 v5, v10  }
0x193: {  	s11 =	sadd.s32 $0x20, s8;
	[tilespmem:$0x1C100] =	vst v8;
	v8 =	vadd.s32 s12, v0  }
0x194: {  	s8 =	sadd.s32 $0x30, s8;
	[tilespmem:$0x1C110] =	vst v8;
	v8 =	vadd.s32 s11, v0;
	v9 =	vperm.xlane v9, v6  }
0x195: {  	[tilespmem:$0x1C120] =	vst v8;
	v8 =	vadd.s32 s8, v0  }
0x196: {  	s12 =	simm.s32 $0x8080;
	[tilespmem:$0x1C130] =	vst v8;
	v8 =	vadd.s32 v5, v9  }
0x197: {  	[tilespmem:s12], [sflag:$0x1] =	stream.indirect_vreg.gather [hbm4b:s13+s3], $0x80, v10, vm3, $0xb8;
	[tilespmem:$0x1C200] =	vst v63  }
0x198: {  	s8 =	simm.s32 $0x8880  }
0x199: {  	[tilespmem:s8], [sflag:$0x1] =	stream.indirect_vreg.gather [hbm4b:s17+s3], $0x80, v10, vm3, $0xb8;
	[tilespmem:$0x1C200] =	vst v63  }
0x19a: {  	s11 =	simm.s32 $0x9080  }
0x19b: {  	[tilespmem:s11], [sflag:$0x1] =	stream.indirect_vreg.gather [hbm4b:s13+s3], $0x80, v8, vm3, $0xb8;
	[tilespmem:$0x1C200] =	vst v63  }
0x19c: {  	s12 =	simm.s32 $0x9880  }
0x19d: {  	[tilespmem:s12], [sflag:$0x1] =	stream.indirect_vreg.gather [hbm4b:s17+s3], $0x80, v8, vm3, $0xb8;
	[tilespmem:$0x1C200] =	vst v63  }
0x19e: {  	v8 =	vld [tilespmem:$0x1C110];
	_ =	sdelay $0x4  }
0x19f: {  	v61 =	vshll.u32 v8, $0x2  }
0x1a0: {  	v8 =	vand.u32 $0x7, v8;
	v9 =	vand.u32 $0xFFFFFFE0, v61  }
0x1a1: {  	v8 =	vor.u32 v8, v9  }
0x1a2: {  	v9 =	vperm.xlane v8, v4;
	_ =	sdelay $0x1  }
0x1a3: {  	v9 =	vadd.s32 v5, v9;
	_ =	sdelay $0x1  }
0x1a4: {  	v8 =	vperm.xlane v8, v6;
	_ =	sdelay $0x1  }
0x1a5: {  	s8 =	simm.s32 $0xA080;
	v8 =	vadd.s32 v5, v8  }
0x1a6: {  	[tilespmem:s8], [sflag:$0x1] =	stream.indirect_vreg.gather [hbm4b:s13+s3], $0x80, v9, vm3, $0xb8;
	[tilespmem:$0x1C200] =	vst v63  }
0x1a7: {  	s11 =	simm.s32 $0xA880  }
0x1a8: {  	[tilespmem:s11], [sflag:$0x1] =	stream.indirect_vreg.gather [hbm4b:s17+s3], $0x80, v9, vm3, $0xb8;
	[tilespmem:$0x1C200] =	vst v63  }
0x1a9: {  	s12 =	simm.s32 $0xB080  }
0x1aa: {  	[tilespmem:s12], [sflag:$0x1] =	stream.indirect_vreg.gather [hbm4b:s13+s3], $0x80, v8, vm3, $0xb8;
	[tilespmem:$0x1C200] =	vst v63  }
0x1ab: {  	s8 =	simm.s32 $0xB880  }
0x1ac: {  	[tilespmem:s8], [sflag:$0x1] =	stream.indirect_vreg.gather [hbm4b:s17+s3], $0x80, v8, vm3, $0xb8;
	[tilespmem:$0x1C200] =	vst v63  }
0x1ad: {  	v8 =	vld [tilespmem:$0x1C120];
	_ =	sdelay $0x4  }
0x1ae: {  	v62 =	vshll.u32 v8, $0x2  }
0x1af: {  	v8 =	vand.u32 $0x7, v8;
	v9 =	vand.u32 $0xFFFFFFE0, v62  }
0x1b0: {  	v8 =	vor.u32 v8, v9  }
0x1b1: {  	v9 =	vperm.xlane v8, v4;
	_ =	sdelay $0x1  }
0x1b2: {  	v9 =	vadd.s32 v5, v9;
	_ =	sdelay $0x1  }
0x1b3: {  	v8 =	vperm.xlane v8, v6;
	_ =	sdelay $0x1  }
0x1b4: {  	s11 =	simm.s32 $0xC080;
	v8 =	vadd.s32 v5, v8  }
0x1b5: {  	[tilespmem:s11], [sflag:$0x1] =	stream.indirect_vreg.gather [hbm4b:s13+s3], $0x80, v9, vm3, $0xb8;
	[tilespmem:$0x1C200] =	vst v63  }
0x1b6: {  	s12 =	simm.s32 $0xC880  }
0x1b7: {  	[tilespmem:s12], [sflag:$0x1] =	stream.indirect_vreg.gather [hbm4b:s17+s3], $0x80, v9, vm3, $0xb8;
	[tilespmem:$0x1C200] =	vst v63  }
0x1b8: {  	s8 =	simm.s32 $0xD080  }
0x1b9: {  	[tilespmem:s8], [sflag:$0x1] =	stream.indirect_vreg.gather [hbm4b:s13+s3], $0x80, v8, vm3, $0xb8;
	[tilespmem:$0x1C200] =	vst v63  }
0x1ba: {  	s11 =	simm.s32 $0xD880  }
0x1bb: {  	[tilespmem:s11], [sflag:$0x1] =	stream.indirect_vreg.gather [hbm4b:s17+s3], $0x80, v8, vm3, $0xb8;
	[tilespmem:$0x1C200] =	vst v63  }
0x1bc: {  	v8 =	vld [tilespmem:$0x1C130];
	_ =	sdelay $0x4  }
0x1bd: {  	v63 =	vshll.u32 v8, $0x2  }
0x1be: {  	v8 =	vand.u32 $0x7, v8;
	v9 =	vand.u32 $0xFFFFFFE0, v63  }
0x1bf: {  	v8 =	vor.u32 v8, v9  }
0x1c0: {  	v9 =	vperm.xlane v8, v4;
	_ =	sdelay $0x1  }
0x1c1: {  	v9 =	vadd.s32 v5, v9;
	_ =	sdelay $0x1  }
0x1c2: {  	v8 =	vperm.xlane v8, v6;
	_ =	sdelay $0x1  }
0x1c3: {  	s12 =	simm.s32 $0xE080;
	v8 =	vadd.s32 v5, v8  }
0x1c4: {  	[tilespmem:s12], [sflag:$0x1] =	stream.indirect_vreg.gather [hbm4b:s13+s3], $0x80, v9, vm3, $0xb8;
	[tilespmem:$0x1C200] =	vst v63  }
0x1c5: {  	s8 =	simm.s32 $0xE880  }
0x1c6: {  	[tilespmem:s8], [sflag:$0x1] =	stream.indirect_vreg.gather [hbm4b:s17+s3], $0x80, v9, vm3, $0xb8;
	[tilespmem:$0x1C200] =	vst v63  }
0x1c7: {  	s11 =	simm.s32 $0xF080  }
0x1c8: {  	[tilespmem:s11], [sflag:$0x1] =	stream.indirect_vreg.gather [hbm4b:s13+s3], $0x80, v8, vm3, $0xb8;
	[tilespmem:$0x1C200] =	vst v63  }
0x1c9: {  	s12 =	simm.s32 $0xF880  }
0x1ca: {  	[tilespmem:s12], [sflag:$0x1] =	stream.indirect_vreg.gather [hbm4b:s17+s3], $0x80, v8, vm3, $0xb8;
	[tilespmem:$0x1C200] =	vst v63  }
.LBB2_5:
0x1cb: {  	s2 =	simm.s32 $0x3  }
0x1cc: {  	p1 =	sgt.u32 s28, s14;
	_ =	swait.ge [sflag:s2], $0x4000  }
0x1cd: {  	s8 =	simm.s32 @!p1 $0x0;
	[sflag:s2] =	ssyncset.done $0x0;
	s11 =	rddreg [dreg:$0x17]  }
0x1ce: {  	s12 =	simm.s32 @!p1 $0x18080;
	[sflag:s2] =	ssyncadd.s32 $0xFFFFC000;
	s2 =	sld [smem:$0x7DE]  }
0x1cf: {  	[hbm4b:s11+s8] =	stream.linear.scatter @!p1 [tilespmem:s12], [sflag:$0x3], $0x4000, $0x38;
	[tilespmem:$0x1C200] =	vst v63  }
0x1d0: {  	_ = 	snop  }
0x1d1: {  	[hbm4b:s2+s8] =	stream.linear.scatter @!p1 [tilespmem:s12], [sflag:$0x3], $0x4000, $0x38;
	[tilespmem:$0x1C200] =	vst v63  }
0x1d2: {  	s12 =	sld [smem:$0x7DD];
	_ =	sdelay $0x2  }
0x1d3: {  	p0 =	sgt.u32 s28, s12  }
0x1d4: {  	s2 =	sld [smem:$0x7DF];
	s8 =	simm.s32 @!p0 $0x0;
	s12 =	simm.s32 @!p0 $0x18080  }
0x1d5: {  	[hbm4b:s24+s8] =	stream.linear.scatter @!p0 [tilespmem:s12], [sflag:$0x3], $0x4000, $0x38;
	[tilespmem:$0x1C200] =	vst v63  }
0x1d6: {  	_ = 	snop  }
0x1d7: {  	[hbm4b:s2+s8] =	stream.linear.scatter @!p0 [tilespmem:s12], [sflag:$0x3], $0x4000, $0x38;
	[tilespmem:$0x1C200] =	vst v63  }
0x1d8: {  	s8 =	sld [smem:$0x7E0];
	_ =	sdelay $0x2  }
0x1d9: {  	p6 =	sgt.u32 s28, s8  }
0x1da: {  	s8 =	simm.s32 @!p6 $0x0;
	s12 =	simm.s32 @!p6 $0x18080  }
0x1db: {  	[hbm4b:s7+s8] =	stream.linear.scatter @!p6 [tilespmem:s12], [sflag:$0x3], $0x4000, $0x38;
	[tilespmem:$0x1C200] =	vst v63  }
0x1dc: {  	s2 =	rddreg [dreg:$0x1e]  }
0x1dd: {  	[hbm4b:s2+s8] =	stream.linear.scatter @!p6 [tilespmem:s12], [sflag:$0x3], $0x4000, $0x38;
	[tilespmem:$0x1C200] =	vst v63  }
0x1de: {  	s12 =	sld [smem:$0x7E1];
	_ =	sdelay $0x2  }
0x1df: {  	p4 =	sgt.u32 s28, s12  }
0x1e0: {  	s2 =	rddreg [dreg:$0x1d];
	s8 =	simm.s32 @!p4 $0x0;
	s12 =	simm.s32 @!p4 $0x18080  }
0x1e1: {  	[hbm4b:s10+s8] =	stream.linear.scatter @!p4 [tilespmem:s12], [sflag:$0x3], $0x4000, $0x38;
	[tilespmem:$0x1C200] =	vst v63  }
0x1e2: {  	[smem:$0x7DA] =	sst s0;
	s0 =	simm.s32 @!p4 $0x0  }
0x1e3: {  	s0 =	simm.s32 @p4 $0x1  }
0x1e4: {  	[smem:$0x7CE] =	sst s0  }
0x1e5: {  	s0 =	sld [smem:$0x7DA]  }
0x1e6: {  	[hbm4b:s2+s8] =	stream.linear.scatter @!p4 [tilespmem:s12], [sflag:$0x3], $0x4000, $0x38;
	[tilespmem:$0x1C200] =	vst v63  }
0x1e7: {  	s8 =	rddreg [dreg:$0x1f]  }
0x1e8: {  	p4 =	sgt.u32 s28, s8  }
0x1e9: {  	s2 =	rddreg [dreg:$0x1c];
	s8 =	simm.s32 @!p4 $0x0;
	s12 =	simm.s32 @!p4 $0x18080  }
0x1ea: {  	[hbm4b:s9+s8] =	stream.linear.scatter @!p4 [tilespmem:s12], [sflag:$0x3], $0x4000, $0x38;
	[tilespmem:$0x1C200] =	vst v63  }
0x1eb: {  	[smem:$0x7DA] =	sst s0;
	s0 =	simm.s32 @!p4 $0x0  }
0x1ec: {  	s0 =	simm.s32 @p4 $0x1  }
0x1ed: {  	[smem:$0x7CF] =	sst s0  }
0x1ee: {  	s0 =	sld [smem:$0x7DA]  }
0x1ef: {  	[hbm4b:s2+s8] =	stream.linear.scatter @!p4 [tilespmem:s12], [sflag:$0x3], $0x4000, $0x38;
	[tilespmem:$0x1C200] =	vst v63  }
0x1f0: {  	s12 =	rddreg [dreg:$0x1b]  }
0x1f1: {  	p4 =	sgt.u32 s28, s12  }
0x1f2: {  	s2 =	rddreg [dreg:$0x12];
	s8 =	simm.s32 @!p4 $0x0;
	s12 =	simm.s32 @!p4 $0x18080  }
0x1f3: {  	[hbm4b:s6+s8] =	stream.linear.scatter @!p4 [tilespmem:s12], [sflag:$0x3], $0x4000, $0x38;
	[tilespmem:$0x1C200] =	vst v63  }
0x1f4: {  	[smem:$0x7DA] =	sst s0;
	s0 =	simm.s32 @!p4 $0x0  }
0x1f5: {  	s0 =	simm.s32 @p4 $0x1  }
0x1f6: {  	[smem:$0x7D0] =	sst s0  }
0x1f7: {  	s0 =	sld [smem:$0x7DA]  }
0x1f8: {  	[hbm4b:s2+s8] =	stream.linear.scatter @!p4 [tilespmem:s12], [sflag:$0x3], $0x4000, $0x38;
	[tilespmem:$0x1C200] =	vst v63  }
0x1f9: {  	s8 =	rddreg [dreg:$0x1a]  }
0x1fa: {  	p4 =	sgt.u32 s28, s8  }
0x1fb: {  	s2 =	rddreg [dreg:$0xc];
	s8 =	simm.s32 @!p4 $0x0;
	s12 =	simm.s32 @!p4 $0x18080  }
0x1fc: {  	[hbm4b:s1+s8] =	stream.linear.scatter @!p4 [tilespmem:s12], [sflag:$0x3], $0x4000, $0x38;
	[tilespmem:$0x1C200] =	vst v63  }
0x1fd: {  	[smem:$0x7DA] =	sst s0;
	s0 =	simm.s32 @!p4 $0x0  }
0x1fe: {  	s0 =	simm.s32 @p4 $0x1  }
0x1ff: {  	[smem:$0x7D1] =	sst s0  }
0x200: {  	s0 =	sld [smem:$0x7DA]  }
0x201: {  	[hbm4b:s2+s8] =	stream.linear.scatter @!p4 [tilespmem:s12], [sflag:$0x3], $0x4000, $0x38;
	[tilespmem:$0x1C200] =	vst v63  }
0x202: {  	s12 =	rddreg [dreg:$0x18]  }
0x203: {  	p4 =	sgt.u32 s28, s12  }
0x204: {  	s2 =	rddreg [dreg:$0xb];
	s8 =	simm.s32 @!p4 $0x0;
	s12 =	simm.s32 @!p4 $0x18080  }
0x205: {  	[hbm4b:s20+s8] =	stream.linear.scatter @!p4 [tilespmem:s12], [sflag:$0x3], $0x4000, $0x38;
	[tilespmem:$0x1C200] =	vst v63  }
0x206: {  	[smem:$0x7DA] =	sst s0;
	s0 =	simm.s32 @!p4 $0x0  }
0x207: {  	s0 =	simm.s32 @p4 $0x1  }
0x208: {  	[smem:$0x7D2] =	sst s0  }
0x209: {  	s0 =	sld [smem:$0x7DA]  }
0x20a: {  	[hbm4b:s2+s8] =	stream.linear.scatter @!p4 [tilespmem:s12], [sflag:$0x3], $0x4000, $0x38;
	[tilespmem:$0x1C200] =	vst v63  }
0x20b: {  	s8 =	rddreg [dreg:$0x5]  }
0x20c: {  	p4 =	sgt.u32 s28, s8  }
0x20d: {  	s2 =	rddreg [dreg:$0x8];
	s8 =	simm.s32 @!p4 $0x0;
	s12 =	simm.s32 @!p4 $0x18080  }
0x20e: {  	[hbm4b:s19+s8] =	stream.linear.scatter @!p4 [tilespmem:s12], [sflag:$0x3], $0x4000, $0x38;
	[tilespmem:$0x1C200] =	vst v63  }
0x20f: {  	[smem:$0x7DA] =	sst s0;
	s0 =	simm.s32 @!p4 $0x0  }
0x210: {  	s0 =	simm.s32 @p4 $0x1  }
0x211: {  	[smem:$0x7D3] =	sst s0  }
0x212: {  	s0 =	sld [smem:$0x7DA]  }
0x213: {  	[hbm4b:s2+s8] =	stream.linear.scatter @!p4 [tilespmem:s12], [sflag:$0x3], $0x4000, $0x38;
	[tilespmem:$0x1C200] =	vst v63  }
0x214: {  	p4 =	sgt.u32 s28, s31  }
0x215: {  	s2 =	rddreg [dreg:$0x9];
	s8 =	simm.s32 @!p4 $0x0;
	s12 =	simm.s32 @!p4 $0x18080  }
0x216: {  	[hbm4b:s18+s8] =	stream.linear.scatter @!p4 [tilespmem:s12], [sflag:$0x3], $0x4000, $0x38;
	[tilespmem:$0x1C200] =	vst v63  }
0x217: {  	[smem:$0x7DA] =	sst s0;
	s0 =	simm.s32 @!p4 $0x0  }
0x218: {  	s0 =	simm.s32 @p4 $0x1  }
0x219: {  	[smem:$0x7D4] =	sst s0  }
0x21a: {  	s0 =	sld [smem:$0x7DA];
	_ =	sdelay $0x1  }
0x21b: {  	[hbm4b:s2+s8] =	stream.linear.scatter @!p4 [tilespmem:s12], [sflag:$0x3], $0x4000, $0x38;
	[tilespmem:$0x1C200] =	vst v63  }
0x21c: {  	p4 =	sgt.u32 s28, s0  }
0x21d: {  	s2 =	rddreg [dreg:$0xa];
	s8 =	simm.s32 @!p4 $0x0;
	s12 =	simm.s32 @!p4 $0x18080  }
0x21e: {  	[hbm4b:s25+s8] =	stream.linear.scatter @!p4 [tilespmem:s12], [sflag:$0x3], $0x4000, $0x38;
	[tilespmem:$0x1C200] =	vst v63  }
0x21f: {  	[smem:$0x7DA] =	sst s1;
	s1 =	simm.s32 @!p4 $0x0  }
0x220: {  	s1 =	simm.s32 @p4 $0x1  }
0x221: {  	[smem:$0x7D5] =	sst s1  }
0x222: {  	s1 =	sld [smem:$0x7DA]  }
0x223: {  	[hbm4b:s2+s8] =	stream.linear.scatter @!p4 [tilespmem:s12], [sflag:$0x3], $0x4000, $0x38;
	[tilespmem:$0x1C200] =	vst v63  }
0x224: {  	p4 =	sgt.u32 s28, s4  }
0x225: {  	s2 =	rddreg [dreg:$0xe];
	s8 =	simm.s32 @!p4 $0x0;
	s12 =	simm.s32 @!p4 $0x18080  }
0x226: {  	[hbm4b:s21+s8] =	stream.linear.scatter @!p4 [tilespmem:s12], [sflag:$0x3], $0x4000, $0x38;
	[tilespmem:$0x1C200] =	vst v63  }
0x227: {  	[smem:$0x7DA] =	sst s1;
	s1 =	simm.s32 @!p4 $0x0  }
0x228: {  	s1 =	simm.s32 @p4 $0x1  }
0x229: {  	[smem:$0x7D6] =	sst s1  }
0x22a: {  	s1 =	sld [smem:$0x7DA]  }
0x22b: {  	[hbm4b:s2+s8] =	stream.linear.scatter @!p4 [tilespmem:s12], [sflag:$0x3], $0x4000, $0x38;
	[tilespmem:$0x1C200] =	vst v63  }
0x22c: {  	p4 =	sgt.u32 s28, s16  }
0x22d: {  	s2 =	rddreg [dreg:$0xf];
	s8 =	simm.s32 @!p4 $0x0;
	s12 =	simm.s32 @!p4 $0x18080  }
0x22e: {  	[hbm4b:s30+s8] =	stream.linear.scatter @!p4 [tilespmem:s12], [sflag:$0x3], $0x4000, $0x38;
	[tilespmem:$0x1C200] =	vst v63  }
0x22f: {  	[smem:$0x7DA] =	sst s1;
	s1 =	simm.s32 @!p4 $0x0  }
0x230: {  	s1 =	simm.s32 @p4 $0x1  }
0x231: {  	[smem:$0x7D7] =	sst s1  }
0x232: {  	s1 =	sld [smem:$0x7DA]  }
0x233: {  	[hbm4b:s2+s8] =	stream.linear.scatter @!p4 [tilespmem:s12], [sflag:$0x3], $0x4000, $0x38;
	[tilespmem:$0x1C200] =	vst v63  }
0x234: {  	s2 =	sld [smem:$0x7E5]  }
0x235: {  	p4 =	sgt.u32 s28, s26  }
0x236: {  	s8 =	simm.s32 @!p4 $0x0;
	s12 =	simm.s32 @!p4 $0x18080  }
0x237: {  	[hbm4b:s2+s8] =	stream.linear.scatter @!p4 [tilespmem:s12], [sflag:$0x3], $0x4000, $0x38;
	[tilespmem:$0x1C200] =	vst v63  }
0x238: {  	s2 =	rddreg [dreg:$0x10]  }
0x239: {  	[smem:$0x7DA] =	sst s0;
	s0 =	simm.s32 @!p4 $0x0  }
0x23a: {  	s0 =	simm.s32 @p4 $0x1  }
0x23b: {  	[smem:$0x7D8] =	sst s0  }
0x23c: {  	s0 =	sld [smem:$0x7DA]  }
0x23d: {  	[hbm4b:s2+s8] =	stream.linear.scatter @!p4 [tilespmem:s12], [sflag:$0x3], $0x4000, $0x38;
	[tilespmem:$0x1C200] =	vst v63  }
0x23e: {  	s2 =	sld [smem:$0x7E6]  }
0x23f: {  	p4 =	sgt.u32 s28, s5  }
0x240: {  	s8 =	simm.s32 @!p4 $0x0;
	s12 =	simm.s32 @!p4 $0x18080  }
0x241: {  	[hbm4b:s2+s8] =	stream.linear.scatter @!p4 [tilespmem:s12], [sflag:$0x3], $0x4000, $0x38;
	[tilespmem:$0x1C200] =	vst v63  }
0x242: {  	s2 =	rddreg [dreg:$0x13]  }
0x243: {  	[smem:$0x7DA] =	sst s0;
	s0 =	simm.s32 @!p4 $0x0  }
0x244: {  	s0 =	simm.s32 @p4 $0x1  }
0x245: {  	[smem:$0x7D9] =	sst s0  }
0x246: {  	s0 =	sld [smem:$0x7DA]  }
0x247: {  	[hbm4b:s2+s8] =	stream.linear.scatter @!p4 [tilespmem:s12], [sflag:$0x3], $0x4000, $0x38;
	[tilespmem:$0x1C200] =	vst v63  }
0x248: {  	s2 =	sld [smem:$0x7E7]  }
0x249: {  	p4 =	sgt.u32 s28, s15  }
0x24a: {  	s8 =	simm.s32 @!p4 $0x0;
	s12 =	simm.s32 @!p4 $0x18080  }
0x24b: {  	[hbm4b:s2+s8] =	stream.linear.scatter @!p4 [tilespmem:s12], [sflag:$0x3], $0x4000, $0x38;
	[tilespmem:$0x1C200] =	vst v63  }
0x24c: {  	s2 =	rddreg [dreg:$0x14]  }
0x24d: {  	[smem:$0x7DA] =	sst s0;
	s0 =	simm.s32 @!p4 $0x0  }
0x24e: {  	s0 =	simm.s32 @p4 $0x1  }
0x24f: {  	[smem:$0x7DB] =	sst s0  }
0x250: {  	s0 =	sld [smem:$0x7DA]  }
0x251: {  	[hbm4b:s2+s8] =	stream.linear.scatter @!p4 [tilespmem:s12], [sflag:$0x3], $0x4000, $0x38;
	[tilespmem:$0x1C200] =	vst v63  }
0x252: {  	s8 =	simm.s32 @!p3 $0x1  }
0x253: {  	_ =	swait.ge @!p3 [sflag:s8], $0x8000  }
0x254: {  	[sflag:s8] =	ssyncset.done @!p3 $0x0  }
0x255: {  	s12 =	simm.s32 @!p3 $0x80;
	[sflag:s8] =	ssyncadd.s32 @!p3 $0xFFFF8000;
	s8 =	simm.s32 @!p3 $0x0  }
0x256: {  	[hbm4b:s11+s8] =	stream.linear.scatter @!p3 [tilespmem:s12], [sflag:$0x2], $0x8000, $0x38;
	[tilespmem:$0x1C200] =	vst v63  }
0x257: {  	s12 =	sld [smem:$0x7EC];
	_ =	sdelay $0x2  }
0x258: {  	p5 =	slt.u32 s28, s12  }
.Ltmp4:
0x259: {  	_ = 	snop;
	(pc) =	sbr.rel @p5 .LBB2_7-.Ltmp4, $1  }
0x25a: {  	_ =	sdelay $0x3  }
0x25b: {  	s2 =	sld [smem:$0x7E0];
	_ =	sdelay $0x2  }
0x25c: {  	s8 =	sadd.s32 s2, s23  }
0x25d: {  	v8 =	vadd.s32 s8, v0  }
0x25e: {  	v9 =	vshll.u32 v8, $0x2  }
0x25f: {  	v10 =	vand.u32 $0x7, v8;
	v9 =	vand.u32 $0xFFFFFFE0, v9  }
0x260: {  	v9 =	vor.u32 v10, v9  }
0x261: {  	v10 =	vperm.xlane v9, v4;
	_ =	sdelay $0x1  }
0x262: {  	s12 =	sadd.s32 $0x10, s8;
	v10 =	vadd.s32 v5, v10  }
0x263: {  	s11 =	sadd.s32 $0x20, s8;
	[tilespmem:$0x1C180] =	vst v8;
	v8 =	vadd.s32 s12, v0  }
0x264: {  	s8 =	sadd.s32 $0x30, s8;
	[tilespmem:$0x1C190] =	vst v8;
	v8 =	vadd.s32 s11, v0;
	v9 =	vperm.xlane v9, v6  }
0x265: {  	[tilespmem:$0x1C1A0] =	vst v8;
	v8 =	vadd.s32 s8, v0  }
0x266: {  	s12 =	simm.s32 $0x10080;
	[tilespmem:$0x1C1B0] =	vst v8;
	v8 =	vadd.s32 v5, v9  }
0x267: {  	[tilespmem:s12], [sflag:$0x1] =	stream.indirect_vreg.gather [hbm4b:s13+s3], $0x80, v10, vm3, $0xb8;
	[tilespmem:$0x1C200] =	vst v63  }
0x268: {  	s8 =	simm.s32 $0x10880  }
0x269: {  	[tilespmem:s8], [sflag:$0x1] =	stream.indirect_vreg.gather [hbm4b:s17+s3], $0x80, v10, vm3, $0xb8;
	[tilespmem:$0x1C200] =	vst v63  }
0x26a: {  	s11 =	simm.s32 $0x11080  }
0x26b: {  	[tilespmem:s11], [sflag:$0x1] =	stream.indirect_vreg.gather [hbm4b:s13+s3], $0x80, v8, vm3, $0xb8;
	[tilespmem:$0x1C200] =	vst v63  }
0x26c: {  	s12 =	simm.s32 $0x11880  }
0x26d: {  	[tilespmem:s12], [sflag:$0x1] =	stream.indirect_vreg.gather [hbm4b:s17+s3], $0x80, v8, vm3, $0xb8;
	[tilespmem:$0x1C200] =	vst v63  }
0x26e: {  	v8 =	vld [tilespmem:$0x1C190];
	_ =	sdelay $0x4  }
0x26f: {  	v61 =	vshll.u32 v8, $0x2  }
0x270: {  	v8 =	vand.u32 $0x7, v8;
	v9 =	vand.u32 $0xFFFFFFE0, v61  }
0x271: {  	v8 =	vor.u32 v8, v9  }
0x272: {  	v9 =	vperm.xlane v8, v4;
	_ =	sdelay $0x1  }
0x273: {  	v9 =	vadd.s32 v5, v9;
	_ =	sdelay $0x1  }
0x274: {  	v8 =	vperm.xlane v8, v6;
	_ =	sdelay $0x1  }
0x275: {  	s8 =	simm.s32 $0x12080;
	v8 =	vadd.s32 v5, v8  }
0x276: {  	[tilespmem:s8], [sflag:$0x1] =	stream.indirect_vreg.gather [hbm4b:s13+s3], $0x80, v9, vm3, $0xb8;
	[tilespmem:$0x1C200] =	vst v63  }
0x277: {  	s11 =	simm.s32 $0x12880  }
0x278: {  	[tilespmem:s11], [sflag:$0x1] =	stream.indirect_vreg.gather [hbm4b:s17+s3], $0x80, v9, vm3, $0xb8;
	[tilespmem:$0x1C200] =	vst v63  }
0x279: {  	s12 =	simm.s32 $0x13080  }
0x27a: {  	[tilespmem:s12], [sflag:$0x1] =	stream.indirect_vreg.gather [hbm4b:s13+s3], $0x80, v8, vm3, $0xb8;
	[tilespmem:$0x1C200] =	vst v63  }
0x27b: {  	s8 =	simm.s32 $0x13880  }
0x27c: {  	[tilespmem:s8], [sflag:$0x1] =	stream.indirect_vreg.gather [hbm4b:s17+s3], $0x80, v8, vm3, $0xb8;
	[tilespmem:$0x1C200] =	vst v63  }
0x27d: {  	v8 =	vld [tilespmem:$0x1C1A0];
	_ =	sdelay $0x4  }
0x27e: {  	v62 =	vshll.u32 v8, $0x2  }
0x27f: {  	v8 =	vand.u32 $0x7, v8;
	v9 =	vand.u32 $0xFFFFFFE0, v62  }
0x280: {  	v8 =	vor.u32 v8, v9  }
0x281: {  	v9 =	vperm.xlane v8, v4;
	_ =	sdelay $0x1  }
0x282: {  	v9 =	vadd.s32 v5, v9;
	_ =	sdelay $0x1  }
0x283: {  	v8 =	vperm.xlane v8, v6;
	_ =	sdelay $0x1  }
0x284: {  	s11 =	simm.s32 $0x14080;
	v8 =	vadd.s32 v5, v8  }
0x285: {  	[tilespmem:s11], [sflag:$0x1] =	stream.indirect_vreg.gather [hbm4b:s13+s3], $0x80, v9, vm3, $0xb8;
	[tilespmem:$0x1C200] =	vst v63  }
0x286: {  	s12 =	simm.s32 $0x14880  }
0x287: {  	[tilespmem:s12], [sflag:$0x1] =	stream.indirect_vreg.gather [hbm4b:s17+s3], $0x80, v9, vm3, $0xb8;
	[tilespmem:$0x1C200] =	vst v63  }
0x288: {  	s8 =	simm.s32 $0x15080  }
0x289: {  	[tilespmem:s8], [sflag:$0x1] =	stream.indirect_vreg.gather [hbm4b:s13+s3], $0x80, v8, vm3, $0xb8;
	[tilespmem:$0x1C200] =	vst v63  }
0x28a: {  	s11 =	simm.s32 $0x15880  }
0x28b: {  	[tilespmem:s11], [sflag:$0x1] =	stream.indirect_vreg.gather [hbm4b:s17+s3], $0x80, v8, vm3, $0xb8;
	[tilespmem:$0x1C200] =	vst v63  }
0x28c: {  	v8 =	vld [tilespmem:$0x1C1B0];
	_ =	sdelay $0x4  }
0x28d: {  	v63 =	vshll.u32 v8, $0x2  }
0x28e: {  	v8 =	vand.u32 $0x7, v8;
	v9 =	vand.u32 $0xFFFFFFE0, v63  }
0x28f: {  	v8 =	vor.u32 v8, v9  }
0x290: {  	v9 =	vperm.xlane v8, v4;
	_ =	sdelay $0x1  }
0x291: {  	v9 =	vadd.s32 v5, v9;
	_ =	sdelay $0x1  }
0x292: {  	v8 =	vperm.xlane v8, v6;
	_ =	sdelay $0x1  }
0x293: {  	s12 =	simm.s32 $0x16080;
	v8 =	vadd.s32 v5, v8  }
0x294: {  	[tilespmem:s12], [sflag:$0x1] =	stream.indirect_vreg.gather [hbm4b:s13+s3], $0x80, v9, vm3, $0xb8;
	[tilespmem:$0x1C200] =	vst v63  }
0x295: {  	s8 =	simm.s32 $0x16880  }
0x296: {  	[tilespmem:s8], [sflag:$0x1] =	stream.indirect_vreg.gather [hbm4b:s17+s3], $0x80, v9, vm3, $0xb8;
	[tilespmem:$0x1C200] =	vst v63  }
0x297: {  	s11 =	simm.s32 $0x17080  }
0x298: {  	[tilespmem:s11], [sflag:$0x1] =	stream.indirect_vreg.gather [hbm4b:s13+s3], $0x80, v8, vm3, $0xb8;
	[tilespmem:$0x1C200] =	vst v63  }
0x299: {  	s12 =	simm.s32 $0x17880  }
0x29a: {  	[tilespmem:s12], [sflag:$0x1] =	stream.indirect_vreg.gather [hbm4b:s17+s3], $0x80, v8, vm3, $0xb8;
	[tilespmem:$0x1C200] =	vst v63  }
.LBB2_7:
0x29b: {  	s8 =	simm.s32 @!p2 $0x1  }
0x29c: {  	_ =	swait.ge @!p2 [sflag:s8], $0x8000  }
0x29d: {  	[sflag:s8] =	ssyncset.done @!p2 $0x0  }
0x29e: {  	s12 =	simm.s32 @!p2 $0x8080;
	[sflag:s8] =	ssyncadd.s32 @!p2 $0xFFFF8000;
	s8 =	simm.s32 @!p2 $0x0  }
0x29f: {  	[hbm4b:s24+s8] =	stream.linear.scatter @!p2 [tilespmem:s12], [sflag:$0x2], $0x8000, $0x38;
	[tilespmem:$0x1C200] =	vst v63  }
0x2a0: {  	s8 =	simm.s32 @!p3 $0x2  }
0x2a1: {  	_ =	swait.ge @!p3 [sflag:s8], $0x8000  }
0x2a2: {  	s2 =	sld [smem:$0x7ED];
	_ =	sdelay $0x2  }
0x2a3: {  	p4 =	slt.u32 s28, s2  }
.Ltmp5:
0x2a4: {  	_ = 	snop;
	(pc) =	sbr.rel @p4 .LBB2_9-.Ltmp5, $3  }
0x2a5: {  	_ =	sdelay $0x1  }
0x2a6: {  	[sflag:s8] =	ssyncset.done @!p3 $0x0  }
0x2a7: {  	[sflag:s8] =	ssyncadd.s32 @!p3 $0xFFFF8000  }
0x2a8: {  	s2 =	sld [smem:$0x7E1];
	_ =	sdelay $0x2  }
0x2a9: {  	s8 =	sadd.s32 s2, s23  }
0x2aa: {  	v8 =	vadd.s32 s8, v0  }
0x2ab: {  	v9 =	vshll.u32 v8, $0x2  }
0x2ac: {  	v10 =	vand.u32 $0x7, v8;
	v9 =	vand.u32 $0xFFFFFFE0, v9  }
0x2ad: {  	v9 =	vor.u32 v10, v9  }
0x2ae: {  	v10 =	vperm.xlane v9, v4;
	_ =	sdelay $0x1  }
0x2af: {  	s12 =	sadd.s32 $0x10, s8;
	v10 =	vadd.s32 v5, v10  }
0x2b0: {  	s11 =	sadd.s32 $0x20, s8;
	[tilespmem:$0x1C080] =	vst v8;
	v8 =	vadd.s32 s12, v0  }
0x2b1: {  	s8 =	sadd.s32 $0x30, s8;
	[tilespmem:$0x1C090] =	vst v8;
	v8 =	vadd.s32 s11, v0;
	v9 =	vperm.xlane v9, v6  }
0x2b2: {  	[tilespmem:$0x1C0A0] =	vst v8;
	v8 =	vadd.s32 s8, v0  }
0x2b3: {  	s12 =	simm.s32 $0x80;
	[tilespmem:$0x1C0B0] =	vst v8;
	v8 =	vadd.s32 v5, v9  }
0x2b4: {  	[tilespmem:s12], [sflag:$0x1] =	stream.indirect_vreg.gather [hbm4b:s13+s3], $0x80, v10, vm3, $0xb8;
	[tilespmem:$0x1C200] =	vst v63  }
0x2b5: {  	s8 =	simm.s32 $0x880  }
0x2b6: {  	[tilespmem:s8], [sflag:$0x1] =	stream.indirect_vreg.gather [hbm4b:s17+s3], $0x80, v10, vm3, $0xb8;
	[tilespmem:$0x1C200] =	vst v63  }
0x2b7: {  	s11 =	simm.s32 $0x1080  }
0x2b8: {  	[tilespmem:s11], [sflag:$0x1] =	stream.indirect_vreg.gather [hbm4b:s13+s3], $0x80, v8, vm3, $0xb8;
	[tilespmem:$0x1C200] =	vst v63  }
0x2b9: {  	s12 =	simm.s32 $0x1880  }
0x2ba: {  	[tilespmem:s12], [sflag:$0x1] =	stream.indirect_vreg.gather [hbm4b:s17+s3], $0x80, v8, vm3, $0xb8;
	[tilespmem:$0x1C200] =	vst v63  }
0x2bb: {  	v8 =	vld [tilespmem:$0x1C090];
	_ =	sdelay $0x4  }
0x2bc: {  	v61 =	vshll.u32 v8, $0x2  }
0x2bd: {  	v8 =	vand.u32 $0x7, v8;
	v9 =	vand.u32 $0xFFFFFFE0, v61  }
0x2be: {  	v8 =	vor.u32 v8, v9  }
0x2bf: {  	v9 =	vperm.xlane v8, v4;
	_ =	sdelay $0x1  }
0x2c0: {  	v9 =	vadd.s32 v5, v9;
	_ =	sdelay $0x1  }
0x2c1: {  	v8 =	vperm.xlane v8, v6;
	_ =	sdelay $0x1  }
0x2c2: {  	s8 =	simm.s32 $0x2080;
	v8 =	vadd.s32 v5, v8  }
0x2c3: {  	[tilespmem:s8], [sflag:$0x1] =	stream.indirect_vreg.gather [hbm4b:s13+s3], $0x80, v9, vm3, $0xb8;
	[tilespmem:$0x1C200] =	vst v63  }
0x2c4: {  	s11 =	simm.s32 $0x2880  }
0x2c5: {  	[tilespmem:s11], [sflag:$0x1] =	stream.indirect_vreg.gather [hbm4b:s17+s3], $0x80, v9, vm3, $0xb8;
	[tilespmem:$0x1C200] =	vst v63  }
0x2c6: {  	s12 =	simm.s32 $0x3080  }
0x2c7: {  	[tilespmem:s12], [sflag:$0x1] =	stream.indirect_vreg.gather [hbm4b:s13+s3], $0x80, v8, vm3, $0xb8;
	[tilespmem:$0x1C200] =	vst v63  }
0x2c8: {  	s8 =	simm.s32 $0x3880  }
0x2c9: {  	[tilespmem:s8], [sflag:$0x1] =	stream.indirect_vreg.gather [hbm4b:s17+s3], $0x80, v8, vm3, $0xb8;
	[tilespmem:$0x1C200] =	vst v63  }
0x2ca: {  	v8 =	vld [tilespmem:$0x1C0A0];
	_ =	sdelay $0x4  }
0x2cb: {  	v62 =	vshll.u32 v8, $0x2  }
0x2cc: {  	v8 =	vand.u32 $0x7, v8;
	v9 =	vand.u32 $0xFFFFFFE0, v62  }
0x2cd: {  	v8 =	vor.u32 v8, v9  }
0x2ce: {  	v9 =	vperm.xlane v8, v4;
	_ =	sdelay $0x1  }
0x2cf: {  	v9 =	vadd.s32 v5, v9;
	_ =	sdelay $0x1  }
0x2d0: {  	v8 =	vperm.xlane v8, v6;
	_ =	sdelay $0x1  }
0x2d1: {  	s11 =	simm.s32 $0x4080;
	v8 =	vadd.s32 v5, v8  }
0x2d2: {  	[tilespmem:s11], [sflag:$0x1] =	stream.indirect_vreg.gather [hbm4b:s13+s3], $0x80, v9, vm3, $0xb8;
	[tilespmem:$0x1C200] =	vst v63  }
0x2d3: {  	s12 =	simm.s32 $0x4880  }
0x2d4: {  	[tilespmem:s12], [sflag:$0x1] =	stream.indirect_vreg.gather [hbm4b:s17+s3], $0x80, v9, vm3, $0xb8;
	[tilespmem:$0x1C200] =	vst v63  }
0x2d5: {  	s8 =	simm.s32 $0x5080  }
0x2d6: {  	[tilespmem:s8], [sflag:$0x1] =	stream.indirect_vreg.gather [hbm4b:s13+s3], $0x80, v8, vm3, $0xb8;
	[tilespmem:$0x1C200] =	vst v63  }
0x2d7: {  	s11 =	simm.s32 $0x5880  }
0x2d8: {  	[tilespmem:s11], [sflag:$0x1] =	stream.indirect_vreg.gather [hbm4b:s17+s3], $0x80, v8, vm3, $0xb8;
	[tilespmem:$0x1C200] =	vst v63  }
0x2d9: {  	v8 =	vld [tilespmem:$0x1C0B0];
	_ =	sdelay $0x4  }
0x2da: {  	v63 =	vshll.u32 v8, $0x2  }
0x2db: {  	v8 =	vand.u32 $0x7, v8;
	v9 =	vand.u32 $0xFFFFFFE0, v63  }
0x2dc: {  	v8 =	vor.u32 v8, v9  }
0x2dd: {  	v9 =	vperm.xlane v8, v4;
	_ =	sdelay $0x1  }
0x2de: {  	v9 =	vadd.s32 v5, v9;
	_ =	sdelay $0x1  }
0x2df: {  	v8 =	vperm.xlane v8, v6;
	_ =	sdelay $0x1  }
0x2e0: {  	s12 =	simm.s32 $0x6080;
	v8 =	vadd.s32 v5, v8  }
0x2e1: {  	[tilespmem:s12], [sflag:$0x1] =	stream.indirect_vreg.gather [hbm4b:s13+s3], $0x80, v9, vm3, $0xb8;
	[tilespmem:$0x1C200] =	vst v63  }
0x2e2: {  	s8 =	simm.s32 $0x6880  }
0x2e3: {  	[tilespmem:s8], [sflag:$0x1] =	stream.indirect_vreg.gather [hbm4b:s17+s3], $0x80, v9, vm3, $0xb8;
	[tilespmem:$0x1C200] =	vst v63  }
0x2e4: {  	s11 =	simm.s32 $0x7080  }
0x2e5: {  	[tilespmem:s11], [sflag:$0x1] =	stream.indirect_vreg.gather [hbm4b:s13+s3], $0x80, v8, vm3, $0xb8;
	[tilespmem:$0x1C200] =	vst v63  }
0x2e6: {  	s12 =	simm.s32 $0x7880  }
0x2e7: {  	[tilespmem:s12], [sflag:$0x1] =	stream.indirect_vreg.gather [hbm4b:s17+s3], $0x80, v8, vm3, $0xb8;
	[tilespmem:$0x1C200] =	vst v63  }
.LBB2_9:
0x2e8: {  	s8 =	simm.s32 @!p5 $0x1  }
0x2e9: {  	_ =	swait.ge @!p5 [sflag:s8], $0x8000  }
0x2ea: {  	[sflag:s8] =	ssyncset.done @!p5 $0x0  }
0x2eb: {  	s12 =	simm.s32 @!p5 $0x10080;
	[sflag:s8] =	ssyncadd.s32 @!p5 $0xFFFF8000;
	s8 =	simm.s32 @!p5 $0x0  }
0x2ec: {  	[hbm4b:s7+s8] =	stream.linear.scatter @!p5 [tilespmem:s12], [sflag:$0x2], $0x8000, $0x38;
	[tilespmem:$0x1C200] =	vst v63  }
0x2ed: {  	s8 =	simm.s32 @!p2 $0x2  }
0x2ee: {  	_ =	swait.ge @!p2 [sflag:s8], $0x8000  }
0x2ef: {  	s2 =	sld [smem:$0x7EE];
	_ =	sdelay $0x2  }
0x2f0: {  	p3 =	slt.u32 s28, s2  }
.Ltmp6:
0x2f1: {  	_ = 	snop;
	(pc) =	sbr.rel @p3 .LBB2_11-.Ltmp6, $3  }
0x2f2: {  	_ =	sdelay $0x1  }
0x2f3: {  	[sflag:s8] =	ssyncset.done @!p2 $0x0  }
0x2f4: {  	[sflag:s8] =	ssyncadd.s32 @!p2 $0xFFFF8000  }
0x2f5: {  	s2 =	rddreg [dreg:$0x1f]  }
0x2f6: {  	s8 =	sadd.s32 s2, s23  }
0x2f7: {  	v8 =	vadd.s32 s8, v0  }
0x2f8: {  	v9 =	vshll.u32 v8, $0x2  }
0x2f9: {  	v10 =	vand.u32 $0x7, v8;
	v9 =	vand.u32 $0xFFFFFFE0, v9  }
0x2fa: {  	v9 =	vor.u32 v10, v9  }
0x2fb: {  	v10 =	vperm.xlane v9, v4;
	_ =	sdelay $0x1  }
0x2fc: {  	s12 =	sadd.s32 $0x10, s8;
	v10 =	vadd.s32 v5, v10  }
0x2fd: {  	s11 =	sadd.s32 $0x20, s8;
	[tilespmem:$0x1C100] =	vst v8;
	v8 =	vadd.s32 s12, v0  }
0x2fe: {  	s8 =	sadd.s32 $0x30, s8;
	[tilespmem:$0x1C110] =	vst v8;
	v8 =	vadd.s32 s11, v0;
	v9 =	vperm.xlane v9, v6  }
0x2ff: {  	[tilespmem:$0x1C120] =	vst v8;
	v8 =	vadd.s32 s8, v0  }
0x300: {  	s12 =	simm.s32 $0x8080;
	[tilespmem:$0x1C130] =	vst v8;
	v8 =	vadd.s32 v5, v9  }
0x301: {  	[tilespmem:s12], [sflag:$0x1] =	stream.indirect_vreg.gather [hbm4b:s13+s3], $0x80, v10, vm3, $0xb8;
	[tilespmem:$0x1C200] =	vst v63  }
0x302: {  	s8 =	simm.s32 $0x8880  }
0x303: {  	[tilespmem:s8], [sflag:$0x1] =	stream.indirect_vreg.gather [hbm4b:s17+s3], $0x80, v10, vm3, $0xb8;
	[tilespmem:$0x1C200] =	vst v63  }
0x304: {  	s11 =	simm.s32 $0x9080  }
0x305: {  	[tilespmem:s11], [sflag:$0x1] =	stream.indirect_vreg.gather [hbm4b:s13+s3], $0x80, v8, vm3, $0xb8;
	[tilespmem:$0x1C200] =	vst v63  }
0x306: {  	s12 =	simm.s32 $0x9880  }
0x307: {  	[tilespmem:s12], [sflag:$0x1] =	stream.indirect_vreg.gather [hbm4b:s17+s3], $0x80, v8, vm3, $0xb8;
	[tilespmem:$0x1C200] =	vst v63  }
0x308: {  	v8 =	vld [tilespmem:$0x1C110];
	_ =	sdelay $0x4  }
0x309: {  	v61 =	vshll.u32 v8, $0x2  }
0x30a: {  	v8 =	vand.u32 $0x7, v8;
	v9 =	vand.u32 $0xFFFFFFE0, v61  }
0x30b: {  	v8 =	vor.u32 v8, v9  }
0x30c: {  	v9 =	vperm.xlane v8, v4;
	_ =	sdelay $0x1  }
0x30d: {  	v9 =	vadd.s32 v5, v9;
	_ =	sdelay $0x1  }
0x30e: {  	v8 =	vperm.xlane v8, v6;
	_ =	sdelay $0x1  }
0x30f: {  	s8 =	simm.s32 $0xA080;
	v8 =	vadd.s32 v5, v8  }
0x310: {  	[tilespmem:s8], [sflag:$0x1] =	stream.indirect_vreg.gather [hbm4b:s13+s3], $0x80, v9, vm3, $0xb8;
	[tilespmem:$0x1C200] =	vst v63  }
0x311: {  	s11 =	simm.s32 $0xA880  }
0x312: {  	[tilespmem:s11], [sflag:$0x1] =	stream.indirect_vreg.gather [hbm4b:s17+s3], $0x80, v9, vm3, $0xb8;
	[tilespmem:$0x1C200] =	vst v63  }
0x313: {  	s12 =	simm.s32 $0xB080  }
0x314: {  	[tilespmem:s12], [sflag:$0x1] =	stream.indirect_vreg.gather [hbm4b:s13+s3], $0x80, v8, vm3, $0xb8;
	[tilespmem:$0x1C200] =	vst v63  }
0x315: {  	s8 =	simm.s32 $0xB880  }
0x316: {  	[tilespmem:s8], [sflag:$0x1] =	stream.indirect_vreg.gather [hbm4b:s17+s3], $0x80, v8, vm3, $0xb8;
	[tilespmem:$0x1C200] =	vst v63  }
0x317: {  	v8 =	vld [tilespmem:$0x1C120];
	_ =	sdelay $0x4  }
0x318: {  	v62 =	vshll.u32 v8, $0x2  }
0x319: {  	v8 =	vand.u32 $0x7, v8;
	v9 =	vand.u32 $0xFFFFFFE0, v62  }
0x31a: {  	v8 =	vor.u32 v8, v9  }
0x31b: {  	v9 =	vperm.xlane v8, v4;
	_ =	sdelay $0x1  }
0x31c: {  	v9 =	vadd.s32 v5, v9;
	_ =	sdelay $0x1  }
0x31d: {  	v8 =	vperm.xlane v8, v6;
	_ =	sdelay $0x1  }
0x31e: {  	s11 =	simm.s32 $0xC080;
	v8 =	vadd.s32 v5, v8  }
0x31f: {  	[tilespmem:s11], [sflag:$0x1] =	stream.indirect_vreg.gather [hbm4b:s13+s3], $0x80, v9, vm3, $0xb8;
	[tilespmem:$0x1C200] =	vst v63  }
0x320: {  	s12 =	simm.s32 $0xC880  }
0x321: {  	[tilespmem:s12], [sflag:$0x1] =	stream.indirect_vreg.gather [hbm4b:s17+s3], $0x80, v9, vm3, $0xb8;
	[tilespmem:$0x1C200] =	vst v63  }
0x322: {  	s8 =	simm.s32 $0xD080  }
0x323: {  	[tilespmem:s8], [sflag:$0x1] =	stream.indirect_vreg.gather [hbm4b:s13+s3], $0x80, v8, vm3, $0xb8;
	[tilespmem:$0x1C200] =	vst v63  }
0x324: {  	s11 =	simm.s32 $0xD880  }
0x325: {  	[tilespmem:s11], [sflag:$0x1] =	stream.indirect_vreg.gather [hbm4b:s17+s3], $0x80, v8, vm3, $0xb8;
	[tilespmem:$0x1C200] =	vst v63  }
0x326: {  	v8 =	vld [tilespmem:$0x1C130];
	_ =	sdelay $0x4  }
0x327: {  	v63 =	vshll.u32 v8, $0x2  }
0x328: {  	v8 =	vand.u32 $0x7, v8;
	v9 =	vand.u32 $0xFFFFFFE0, v63  }
0x329: {  	v8 =	vor.u32 v8, v9  }
0x32a: {  	v9 =	vperm.xlane v8, v4;
	_ =	sdelay $0x1  }
0x32b: {  	v9 =	vadd.s32 v5, v9;
	_ =	sdelay $0x1  }
0x32c: {  	v8 =	vperm.xlane v8, v6;
	_ =	sdelay $0x1  }
0x32d: {  	s12 =	simm.s32 $0xE080;
	v8 =	vadd.s32 v5, v8  }
0x32e: {  	[tilespmem:s12], [sflag:$0x1] =	stream.indirect_vreg.gather [hbm4b:s13+s3], $0x80, v9, vm3, $0xb8;
	[tilespmem:$0x1C200] =	vst v63  }
0x32f: {  	s8 =	simm.s32 $0xE880  }
0x330: {  	[tilespmem:s8], [sflag:$0x1] =	stream.indirect_vreg.gather [hbm4b:s17+s3], $0x80, v9, vm3, $0xb8;
	[tilespmem:$0x1C200] =	vst v63  }
0x331: {  	s11 =	simm.s32 $0xF080  }
0x332: {  	[tilespmem:s11], [sflag:$0x1] =	stream.indirect_vreg.gather [hbm4b:s13+s3], $0x80, v8, vm3, $0xb8;
	[tilespmem:$0x1C200] =	vst v63  }
0x333: {  	s12 =	simm.s32 $0xF880  }
0x334: {  	[tilespmem:s12], [sflag:$0x1] =	stream.indirect_vreg.gather [hbm4b:s17+s3], $0x80, v8, vm3, $0xb8;
	[tilespmem:$0x1C200] =	vst v63  }
.LBB2_11:
0x335: {  	s8 =	simm.s32 @!p4 $0x1  }
0x336: {  	_ =	swait.ge @!p4 [sflag:s8], $0x8000  }
0x337: {  	[sflag:s8] =	ssyncset.done @!p4 $0x0  }
0x338: {  	s12 =	simm.s32 @!p4 $0x80;
	[sflag:s8] =	ssyncadd.s32 @!p4 $0xFFFF8000;
	s8 =	simm.s32 @!p4 $0x0  }
0x339: {  	[hbm4b:s10+s8] =	stream.linear.scatter @!p4 [tilespmem:s12], [sflag:$0x2], $0x8000, $0x38;
	[tilespmem:$0x1C200] =	vst v63  }
0x33a: {  	s8 =	simm.s32 @!p5 $0x2  }
0x33b: {  	_ =	swait.ge @!p5 [sflag:s8], $0x8000  }
0x33c: {  	s2 =	sld [smem:$0x7EF];
	_ =	sdelay $0x2  }
0x33d: {  	p2 =	slt.u32 s28, s2  }
.Ltmp7:
0x33e: {  	_ = 	snop;
	(pc) =	sbr.rel @p2 .LBB2_13-.Ltmp7, $3  }
0x33f: {  	_ =	sdelay $0x1  }
0x340: {  	[sflag:s8] =	ssyncset.done @!p5 $0x0  }
0x341: {  	[sflag:s8] =	ssyncadd.s32 @!p5 $0xFFFF8000  }
0x342: {  	s2 =	rddreg [dreg:$0x1b]  }
0x343: {  	s8 =	sadd.s32 s2, s23  }
0x344: {  	v8 =	vadd.s32 s8, v0  }
0x345: {  	v9 =	vshll.u32 v8, $0x2  }
0x346: {  	v10 =	vand.u32 $0x7, v8;
	v9 =	vand.u32 $0xFFFFFFE0, v9  }
0x347: {  	v9 =	vor.u32 v10, v9  }
0x348: {  	v10 =	vperm.xlane v9, v4;
	_ =	sdelay $0x1  }
0x349: {  	s12 =	sadd.s32 $0x10, s8;
	v10 =	vadd.s32 v5, v10  }
0x34a: {  	s11 =	sadd.s32 $0x20, s8;
	[tilespmem:$0x1C180] =	vst v8;
	v8 =	vadd.s32 s12, v0  }
0x34b: {  	s8 =	sadd.s32 $0x30, s8;
	[tilespmem:$0x1C190] =	vst v8;
	v8 =	vadd.s32 s11, v0;
	v9 =	vperm.xlane v9, v6  }
0x34c: {  	[tilespmem:$0x1C1A0] =	vst v8;
	v8 =	vadd.s32 s8, v0  }
0x34d: {  	s12 =	simm.s32 $0x10080;
	[tilespmem:$0x1C1B0] =	vst v8;
	v8 =	vadd.s32 v5, v9  }
0x34e: {  	[tilespmem:s12], [sflag:$0x1] =	stream.indirect_vreg.gather [hbm4b:s13+s3], $0x80, v10, vm3, $0xb8;
	[tilespmem:$0x1C200] =	vst v63  }
0x34f: {  	s8 =	simm.s32 $0x10880  }
0x350: {  	[tilespmem:s8], [sflag:$0x1] =	stream.indirect_vreg.gather [hbm4b:s17+s3], $0x80, v10, vm3, $0xb8;
	[tilespmem:$0x1C200] =	vst v63  }
0x351: {  	s11 =	simm.s32 $0x11080  }
0x352: {  	[tilespmem:s11], [sflag:$0x1] =	stream.indirect_vreg.gather [hbm4b:s13+s3], $0x80, v8, vm3, $0xb8;
	[tilespmem:$0x1C200] =	vst v63  }
0x353: {  	s12 =	simm.s32 $0x11880  }
0x354: {  	[tilespmem:s12], [sflag:$0x1] =	stream.indirect_vreg.gather [hbm4b:s17+s3], $0x80, v8, vm3, $0xb8;
	[tilespmem:$0x1C200] =	vst v63  }
0x355: {  	v8 =	vld [tilespmem:$0x1C190];
	_ =	sdelay $0x4  }
0x356: {  	v61 =	vshll.u32 v8, $0x2  }
0x357: {  	v8 =	vand.u32 $0x7, v8;
	v9 =	vand.u32 $0xFFFFFFE0, v61  }
0x358: {  	v8 =	vor.u32 v8, v9  }
0x359: {  	v9 =	vperm.xlane v8, v4;
	_ =	sdelay $0x1  }
0x35a: {  	v9 =	vadd.s32 v5, v9;
	_ =	sdelay $0x1  }
0x35b: {  	v8 =	vperm.xlane v8, v6;
	_ =	sdelay $0x1  }
0x35c: {  	s8 =	simm.s32 $0x12080;
	v8 =	vadd.s32 v5, v8  }
0x35d: {  	[tilespmem:s8], [sflag:$0x1] =	stream.indirect_vreg.gather [hbm4b:s13+s3], $0x80, v9, vm3, $0xb8;
	[tilespmem:$0x1C200] =	vst v63  }
0x35e: {  	s11 =	simm.s32 $0x12880  }
0x35f: {  	[tilespmem:s11], [sflag:$0x1] =	stream.indirect_vreg.gather [hbm4b:s17+s3], $0x80, v9, vm3, $0xb8;
	[tilespmem:$0x1C200] =	vst v63  }
0x360: {  	s12 =	simm.s32 $0x13080  }
0x361: {  	[tilespmem:s12], [sflag:$0x1] =	stream.indirect_vreg.gather [hbm4b:s13+s3], $0x80, v8, vm3, $0xb8;
	[tilespmem:$0x1C200] =	vst v63  }
0x362: {  	s8 =	simm.s32 $0x13880  }
0x363: {  	[tilespmem:s8], [sflag:$0x1] =	stream.indirect_vreg.gather [hbm4b:s17+s3], $0x80, v8, vm3, $0xb8;
	[tilespmem:$0x1C200] =	vst v63  }
0x364: {  	v8 =	vld [tilespmem:$0x1C1A0];
	_ =	sdelay $0x4  }
0x365: {  	v62 =	vshll.u32 v8, $0x2  }
0x366: {  	v8 =	vand.u32 $0x7, v8;
	v9 =	vand.u32 $0xFFFFFFE0, v62  }
0x367: {  	v8 =	vor.u32 v8, v9  }
0x368: {  	v9 =	vperm.xlane v8, v4;
	_ =	sdelay $0x1  }
0x369: {  	v9 =	vadd.s32 v5, v9;
	_ =	sdelay $0x1  }
0x36a: {  	v8 =	vperm.xlane v8, v6;
	_ =	sdelay $0x1  }
0x36b: {  	s11 =	simm.s32 $0x14080;
	v8 =	vadd.s32 v5, v8  }
0x36c: {  	[tilespmem:s11], [sflag:$0x1] =	stream.indirect_vreg.gather [hbm4b:s13+s3], $0x80, v9, vm3, $0xb8;
	[tilespmem:$0x1C200] =	vst v63  }
0x36d: {  	s12 =	simm.s32 $0x14880  }
0x36e: {  	[tilespmem:s12], [sflag:$0x1] =	stream.indirect_vreg.gather [hbm4b:s17+s3], $0x80, v9, vm3, $0xb8;
	[tilespmem:$0x1C200] =	vst v63  }
0x36f: {  	s8 =	simm.s32 $0x15080  }
0x370: {  	[tilespmem:s8], [sflag:$0x1] =	stream.indirect_vreg.gather [hbm4b:s13+s3], $0x80, v8, vm3, $0xb8;
	[tilespmem:$0x1C200] =	vst v63  }
0x371: {  	s11 =	simm.s32 $0x15880  }
0x372: {  	[tilespmem:s11], [sflag:$0x1] =	stream.indirect_vreg.gather [hbm4b:s17+s3], $0x80, v8, vm3, $0xb8;
	[tilespmem:$0x1C200] =	vst v63  }
0x373: {  	v8 =	vld [tilespmem:$0x1C1B0];
	_ =	sdelay $0x4  }
0x374: {  	v63 =	vshll.u32 v8, $0x2  }
0x375: {  	v8 =	vand.u32 $0x7, v8;
	v9 =	vand.u32 $0xFFFFFFE0, v63  }
0x376: {  	v8 =	vor.u32 v8, v9  }
0x377: {  	v9 =	vperm.xlane v8, v4;
	_ =	sdelay $0x1  }
0x378: {  	v9 =	vadd.s32 v5, v9;
	_ =	sdelay $0x1  }
0x379: {  	v8 =	vperm.xlane v8, v6;
	_ =	sdelay $0x1  }
0x37a: {  	s12 =	simm.s32 $0x16080;
	v8 =	vadd.s32 v5, v8  }
0x37b: {  	[tilespmem:s12], [sflag:$0x1] =	stream.indirect_vreg.gather [hbm4b:s13+s3], $0x80, v9, vm3, $0xb8;
	[tilespmem:$0x1C200] =	vst v63  }
0x37c: {  	s8 =	simm.s32 $0x16880  }
0x37d: {  	[tilespmem:s8], [sflag:$0x1] =	stream.indirect_vreg.gather [hbm4b:s17+s3], $0x80, v9, vm3, $0xb8;
	[tilespmem:$0x1C200] =	vst v63  }
0x37e: {  	s11 =	simm.s32 $0x17080  }
0x37f: {  	[tilespmem:s11], [sflag:$0x1] =	stream.indirect_vreg.gather [hbm4b:s13+s3], $0x80, v8, vm3, $0xb8;
	[tilespmem:$0x1C200] =	vst v63  }
0x380: {  	s12 =	simm.s32 $0x17880  }
0x381: {  	[tilespmem:s12], [sflag:$0x1] =	stream.indirect_vreg.gather [hbm4b:s17+s3], $0x80, v8, vm3, $0xb8;
	[tilespmem:$0x1C200] =	vst v63  }
.LBB2_13:
0x382: {  	s8 =	simm.s32 @!p3 $0x1  }
0x383: {  	_ =	swait.ge @!p3 [sflag:s8], $0x8000  }
0x384: {  	[sflag:s8] =	ssyncset.done @!p3 $0x0  }
0x385: {  	s12 =	simm.s32 @!p3 $0x8080;
	[sflag:s8] =	ssyncadd.s32 @!p3 $0xFFFF8000;
	s8 =	simm.s32 @!p3 $0x0  }
0x386: {  	[hbm4b:s9+s8] =	stream.linear.scatter @!p3 [tilespmem:s12], [sflag:$0x2], $0x8000, $0x38;
	[tilespmem:$0x1C200] =	vst v63  }
0x387: {  	s8 =	simm.s32 @!p4 $0x2  }
0x388: {  	_ =	swait.ge @!p4 [sflag:s8], $0x8000  }
0x389: {  	s2 =	sld [smem:$0x7F0];
	_ =	sdelay $0x2  }
0x38a: {  	p5 =	slt.u32 s28, s2  }
.Ltmp8:
0x38b: {  	_ = 	snop;
	(pc) =	sbr.rel @p5 .LBB2_15-.Ltmp8, $3  }
0x38c: {  	_ =	sdelay $0x1  }
0x38d: {  	[sflag:s8] =	ssyncset.done @!p4 $0x0  }
0x38e: {  	[sflag:s8] =	ssyncadd.s32 @!p4 $0xFFFF8000  }
0x38f: {  	s2 =	rddreg [dreg:$0x1a]  }
0x390: {  	s8 =	sadd.s32 s2, s23  }
0x391: {  	v8 =	vadd.s32 s8, v0  }
0x392: {  	v9 =	vshll.u32 v8, $0x2  }
0x393: {  	v10 =	vand.u32 $0x7, v8;
	v9 =	vand.u32 $0xFFFFFFE0, v9  }
0x394: {  	v9 =	vor.u32 v10, v9  }
0x395: {  	v10 =	vperm.xlane v9, v4;
	_ =	sdelay $0x1  }
0x396: {  	s12 =	sadd.s32 $0x10, s8;
	v10 =	vadd.s32 v5, v10  }
0x397: {  	s11 =	sadd.s32 $0x20, s8;
	[tilespmem:$0x1C080] =	vst v8;
	v8 =	vadd.s32 s12, v0  }
0x398: {  	s8 =	sadd.s32 $0x30, s8;
	[tilespmem:$0x1C090] =	vst v8;
	v8 =	vadd.s32 s11, v0;
	v9 =	vperm.xlane v9, v6  }
0x399: {  	[tilespmem:$0x1C0A0] =	vst v8;
	v8 =	vadd.s32 s8, v0  }
0x39a: {  	s12 =	simm.s32 $0x80;
	[tilespmem:$0x1C0B0] =	vst v8;
	v8 =	vadd.s32 v5, v9  }
0x39b: {  	[tilespmem:s12], [sflag:$0x1] =	stream.indirect_vreg.gather [hbm4b:s13+s3], $0x80, v10, vm3, $0xb8;
	[tilespmem:$0x1C200] =	vst v63  }
0x39c: {  	s8 =	simm.s32 $0x880  }
0x39d: {  	[tilespmem:s8], [sflag:$0x1] =	stream.indirect_vreg.gather [hbm4b:s17+s3], $0x80, v10, vm3, $0xb8;
	[tilespmem:$0x1C200] =	vst v63  }
0x39e: {  	s11 =	simm.s32 $0x1080  }
0x39f: {  	[tilespmem:s11], [sflag:$0x1] =	stream.indirect_vreg.gather [hbm4b:s13+s3], $0x80, v8, vm3, $0xb8;
	[tilespmem:$0x1C200] =	vst v63  }
0x3a0: {  	s12 =	simm.s32 $0x1880  }
0x3a1: {  	[tilespmem:s12], [sflag:$0x1] =	stream.indirect_vreg.gather [hbm4b:s17+s3], $0x80, v8, vm3, $0xb8;
	[tilespmem:$0x1C200] =	vst v63  }
0x3a2: {  	v8 =	vld [tilespmem:$0x1C090];
	_ =	sdelay $0x4  }
0x3a3: {  	v61 =	vshll.u32 v8, $0x2  }
0x3a4: {  	v8 =	vand.u32 $0x7, v8;
	v9 =	vand.u32 $0xFFFFFFE0, v61  }
0x3a5: {  	v8 =	vor.u32 v8, v9  }
0x3a6: {  	v9 =	vperm.xlane v8, v4;
	_ =	sdelay $0x1  }
0x3a7: {  	v9 =	vadd.s32 v5, v9;
	_ =	sdelay $0x1  }
0x3a8: {  	v8 =	vperm.xlane v8, v6;
	_ =	sdelay $0x1  }
0x3a9: {  	s8 =	simm.s32 $0x2080;
	v8 =	vadd.s32 v5, v8  }
0x3aa: {  	[tilespmem:s8], [sflag:$0x1] =	stream.indirect_vreg.gather [hbm4b:s13+s3], $0x80, v9, vm3, $0xb8;
	[tilespmem:$0x1C200] =	vst v63  }
0x3ab: {  	s11 =	simm.s32 $0x2880  }
0x3ac: {  	[tilespmem:s11], [sflag:$0x1] =	stream.indirect_vreg.gather [hbm4b:s17+s3], $0x80, v9, vm3, $0xb8;
	[tilespmem:$0x1C200] =	vst v63  }
0x3ad: {  	s12 =	simm.s32 $0x3080  }
0x3ae: {  	[tilespmem:s12], [sflag:$0x1] =	stream.indirect_vreg.gather [hbm4b:s13+s3], $0x80, v8, vm3, $0xb8;
	[tilespmem:$0x1C200] =	vst v63  }
0x3af: {  	s8 =	simm.s32 $0x3880  }
0x3b0: {  	[tilespmem:s8], [sflag:$0x1] =	stream.indirect_vreg.gather [hbm4b:s17+s3], $0x80, v8, vm3, $0xb8;
	[tilespmem:$0x1C200] =	vst v63  }
0x3b1: {  	v8 =	vld [tilespmem:$0x1C0A0];
	_ =	sdelay $0x4  }
0x3b2: {  	v62 =	vshll.u32 v8, $0x2  }
0x3b3: {  	v8 =	vand.u32 $0x7, v8;
	v9 =	vand.u32 $0xFFFFFFE0, v62  }
0x3b4: {  	v8 =	vor.u32 v8, v9  }
0x3b5: {  	v9 =	vperm.xlane v8, v4;
	_ =	sdelay $0x1  }
0x3b6: {  	v9 =	vadd.s32 v5, v9;
	_ =	sdelay $0x1  }
0x3b7: {  	v8 =	vperm.xlane v8, v6;
	_ =	sdelay $0x1  }
0x3b8: {  	s11 =	simm.s32 $0x4080;
	v8 =	vadd.s32 v5, v8  }
0x3b9: {  	[tilespmem:s11], [sflag:$0x1] =	stream.indirect_vreg.gather [hbm4b:s13+s3], $0x80, v9, vm3, $0xb8;
	[tilespmem:$0x1C200] =	vst v63  }
0x3ba: {  	s12 =	simm.s32 $0x4880  }
0x3bb: {  	[tilespmem:s12], [sflag:$0x1] =	stream.indirect_vreg.gather [hbm4b:s17+s3], $0x80, v9, vm3, $0xb8;
	[tilespmem:$0x1C200] =	vst v63  }
0x3bc: {  	s8 =	simm.s32 $0x5080  }
0x3bd: {  	[tilespmem:s8], [sflag:$0x1] =	stream.indirect_vreg.gather [hbm4b:s13+s3], $0x80, v8, vm3, $0xb8;
	[tilespmem:$0x1C200] =	vst v63  }
0x3be: {  	s11 =	simm.s32 $0x5880  }
0x3bf: {  	[tilespmem:s11], [sflag:$0x1] =	stream.indirect_vreg.gather [hbm4b:s17+s3], $0x80, v8, vm3, $0xb8;
	[tilespmem:$0x1C200] =	vst v63  }
0x3c0: {  	v8 =	vld [tilespmem:$0x1C0B0];
	_ =	sdelay $0x4  }
0x3c1: {  	v63 =	vshll.u32 v8, $0x2  }
0x3c2: {  	v8 =	vand.u32 $0x7, v8;
	v9 =	vand.u32 $0xFFFFFFE0, v63  }
0x3c3: {  	v8 =	vor.u32 v8, v9  }
0x3c4: {  	v9 =	vperm.xlane v8, v4;
	_ =	sdelay $0x1  }
0x3c5: {  	v9 =	vadd.s32 v5, v9;
	_ =	sdelay $0x1  }
0x3c6: {  	v8 =	vperm.xlane v8, v6;
	_ =	sdelay $0x1  }
0x3c7: {  	s12 =	simm.s32 $0x6080;
	v8 =	vadd.s32 v5, v8  }
0x3c8: {  	[tilespmem:s12], [sflag:$0x1] =	stream.indirect_vreg.gather [hbm4b:s13+s3], $0x80, v9, vm3, $0xb8;
	[tilespmem:$0x1C200] =	vst v63  }
0x3c9: {  	s8 =	simm.s32 $0x6880  }
0x3ca: {  	[tilespmem:s8], [sflag:$0x1] =	stream.indirect_vreg.gather [hbm4b:s17+s3], $0x80, v9, vm3, $0xb8;
	[tilespmem:$0x1C200] =	vst v63  }
0x3cb: {  	s11 =	simm.s32 $0x7080  }
0x3cc: {  	[tilespmem:s11], [sflag:$0x1] =	stream.indirect_vreg.gather [hbm4b:s13+s3], $0x80, v8, vm3, $0xb8;
	[tilespmem:$0x1C200] =	vst v63  }
0x3cd: {  	s12 =	simm.s32 $0x7880  }
0x3ce: {  	[tilespmem:s12], [sflag:$0x1] =	stream.indirect_vreg.gather [hbm4b:s17+s3], $0x80, v8, vm3, $0xb8;
	[tilespmem:$0x1C200] =	vst v63  }
.LBB2_15:
0x3cf: {  	s8 =	simm.s32 @!p2 $0x1  }
0x3d0: {  	_ =	swait.ge @!p2 [sflag:s8], $0x8000  }
0x3d1: {  	[sflag:s8] =	ssyncset.done @!p2 $0x0  }
0x3d2: {  	s12 =	simm.s32 @!p2 $0x10080;
	[sflag:s8] =	ssyncadd.s32 @!p2 $0xFFFF8000;
	s8 =	simm.s32 @!p2 $0x0  }
0x3d3: {  	[hbm4b:s6+s8] =	stream.linear.scatter @!p2 [tilespmem:s12], [sflag:$0x2], $0x8000, $0x38;
	[tilespmem:$0x1C200] =	vst v63  }
0x3d4: {  	s8 =	simm.s32 @!p3 $0x2  }
0x3d5: {  	_ =	swait.ge @!p3 [sflag:s8], $0x8000  }
0x3d6: {  	s2 =	sld [smem:$0x7F1];
	_ =	sdelay $0x2  }
0x3d7: {  	p4 =	slt.u32 s28, s2  }
.Ltmp9:
0x3d8: {  	_ = 	snop;
	(pc) =	sbr.rel @p4 .LBB2_17-.Ltmp9, $3  }
0x3d9: {  	_ =	sdelay $0x1  }
0x3da: {  	[sflag:s8] =	ssyncset.done @!p3 $0x0  }
0x3db: {  	[sflag:s8] =	ssyncadd.s32 @!p3 $0xFFFF8000  }
0x3dc: {  	s2 =	rddreg [dreg:$0x18]  }
0x3dd: {  	s8 =	sadd.s32 s2, s23  }
0x3de: {  	v8 =	vadd.s32 s8, v0  }
0x3df: {  	v9 =	vshll.u32 v8, $0x2  }
0x3e0: {  	v10 =	vand.u32 $0x7, v8;
	v9 =	vand.u32 $0xFFFFFFE0, v9  }
0x3e1: {  	v9 =	vor.u32 v10, v9  }
0x3e2: {  	v10 =	vperm.xlane v9, v4;
	_ =	sdelay $0x1  }
0x3e3: {  	s12 =	sadd.s32 $0x10, s8;
	v10 =	vadd.s32 v5, v10  }
0x3e4: {  	s11 =	sadd.s32 $0x20, s8;
	[tilespmem:$0x1C100] =	vst v8;
	v8 =	vadd.s32 s12, v0  }
0x3e5: {  	s8 =	sadd.s32 $0x30, s8;
	[tilespmem:$0x1C110] =	vst v8;
	v8 =	vadd.s32 s11, v0;
	v9 =	vperm.xlane v9, v6  }
0x3e6: {  	[tilespmem:$0x1C120] =	vst v8;
	v8 =	vadd.s32 s8, v0  }
0x3e7: {  	s12 =	simm.s32 $0x8080;
	[tilespmem:$0x1C130] =	vst v8;
	v8 =	vadd.s32 v5, v9  }
0x3e8: {  	[tilespmem:s12], [sflag:$0x1] =	stream.indirect_vreg.gather [hbm4b:s13+s3], $0x80, v10, vm3, $0xb8;
	[tilespmem:$0x1C200] =	vst v63  }
0x3e9: {  	s8 =	simm.s32 $0x8880  }
0x3ea: {  	[tilespmem:s8], [sflag:$0x1] =	stream.indirect_vreg.gather [hbm4b:s17+s3], $0x80, v10, vm3, $0xb8;
	[tilespmem:$0x1C200] =	vst v63  }
0x3eb: {  	s11 =	simm.s32 $0x9080  }
0x3ec: {  	[tilespmem:s11], [sflag:$0x1] =	stream.indirect_vreg.gather [hbm4b:s13+s3], $0x80, v8, vm3, $0xb8;
	[tilespmem:$0x1C200] =	vst v63  }
0x3ed: {  	s12 =	simm.s32 $0x9880  }
0x3ee: {  	[tilespmem:s12], [sflag:$0x1] =	stream.indirect_vreg.gather [hbm4b:s17+s3], $0x80, v8, vm3, $0xb8;
	[tilespmem:$0x1C200] =	vst v63  }
0x3ef: {  	v8 =	vld [tilespmem:$0x1C110];
	_ =	sdelay $0x4  }
0x3f0: {  	v61 =	vshll.u32 v8, $0x2  }
0x3f1: {  	v8 =	vand.u32 $0x7, v8;
	v9 =	vand.u32 $0xFFFFFFE0, v61  }
0x3f2: {  	v8 =	vor.u32 v8, v9  }
0x3f3: {  	v9 =	vperm.xlane v8, v4;
	_ =	sdelay $0x1  }
0x3f4: {  	v9 =	vadd.s32 v5, v9;
	_ =	sdelay $0x1  }
0x3f5: {  	v8 =	vperm.xlane v8, v6;
	_ =	sdelay $0x1  }
0x3f6: {  	s8 =	simm.s32 $0xA080;
	v8 =	vadd.s32 v5, v8  }
0x3f7: {  	[tilespmem:s8], [sflag:$0x1] =	stream.indirect_vreg.gather [hbm4b:s13+s3], $0x80, v9, vm3, $0xb8;
	[tilespmem:$0x1C200] =	vst v63  }
0x3f8: {  	s11 =	simm.s32 $0xA880  }
0x3f9: {  	[tilespmem:s11], [sflag:$0x1] =	stream.indirect_vreg.gather [hbm4b:s17+s3], $0x80, v9, vm3, $0xb8;
	[tilespmem:$0x1C200] =	vst v63  }
0x3fa: {  	s12 =	simm.s32 $0xB080  }
0x3fb: {  	[tilespmem:s12], [sflag:$0x1] =	stream.indirect_vreg.gather [hbm4b:s13+s3], $0x80, v8, vm3, $0xb8;
	[tilespmem:$0x1C200] =	vst v63  }
0x3fc: {  	s8 =	simm.s32 $0xB880  }
0x3fd: {  	[tilespmem:s8], [sflag:$0x1] =	stream.indirect_vreg.gather [hbm4b:s17+s3], $0x80, v8, vm3, $0xb8;
	[tilespmem:$0x1C200] =	vst v63  }
0x3fe: {  	v8 =	vld [tilespmem:$0x1C120];
	_ =	sdelay $0x4  }
0x3ff: {  	v62 =	vshll.u32 v8, $0x2  }
0x400: {  	v8 =	vand.u32 $0x7, v8;
	v9 =	vand.u32 $0xFFFFFFE0, v62  }
0x401: {  	v8 =	vor.u32 v8, v9  }
0x402: {  	v9 =	vperm.xlane v8, v4;
	_ =	sdelay $0x1  }
0x403: {  	v9 =	vadd.s32 v5, v9;
	_ =	sdelay $0x1  }
0x404: {  	v8 =	vperm.xlane v8, v6;
	_ =	sdelay $0x1  }
0x405: {  	s11 =	simm.s32 $0xC080;
	v8 =	vadd.s32 v5, v8  }
0x406: {  	[tilespmem:s11], [sflag:$0x1] =	stream.indirect_vreg.gather [hbm4b:s13+s3], $0x80, v9, vm3, $0xb8;
	[tilespmem:$0x1C200] =	vst v63  }
0x407: {  	s12 =	simm.s32 $0xC880  }
0x408: {  	[tilespmem:s12], [sflag:$0x1] =	stream.indirect_vreg.gather [hbm4b:s17+s3], $0x80, v9, vm3, $0xb8;
	[tilespmem:$0x1C200] =	vst v63  }
0x409: {  	s8 =	simm.s32 $0xD080  }
0x40a: {  	[tilespmem:s8], [sflag:$0x1] =	stream.indirect_vreg.gather [hbm4b:s13+s3], $0x80, v8, vm3, $0xb8;
	[tilespmem:$0x1C200] =	vst v63  }
0x40b: {  	s11 =	simm.s32 $0xD880  }
0x40c: {  	[tilespmem:s11], [sflag:$0x1] =	stream.indirect_vreg.gather [hbm4b:s17+s3], $0x80, v8, vm3, $0xb8;
	[tilespmem:$0x1C200] =	vst v63  }
0x40d: {  	v8 =	vld [tilespmem:$0x1C130];
	_ =	sdelay $0x4  }
0x40e: {  	v63 =	vshll.u32 v8, $0x2  }
0x40f: {  	v8 =	vand.u32 $0x7, v8;
	v9 =	vand.u32 $0xFFFFFFE0, v63  }
0x410: {  	v8 =	vor.u32 v8, v9  }
0x411: {  	v9 =	vperm.xlane v8, v4;
	_ =	sdelay $0x1  }
0x412: {  	v9 =	vadd.s32 v5, v9;
	_ =	sdelay $0x1  }
0x413: {  	v8 =	vperm.xlane v8, v6;
	_ =	sdelay $0x1  }
0x414: {  	s12 =	simm.s32 $0xE080;
	v8 =	vadd.s32 v5, v8  }
0x415: {  	[tilespmem:s12], [sflag:$0x1] =	stream.indirect_vreg.gather [hbm4b:s13+s3], $0x80, v9, vm3, $0xb8;
	[tilespmem:$0x1C200] =	vst v63  }
0x416: {  	s8 =	simm.s32 $0xE880  }
0x417: {  	[tilespmem:s8], [sflag:$0x1] =	stream.indirect_vreg.gather [hbm4b:s17+s3], $0x80, v9, vm3, $0xb8;
	[tilespmem:$0x1C200] =	vst v63  }
0x418: {  	s11 =	simm.s32 $0xF080  }
0x419: {  	[tilespmem:s11], [sflag:$0x1] =	stream.indirect_vreg.gather [hbm4b:s13+s3], $0x80, v8, vm3, $0xb8;
	[tilespmem:$0x1C200] =	vst v63  }
0x41a: {  	s12 =	simm.s32 $0xF880  }
0x41b: {  	[tilespmem:s12], [sflag:$0x1] =	stream.indirect_vreg.gather [hbm4b:s17+s3], $0x80, v8, vm3, $0xb8;
	[tilespmem:$0x1C200] =	vst v63  }
.LBB2_17:
0x41c: {  	s8 =	simm.s32 @!p5 $0x1  }
0x41d: {  	_ =	swait.ge @!p5 [sflag:s8], $0x8000  }
0x41e: {  	[sflag:s8] =	ssyncset.done @!p5 $0x0  }
0x41f: {  	s12 =	simm.s32 @!p5 $0x80;
	[sflag:s8] =	ssyncadd.s32 @!p5 $0xFFFF8000;
	s8 =	simm.s32 @!p5 $0x0  }
0x420: {  	[hbm4b:s1+s8] =	stream.linear.scatter @!p5 [tilespmem:s12], [sflag:$0x2], $0x8000, $0x38;
	[tilespmem:$0x1C200] =	vst v63  }
0x421: {  	s8 =	simm.s32 @!p2 $0x2  }
0x422: {  	_ =	swait.ge @!p2 [sflag:s8], $0x8000  }
0x423: {  	s2 =	sld [smem:$0x7F2];
	_ =	sdelay $0x2  }
0x424: {  	p3 =	slt.u32 s28, s2  }
.Ltmp10:
0x425: {  	_ = 	snop;
	(pc) =	sbr.rel @p3 .LBB2_19-.Ltmp10, $3  }
0x426: {  	_ =	sdelay $0x1  }
0x427: {  	[sflag:s8] =	ssyncset.done @!p2 $0x0  }
0x428: {  	[sflag:s8] =	ssyncadd.s32 @!p2 $0xFFFF8000  }
0x429: {  	s2 =	rddreg [dreg:$0x5]  }
0x42a: {  	s8 =	sadd.s32 s2, s23  }
0x42b: {  	v8 =	vadd.s32 s8, v0  }
0x42c: {  	v9 =	vshll.u32 v8, $0x2  }
0x42d: {  	v10 =	vand.u32 $0x7, v8;
	v9 =	vand.u32 $0xFFFFFFE0, v9  }
0x42e: {  	v9 =	vor.u32 v10, v9  }
0x42f: {  	v10 =	vperm.xlane v9, v4;
	_ =	sdelay $0x1  }
0x430: {  	s12 =	sadd.s32 $0x10, s8;
	v10 =	vadd.s32 v5, v10  }
0x431: {  	s11 =	sadd.s32 $0x20, s8;
	[tilespmem:$0x1C180] =	vst v8;
	v8 =	vadd.s32 s12, v0  }
0x432: {  	s8 =	sadd.s32 $0x30, s8;
	[tilespmem:$0x1C190] =	vst v8;
	v8 =	vadd.s32 s11, v0;
	v9 =	vperm.xlane v9, v6  }
0x433: {  	[tilespmem:$0x1C1A0] =	vst v8;
	v8 =	vadd.s32 s8, v0  }
0x434: {  	s12 =	simm.s32 $0x10080;
	[tilespmem:$0x1C1B0] =	vst v8;
	v8 =	vadd.s32 v5, v9  }
0x435: {  	[tilespmem:s12], [sflag:$0x1] =	stream.indirect_vreg.gather [hbm4b:s13+s3], $0x80, v10, vm3, $0xb8;
	[tilespmem:$0x1C200] =	vst v63  }
0x436: {  	s8 =	simm.s32 $0x10880  }
0x437: {  	[tilespmem:s8], [sflag:$0x1] =	stream.indirect_vreg.gather [hbm4b:s17+s3], $0x80, v10, vm3, $0xb8;
	[tilespmem:$0x1C200] =	vst v63  }
0x438: {  	s11 =	simm.s32 $0x11080  }
0x439: {  	[tilespmem:s11], [sflag:$0x1] =	stream.indirect_vreg.gather [hbm4b:s13+s3], $0x80, v8, vm3, $0xb8;
	[tilespmem:$0x1C200] =	vst v63  }
0x43a: {  	s12 =	simm.s32 $0x11880  }
0x43b: {  	[tilespmem:s12], [sflag:$0x1] =	stream.indirect_vreg.gather [hbm4b:s17+s3], $0x80, v8, vm3, $0xb8;
	[tilespmem:$0x1C200] =	vst v63  }
0x43c: {  	v8 =	vld [tilespmem:$0x1C190];
	_ =	sdelay $0x4  }
0x43d: {  	v61 =	vshll.u32 v8, $0x2  }
0x43e: {  	v8 =	vand.u32 $0x7, v8;
	v9 =	vand.u32 $0xFFFFFFE0, v61  }
0x43f: {  	v8 =	vor.u32 v8, v9  }
0x440: {  	v9 =	vperm.xlane v8, v4;
	_ =	sdelay $0x1  }
0x441: {  	v9 =	vadd.s32 v5, v9;
	_ =	sdelay $0x1  }
0x442: {  	v8 =	vperm.xlane v8, v6;
	_ =	sdelay $0x1  }
0x443: {  	s8 =	simm.s32 $0x12080;
	v8 =	vadd.s32 v5, v8  }
0x444: {  	[tilespmem:s8], [sflag:$0x1] =	stream.indirect_vreg.gather [hbm4b:s13+s3], $0x80, v9, vm3, $0xb8;
	[tilespmem:$0x1C200] =	vst v63  }
0x445: {  	s11 =	simm.s32 $0x12880  }
0x446: {  	[tilespmem:s11], [sflag:$0x1] =	stream.indirect_vreg.gather [hbm4b:s17+s3], $0x80, v9, vm3, $0xb8;
	[tilespmem:$0x1C200] =	vst v63  }
0x447: {  	s12 =	simm.s32 $0x13080  }
0x448: {  	[tilespmem:s12], [sflag:$0x1] =	stream.indirect_vreg.gather [hbm4b:s13+s3], $0x80, v8, vm3, $0xb8;
	[tilespmem:$0x1C200] =	vst v63  }
0x449: {  	s8 =	simm.s32 $0x13880  }
0x44a: {  	[tilespmem:s8], [sflag:$0x1] =	stream.indirect_vreg.gather [hbm4b:s17+s3], $0x80, v8, vm3, $0xb8;
	[tilespmem:$0x1C200] =	vst v63  }
0x44b: {  	v8 =	vld [tilespmem:$0x1C1A0];
	_ =	sdelay $0x4  }
0x44c: {  	v62 =	vshll.u32 v8, $0x2  }
0x44d: {  	v8 =	vand.u32 $0x7, v8;
	v9 =	vand.u32 $0xFFFFFFE0, v62  }
0x44e: {  	v8 =	vor.u32 v8, v9  }
0x44f: {  	v9 =	vperm.xlane v8, v4;
	_ =	sdelay $0x1  }
0x450: {  	v9 =	vadd.s32 v5, v9;
	_ =	sdelay $0x1  }
0x451: {  	v8 =	vperm.xlane v8, v6;
	_ =	sdelay $0x1  }
0x452: {  	s11 =	simm.s32 $0x14080;
	v8 =	vadd.s32 v5, v8  }
0x453: {  	[tilespmem:s11], [sflag:$0x1] =	stream.indirect_vreg.gather [hbm4b:s13+s3], $0x80, v9, vm3, $0xb8;
	[tilespmem:$0x1C200] =	vst v63  }
0x454: {  	s12 =	simm.s32 $0x14880  }
0x455: {  	[tilespmem:s12], [sflag:$0x1] =	stream.indirect_vreg.gather [hbm4b:s17+s3], $0x80, v9, vm3, $0xb8;
	[tilespmem:$0x1C200] =	vst v63  }
0x456: {  	s8 =	simm.s32 $0x15080  }
0x457: {  	[tilespmem:s8], [sflag:$0x1] =	stream.indirect_vreg.gather [hbm4b:s13+s3], $0x80, v8, vm3, $0xb8;
	[tilespmem:$0x1C200] =	vst v63  }
0x458: {  	s11 =	simm.s32 $0x15880  }
0x459: {  	[tilespmem:s11], [sflag:$0x1] =	stream.indirect_vreg.gather [hbm4b:s17+s3], $0x80, v8, vm3, $0xb8;
	[tilespmem:$0x1C200] =	vst v63  }
0x45a: {  	v8 =	vld [tilespmem:$0x1C1B0];
	_ =	sdelay $0x4  }
0x45b: {  	v63 =	vshll.u32 v8, $0x2  }
0x45c: {  	v8 =	vand.u32 $0x7, v8;
	v9 =	vand.u32 $0xFFFFFFE0, v63  }
0x45d: {  	v8 =	vor.u32 v8, v9  }
0x45e: {  	v9 =	vperm.xlane v8, v4;
	_ =	sdelay $0x1  }
0x45f: {  	v9 =	vadd.s32 v5, v9;
	_ =	sdelay $0x1  }
0x460: {  	v8 =	vperm.xlane v8, v6;
	_ =	sdelay $0x1  }
0x461: {  	s12 =	simm.s32 $0x16080;
	v8 =	vadd.s32 v5, v8  }
0x462: {  	[tilespmem:s12], [sflag:$0x1] =	stream.indirect_vreg.gather [hbm4b:s13+s3], $0x80, v9, vm3, $0xb8;
	[tilespmem:$0x1C200] =	vst v63  }
0x463: {  	s8 =	simm.s32 $0x16880  }
0x464: {  	[tilespmem:s8], [sflag:$0x1] =	stream.indirect_vreg.gather [hbm4b:s17+s3], $0x80, v9, vm3, $0xb8;
	[tilespmem:$0x1C200] =	vst v63  }
0x465: {  	s11 =	simm.s32 $0x17080  }
0x466: {  	[tilespmem:s11], [sflag:$0x1] =	stream.indirect_vreg.gather [hbm4b:s13+s3], $0x80, v8, vm3, $0xb8;
	[tilespmem:$0x1C200] =	vst v63  }
0x467: {  	s12 =	simm.s32 $0x17880  }
0x468: {  	[tilespmem:s12], [sflag:$0x1] =	stream.indirect_vreg.gather [hbm4b:s17+s3], $0x80, v8, vm3, $0xb8;
	[tilespmem:$0x1C200] =	vst v63  }
.LBB2_19:
0x469: {  	s8 =	simm.s32 @!p4 $0x1  }
0x46a: {  	_ =	swait.ge @!p4 [sflag:s8], $0x8000  }
0x46b: {  	[sflag:s8] =	ssyncset.done @!p4 $0x0  }
0x46c: {  	s12 =	simm.s32 @!p4 $0x8080;
	[sflag:s8] =	ssyncadd.s32 @!p4 $0xFFFF8000;
	s8 =	simm.s32 @!p4 $0x0  }
0x46d: {  	[hbm4b:s20+s8] =	stream.linear.scatter @!p4 [tilespmem:s12], [sflag:$0x2], $0x8000, $0x38;
	[tilespmem:$0x1C200] =	vst v63  }
0x46e: {  	s8 =	simm.s32 @!p5 $0x2  }
0x46f: {  	_ =	swait.ge @!p5 [sflag:s8], $0x8000  }
0x470: {  	s2 =	sld [smem:$0x7F3];
	_ =	sdelay $0x2  }
0x471: {  	p2 =	slt.u32 s28, s2  }
.Ltmp11:
0x472: {  	_ = 	snop;
	(pc) =	sbr.rel @p2 .LBB2_21-.Ltmp11, $3  }
0x473: {  	_ =	sdelay $0x1  }
0x474: {  	[sflag:s8] =	ssyncset.done @!p5 $0x0  }
0x475: {  	[sflag:s8] =	ssyncadd.s32 @!p5 $0xFFFF8000  }
0x476: {  	s8 =	sadd.s32 s31, s23  }
0x477: {  	v8 =	vadd.s32 s8, v0  }
0x478: {  	v9 =	vshll.u32 v8, $0x2  }
0x479: {  	v10 =	vand.u32 $0x7, v8;
	v9 =	vand.u32 $0xFFFFFFE0, v9  }
0x47a: {  	v9 =	vor.u32 v10, v9  }
0x47b: {  	v10 =	vperm.xlane v9, v4;
	_ =	sdelay $0x1  }
0x47c: {  	s12 =	sadd.s32 $0x10, s8;
	v10 =	vadd.s32 v5, v10  }
0x47d: {  	s2 =	sadd.s32 $0x20, s8;
	[tilespmem:$0x1C080] =	vst v8;
	v8 =	vadd.s32 s12, v0  }
0x47e: {  	s8 =	sadd.s32 $0x30, s8;
	[tilespmem:$0x1C090] =	vst v8;
	v8 =	vadd.s32 s2, v0;
	v9 =	vperm.xlane v9, v6  }
0x47f: {  	[tilespmem:$0x1C0A0] =	vst v8;
	v8 =	vadd.s32 s8, v0  }
0x480: {  	s2 =	simm.s32 $0x80;
	[tilespmem:$0x1C0B0] =	vst v8;
	v8 =	vadd.s32 v5, v9  }
0x481: {  	[tilespmem:s2], [sflag:$0x1] =	stream.indirect_vreg.gather [hbm4b:s13+s3], $0x80, v10, vm3, $0xb8;
	[tilespmem:$0x1C200] =	vst v63  }
0x482: {  	s8 =	simm.s32 $0x880  }
0x483: {  	[tilespmem:s8], [sflag:$0x1] =	stream.indirect_vreg.gather [hbm4b:s17+s3], $0x80, v10, vm3, $0xb8;
	[tilespmem:$0x1C200] =	vst v63  }
0x484: {  	s11 =	simm.s32 $0x1080  }
0x485: {  	[tilespmem:s11], [sflag:$0x1] =	stream.indirect_vreg.gather [hbm4b:s13+s3], $0x80, v8, vm3, $0xb8;
	[tilespmem:$0x1C200] =	vst v63  }
0x486: {  	s12 =	simm.s32 $0x1880  }
0x487: {  	[tilespmem:s12], [sflag:$0x1] =	stream.indirect_vreg.gather [hbm4b:s17+s3], $0x80, v8, vm3, $0xb8;
	[tilespmem:$0x1C200] =	vst v63  }
0x488: {  	v8 =	vld [tilespmem:$0x1C090];
	_ =	sdelay $0x4  }
0x489: {  	v61 =	vshll.u32 v8, $0x2  }
0x48a: {  	v8 =	vand.u32 $0x7, v8;
	v9 =	vand.u32 $0xFFFFFFE0, v61  }
0x48b: {  	v8 =	vor.u32 v8, v9  }
0x48c: {  	v9 =	vperm.xlane v8, v4;
	_ =	sdelay $0x1  }
0x48d: {  	v9 =	vadd.s32 v5, v9;
	_ =	sdelay $0x1  }
0x48e: {  	v8 =	vperm.xlane v8, v6;
	_ =	sdelay $0x1  }
0x48f: {  	s8 =	simm.s32 $0x2080;
	v8 =	vadd.s32 v5, v8  }
0x490: {  	[tilespmem:s8], [sflag:$0x1] =	stream.indirect_vreg.gather [hbm4b:s13+s3], $0x80, v9, vm3, $0xb8;
	[tilespmem:$0x1C200] =	vst v63  }
0x491: {  	s11 =	simm.s32 $0x2880  }
0x492: {  	[tilespmem:s11], [sflag:$0x1] =	stream.indirect_vreg.gather [hbm4b:s17+s3], $0x80, v9, vm3, $0xb8;
	[tilespmem:$0x1C200] =	vst v63  }
0x493: {  	s12 =	simm.s32 $0x3080  }
0x494: {  	[tilespmem:s12], [sflag:$0x1] =	stream.indirect_vreg.gather [hbm4b:s13+s3], $0x80, v8, vm3, $0xb8;
	[tilespmem:$0x1C200] =	vst v63  }
0x495: {  	s8 =	simm.s32 $0x3880  }
0x496: {  	[tilespmem:s8], [sflag:$0x1] =	stream.indirect_vreg.gather [hbm4b:s17+s3], $0x80, v8, vm3, $0xb8;
	[tilespmem:$0x1C200] =	vst v63  }
0x497: {  	v8 =	vld [tilespmem:$0x1C0A0];
	_ =	sdelay $0x4  }
0x498: {  	v62 =	vshll.u32 v8, $0x2  }
0x499: {  	v8 =	vand.u32 $0x7, v8;
	v9 =	vand.u32 $0xFFFFFFE0, v62  }
0x49a: {  	v8 =	vor.u32 v8, v9  }
0x49b: {  	v9 =	vperm.xlane v8, v4;
	_ =	sdelay $0x1  }
0x49c: {  	v9 =	vadd.s32 v5, v9;
	_ =	sdelay $0x1  }
0x49d: {  	v8 =	vperm.xlane v8, v6;
	_ =	sdelay $0x1  }
0x49e: {  	s11 =	simm.s32 $0x4080;
	v8 =	vadd.s32 v5, v8  }
0x49f: {  	[tilespmem:s11], [sflag:$0x1] =	stream.indirect_vreg.gather [hbm4b:s13+s3], $0x80, v9, vm3, $0xb8;
	[tilespmem:$0x1C200] =	vst v63  }
0x4a0: {  	s12 =	simm.s32 $0x4880  }
0x4a1: {  	[tilespmem:s12], [sflag:$0x1] =	stream.indirect_vreg.gather [hbm4b:s17+s3], $0x80, v9, vm3, $0xb8;
	[tilespmem:$0x1C200] =	vst v63  }
0x4a2: {  	s8 =	simm.s32 $0x5080  }
0x4a3: {  	[tilespmem:s8], [sflag:$0x1] =	stream.indirect_vreg.gather [hbm4b:s13+s3], $0x80, v8, vm3, $0xb8;
	[tilespmem:$0x1C200] =	vst v63  }
0x4a4: {  	s11 =	simm.s32 $0x5880  }
0x4a5: {  	[tilespmem:s11], [sflag:$0x1] =	stream.indirect_vreg.gather [hbm4b:s17+s3], $0x80, v8, vm3, $0xb8;
	[tilespmem:$0x1C200] =	vst v63  }
0x4a6: {  	v8 =	vld [tilespmem:$0x1C0B0];
	_ =	sdelay $0x4  }
0x4a7: {  	v63 =	vshll.u32 v8, $0x2  }
0x4a8: {  	v8 =	vand.u32 $0x7, v8;
	v9 =	vand.u32 $0xFFFFFFE0, v63  }
0x4a9: {  	v8 =	vor.u32 v8, v9  }
0x4aa: {  	v9 =	vperm.xlane v8, v4;
	_ =	sdelay $0x1  }
0x4ab: {  	v9 =	vadd.s32 v5, v9;
	_ =	sdelay $0x1  }
0x4ac: {  	v8 =	vperm.xlane v8, v6;
	_ =	sdelay $0x1  }
0x4ad: {  	s12 =	simm.s32 $0x6080;
	v8 =	vadd.s32 v5, v8  }
0x4ae: {  	[tilespmem:s12], [sflag:$0x1] =	stream.indirect_vreg.gather [hbm4b:s13+s3], $0x80, v9, vm3, $0xb8;
	[tilespmem:$0x1C200] =	vst v63  }
0x4af: {  	s8 =	simm.s32 $0x6880  }
0x4b0: {  	[tilespmem:s8], [sflag:$0x1] =	stream.indirect_vreg.gather [hbm4b:s17+s3], $0x80, v9, vm3, $0xb8;
	[tilespmem:$0x1C200] =	vst v63  }
0x4b1: {  	s11 =	simm.s32 $0x7080  }
0x4b2: {  	[tilespmem:s11], [sflag:$0x1] =	stream.indirect_vreg.gather [hbm4b:s13+s3], $0x80, v8, vm3, $0xb8;
	[tilespmem:$0x1C200] =	vst v63  }
0x4b3: {  	s12 =	simm.s32 $0x7880  }
0x4b4: {  	[tilespmem:s12], [sflag:$0x1] =	stream.indirect_vreg.gather [hbm4b:s17+s3], $0x80, v8, vm3, $0xb8;
	[tilespmem:$0x1C200] =	vst v63  }
.LBB2_21:
0x4b5: {  	s8 =	simm.s32 @!p3 $0x1  }
0x4b6: {  	_ =	swait.ge @!p3 [sflag:s8], $0x8000  }
0x4b7: {  	[sflag:s8] =	ssyncset.done @!p3 $0x0  }
0x4b8: {  	s12 =	simm.s32 @!p3 $0x10080;
	[sflag:s8] =	ssyncadd.s32 @!p3 $0xFFFF8000;
	s8 =	simm.s32 @!p3 $0x0  }
0x4b9: {  	[hbm4b:s19+s8] =	stream.linear.scatter @!p3 [tilespmem:s12], [sflag:$0x2], $0x8000, $0x38;
	[tilespmem:$0x1C200] =	vst v63  }
0x4ba: {  	s8 =	simm.s32 @!p4 $0x2  }
0x4bb: {  	_ =	swait.ge @!p4 [sflag:s8], $0x8000  }
0x4bc: {  	s2 =	sld [smem:$0x7F4];
	_ =	sdelay $0x2  }
0x4bd: {  	p5 =	slt.u32 s28, s2  }
.Ltmp12:
0x4be: {  	_ = 	snop;
	(pc) =	sbr.rel @p5 .LBB2_23-.Ltmp12, $3  }
0x4bf: {  	_ =	sdelay $0x1  }
0x4c0: {  	[sflag:s8] =	ssyncset.done @!p4 $0x0  }
0x4c1: {  	[sflag:s8] =	ssyncadd.s32 @!p4 $0xFFFF8000  }
0x4c2: {  	s8 =	sadd.s32 s0, s23  }
0x4c3: {  	v8 =	vadd.s32 s8, v0  }
0x4c4: {  	v9 =	vshll.u32 v8, $0x2  }
0x4c5: {  	v10 =	vand.u32 $0x7, v8;
	v9 =	vand.u32 $0xFFFFFFE0, v9  }
0x4c6: {  	v9 =	vor.u32 v10, v9  }
0x4c7: {  	v10 =	vperm.xlane v9, v4;
	_ =	sdelay $0x1  }
0x4c8: {  	s12 =	sadd.s32 $0x10, s8;
	v10 =	vadd.s32 v5, v10  }
0x4c9: {  	s2 =	sadd.s32 $0x20, s8;
	[tilespmem:$0x1C100] =	vst v8;
	v8 =	vadd.s32 s12, v0  }
0x4ca: {  	s8 =	sadd.s32 $0x30, s8;
	[tilespmem:$0x1C110] =	vst v8;
	v8 =	vadd.s32 s2, v0;
	v9 =	vperm.xlane v9, v6  }
0x4cb: {  	[tilespmem:$0x1C120] =	vst v8;
	v8 =	vadd.s32 s8, v0  }
0x4cc: {  	s2 =	simm.s32 $0x8080;
	[tilespmem:$0x1C130] =	vst v8;
	v8 =	vadd.s32 v5, v9  }
0x4cd: {  	[tilespmem:s2], [sflag:$0x1] =	stream.indirect_vreg.gather [hbm4b:s13+s3], $0x80, v10, vm3, $0xb8;
	[tilespmem:$0x1C200] =	vst v63  }
0x4ce: {  	s8 =	simm.s32 $0x8880  }
0x4cf: {  	[tilespmem:s8], [sflag:$0x1] =	stream.indirect_vreg.gather [hbm4b:s17+s3], $0x80, v10, vm3, $0xb8;
	[tilespmem:$0x1C200] =	vst v63  }
0x4d0: {  	s11 =	simm.s32 $0x9080  }
0x4d1: {  	[tilespmem:s11], [sflag:$0x1] =	stream.indirect_vreg.gather [hbm4b:s13+s3], $0x80, v8, vm3, $0xb8;
	[tilespmem:$0x1C200] =	vst v63  }
0x4d2: {  	s12 =	simm.s32 $0x9880  }
0x4d3: {  	[tilespmem:s12], [sflag:$0x1] =	stream.indirect_vreg.gather [hbm4b:s17+s3], $0x80, v8, vm3, $0xb8;
	[tilespmem:$0x1C200] =	vst v63  }
0x4d4: {  	v8 =	vld [tilespmem:$0x1C110];
	_ =	sdelay $0x4  }
0x4d5: {  	v61 =	vshll.u32 v8, $0x2  }
0x4d6: {  	v8 =	vand.u32 $0x7, v8;
	v9 =	vand.u32 $0xFFFFFFE0, v61  }
0x4d7: {  	v8 =	vor.u32 v8, v9  }
0x4d8: {  	v9 =	vperm.xlane v8, v4;
	_ =	sdelay $0x1  }
0x4d9: {  	v9 =	vadd.s32 v5, v9;
	_ =	sdelay $0x1  }
0x4da: {  	v8 =	vperm.xlane v8, v6;
	_ =	sdelay $0x1  }
0x4db: {  	s8 =	simm.s32 $0xA080;
	v8 =	vadd.s32 v5, v8  }
0x4dc: {  	[tilespmem:s8], [sflag:$0x1] =	stream.indirect_vreg.gather [hbm4b:s13+s3], $0x80, v9, vm3, $0xb8;
	[tilespmem:$0x1C200] =	vst v63  }
0x4dd: {  	s11 =	simm.s32 $0xA880  }
0x4de: {  	[tilespmem:s11], [sflag:$0x1] =	stream.indirect_vreg.gather [hbm4b:s17+s3], $0x80, v9, vm3, $0xb8;
	[tilespmem:$0x1C200] =	vst v63  }
0x4df: {  	s12 =	simm.s32 $0xB080  }
0x4e0: {  	[tilespmem:s12], [sflag:$0x1] =	stream.indirect_vreg.gather [hbm4b:s13+s3], $0x80, v8, vm3, $0xb8;
	[tilespmem:$0x1C200] =	vst v63  }
0x4e1: {  	s8 =	simm.s32 $0xB880  }
0x4e2: {  	[tilespmem:s8], [sflag:$0x1] =	stream.indirect_vreg.gather [hbm4b:s17+s3], $0x80, v8, vm3, $0xb8;
	[tilespmem:$0x1C200] =	vst v63  }
0x4e3: {  	v8 =	vld [tilespmem:$0x1C120];
	_ =	sdelay $0x4  }
0x4e4: {  	v62 =	vshll.u32 v8, $0x2  }
0x4e5: {  	v8 =	vand.u32 $0x7, v8;
	v9 =	vand.u32 $0xFFFFFFE0, v62  }
0x4e6: {  	v8 =	vor.u32 v8, v9  }
0x4e7: {  	v9 =	vperm.xlane v8, v4;
	_ =	sdelay $0x1  }
0x4e8: {  	v9 =	vadd.s32 v5, v9;
	_ =	sdelay $0x1  }
0x4e9: {  	v8 =	vperm.xlane v8, v6;
	_ =	sdelay $0x1  }
0x4ea: {  	s11 =	simm.s32 $0xC080;
	v8 =	vadd.s32 v5, v8  }
0x4eb: {  	[tilespmem:s11], [sflag:$0x1] =	stream.indirect_vreg.gather [hbm4b:s13+s3], $0x80, v9, vm3, $0xb8;
	[tilespmem:$0x1C200] =	vst v63  }
0x4ec: {  	s12 =	simm.s32 $0xC880  }
0x4ed: {  	[tilespmem:s12], [sflag:$0x1] =	stream.indirect_vreg.gather [hbm4b:s17+s3], $0x80, v9, vm3, $0xb8;
	[tilespmem:$0x1C200] =	vst v63  }
0x4ee: {  	s8 =	simm.s32 $0xD080  }
0x4ef: {  	[tilespmem:s8], [sflag:$0x1] =	stream.indirect_vreg.gather [hbm4b:s13+s3], $0x80, v8, vm3, $0xb8;
	[tilespmem:$0x1C200] =	vst v63  }
0x4f0: {  	s11 =	simm.s32 $0xD880  }
0x4f1: {  	[tilespmem:s11], [sflag:$0x1] =	stream.indirect_vreg.gather [hbm4b:s17+s3], $0x80, v8, vm3, $0xb8;
	[tilespmem:$0x1C200] =	vst v63  }
0x4f2: {  	v8 =	vld [tilespmem:$0x1C130];
	_ =	sdelay $0x4  }
0x4f3: {  	v63 =	vshll.u32 v8, $0x2  }
0x4f4: {  	v8 =	vand.u32 $0x7, v8;
	v9 =	vand.u32 $0xFFFFFFE0, v63  }
0x4f5: {  	v8 =	vor.u32 v8, v9  }
0x4f6: {  	v9 =	vperm.xlane v8, v4;
	_ =	sdelay $0x1  }
0x4f7: {  	v9 =	vadd.s32 v5, v9;
	_ =	sdelay $0x1  }
0x4f8: {  	v8 =	vperm.xlane v8, v6;
	_ =	sdelay $0x1  }
0x4f9: {  	s12 =	simm.s32 $0xE080;
	v8 =	vadd.s32 v5, v8  }
0x4fa: {  	[tilespmem:s12], [sflag:$0x1] =	stream.indirect_vreg.gather [hbm4b:s13+s3], $0x80, v9, vm3, $0xb8;
	[tilespmem:$0x1C200] =	vst v63  }
0x4fb: {  	s8 =	simm.s32 $0xE880  }
0x4fc: {  	[tilespmem:s8], [sflag:$0x1] =	stream.indirect_vreg.gather [hbm4b:s17+s3], $0x80, v9, vm3, $0xb8;
	[tilespmem:$0x1C200] =	vst v63  }
0x4fd: {  	s11 =	simm.s32 $0xF080  }
0x4fe: {  	[tilespmem:s11], [sflag:$0x1] =	stream.indirect_vreg.gather [hbm4b:s13+s3], $0x80, v8, vm3, $0xb8;
	[tilespmem:$0x1C200] =	vst v63  }
0x4ff: {  	s12 =	simm.s32 $0xF880  }
0x500: {  	[tilespmem:s12], [sflag:$0x1] =	stream.indirect_vreg.gather [hbm4b:s17+s3], $0x80, v8, vm3, $0xb8;
	[tilespmem:$0x1C200] =	vst v63  }
.LBB2_23:
0x501: {  	s8 =	simm.s32 @!p2 $0x1  }
0x502: {  	_ =	swait.ge @!p2 [sflag:s8], $0x8000  }
0x503: {  	[sflag:s8] =	ssyncset.done @!p2 $0x0  }
0x504: {  	s12 =	simm.s32 @!p2 $0x80;
	[sflag:s8] =	ssyncadd.s32 @!p2 $0xFFFF8000;
	s8 =	simm.s32 @!p2 $0x0  }
0x505: {  	[hbm4b:s18+s8] =	stream.linear.scatter @!p2 [tilespmem:s12], [sflag:$0x2], $0x8000, $0x38;
	[tilespmem:$0x1C200] =	vst v63  }
0x506: {  	s8 =	simm.s32 @!p3 $0x2  }
0x507: {  	_ =	swait.ge @!p3 [sflag:s8], $0x8000  }
0x508: {  	s2 =	sld [smem:$0x7F5];
	_ =	sdelay $0x2  }
0x509: {  	p4 =	slt.u32 s28, s2  }
.Ltmp13:
0x50a: {  	_ = 	snop;
	(pc) =	sbr.rel @p4 .LBB2_25-.Ltmp13, $3  }
0x50b: {  	_ =	sdelay $0x1  }
0x50c: {  	[sflag:s8] =	ssyncset.done @!p3 $0x0  }
0x50d: {  	[sflag:s8] =	ssyncadd.s32 @!p3 $0xFFFF8000  }
0x50e: {  	s8 =	sadd.s32 s4, s23  }
0x50f: {  	v8 =	vadd.s32 s8, v0  }
0x510: {  	v9 =	vshll.u32 v8, $0x2  }
0x511: {  	v10 =	vand.u32 $0x7, v8;
	v9 =	vand.u32 $0xFFFFFFE0, v9  }
0x512: {  	v9 =	vor.u32 v10, v9  }
0x513: {  	v10 =	vperm.xlane v9, v4;
	_ =	sdelay $0x1  }
0x514: {  	s12 =	sadd.s32 $0x10, s8;
	v10 =	vadd.s32 v5, v10  }
0x515: {  	s2 =	sadd.s32 $0x20, s8;
	[tilespmem:$0x1C180] =	vst v8;
	v8 =	vadd.s32 s12, v0  }
0x516: {  	s8 =	sadd.s32 $0x30, s8;
	[tilespmem:$0x1C190] =	vst v8;
	v8 =	vadd.s32 s2, v0;
	v9 =	vperm.xlane v9, v6  }
0x517: {  	[tilespmem:$0x1C1A0] =	vst v8;
	v8 =	vadd.s32 s8, v0  }
0x518: {  	s2 =	simm.s32 $0x10080;
	[tilespmem:$0x1C1B0] =	vst v8;
	v8 =	vadd.s32 v5, v9  }
0x519: {  	[tilespmem:s2], [sflag:$0x1] =	stream.indirect_vreg.gather [hbm4b:s13+s3], $0x80, v10, vm3, $0xb8;
	[tilespmem:$0x1C200] =	vst v63  }
0x51a: {  	s8 =	simm.s32 $0x10880  }
0x51b: {  	[tilespmem:s8], [sflag:$0x1] =	stream.indirect_vreg.gather [hbm4b:s17+s3], $0x80, v10, vm3, $0xb8;
	[tilespmem:$0x1C200] =	vst v63  }
0x51c: {  	s11 =	simm.s32 $0x11080  }
0x51d: {  	[tilespmem:s11], [sflag:$0x1] =	stream.indirect_vreg.gather [hbm4b:s13+s3], $0x80, v8, vm3, $0xb8;
	[tilespmem:$0x1C200] =	vst v63  }
0x51e: {  	s12 =	simm.s32 $0x11880  }
0x51f: {  	[tilespmem:s12], [sflag:$0x1] =	stream.indirect_vreg.gather [hbm4b:s17+s3], $0x80, v8, vm3, $0xb8;
	[tilespmem:$0x1C200] =	vst v63  }
0x520: {  	v8 =	vld [tilespmem:$0x1C190];
	_ =	sdelay $0x4  }
0x521: {  	v61 =	vshll.u32 v8, $0x2  }
0x522: {  	v8 =	vand.u32 $0x7, v8;
	v9 =	vand.u32 $0xFFFFFFE0, v61  }
0x523: {  	v8 =	vor.u32 v8, v9  }
0x524: {  	v9 =	vperm.xlane v8, v4;
	_ =	sdelay $0x1  }
0x525: {  	v9 =	vadd.s32 v5, v9;
	_ =	sdelay $0x1  }
0x526: {  	v8 =	vperm.xlane v8, v6;
	_ =	sdelay $0x1  }
0x527: {  	s8 =	simm.s32 $0x12080;
	v8 =	vadd.s32 v5, v8  }
0x528: {  	[tilespmem:s8], [sflag:$0x1] =	stream.indirect_vreg.gather [hbm4b:s13+s3], $0x80, v9, vm3, $0xb8;
	[tilespmem:$0x1C200] =	vst v63  }
0x529: {  	s11 =	simm.s32 $0x12880  }
0x52a: {  	[tilespmem:s11], [sflag:$0x1] =	stream.indirect_vreg.gather [hbm4b:s17+s3], $0x80, v9, vm3, $0xb8;
	[tilespmem:$0x1C200] =	vst v63  }
0x52b: {  	s12 =	simm.s32 $0x13080  }
0x52c: {  	[tilespmem:s12], [sflag:$0x1] =	stream.indirect_vreg.gather [hbm4b:s13+s3], $0x80, v8, vm3, $0xb8;
	[tilespmem:$0x1C200] =	vst v63  }
0x52d: {  	s8 =	simm.s32 $0x13880  }
0x52e: {  	[tilespmem:s8], [sflag:$0x1] =	stream.indirect_vreg.gather [hbm4b:s17+s3], $0x80, v8, vm3, $0xb8;
	[tilespmem:$0x1C200] =	vst v63  }
0x52f: {  	v8 =	vld [tilespmem:$0x1C1A0];
	_ =	sdelay $0x4  }
0x530: {  	v62 =	vshll.u32 v8, $0x2  }
0x531: {  	v8 =	vand.u32 $0x7, v8;
	v9 =	vand.u32 $0xFFFFFFE0, v62  }
0x532: {  	v8 =	vor.u32 v8, v9  }
0x533: {  	v9 =	vperm.xlane v8, v4;
	_ =	sdelay $0x1  }
0x534: {  	v9 =	vadd.s32 v5, v9;
	_ =	sdelay $0x1  }
0x535: {  	v8 =	vperm.xlane v8, v6;
	_ =	sdelay $0x1  }
0x536: {  	s11 =	simm.s32 $0x14080;
	v8 =	vadd.s32 v5, v8  }
0x537: {  	[tilespmem:s11], [sflag:$0x1] =	stream.indirect_vreg.gather [hbm4b:s13+s3], $0x80, v9, vm3, $0xb8;
	[tilespmem:$0x1C200] =	vst v63  }
0x538: {  	s12 =	simm.s32 $0x14880  }
0x539: {  	[tilespmem:s12], [sflag:$0x1] =	stream.indirect_vreg.gather [hbm4b:s17+s3], $0x80, v9, vm3, $0xb8;
	[tilespmem:$0x1C200] =	vst v63  }
0x53a: {  	s8 =	simm.s32 $0x15080  }
0x53b: {  	[tilespmem:s8], [sflag:$0x1] =	stream.indirect_vreg.gather [hbm4b:s13+s3], $0x80, v8, vm3, $0xb8;
	[tilespmem:$0x1C200] =	vst v63  }
0x53c: {  	s11 =	simm.s32 $0x15880  }
0x53d: {  	[tilespmem:s11], [sflag:$0x1] =	stream.indirect_vreg.gather [hbm4b:s17+s3], $0x80, v8, vm3, $0xb8;
	[tilespmem:$0x1C200] =	vst v63  }
0x53e: {  	v8 =	vld [tilespmem:$0x1C1B0];
	_ =	sdelay $0x4  }
0x53f: {  	v63 =	vshll.u32 v8, $0x2  }
0x540: {  	v8 =	vand.u32 $0x7, v8;
	v9 =	vand.u32 $0xFFFFFFE0, v63  }
0x541: {  	v8 =	vor.u32 v8, v9  }
0x542: {  	v9 =	vperm.xlane v8, v4;
	_ =	sdelay $0x1  }
0x543: {  	v9 =	vadd.s32 v5, v9;
	_ =	sdelay $0x1  }
0x544: {  	v8 =	vperm.xlane v8, v6;
	_ =	sdelay $0x1  }
0x545: {  	s12 =	simm.s32 $0x16080;
	v8 =	vadd.s32 v5, v8  }
0x546: {  	[tilespmem:s12], [sflag:$0x1] =	stream.indirect_vreg.gather [hbm4b:s13+s3], $0x80, v9, vm3, $0xb8;
	[tilespmem:$0x1C200] =	vst v63  }
0x547: {  	s8 =	simm.s32 $0x16880  }
0x548: {  	[tilespmem:s8], [sflag:$0x1] =	stream.indirect_vreg.gather [hbm4b:s17+s3], $0x80, v9, vm3, $0xb8;
	[tilespmem:$0x1C200] =	vst v63  }
0x549: {  	s11 =	simm.s32 $0x17080  }
0x54a: {  	[tilespmem:s11], [sflag:$0x1] =	stream.indirect_vreg.gather [hbm4b:s13+s3], $0x80, v8, vm3, $0xb8;
	[tilespmem:$0x1C200] =	vst v63  }
0x54b: {  	s12 =	simm.s32 $0x17880  }
0x54c: {  	[tilespmem:s12], [sflag:$0x1] =	stream.indirect_vreg.gather [hbm4b:s17+s3], $0x80, v8, vm3, $0xb8;
	[tilespmem:$0x1C200] =	vst v63  }
.LBB2_25:
0x54d: {  	s8 =	simm.s32 @!p5 $0x1  }
0x54e: {  	_ =	swait.ge @!p5 [sflag:s8], $0x8000  }
0x54f: {  	[sflag:s8] =	ssyncset.done @!p5 $0x0  }
0x550: {  	s12 =	simm.s32 @!p5 $0x8080;
	[sflag:s8] =	ssyncadd.s32 @!p5 $0xFFFF8000;
	s8 =	simm.s32 @!p5 $0x0  }
0x551: {  	[hbm4b:s25+s8] =	stream.linear.scatter @!p5 [tilespmem:s12], [sflag:$0x2], $0x8000, $0x38;
	[tilespmem:$0x1C200] =	vst v63  }
0x552: {  	s8 =	simm.s32 @!p2 $0x2  }
0x553: {  	_ =	swait.ge @!p2 [sflag:s8], $0x8000  }
0x554: {  	s2 =	sld [smem:$0x7F6];
	_ =	sdelay $0x2  }
0x555: {  	p3 =	slt.u32 s28, s2  }
.Ltmp14:
0x556: {  	_ = 	snop;
	(pc) =	sbr.rel @p3 .LBB2_27-.Ltmp14, $3  }
0x557: {  	_ =	sdelay $0x1  }
0x558: {  	[sflag:s8] =	ssyncset.done @!p2 $0x0  }
0x559: {  	[sflag:s8] =	ssyncadd.s32 @!p2 $0xFFFF8000  }
0x55a: {  	s8 =	sadd.s32 s16, s23  }
0x55b: {  	v8 =	vadd.s32 s8, v0  }
0x55c: {  	v9 =	vshll.u32 v8, $0x2  }
0x55d: {  	v10 =	vand.u32 $0x7, v8;
	v9 =	vand.u32 $0xFFFFFFE0, v9  }
0x55e: {  	v9 =	vor.u32 v10, v9  }
0x55f: {  	v10 =	vperm.xlane v9, v4;
	_ =	sdelay $0x1  }
0x560: {  	s12 =	sadd.s32 $0x10, s8;
	v10 =	vadd.s32 v5, v10  }
0x561: {  	s2 =	sadd.s32 $0x20, s8;
	[tilespmem:$0x1C080] =	vst v8;
	v8 =	vadd.s32 s12, v0  }
0x562: {  	s8 =	sadd.s32 $0x30, s8;
	[tilespmem:$0x1C090] =	vst v8;
	v8 =	vadd.s32 s2, v0;
	v9 =	vperm.xlane v9, v6  }
0x563: {  	[tilespmem:$0x1C0A0] =	vst v8;
	v8 =	vadd.s32 s8, v0  }
0x564: {  	s2 =	simm.s32 $0x80;
	[tilespmem:$0x1C0B0] =	vst v8;
	v8 =	vadd.s32 v5, v9  }
0x565: {  	[tilespmem:s2], [sflag:$0x1] =	stream.indirect_vreg.gather [hbm4b:s13+s3], $0x80, v10, vm3, $0xb8;
	[tilespmem:$0x1C200] =	vst v63  }
0x566: {  	s8 =	simm.s32 $0x880  }
0x567: {  	[tilespmem:s8], [sflag:$0x1] =	stream.indirect_vreg.gather [hbm4b:s17+s3], $0x80, v10, vm3, $0xb8;
	[tilespmem:$0x1C200] =	vst v63  }
0x568: {  	s11 =	simm.s32 $0x1080  }
0x569: {  	[tilespmem:s11], [sflag:$0x1] =	stream.indirect_vreg.gather [hbm4b:s13+s3], $0x80, v8, vm3, $0xb8;
	[tilespmem:$0x1C200] =	vst v63  }
0x56a: {  	s12 =	simm.s32 $0x1880  }
0x56b: {  	[tilespmem:s12], [sflag:$0x1] =	stream.indirect_vreg.gather [hbm4b:s17+s3], $0x80, v8, vm3, $0xb8;
	[tilespmem:$0x1C200] =	vst v63  }
0x56c: {  	v8 =	vld [tilespmem:$0x1C090];
	_ =	sdelay $0x4  }
0x56d: {  	v61 =	vshll.u32 v8, $0x2  }
0x56e: {  	v8 =	vand.u32 $0x7, v8;
	v9 =	vand.u32 $0xFFFFFFE0, v61  }
0x56f: {  	v8 =	vor.u32 v8, v9  }
0x570: {  	v9 =	vperm.xlane v8, v4;
	_ =	sdelay $0x1  }
0x571: {  	v9 =	vadd.s32 v5, v9;
	_ =	sdelay $0x1  }
0x572: {  	v8 =	vperm.xlane v8, v6;
	_ =	sdelay $0x1  }
0x573: {  	s8 =	simm.s32 $0x2080;
	v8 =	vadd.s32 v5, v8  }
0x574: {  	[tilespmem:s8], [sflag:$0x1] =	stream.indirect_vreg.gather [hbm4b:s13+s3], $0x80, v9, vm3, $0xb8;
	[tilespmem:$0x1C200] =	vst v63  }
0x575: {  	s11 =	simm.s32 $0x2880  }
0x576: {  	[tilespmem:s11], [sflag:$0x1] =	stream.indirect_vreg.gather [hbm4b:s17+s3], $0x80, v9, vm3, $0xb8;
	[tilespmem:$0x1C200] =	vst v63  }
0x577: {  	s12 =	simm.s32 $0x3080  }
0x578: {  	[tilespmem:s12], [sflag:$0x1] =	stream.indirect_vreg.gather [hbm4b:s13+s3], $0x80, v8, vm3, $0xb8;
	[tilespmem:$0x1C200] =	vst v63  }
0x579: {  	s8 =	simm.s32 $0x3880  }
0x57a: {  	[tilespmem:s8], [sflag:$0x1] =	stream.indirect_vreg.gather [hbm4b:s17+s3], $0x80, v8, vm3, $0xb8;
	[tilespmem:$0x1C200] =	vst v63  }
0x57b: {  	v8 =	vld [tilespmem:$0x1C0A0];
	_ =	sdelay $0x4  }
0x57c: {  	v62 =	vshll.u32 v8, $0x2  }
0x57d: {  	v8 =	vand.u32 $0x7, v8;
	v9 =	vand.u32 $0xFFFFFFE0, v62  }
0x57e: {  	v8 =	vor.u32 v8, v9  }
0x57f: {  	v9 =	vperm.xlane v8, v4;
	_ =	sdelay $0x1  }
0x580: {  	v9 =	vadd.s32 v5, v9;
	_ =	sdelay $0x1  }
0x581: {  	v8 =	vperm.xlane v8, v6;
	_ =	sdelay $0x1  }
0x582: {  	s11 =	simm.s32 $0x4080;
	v8 =	vadd.s32 v5, v8  }
0x583: {  	[tilespmem:s11], [sflag:$0x1] =	stream.indirect_vreg.gather [hbm4b:s13+s3], $0x80, v9, vm3, $0xb8;
	[tilespmem:$0x1C200] =	vst v63  }
0x584: {  	s12 =	simm.s32 $0x4880  }
0x585: {  	[tilespmem:s12], [sflag:$0x1] =	stream.indirect_vreg.gather [hbm4b:s17+s3], $0x80, v9, vm3, $0xb8;
	[tilespmem:$0x1C200] =	vst v63  }
0x586: {  	s8 =	simm.s32 $0x5080  }
0x587: {  	[tilespmem:s8], [sflag:$0x1] =	stream.indirect_vreg.gather [hbm4b:s13+s3], $0x80, v8, vm3, $0xb8;
	[tilespmem:$0x1C200] =	vst v63  }
0x588: {  	s11 =	simm.s32 $0x5880  }
0x589: {  	[tilespmem:s11], [sflag:$0x1] =	stream.indirect_vreg.gather [hbm4b:s17+s3], $0x80, v8, vm3, $0xb8;
	[tilespmem:$0x1C200] =	vst v63  }
0x58a: {  	v8 =	vld [tilespmem:$0x1C0B0];
	_ =	sdelay $0x4  }
0x58b: {  	v63 =	vshll.u32 v8, $0x2  }
0x58c: {  	v8 =	vand.u32 $0x7, v8;
	v9 =	vand.u32 $0xFFFFFFE0, v63  }
0x58d: {  	v8 =	vor.u32 v8, v9  }
0x58e: {  	v9 =	vperm.xlane v8, v4;
	_ =	sdelay $0x1  }
0x58f: {  	v9 =	vadd.s32 v5, v9;
	_ =	sdelay $0x1  }
0x590: {  	v8 =	vperm.xlane v8, v6;
	_ =	sdelay $0x1  }
0x591: {  	s12 =	simm.s32 $0x6080;
	v8 =	vadd.s32 v5, v8  }
0x592: {  	[tilespmem:s12], [sflag:$0x1] =	stream.indirect_vreg.gather [hbm4b:s13+s3], $0x80, v9, vm3, $0xb8;
	[tilespmem:$0x1C200] =	vst v63  }
0x593: {  	s8 =	simm.s32 $0x6880  }
0x594: {  	[tilespmem:s8], [sflag:$0x1] =	stream.indirect_vreg.gather [hbm4b:s17+s3], $0x80, v9, vm3, $0xb8;
	[tilespmem:$0x1C200] =	vst v63  }
0x595: {  	s11 =	simm.s32 $0x7080  }
0x596: {  	[tilespmem:s11], [sflag:$0x1] =	stream.indirect_vreg.gather [hbm4b:s13+s3], $0x80, v8, vm3, $0xb8;
	[tilespmem:$0x1C200] =	vst v63  }
0x597: {  	s12 =	simm.s32 $0x7880  }
0x598: {  	[tilespmem:s12], [sflag:$0x1] =	stream.indirect_vreg.gather [hbm4b:s17+s3], $0x80, v8, vm3, $0xb8;
	[tilespmem:$0x1C200] =	vst v63  }
.LBB2_27:
0x599: {  	s8 =	simm.s32 @!p4 $0x1  }
0x59a: {  	_ =	swait.ge @!p4 [sflag:s8], $0x8000  }
0x59b: {  	[sflag:s8] =	ssyncset.done @!p4 $0x0  }
0x59c: {  	s12 =	simm.s32 @!p4 $0x10080;
	[sflag:s8] =	ssyncadd.s32 @!p4 $0xFFFF8000;
	s8 =	simm.s32 @!p4 $0x0  }
0x59d: {  	[hbm4b:s21+s8] =	stream.linear.scatter @!p4 [tilespmem:s12], [sflag:$0x2], $0x8000, $0x38;
	[tilespmem:$0x1C200] =	vst v63  }
0x59e: {  	s8 =	simm.s32 @!p5 $0x2  }
0x59f: {  	_ =	swait.ge @!p5 [sflag:s8], $0x8000  }
0x5a0: {  	s2 =	sld [smem:$0x7F7];
	_ =	sdelay $0x2  }
0x5a1: {  	p2 =	slt.u32 s28, s2  }
.Ltmp15:
0x5a2: {  	_ = 	snop;
	(pc) =	sbr.rel @p2 .LBB2_29-.Ltmp15, $3  }
0x5a3: {  	_ =	sdelay $0x1  }
0x5a4: {  	[sflag:s8] =	ssyncset.done @!p5 $0x0  }
0x5a5: {  	[sflag:s8] =	ssyncadd.s32 @!p5 $0xFFFF8000  }
0x5a6: {  	s8 =	sadd.s32 s26, s23  }
0x5a7: {  	v8 =	vadd.s32 s8, v0  }
0x5a8: {  	v9 =	vshll.u32 v8, $0x2  }
0x5a9: {  	v10 =	vand.u32 $0x7, v8;
	v9 =	vand.u32 $0xFFFFFFE0, v9  }
0x5aa: {  	v9 =	vor.u32 v10, v9  }
0x5ab: {  	v10 =	vperm.xlane v9, v4;
	_ =	sdelay $0x1  }
0x5ac: {  	s12 =	sadd.s32 $0x10, s8;
	v10 =	vadd.s32 v5, v10  }
0x5ad: {  	s2 =	sadd.s32 $0x20, s8;
	[tilespmem:$0x1C100] =	vst v8;
	v8 =	vadd.s32 s12, v0  }
0x5ae: {  	s8 =	sadd.s32 $0x30, s8;
	[tilespmem:$0x1C110] =	vst v8;
	v8 =	vadd.s32 s2, v0;
	v9 =	vperm.xlane v9, v6  }
0x5af: {  	[tilespmem:$0x1C120] =	vst v8;
	v8 =	vadd.s32 s8, v0  }
0x5b0: {  	s2 =	simm.s32 $0x8080;
	[tilespmem:$0x1C130] =	vst v8;
	v8 =	vadd.s32 v5, v9  }
0x5b1: {  	[tilespmem:s2], [sflag:$0x1] =	stream.indirect_vreg.gather [hbm4b:s13+s3], $0x80, v10, vm3, $0xb8;
	[tilespmem:$0x1C200] =	vst v63  }
0x5b2: {  	s11 =	simm.s32 $0x8880  }
0x5b3: {  	[tilespmem:s11], [sflag:$0x1] =	stream.indirect_vreg.gather [hbm4b:s17+s3], $0x80, v10, vm3, $0xb8;
	[tilespmem:$0x1C200] =	vst v63  }
0x5b4: {  	s12 =	simm.s32 $0x9080  }
0x5b5: {  	[tilespmem:s12], [sflag:$0x1] =	stream.indirect_vreg.gather [hbm4b:s13+s3], $0x80, v8, vm3, $0xb8;
	[tilespmem:$0x1C200] =	vst v63  }
0x5b6: {  	s21 =	simm.s32 $0x9880  }
0x5b7: {  	[tilespmem:s21], [sflag:$0x1] =	stream.indirect_vreg.gather [hbm4b:s17+s3], $0x80, v8, vm3, $0xb8;
	[tilespmem:$0x1C200] =	vst v63  }
0x5b8: {  	v8 =	vld [tilespmem:$0x1C110];
	_ =	sdelay $0x4  }
0x5b9: {  	v61 =	vshll.u32 v8, $0x2  }
0x5ba: {  	v8 =	vand.u32 $0x7, v8;
	v9 =	vand.u32 $0xFFFFFFE0, v61  }
0x5bb: {  	v8 =	vor.u32 v8, v9  }
0x5bc: {  	v9 =	vperm.xlane v8, v4;
	_ =	sdelay $0x1  }
0x5bd: {  	v9 =	vadd.s32 v5, v9;
	_ =	sdelay $0x1  }
0x5be: {  	v8 =	vperm.xlane v8, v6;
	_ =	sdelay $0x1  }
0x5bf: {  	s8 =	simm.s32 $0xA080;
	v8 =	vadd.s32 v5, v8  }
0x5c0: {  	[tilespmem:s8], [sflag:$0x1] =	stream.indirect_vreg.gather [hbm4b:s13+s3], $0x80, v9, vm3, $0xb8;
	[tilespmem:$0x1C200] =	vst v63  }
0x5c1: {  	s11 =	simm.s32 $0xA880  }
0x5c2: {  	[tilespmem:s11], [sflag:$0x1] =	stream.indirect_vreg.gather [hbm4b:s17+s3], $0x80, v9, vm3, $0xb8;
	[tilespmem:$0x1C200] =	vst v63  }
0x5c3: {  	s12 =	simm.s32 $0xB080  }
0x5c4: {  	[tilespmem:s12], [sflag:$0x1] =	stream.indirect_vreg.gather [hbm4b:s13+s3], $0x80, v8, vm3, $0xb8;
	[tilespmem:$0x1C200] =	vst v63  }
0x5c5: {  	s21 =	simm.s32 $0xB880  }
0x5c6: {  	[tilespmem:s21], [sflag:$0x1] =	stream.indirect_vreg.gather [hbm4b:s17+s3], $0x80, v8, vm3, $0xb8;
	[tilespmem:$0x1C200] =	vst v63  }
0x5c7: {  	v8 =	vld [tilespmem:$0x1C120];
	_ =	sdelay $0x4  }
0x5c8: {  	v62 =	vshll.u32 v8, $0x2  }
0x5c9: {  	v8 =	vand.u32 $0x7, v8;
	v9 =	vand.u32 $0xFFFFFFE0, v62  }
0x5ca: {  	v8 =	vor.u32 v8, v9  }
0x5cb: {  	v9 =	vperm.xlane v8, v4;
	_ =	sdelay $0x1  }
0x5cc: {  	v9 =	vadd.s32 v5, v9;
	_ =	sdelay $0x1  }
0x5cd: {  	v8 =	vperm.xlane v8, v6;
	_ =	sdelay $0x1  }
0x5ce: {  	s8 =	simm.s32 $0xC080;
	v8 =	vadd.s32 v5, v8  }
0x5cf: {  	[tilespmem:s8], [sflag:$0x1] =	stream.indirect_vreg.gather [hbm4b:s13+s3], $0x80, v9, vm3, $0xb8;
	[tilespmem:$0x1C200] =	vst v63  }
0x5d0: {  	s11 =	simm.s32 $0xC880  }
0x5d1: {  	[tilespmem:s11], [sflag:$0x1] =	stream.indirect_vreg.gather [hbm4b:s17+s3], $0x80, v9, vm3, $0xb8;
	[tilespmem:$0x1C200] =	vst v63  }
0x5d2: {  	s12 =	simm.s32 $0xD080  }
0x5d3: {  	[tilespmem:s12], [sflag:$0x1] =	stream.indirect_vreg.gather [hbm4b:s13+s3], $0x80, v8, vm3, $0xb8;
	[tilespmem:$0x1C200] =	vst v63  }
0x5d4: {  	s21 =	simm.s32 $0xD880  }
0x5d5: {  	[tilespmem:s21], [sflag:$0x1] =	stream.indirect_vreg.gather [hbm4b:s17+s3], $0x80, v8, vm3, $0xb8;
	[tilespmem:$0x1C200] =	vst v63  }
0x5d6: {  	v8 =	vld [tilespmem:$0x1C130];
	_ =	sdelay $0x4  }
0x5d7: {  	v63 =	vshll.u32 v8, $0x2  }
0x5d8: {  	v8 =	vand.u32 $0x7, v8;
	v9 =	vand.u32 $0xFFFFFFE0, v63  }
0x5d9: {  	v8 =	vor.u32 v8, v9  }
0x5da: {  	v9 =	vperm.xlane v8, v4;
	_ =	sdelay $0x1  }
0x5db: {  	v9 =	vadd.s32 v5, v9;
	_ =	sdelay $0x1  }
0x5dc: {  	v8 =	vperm.xlane v8, v6;
	_ =	sdelay $0x1  }
0x5dd: {  	s8 =	simm.s32 $0xE080;
	v8 =	vadd.s32 v5, v8  }
0x5de: {  	[tilespmem:s8], [sflag:$0x1] =	stream.indirect_vreg.gather [hbm4b:s13+s3], $0x80, v9, vm3, $0xb8;
	[tilespmem:$0x1C200] =	vst v63  }
0x5df: {  	s11 =	simm.s32 $0xE880  }
0x5e0: {  	[tilespmem:s11], [sflag:$0x1] =	stream.indirect_vreg.gather [hbm4b:s17+s3], $0x80, v9, vm3, $0xb8;
	[tilespmem:$0x1C200] =	vst v63  }
0x5e1: {  	s12 =	simm.s32 $0xF080  }
0x5e2: {  	[tilespmem:s12], [sflag:$0x1] =	stream.indirect_vreg.gather [hbm4b:s13+s3], $0x80, v8, vm3, $0xb8;
	[tilespmem:$0x1C200] =	vst v63  }
0x5e3: {  	s21 =	simm.s32 $0xF880  }
0x5e4: {  	[tilespmem:s21], [sflag:$0x1] =	stream.indirect_vreg.gather [hbm4b:s17+s3], $0x80, v8, vm3, $0xb8;
	[tilespmem:$0x1C200] =	vst v63  }
.LBB2_29:
0x5e5: {  	s8 =	simm.s32 @!p3 $0x1  }
0x5e6: {  	_ =	swait.ge @!p3 [sflag:s8], $0x8000  }
0x5e7: {  	[sflag:s8] =	ssyncset.done @!p3 $0x0  }
0x5e8: {  	s12 =	simm.s32 @!p3 $0x80;
	[sflag:s8] =	ssyncadd.s32 @!p3 $0xFFFF8000;
	s8 =	simm.s32 @!p3 $0x0  }
0x5e9: {  	[hbm4b:s30+s8] =	stream.linear.scatter @!p3 [tilespmem:s12], [sflag:$0x2], $0x8000, $0x38;
	[tilespmem:$0x1C200] =	vst v63  }
0x5ea: {  	s8 =	simm.s32 @!p4 $0x2  }
0x5eb: {  	_ =	swait.ge @!p4 [sflag:s8], $0x8000  }
0x5ec: {  	s2 =	sld [smem:$0x7F8];
	_ =	sdelay $0x2  }
0x5ed: {  	p5 =	slt.u32 s28, s2  }
.Ltmp16:
0x5ee: {  	_ = 	snop;
	(pc) =	sbr.rel @p5 .LBB2_31-.Ltmp16, $3  }
0x5ef: {  	_ =	sdelay $0x1  }
0x5f0: {  	[sflag:s8] =	ssyncset.done @!p4 $0x0  }
0x5f1: {  	[sflag:s8] =	ssyncadd.s32 @!p4 $0xFFFF8000  }
0x5f2: {  	s8 =	sadd.s32 s5, s23  }
0x5f3: {  	v8 =	vadd.s32 s8, v0  }
0x5f4: {  	v9 =	vshll.u32 v8, $0x2  }
0x5f5: {  	v10 =	vand.u32 $0x7, v8;
	v9 =	vand.u32 $0xFFFFFFE0, v9  }
0x5f6: {  	v9 =	vor.u32 v10, v9  }
0x5f7: {  	v10 =	vperm.xlane v9, v4;
	_ =	sdelay $0x1  }
0x5f8: {  	s12 =	sadd.s32 $0x10, s8;
	v10 =	vadd.s32 v5, v10  }
0x5f9: {  	s2 =	sadd.s32 $0x20, s8;
	[tilespmem:$0x1C180] =	vst v8;
	v8 =	vadd.s32 s12, v0  }
0x5fa: {  	s8 =	sadd.s32 $0x30, s8;
	[tilespmem:$0x1C190] =	vst v8;
	v8 =	vadd.s32 s2, v0;
	v9 =	vperm.xlane v9, v6  }
0x5fb: {  	[tilespmem:$0x1C1A0] =	vst v8;
	v8 =	vadd.s32 s8, v0  }
0x5fc: {  	s2 =	simm.s32 $0x10080;
	[tilespmem:$0x1C1B0] =	vst v8;
	v8 =	vadd.s32 v5, v9  }
0x5fd: {  	[tilespmem:s2], [sflag:$0x1] =	stream.indirect_vreg.gather [hbm4b:s13+s3], $0x80, v10, vm3, $0xb8;
	[tilespmem:$0x1C200] =	vst v63  }
0x5fe: {  	s8 =	simm.s32 $0x10880  }
0x5ff: {  	[tilespmem:s8], [sflag:$0x1] =	stream.indirect_vreg.gather [hbm4b:s17+s3], $0x80, v10, vm3, $0xb8;
	[tilespmem:$0x1C200] =	vst v63  }
0x600: {  	s11 =	simm.s32 $0x11080  }
0x601: {  	[tilespmem:s11], [sflag:$0x1] =	stream.indirect_vreg.gather [hbm4b:s13+s3], $0x80, v8, vm3, $0xb8;
	[tilespmem:$0x1C200] =	vst v63  }
0x602: {  	s12 =	simm.s32 $0x11880  }
0x603: {  	[tilespmem:s12], [sflag:$0x1] =	stream.indirect_vreg.gather [hbm4b:s17+s3], $0x80, v8, vm3, $0xb8;
	[tilespmem:$0x1C200] =	vst v63  }
0x604: {  	v8 =	vld [tilespmem:$0x1C190];
	_ =	sdelay $0x4  }
0x605: {  	v61 =	vshll.u32 v8, $0x2  }
0x606: {  	v8 =	vand.u32 $0x7, v8;
	v9 =	vand.u32 $0xFFFFFFE0, v61  }
0x607: {  	v8 =	vor.u32 v8, v9  }
0x608: {  	v9 =	vperm.xlane v8, v4;
	_ =	sdelay $0x1  }
0x609: {  	v9 =	vadd.s32 v5, v9;
	_ =	sdelay $0x1  }
0x60a: {  	v8 =	vperm.xlane v8, v6;
	_ =	sdelay $0x1  }
0x60b: {  	s21 =	simm.s32 $0x12080;
	v8 =	vadd.s32 v5, v8  }
0x60c: {  	[tilespmem:s21], [sflag:$0x1] =	stream.indirect_vreg.gather [hbm4b:s13+s3], $0x80, v9, vm3, $0xb8;
	[tilespmem:$0x1C200] =	vst v63  }
0x60d: {  	s30 =	simm.s32 $0x12880  }
0x60e: {  	[tilespmem:s30], [sflag:$0x1] =	stream.indirect_vreg.gather [hbm4b:s17+s3], $0x80, v9, vm3, $0xb8;
	[tilespmem:$0x1C200] =	vst v63  }
0x60f: {  	s8 =	simm.s32 $0x13080  }
0x610: {  	[tilespmem:s8], [sflag:$0x1] =	stream.indirect_vreg.gather [hbm4b:s13+s3], $0x80, v8, vm3, $0xb8;
	[tilespmem:$0x1C200] =	vst v63  }
0x611: {  	s11 =	simm.s32 $0x13880  }
0x612: {  	[tilespmem:s11], [sflag:$0x1] =	stream.indirect_vreg.gather [hbm4b:s17+s3], $0x80, v8, vm3, $0xb8;
	[tilespmem:$0x1C200] =	vst v63  }
0x613: {  	v8 =	vld [tilespmem:$0x1C1A0];
	_ =	sdelay $0x4  }
0x614: {  	v62 =	vshll.u32 v8, $0x2  }
0x615: {  	v8 =	vand.u32 $0x7, v8;
	v9 =	vand.u32 $0xFFFFFFE0, v62  }
0x616: {  	v8 =	vor.u32 v8, v9  }
0x617: {  	v9 =	vperm.xlane v8, v4;
	_ =	sdelay $0x1  }
0x618: {  	v9 =	vadd.s32 v5, v9;
	_ =	sdelay $0x1  }
0x619: {  	v8 =	vperm.xlane v8, v6;
	_ =	sdelay $0x1  }
0x61a: {  	s12 =	simm.s32 $0x14080;
	v8 =	vadd.s32 v5, v8  }
0x61b: {  	[tilespmem:s12], [sflag:$0x1] =	stream.indirect_vreg.gather [hbm4b:s13+s3], $0x80, v9, vm3, $0xb8;
	[tilespmem:$0x1C200] =	vst v63  }
0x61c: {  	s21 =	simm.s32 $0x14880  }
0x61d: {  	[tilespmem:s21], [sflag:$0x1] =	stream.indirect_vreg.gather [hbm4b:s17+s3], $0x80, v9, vm3, $0xb8;
	[tilespmem:$0x1C200] =	vst v63  }
0x61e: {  	s30 =	simm.s32 $0x15080  }
0x61f: {  	[tilespmem:s30], [sflag:$0x1] =	stream.indirect_vreg.gather [hbm4b:s13+s3], $0x80, v8, vm3, $0xb8;
	[tilespmem:$0x1C200] =	vst v63  }
0x620: {  	s8 =	simm.s32 $0x15880  }
0x621: {  	[tilespmem:s8], [sflag:$0x1] =	stream.indirect_vreg.gather [hbm4b:s17+s3], $0x80, v8, vm3, $0xb8;
	[tilespmem:$0x1C200] =	vst v63  }
0x622: {  	v8 =	vld [tilespmem:$0x1C1B0];
	_ =	sdelay $0x4  }
0x623: {  	v63 =	vshll.u32 v8, $0x2  }
0x624: {  	v8 =	vand.u32 $0x7, v8;
	v9 =	vand.u32 $0xFFFFFFE0, v63  }
0x625: {  	v8 =	vor.u32 v8, v9  }
0x626: {  	v9 =	vperm.xlane v8, v4;
	_ =	sdelay $0x1  }
0x627: {  	v9 =	vadd.s32 v5, v9;
	_ =	sdelay $0x1  }
0x628: {  	v8 =	vperm.xlane v8, v6;
	_ =	sdelay $0x1  }
0x629: {  	s11 =	simm.s32 $0x16080;
	v8 =	vadd.s32 v5, v8  }
0x62a: {  	[tilespmem:s11], [sflag:$0x1] =	stream.indirect_vreg.gather [hbm4b:s13+s3], $0x80, v9, vm3, $0xb8;
	[tilespmem:$0x1C200] =	vst v63  }
0x62b: {  	s12 =	simm.s32 $0x16880  }
0x62c: {  	[tilespmem:s12], [sflag:$0x1] =	stream.indirect_vreg.gather [hbm4b:s17+s3], $0x80, v9, vm3, $0xb8;
	[tilespmem:$0x1C200] =	vst v63  }
0x62d: {  	s21 =	simm.s32 $0x17080  }
0x62e: {  	[tilespmem:s21], [sflag:$0x1] =	stream.indirect_vreg.gather [hbm4b:s13+s3], $0x80, v8, vm3, $0xb8;
	[tilespmem:$0x1C200] =	vst v63  }
0x62f: {  	s30 =	simm.s32 $0x17880  }
0x630: {  	[tilespmem:s30], [sflag:$0x1] =	stream.indirect_vreg.gather [hbm4b:s17+s3], $0x80, v8, vm3, $0xb8;
	[tilespmem:$0x1C200] =	vst v63  }
.LBB2_31:
0x631: {  	s8 =	simm.s32 @!p2 $0x1  }
0x632: {  	_ =	swait.ge @!p2 [sflag:s8], $0x8000  }
0x633: {  	s2 =	sld [smem:$0x7E5]  }
0x634: {  	[sflag:s8] =	ssyncset.done @!p2 $0x0  }
0x635: {  	s12 =	simm.s32 @!p2 $0x8080;
	[sflag:s8] =	ssyncadd.s32 @!p2 $0xFFFF8000;
	s8 =	simm.s32 @!p2 $0x0  }
0x636: {  	[hbm4b:s2+s8] =	stream.linear.scatter @!p2 [tilespmem:s12], [sflag:$0x2], $0x8000, $0x38;
	[tilespmem:$0x1C200] =	vst v63  }
0x637: {  	s8 =	simm.s32 @!p3 $0x2  }
0x638: {  	_ =	swait.ge @!p3 [sflag:s8], $0x8000  }
0x639: {  	s30 =	sld [smem:$0x7F9];
	_ =	sdelay $0x2  }
0x63a: {  	p4 =	slt.u32 s28, s30  }
.Ltmp17:
0x63b: {  	_ = 	snop;
	(pc) =	sbr.rel @p4 .LBB2_33-.Ltmp17, $3  }
0x63c: {  	_ =	sdelay $0x1  }
0x63d: {  	[sflag:s8] =	ssyncset.done @!p3 $0x0  }
0x63e: {  	[sflag:s8] =	ssyncadd.s32 @!p3 $0xFFFF8000  }
0x63f: {  	s8 =	sadd.s32 s15, s23  }
0x640: {  	v8 =	vadd.s32 s8, v0  }
0x641: {  	v9 =	vshll.u32 v8, $0x2  }
0x642: {  	v10 =	vand.u32 $0x7, v8;
	v9 =	vand.u32 $0xFFFFFFE0, v9  }
0x643: {  	v9 =	vor.u32 v10, v9  }
0x644: {  	v10 =	vperm.xlane v9, v4;
	_ =	sdelay $0x1  }
0x645: {  	s12 =	sadd.s32 $0x10, s8;
	v10 =	vadd.s32 v5, v10  }
0x646: {  	s2 =	sadd.s32 $0x20, s8;
	[tilespmem:$0x1C080] =	vst v8;
	v8 =	vadd.s32 s12, v0  }
0x647: {  	s8 =	sadd.s32 $0x30, s8;
	[tilespmem:$0x1C090] =	vst v8;
	v8 =	vadd.s32 s2, v0;
	v9 =	vperm.xlane v9, v6  }
0x648: {  	[tilespmem:$0x1C0A0] =	vst v8;
	v8 =	vadd.s32 s8, v0  }
0x649: {  	s2 =	simm.s32 $0x80;
	[tilespmem:$0x1C0B0] =	vst v8;
	v8 =	vadd.s32 v5, v9  }
0x64a: {  	[tilespmem:s2], [sflag:$0x1] =	stream.indirect_vreg.gather [hbm4b:s13+s3], $0x80, v10, vm3, $0xb8;
	[tilespmem:$0x1C200] =	vst v63  }
0x64b: {  	s8 =	simm.s32 $0x880  }
0x64c: {  	[tilespmem:s8], [sflag:$0x1] =	stream.indirect_vreg.gather [hbm4b:s17+s3], $0x80, v10, vm3, $0xb8;
	[tilespmem:$0x1C200] =	vst v63  }
0x64d: {  	s11 =	simm.s32 $0x1080  }
0x64e: {  	[tilespmem:s11], [sflag:$0x1] =	stream.indirect_vreg.gather [hbm4b:s13+s3], $0x80, v8, vm3, $0xb8;
	[tilespmem:$0x1C200] =	vst v63  }
0x64f: {  	s12 =	simm.s32 $0x1880  }
0x650: {  	[tilespmem:s12], [sflag:$0x1] =	stream.indirect_vreg.gather [hbm4b:s17+s3], $0x80, v8, vm3, $0xb8;
	[tilespmem:$0x1C200] =	vst v63  }
0x651: {  	v8 =	vld [tilespmem:$0x1C090];
	_ =	sdelay $0x4  }
0x652: {  	v61 =	vshll.u32 v8, $0x2  }
0x653: {  	v8 =	vand.u32 $0x7, v8;
	v9 =	vand.u32 $0xFFFFFFE0, v61  }
0x654: {  	v8 =	vor.u32 v8, v9  }
0x655: {  	v9 =	vperm.xlane v8, v4;
	_ =	sdelay $0x1  }
0x656: {  	v9 =	vadd.s32 v5, v9;
	_ =	sdelay $0x1  }
0x657: {  	v8 =	vperm.xlane v8, v6;
	_ =	sdelay $0x1  }
0x658: {  	s21 =	simm.s32 $0x2080;
	v8 =	vadd.s32 v5, v8  }
0x659: {  	[tilespmem:s21], [sflag:$0x1] =	stream.indirect_vreg.gather [hbm4b:s13+s3], $0x80, v9, vm3, $0xb8;
	[tilespmem:$0x1C200] =	vst v63  }
0x65a: {  	s30 =	simm.s32 $0x2880  }
0x65b: {  	[tilespmem:s30], [sflag:$0x1] =	stream.indirect_vreg.gather [hbm4b:s17+s3], $0x80, v9, vm3, $0xb8;
	[tilespmem:$0x1C200] =	vst v63  }
0x65c: {  	s8 =	simm.s32 $0x3080  }
0x65d: {  	[tilespmem:s8], [sflag:$0x1] =	stream.indirect_vreg.gather [hbm4b:s13+s3], $0x80, v8, vm3, $0xb8;
	[tilespmem:$0x1C200] =	vst v63  }
0x65e: {  	s11 =	simm.s32 $0x3880  }
0x65f: {  	[tilespmem:s11], [sflag:$0x1] =	stream.indirect_vreg.gather [hbm4b:s17+s3], $0x80, v8, vm3, $0xb8;
	[tilespmem:$0x1C200] =	vst v63  }
0x660: {  	v8 =	vld [tilespmem:$0x1C0A0];
	_ =	sdelay $0x4  }
0x661: {  	v62 =	vshll.u32 v8, $0x2  }
0x662: {  	v8 =	vand.u32 $0x7, v8;
	v9 =	vand.u32 $0xFFFFFFE0, v62  }
0x663: {  	v8 =	vor.u32 v8, v9  }
0x664: {  	v9 =	vperm.xlane v8, v4;
	_ =	sdelay $0x1  }
0x665: {  	v9 =	vadd.s32 v5, v9;
	_ =	sdelay $0x1  }
0x666: {  	v8 =	vperm.xlane v8, v6;
	_ =	sdelay $0x1  }
0x667: {  	s12 =	simm.s32 $0x4080;
	v8 =	vadd.s32 v5, v8  }
0x668: {  	[tilespmem:s12], [sflag:$0x1] =	stream.indirect_vreg.gather [hbm4b:s13+s3], $0x80, v9, vm3, $0xb8;
	[tilespmem:$0x1C200] =	vst v63  }
0x669: {  	s21 =	simm.s32 $0x4880  }
0x66a: {  	[tilespmem:s21], [sflag:$0x1] =	stream.indirect_vreg.gather [hbm4b:s17+s3], $0x80, v9, vm3, $0xb8;
	[tilespmem:$0x1C200] =	vst v63  }
0x66b: {  	s30 =	simm.s32 $0x5080  }
0x66c: {  	[tilespmem:s30], [sflag:$0x1] =	stream.indirect_vreg.gather [hbm4b:s13+s3], $0x80, v8, vm3, $0xb8;
	[tilespmem:$0x1C200] =	vst v63  }
0x66d: {  	s8 =	simm.s32 $0x5880  }
0x66e: {  	[tilespmem:s8], [sflag:$0x1] =	stream.indirect_vreg.gather [hbm4b:s17+s3], $0x80, v8, vm3, $0xb8;
	[tilespmem:$0x1C200] =	vst v63  }
0x66f: {  	v8 =	vld [tilespmem:$0x1C0B0];
	_ =	sdelay $0x4  }
0x670: {  	v63 =	vshll.u32 v8, $0x2  }
0x671: {  	v8 =	vand.u32 $0x7, v8;
	v9 =	vand.u32 $0xFFFFFFE0, v63  }
0x672: {  	v8 =	vor.u32 v8, v9  }
0x673: {  	v9 =	vperm.xlane v8, v4;
	_ =	sdelay $0x1  }
0x674: {  	v9 =	vadd.s32 v5, v9;
	_ =	sdelay $0x1  }
0x675: {  	v8 =	vperm.xlane v8, v6;
	_ =	sdelay $0x1  }
0x676: {  	s11 =	simm.s32 $0x6080;
	v8 =	vadd.s32 v5, v8  }
0x677: {  	[tilespmem:s11], [sflag:$0x1] =	stream.indirect_vreg.gather [hbm4b:s13+s3], $0x80, v9, vm3, $0xb8;
	[tilespmem:$0x1C200] =	vst v63  }
0x678: {  	s12 =	simm.s32 $0x6880  }
0x679: {  	[tilespmem:s12], [sflag:$0x1] =	stream.indirect_vreg.gather [hbm4b:s17+s3], $0x80, v9, vm3, $0xb8;
	[tilespmem:$0x1C200] =	vst v63  }
0x67a: {  	s21 =	simm.s32 $0x7080  }
0x67b: {  	[tilespmem:s21], [sflag:$0x1] =	stream.indirect_vreg.gather [hbm4b:s13+s3], $0x80, v8, vm3, $0xb8;
	[tilespmem:$0x1C200] =	vst v63  }
0x67c: {  	s30 =	simm.s32 $0x7880  }
0x67d: {  	[tilespmem:s30], [sflag:$0x1] =	stream.indirect_vreg.gather [hbm4b:s17+s3], $0x80, v8, vm3, $0xb8;
	[tilespmem:$0x1C200] =	vst v63  }
.LBB2_33:
0x67e: {  	s8 =	simm.s32 @!p5 $0x1  }
0x67f: {  	_ =	swait.ge @!p5 [sflag:s8], $0x8000  }
0x680: {  	s2 =	sld [smem:$0x7E6]  }
0x681: {  	[sflag:s8] =	ssyncset.done @!p5 $0x0  }
0x682: {  	s12 =	simm.s32 @!p5 $0x10080;
	[sflag:s8] =	ssyncadd.s32 @!p5 $0xFFFF8000;
	s8 =	simm.s32 @!p5 $0x0  }
0x683: {  	[hbm4b:s2+s8] =	stream.linear.scatter @!p5 [tilespmem:s12], [sflag:$0x2], $0x8000, $0x38;
	[tilespmem:$0x1C200] =	vst v63  }
0x684: {  	s8 =	simm.s32 @!p2 $0x2  }
0x685: {  	_ =	swait.ge @!p2 [sflag:s8], $0x8000  }
0x686: {  	[sflag:s8] =	ssyncset.done @!p2 $0x0  }
0x687: {  	[sflag:s8] =	ssyncadd.s32 @!p2 $0xFFFF8000;
	s8 =	simm.s32 @!p4 $0x1  }
0x688: {  	_ =	swait.ge @!p4 [sflag:s8], $0x8000  }
0x689: {  	s30 =	sand.u32 $0x3F, s28;
	s2 =	sld [smem:$0x7E7]  }
0x68a: {  	p3 =	slt.s32 s29, $0x1;
	s12 =	simm.s32 @!p4 $0x80;
	[sflag:s8] =	ssyncset.done @!p4 $0x0  }
0x68b: {  	p2 =	sne.s32 s30, $0x0;
	[sflag:s8] =	ssyncadd.s32 @!p4 $0xFFFF8000;
	s8 =	simm.s32 @!p4 $0x0  }
0x68c: {  	[hbm4b:s2+s8] =	stream.linear.scatter @!p4 [tilespmem:s12], [sflag:$0x2], $0x8000, $0x38;
	[tilespmem:$0x1C200] =	vst v63  }
0x68d: {  	p2 =	por !p3, !p2;
	s8 =	simm.s32 @!p5 $0x2  }
0x68e: {  	p2 =	por !p2, !p2;
	s12 =	simm.s32 $0x1;
	_ =	swait.ge @!p5 [sflag:s8], $0x8000  }
0x68f: {  	s21 =	sshrl.u32 s28, $0x6;
	s12 =	simm.s32 @!p2 $0x0;
	[sflag:s8] =	ssyncset.done @!p5 $0x0  }
0x690: {  	[sflag:s8] =	ssyncadd.s32 @!p5 $0xFFFF8000;
	s8 =	ssub.s32 s21, s12;
	s12 =	simm.s32 @!p4 $0x2  }
0x691: {  	_ =	swait.ge @!p4 [sflag:s12], $0x8000  }
0x692: {  	s2 =	sld [smem:$0x7DC];
	_ =	sdelay $0x1  }
0x693: {  	p2 =	seq.s32 s30, $0x0;
	s21 =	sand.u32 $0x1, s8  }
0x694: {  	p3 =	sne.s32 @!p2 s21, s2  }
0x695: {  	p2 =	por p2, p3  }
.Ltmp18:
0x696: {  	_ = 	snop;
	(pc) =	sbr.rel @p2 .LBB2_41-.Ltmp18, $3  }
0x697: {  	_ =	sdelay $0x1  }
0x698: {  	[sflag:s12] =	ssyncset.done @!p4 $0x0  }
0x699: {  	[sflag:s12] =	ssyncadd.s32 @!p4 $0xFFFF8000  }
0x69a: {  	s12 =	sadd.s32 $0xFFFFFFFF, s30  }
0x69b: {  	v8 =	vmov s12  }
0x69c: {  	s28 =	sshll.u32 s8, $0x6;
	vm4 =	vlt.s32 v8, v0  }
0x69d: {  	s8 =	sadd.s32 s23, s28;
	v9 =	vsel vm4, s12, v0  }
0x69e: {  	v9 =	vadd.s32 s8, v9  }
0x69f: {  	v10 =	vshll.u32 v9, $0x2  }
0x6a0: {  	v11 =	vand.u32 $0x7, v9;
	v10 =	vand.u32 $0xFFFFFFE0, v10  }
0x6a1: {  	v10 =	vor.u32 v11, v10  }
0x6a2: {  	v11 =	vperm.xlane v10, v4  }
0x6a3: {  	vm4 =	vlt.s32 v8, v1  }
0x6a4: {  	v12 =	vsel vm4, s12, v1;
	vm4 =	vlt.s32 v8, v2;
	v11 =	vadd.s32 v5, v11  }
0x6a5: {  	[tilespmem:$0x1C080] =	vst v9;
	v59 =	vsel vm4, s12, v2;
	vm4 =	vlt.s32 v8, v3;
	v8 =	vadd.s32 s8, v12  }
0x6a6: {  	[tilespmem:$0x1C090] =	vst v8;
	v8 =	vadd.s32 s8, v59;
	v60 =	vsel vm4, s12, v3;
	v10 =	vperm.xlane v10, v6  }
0x6a7: {  	s18 =	smov.u32 s19;
	s19 =	smov.u32 s20;
	s20 =	smov.u32 s1;
	[tilespmem:$0x1C0A0] =	vst v8;
	v8 =	vadd.s32 s8, v60  }
0x6a8: {  	s1 =	smov.u32 s6;
	s6 =	smov.u32 s9;
	s2 =	simm.s32 $0x80;
	[tilespmem:$0x1C0B0] =	vst v8;
	v8 =	vadd.s32 v5, v10  }
0x6a9: {  	[tilespmem:s2], [sflag:$0x1] =	stream.indirect_vreg.gather [hbm4b:s13+s3], $0x80, v11, vm3, $0xb8;
	[tilespmem:$0x1C200] =	vst v63  }
0x6aa: {  	s9 =	smov.u32 s10;
	s10 =	smov.u32 s24;
	s24 =	simm.s32 $0x880  }
0x6ab: {  	[tilespmem:s24], [sflag:$0x1] =	stream.indirect_vreg.gather [hbm4b:s17+s3], $0x80, v11, vm3, $0xb8;
	[tilespmem:$0x1C200] =	vst v63  }
0x6ac: {  	s11 =	smov.u32 s15;
	s15 =	smov.u32 s5;
	s25 =	simm.s32 $0x1080  }
0x6ad: {  	[tilespmem:s25], [sflag:$0x1] =	stream.indirect_vreg.gather [hbm4b:s13+s3], $0x80, v8, vm3, $0xb8;
	[tilespmem:$0x1C200] =	vst v63  }
0x6ae: {  	s5 =	smov.u32 s16;
	s16 =	smov.u32 s4;
	s4 =	simm.s32 $0x1880  }
0x6af: {  	[tilespmem:s4], [sflag:$0x1] =	stream.indirect_vreg.gather [hbm4b:s17+s3], $0x80, v8, vm3, $0xb8;
	[tilespmem:$0x1C200] =	vst v63  }
0x6b0: {  	v8 =	vld [tilespmem:$0x1C090];
	_ =	sdelay $0x4  }
0x6b1: {  	v61 =	vshll.u32 v8, $0x2  }
0x6b2: {  	v8 =	vand.u32 $0x7, v8;
	v9 =	vand.u32 $0xFFFFFFE0, v61  }
0x6b3: {  	v8 =	vor.u32 v8, v9  }
0x6b4: {  	v9 =	vperm.xlane v8, v4;
	_ =	sdelay $0x1  }
0x6b5: {  	v9 =	vadd.s32 v5, v9;
	_ =	sdelay $0x1  }
0x6b6: {  	v8 =	vperm.xlane v8, v6;
	_ =	sdelay $0x1  }
0x6b7: {  	s8 =	simm.s32 $0x2080;
	v8 =	vadd.s32 v5, v8  }
0x6b8: {  	[tilespmem:s8], [sflag:$0x1] =	stream.indirect_vreg.gather [hbm4b:s13+s3], $0x80, v9, vm3, $0xb8;
	[tilespmem:$0x1C200] =	vst v63  }
0x6b9: {  	s12 =	simm.s32 $0x2880  }
0x6ba: {  	[tilespmem:s12], [sflag:$0x1] =	stream.indirect_vreg.gather [hbm4b:s17+s3], $0x80, v9, vm3, $0xb8;
	[tilespmem:$0x1C200] =	vst v63  }
0x6bb: {  	s21 =	simm.s32 $0x3080  }
0x6bc: {  	[tilespmem:s21], [sflag:$0x1] =	stream.indirect_vreg.gather [hbm4b:s13+s3], $0x80, v8, vm3, $0xb8;
	[tilespmem:$0x1C200] =	vst v63  }
0x6bd: {  	s23 =	simm.s32 $0x3880  }
0x6be: {  	[tilespmem:s23], [sflag:$0x1] =	stream.indirect_vreg.gather [hbm4b:s17+s3], $0x80, v8, vm3, $0xb8;
	[tilespmem:$0x1C200] =	vst v63  }
0x6bf: {  	v8 =	vld [tilespmem:$0x1C0A0];
	_ =	sdelay $0x4  }
0x6c0: {  	v62 =	vshll.u32 v8, $0x2  }
0x6c1: {  	v8 =	vand.u32 $0x7, v8;
	v9 =	vand.u32 $0xFFFFFFE0, v62  }
0x6c2: {  	v8 =	vor.u32 v8, v9  }
0x6c3: {  	v9 =	vperm.xlane v8, v4;
	_ =	sdelay $0x1  }
0x6c4: {  	v9 =	vadd.s32 v5, v9;
	_ =	sdelay $0x1  }
0x6c5: {  	v8 =	vperm.xlane v8, v6;
	_ =	sdelay $0x1  }
0x6c6: {  	s24 =	simm.s32 $0x4080;
	v8 =	vadd.s32 v5, v8  }
0x6c7: {  	[tilespmem:s24], [sflag:$0x1] =	stream.indirect_vreg.gather [hbm4b:s13+s3], $0x80, v9, vm3, $0xb8;
	[tilespmem:$0x1C200] =	vst v63  }
0x6c8: {  	s25 =	simm.s32 $0x4880  }
0x6c9: {  	[tilespmem:s25], [sflag:$0x1] =	stream.indirect_vreg.gather [hbm4b:s17+s3], $0x80, v9, vm3, $0xb8;
	[tilespmem:$0x1C200] =	vst v63  }
0x6ca: {  	s4 =	simm.s32 $0x5080  }
0x6cb: {  	[tilespmem:s4], [sflag:$0x1] =	stream.indirect_vreg.gather [hbm4b:s13+s3], $0x80, v8, vm3, $0xb8;
	[tilespmem:$0x1C200] =	vst v63  }
0x6cc: {  	s8 =	simm.s32 $0x5880  }
0x6cd: {  	[tilespmem:s8], [sflag:$0x1] =	stream.indirect_vreg.gather [hbm4b:s17+s3], $0x80, v8, vm3, $0xb8;
	[tilespmem:$0x1C200] =	vst v63  }
0x6ce: {  	v8 =	vld [tilespmem:$0x1C0B0];
	_ =	sdelay $0x4  }
0x6cf: {  	v63 =	vshll.u32 v8, $0x2  }
0x6d0: {  	v8 =	vand.u32 $0x7, v8;
	v9 =	vand.u32 $0xFFFFFFE0, v63  }
0x6d1: {  	v8 =	vor.u32 v8, v9  }
0x6d2: {  	v9 =	vperm.xlane v8, v4;
	_ =	sdelay $0x1  }
0x6d3: {  	v9 =	vadd.s32 v5, v9;
	_ =	sdelay $0x1  }
0x6d4: {  	v8 =	vperm.xlane v8, v6;
	_ =	sdelay $0x1  }
0x6d5: {  	s12 =	simm.s32 $0x6080;
	v8 =	vadd.s32 v5, v8  }
0x6d6: {  	[tilespmem:s12], [sflag:$0x1] =	stream.indirect_vreg.gather [hbm4b:s13+s3], $0x80, v9, vm3, $0xb8;
	[tilespmem:$0x1C200] =	vst v63  }
0x6d7: {  	s21 =	simm.s32 $0x6880  }
0x6d8: {  	[tilespmem:s21], [sflag:$0x1] =	stream.indirect_vreg.gather [hbm4b:s17+s3], $0x80, v9, vm3, $0xb8;
	[tilespmem:$0x1C200] =	vst v63  }
0x6d9: {  	s29 =	sadd.s32 $0x7, s30;
	s23 =	simm.s32 $0x7080  }
0x6da: {  	[tilespmem:s23], [sflag:$0x1] =	stream.indirect_vreg.gather [hbm4b:s13+s3], $0x80, v8, vm3, $0xb8;
	[tilespmem:$0x1C200] =	vst v63  }
0x6db: {  	s23 =	sand.u32 $0x78, s29  }
0x6dc: {  	p2 =	sle.u32 s23, s30  }
.Ltmp19:
0x6dd: {  	s24 =	simm.s32 $0x7880;
	s25 =	simm.s32 $0x1;
	(pc) =	sbr.rel @p2 .LBB2_40-.Ltmp19, $4  }
0x6de: {  	[tilespmem:s24], [sflag:$0x1] =	stream.indirect_vreg.gather [hbm4b:s17+s3], $0x80, v8, vm3, $0xb8;
	[tilespmem:$0x1C200] =	vst v63  }
0x6df: {  	_ =	swait.ge [sflag:s25], $0x8000  }
0x6e0: {  	[sflag:s25] =	ssyncset.done $0x0  }
0x6e1: {  	[sflag:s25] =	ssyncadd.s32 $0xFFFF8000  }
0x6e2: {  	s21 =	ssub.s32 s23, s30  }
0x6e3: {  	p3 =	sne.s32 s21, $0x1  }
.Ltmp20:
0x6e4: {  	_ = 	snop;
	(pc) =	sbr.rel @!p3 .LBB2_36-.Ltmp20, $3  }
0x6e5: {  	_ =	sdelay $0x1  }
0x6e6: {  	s8 =	sshll.u32 s30, $0x9;
	s12 =	sshll.u32 s30, $0x7;
	p2 =	por $0x0, $0x0  }
0x6e7: {  	s25 =	sand.u32 $0xFFFFF000, s8;
	s26 =	sand.u32 $0x380, s12;
	s24 =	sadd.s32 $0xFFFFFFFF, s21  }
0x6e8: {  	s21 =	sor.u32 s26, s25  }
0x6e9: {  	[tilespmem:s21+$0xCF0] =	vst v7  }
0x6ea: {  	[tilespmem:s21+$0x80] =	vst v7  }
0x6eb: {  	[tilespmem:s21+$0x90] =	vst v7  }
0x6ec: {  	[tilespmem:s21+$0xA0] =	vst v7  }
0x6ed: {  	[tilespmem:s21+$0xB0] =	vst v7  }
0x6ee: {  	[tilespmem:s21+$0xC0] =	vst v7  }
0x6ef: {  	[tilespmem:s21+$0xD0] =	vst v7  }
0x6f0: {  	[tilespmem:s21+$0xE0] =	vst v7  }
0x6f1: {  	[tilespmem:s21+$0xF0] =	vst v7  }
0x6f2: {  	[tilespmem:s21+$0x480] =	vst v7  }
0x6f3: {  	[tilespmem:s21+$0x490] =	vst v7  }
0x6f4: {  	[tilespmem:s21+$0x4A0] =	vst v7  }
0x6f5: {  	[tilespmem:s21+$0x4B0] =	vst v7  }
0x6f6: {  	[tilespmem:s21+$0x4C0] =	vst v7  }
0x6f7: {  	[tilespmem:s21+$0x4D0] =	vst v7  }
0x6f8: {  	[tilespmem:s21+$0x4E0] =	vst v7  }
0x6f9: {  	[tilespmem:s21+$0x4F0] =	vst v7  }
0x6fa: {  	[tilespmem:s21+$0x880] =	vst v7  }
0x6fb: {  	[tilespmem:s21+$0x890] =	vst v7  }
0x6fc: {  	[tilespmem:s21+$0x8A0] =	vst v7  }
0x6fd: {  	[tilespmem:s21+$0x8B0] =	vst v7  }
0x6fe: {  	[tilespmem:s21+$0x8C0] =	vst v7  }
0x6ff: {  	[tilespmem:s21+$0x8D0] =	vst v7  }
0x700: {  	[tilespmem:s21+$0x8E0] =	vst v7  }
0x701: {  	[tilespmem:s21+$0x8F0] =	vst v7  }
0x702: {  	p3 =	sne.s32 s24, $0x1;
	[tilespmem:s21+$0xC80] =	vst v7  }
.Ltmp21:
0x703: {  	[tilespmem:s21+$0xC90] =	vst v7;
	(pc) =	sbr.rel @!p3 .LBB2_39-.Ltmp21, $4  }
0x704: {  	[tilespmem:s21+$0xCA0] =	vst v7  }
0x705: {  	[tilespmem:s21+$0xCB0] =	vst v7  }
0x706: {  	s8 =	sadd.s32 $0x200, s8;
	s12 =	sadd.s32 $0x80, s12;
	s24 =	sadd.s32 $0xFFFFFFFF, s24;
	[tilespmem:s21+$0xCC0] =	vst v7  }
0x707: {  	p2 =	por $0x1, $0x1;
	s25 =	sand.u32 $0xFFFFF000, s8;
	s26 =	sand.u32 $0x380, s12;
	[tilespmem:s21+$0xCD0] =	vst v7  }
.LBB2_38:
0x708: {  	p3 =	sne.s32 s24, $0x1;
	[tilespmem:s21+$0xCE0] =	vst v7;
	s21 =	sor.u32 s26, s25  }
0x709: {  	[tilespmem:s21+$0xCF0] =	vst v7  }
0x70a: {  	[tilespmem:s21+$0x80] =	vst v7  }
0x70b: {  	[tilespmem:s21+$0x90] =	vst v7  }
0x70c: {  	[tilespmem:s21+$0xA0] =	vst v7  }
0x70d: {  	[tilespmem:s21+$0xB0] =	vst v7  }
0x70e: {  	[tilespmem:s21+$0xC0] =	vst v7  }
0x70f: {  	[tilespmem:s21+$0xD0] =	vst v7  }
0x710: {  	[tilespmem:s21+$0xE0] =	vst v7  }
0x711: {  	[tilespmem:s21+$0xF0] =	vst v7  }
0x712: {  	[tilespmem:s21+$0x480] =	vst v7  }
0x713: {  	[tilespmem:s21+$0x490] =	vst v7  }
0x714: {  	[tilespmem:s21+$0x4A0] =	vst v7  }
0x715: {  	[tilespmem:s21+$0x4B0] =	vst v7  }
0x716: {  	[tilespmem:s21+$0x4C0] =	vst v7  }
0x717: {  	[tilespmem:s21+$0x4D0] =	vst v7  }
0x718: {  	[tilespmem:s21+$0x4E0] =	vst v7  }
0x719: {  	[tilespmem:s21+$0x4F0] =	vst v7  }
0x71a: {  	[tilespmem:s21+$0x880] =	vst v7  }
0x71b: {  	[tilespmem:s21+$0x890] =	vst v7  }
0x71c: {  	[tilespmem:s21+$0x8A0] =	vst v7  }
0x71d: {  	[tilespmem:s21+$0x8B0] =	vst v7  }
0x71e: {  	[tilespmem:s21+$0x8C0] =	vst v7  }
0x71f: {  	[tilespmem:s21+$0x8D0] =	vst v7  }
0x720: {  	[tilespmem:s21+$0x8E0] =	vst v7  }
0x721: {  	[tilespmem:s21+$0x8F0] =	vst v7  }
0x722: {  	[tilespmem:s21+$0xC80] =	vst v7  }
.Ltmp22:
0x723: {  	[tilespmem:s21+$0xC90] =	vst v7;
	(pc) =	sbr.rel @p3 .LBB2_38-.Ltmp22, $4  }
0x724: {  	[tilespmem:s21+$0xCA0] =	vst v7  }
0x725: {  	[tilespmem:s21+$0xCB0] =	vst v7  }
0x726: {  	s12 =	sadd.s32 $0x80, s12;
	s8 =	sadd.s32 $0x200, s8;
	[tilespmem:s21+$0xCC0] =	vst v7  }
0x727: {  	s24 =	sadd.s32 $0xFFFFFFFF, s24;
	s25 =	sand.u32 $0xFFFFF000, s8;
	s26 =	sand.u32 $0x380, s12;
	[tilespmem:s21+$0xCD0] =	vst v7  }
.Ltmp23:
0x728: {  	_ = 	snop;
	(pc) =	sbr.rel .LBB2_39-.Ltmp23, $1  }
0x729: {  	_ =	sdelay $0x3  }
.LBB2_42:
0x72a: {  	_ =	sfence.sel $0x180000  }
0x72b: {  	[bflag:$0x0] =	sbarrier.arrive $0xFFFF  }
0x72c: {  	_ =	strace $0x90000047  }
0x72d: {  	s0 =	stileid.u32;
	[bflag:$0x2] =	sbarrier.arrive $0xFFFF  }
0x72e: {  	p0 =	sne.s32 s0, $0x0;
	s0 =	rddreg [dreg:$0x3]  }
0x72f: {  	s0 =	sadd.s32 @!p0 $0x100000, s0  }
0x730: {  	[sflag:s0] =	ssyncadd.tile.s32 @!p0 $0x1;
	_ =	shalt  }
.Lfunc_end2:
_tile_overlayer_lowered:
.L_overlay_start_2:
0x731: {  	(tag) =	ssettag $0x2  }
0x732: {  	s0 =	rddreg [dreg:$0x0];
	s2 =	stileid.u32  }
0x733: {  	s1 =	rddreg [dreg:$0x1];
	p0 =	sne.s32 s2, $0x0  }
0x734: {  	s3 =	rddreg [dreg:$0x2];
	[bflag:$0x3] =	sbarrier.arrive $0xFFFF;
	s2 =	simm.s32 @!p0 $0x1C04  }
0x735: {  	[timem:s3], [sflag:s2] =	dma.local @!p0 [hbm:s0], s1  }
0x736: {  	s0 =	simm.s32 @!p0 $0x4  }
0x737: {  	_ =	swait.ge @!p0 [sflag:s0], s1  }
0x738: {  	s1 =	ssub.s32 @!p0 $0x0, s1;
	[sflag:s0] =	ssyncset.done @!p0 $0x0  }
0x739: {  	[sflag:s0] =	ssyncadd.s32 @!p0 s1  }
0x73a: {  	[bflag:$0x3] =	sbarrier.arrive $0xFFFF  }
0x73b: {  	_ =	shalt  }

</sc_bundles>
